<compile_context>
chip_gen: v7x
topology: tpu7x:2x2x1
jax: 0.10.2.dev20260603
libtpu: 0.0.44.dev20260713+nightly
codegen_flags: <defaults>
</compile_context>

<pallas_src>
import functools

import jax
import jax.numpy as jnp
from jax import lax
from jax.experimental import pallas as pl
from jax.experimental.pallas import tpu as pltpu
from jax.experimental.pallas import tpu_sc as plsc

B = 4
S = 4096
E = 1024
LANES = 16
NC = 2
NS = 16
NW = NC * NS
SB = S // NW
CH = 16
NCHUNK = SB // CH
NSTEP = NCHUNK * B
NBUF = 5
LOOKAHEAD = 4


def _body(ids_hbm, tok_hbm, pos_hbm, out_hbm,
          idx_v, pos0, pos1, *bufs):
    wid = lax.axis_index("s") * NC + lax.axis_index("c")
    s_base = wid * SB
    toks = bufs[:NBUF]
    poss = (pos0, pos1)
    gsems = bufs[NBUF:2 * NBUF]
    ssems = bufs[2 * NBUF:3 * NBUF]
    psems = bufs[3 * NBUF:]

    pltpu.sync_copy(ids_hbm.at[:, pl.ds(s_base, SB)], idx_v)

    def start_gather(k):
        c, b = divmod(k, B)
        return pltpu.async_copy(
            tok_hbm.at[idx_v.at[b, pl.ds(c * CH, CH)]], toks[k % NBUF],
            gsems[k % NBUF])

    def start_pos(c):
        return pltpu.async_copy(
            pos_hbm.at[pl.ds(s_base + c * CH, CH)], poss[c % 2],
            psems[c % 2])

    pd = {0: start_pos(0)}
    gd = {k: start_gather(k) for k in range(LOOKAHEAD)}
    sd = {}
    for k in range(NSTEP):
        p = k % NBUF
        c, b = divmod(k, B)
        if b == 0:
            pd[c].wait()
        gd[k].wait()
        pl.delay(32)
        tv = toks[p]
        pv = poss[c % 2]

        @plsc.parallel_loop(0, CH * (E // LANES), unroll=4)
        def add_vec(t):
            i = t >> 6
            sl = pl.ds(pl.multiple_of((t & 63) << 4, LANES), LANES)
            plsc.addupdate(tv.at[i, sl], pv[i, sl])

        pl.delay(32)
        if b == 0 and c + 1 < NCHUNK:
            pd[c + 1] = start_pos(c + 1)
        if k + LOOKAHEAD < NSTEP:
            if k >= NBUF - LOOKAHEAD:
                sd[k - (NBUF - LOOKAHEAD)].wait()
            gd[k + LOOKAHEAD] = start_gather(k + LOOKAHEAD)
        sd[k] = pltpu.async_copy(
            tv, out_hbm.at[b, pl.ds(s_base + c * CH, CH)], ssems[p])
    for k in range(max(0, NSTEP - NBUF), NSTEP):
        sd[k].wait()


@functools.partial(jax.jit, static_argnames=())
def kernel(input_ids, token_table, position_table):
    mesh = plsc.VectorSubcoreMesh(core_axis_name="c", subcore_axis_name="s")
    run = functools.partial(
        pl.kernel,
        mesh=mesh,
        out_type=jax.ShapeDtypeStruct((B, S, E), jnp.float32),
        scratch_types=(
            [pltpu.VMEM((B, SB), jnp.int32)]
            + [pltpu.VMEM((CH, E), jnp.float32)] * (2 + NBUF)
            + [pltpu.SemaphoreType.DMA] * (2 * NBUF + 2)
        ),
    )(_body)
    return run(input_ids.astype(jnp.int32), token_table, position_table)

# --- scband reference (transcript-rebuilt; emitter-appended) ---
"""Pipeline reference for scband-embedding-32993938768133 (READ-ONLY COPY).

The authoritative reference and input builder live on the scoring server;
editing this copy changes nothing except your own understanding.
"""

import jax, jax.numpy as jnp
import numpy as np

VOCAB = 100000
EMBED = 1024
MAX_POS = 4096
BATCH = 4
SEQ = 4096
INIT_RANGE = 0.02


def setup_inputs(seed: int = 0) -> dict:
    key = jax.random.key(seed)
    k_ids, k_tok, k_pos = jax.random.split(key, 3)
    input_ids = jax.random.randint(k_ids, (BATCH, SEQ), 0, VOCAB, dtype=jnp.int64 if jax.config.jax_enable_x64 else jnp.int32)
    token_table = jax.random.normal(k_tok, (VOCAB, EMBED), dtype=jnp.float32) * INIT_RANGE
    position_table = jax.random.normal(k_pos, (MAX_POS, EMBED), dtype=jnp.float32) * INIT_RANGE
    return {"input_ids": input_ids, "token_table": token_table, "position_table": position_table}


def reference(input_ids, token_table, position_table):
    # Embedding.embed: token_embeddings.embed(input_ids) + position_embeddings.embed(arange(Pos))
    seq_len = input_ids.shape[-1]
    position_ids = jnp.arange(seq_len)
    tok = jnp.take(token_table, input_ids, axis=0)          # [B, S, E] gather
    pos = jnp.take(position_table, position_ids, axis=0)    # [S, E] gather
    return tok + pos[None, :, :]

if __name__ == "__main__":
    import jax
    _d = setup_inputs()
    print(jax.jit(kernel)(*tuple(_d.values())))

</pallas_src>

<mosaic_0001>
#map = affine_map<(d0, d1) -> (0, 0)>
#map1 = affine_map<(d0, d1) -> (0, 0, 0)>
module attributes {stable_mosaic.version = 14 : i64} {
  func.func @_body(%arg0: i32, %arg1: i32, %arg2: memref<4x4096xi32, #tpu.memory_space<hbm>>, %arg3: memref<100000x1024xf32, #tpu.memory_space<hbm>>, %arg4: memref<4096x1024xf32, #tpu.memory_space<hbm>>, %arg5: memref<4x4096x1024xf32, #tpu.memory_space<hbm>>, %arg6: memref<4x128xi32, #tpu.memory_space<vmem>>, %arg7: memref<16x1024xf32, #tpu.memory_space<vmem>>, %arg8: memref<16x1024xf32, #tpu.memory_space<vmem>>, %arg9: memref<16x1024xf32, #tpu.memory_space<vmem>>, %arg10: memref<16x1024xf32, #tpu.memory_space<vmem>>, %arg11: memref<16x1024xf32, #tpu.memory_space<vmem>>, %arg12: memref<16x1024xf32, #tpu.memory_space<vmem>>, %arg13: memref<16x1024xf32, #tpu.memory_space<vmem>>, %arg14: memref<!tpu.dma_semaphore, #tpu.memory_space<semaphore_mem>>, %arg15: memref<!tpu.dma_semaphore, #tpu.memory_space<semaphore_mem>>, %arg16: memref<!tpu.dma_semaphore, #tpu.memory_space<semaphore_mem>>, %arg17: memref<!tpu.dma_semaphore, #tpu.memory_space<semaphore_mem>>, %arg18: memref<!tpu.dma_semaphore, #tpu.memory_space<semaphore_mem>>, %arg19: memref<!tpu.dma_semaphore, #tpu.memory_space<semaphore_mem>>, %arg20: memref<!tpu.dma_semaphore, #tpu.memory_space<semaphore_mem>>, %arg21: memref<!tpu.dma_semaphore, #tpu.memory_space<semaphore_mem>>, %arg22: memref<!tpu.dma_semaphore, #tpu.memory_space<semaphore_mem>>, %arg23: memref<!tpu.dma_semaphore, #tpu.memory_space<semaphore_mem>>, %arg24: memref<!tpu.dma_semaphore, #tpu.memory_space<semaphore_mem>>, %arg25: memref<!tpu.dma_semaphore, #tpu.memory_space<semaphore_mem>>) attributes {dimension_semantics = [#tpu.dimension_semantics<core_parallel>, #tpu.dimension_semantics<subcore_parallel>], iteration_bounds = array<i64: 2, 16>, scalar_prefetch = 0 : i64, scratch_operands = 20 : i64, tpu.core_type = #tpu.core_type<sc_vector_subcore>, window_params = [{transform_indices = #map}, {transform_indices = #map}, {transform_indices = #map}, {transform_indices = #map1}]} {
    %mul3A = arith.constant 2 : i32
    %mul3A_0 = arith.muli %arg1, %mul3A : i32
    %add3A = arith.addi %mul3A_0, %arg0 : i32
    %mul3A_1 = arith.constant 128 : i32
    %mul3A_2 = arith.muli %add3A, %mul3A_1 : i32
    "tpu.region"() ({
      %run_scoped3A = tpu.sem_alloc : memref<!tpu.dma_semaphore, #tpu.memory_space<semaphore_mem>>
      %dma_start3A_1199 = arith.constant 0 : i32
      %dma_start3A_1200 = tpu.memref_slice %arg2[%dma_start3A_1199, %mul3A_2] : memref<4x4096xi32, #tpu.memory_space<hbm>> -> memref<4x128xi32, #tpu.memory_space<hbm>>
      %dma_start3A_1201 = arith.constant 0 : i32
      %dma_start3A_1202 = tpu.memref_slice %arg2[%dma_start3A_1201, %mul3A_2] : memref<4x4096xi32, #tpu.memory_space<hbm>> -> memref<4x128xi32, #tpu.memory_space<hbm>>
      tpu.enqueue_dma source(%dma_start3A_1202 : memref<4x128xi32, #tpu.memory_space<hbm>>) target(%arg6 : memref<4x128xi32, #tpu.memory_space<vmem>>) target_semaphore(%run_scoped3A : memref<!tpu.dma_semaphore, #tpu.memory_space<semaphore_mem>>)
      %dma_wait3A_1203 = arith.constant 0 : i32
      %dma_wait3A_1204 = tpu.memref_slice %arg2[%dma_wait3A_1203, %mul3A_2] : memref<4x4096xi32, #tpu.memory_space<hbm>> -> memref<4x128xi32, #tpu.memory_space<hbm>>
      %dma_wait3A_1205 = arith.constant 0 : i32
      %dma_wait3A_1206 = tpu.memref_slice %arg2[%dma_wait3A_1205, %mul3A_2] : memref<4x4096xi32, #tpu.memory_space<hbm>> -> memref<4x128xi32, #tpu.memory_space<hbm>>
      tpu.wait_dma2 semaphore(%run_scoped3A : memref<!tpu.dma_semaphore, #tpu.memory_space<semaphore_mem>>) src(%dma_wait3A_1206 : memref<4x128xi32, #tpu.memory_space<hbm>>) dst(%arg6 : memref<4x128xi32, #tpu.memory_space<vmem>>)
      tpu.yield
    }) : () -> ()
    %add3A_3 = arith.constant 0 : i32
    %add3A_4 = arith.addi %mul3A_2, %add3A_3 : i32
    %dma_start3A = arith.constant 0 : i32
    %dma_start3A_5 = tpu.memref_slice %arg4[%add3A_4, %dma_start3A] : memref<4096x1024xf32, #tpu.memory_space<hbm>> -> memref<16x1024xf32, #tpu.memory_space<hbm>>
    %dma_start3A_6 = arith.constant 0 : i32
    %dma_start3A_7 = tpu.memref_slice %arg4[%add3A_4, %dma_start3A_6] : memref<4096x1024xf32, #tpu.memory_space<hbm>> -> memref<16x1024xf32, #tpu.memory_space<hbm>>
    tpu.enqueue_dma source(%dma_start3A_7 : memref<16x1024xf32, #tpu.memory_space<hbm>>) target(%arg7 : memref<16x1024xf32, #tpu.memory_space<vmem>>) target_semaphore(%arg24 : memref<!tpu.dma_semaphore, #tpu.memory_space<semaphore_mem>>)
    %dma_start3A_8 = arith.constant 0 : i32
    %dma_start3A_9 = arith.constant 0 : i32
    %dma_start3A_10 = tpu.memref_slice %arg6[%dma_start3A_8, %dma_start3A_9] : memref<4x128xi32, #tpu.memory_space<vmem>> -> memref<1x16xi32, #tpu.memory_space<vmem>>
    %dma_start3A_11 = tpu.memref_squeeze %dma_start3A_10 : memref<1x16xi32, #tpu.memory_space<vmem>> -> memref<16xi32, #tpu.memory_space<vmem>>
    %dma_start3A_12 = arith.constant 0 : i32
    %dma_start3A_13 = arith.constant 0 : i32
    %dma_start3A_14 = tpu.memref_slice %arg3[%dma_start3A_12, %dma_start3A_13] : memref<100000x1024xf32, #tpu.memory_space<hbm>> -> memref<100000x1024xf32, #tpu.memory_space<hbm>>
    tpu.enqueue_indirect_dma source(%dma_start3A_14 : memref<100000x1024xf32, #tpu.memory_space<hbm>>) target(%arg9 : memref<16x1024xf32, #tpu.memory_space<vmem>>) offsets(%dma_start3A_11 : memref<16xi32, #tpu.memory_space<vmem>>) semaphore(%arg14 : memref<!tpu.dma_semaphore, #tpu.memory_space<semaphore_mem>>)
    %dma_start3A_15 = arith.constant 1 : i32
    %dma_start3A_16 = arith.constant 0 : i32
    %dma_start3A_17 = tpu.memref_slice %arg6[%dma_start3A_15, %dma_start3A_16] : memref<4x128xi32, #tpu.memory_space<vmem>> -> memref<1x16xi32, #tpu.memory_space<vmem>>
    %dma_start3A_18 = tpu.memref_squeeze %dma_start3A_17 : memref<1x16xi32, #tpu.memory_space<vmem>> -> memref<16xi32, #tpu.memory_space<vmem>>
    %dma_start3A_19 = arith.constant 0 : i32
    %dma_start3A_20 = arith.constant 0 : i32
    %dma_start3A_21 = tpu.memref_slice %arg3[%dma_start3A_19, %dma_start3A_20] : memref<100000x1024xf32, #tpu.memory_space<hbm>> -> memref<100000x1024xf32, #tpu.memory_space<hbm>>
    tpu.enqueue_indirect_dma source(%dma_start3A_21 : memref<100000x1024xf32, #tpu.memory_space<hbm>>) target(%arg10 : memref<16x1024xf32, #tpu.memory_space<vmem>>) offsets(%dma_start3A_18 : memref<16xi32, #tpu.memory_space<vmem>>) semaphore(%arg15 : memref<!tpu.dma_semaphore, #tpu.memory_space<semaphore_mem>>)
    %dma_start3A_22 = arith.constant 2 : i32
    %dma_start3A_23 = arith.constant 0 : i32
    %dma_start3A_24 = tpu.memref_slice %arg6[%dma_start3A_22, %dma_start3A_23] : memref<4x128xi32, #tpu.memory_space<vmem>> -> memref<1x16xi32, #tpu.memory_space<vmem>>
    %dma_start3A_25 = tpu.memref_squeeze %dma_start3A_24 : memref<1x16xi32, #tpu.memory_space<vmem>> -> memref<16xi32, #tpu.memory_space<vmem>>
    %dma_start3A_26 = arith.constant 0 : i32
    %dma_start3A_27 = arith.constant 0 : i32
    %dma_start3A_28 = tpu.memref_slice %arg3[%dma_start3A_26, %dma_start3A_27] : memref<100000x1024xf32, #tpu.memory_space<hbm>> -> memref<100000x1024xf32, #tpu.memory_space<hbm>>
    tpu.enqueue_indirect_dma source(%dma_start3A_28 : memref<100000x1024xf32, #tpu.memory_space<hbm>>) target(%arg11 : memref<16x1024xf32, #tpu.memory_space<vmem>>) offsets(%dma_start3A_25 : memref<16xi32, #tpu.memory_space<vmem>>) semaphore(%arg16 : memref<!tpu.dma_semaphore, #tpu.memory_space<semaphore_mem>>)
    %dma_start3A_29 = arith.constant 3 : i32
    %dma_start3A_30 = arith.constant 0 : i32
    %dma_start3A_31 = tpu.memref_slice %arg6[%dma_start3A_29, %dma_start3A_30] : memref<4x128xi32, #tpu.memory_space<vmem>> -> memref<1x16xi32, #tpu.memory_space<vmem>>
    %dma_start3A_32 = tpu.memref_squeeze %dma_start3A_31 : memref<1x16xi32, #tpu.memory_space<vmem>> -> memref<16xi32, #tpu.memory_space<vmem>>
    %dma_start3A_33 = arith.constant 0 : i32
    %dma_start3A_34 = arith.constant 0 : i32
    %dma_start3A_35 = tpu.memref_slice %arg3[%dma_start3A_33, %dma_start3A_34] : memref<100000x1024xf32, #tpu.memory_space<hbm>> -> memref<100000x1024xf32, #tpu.memory_space<hbm>>
    tpu.enqueue_indirect_dma source(%dma_start3A_35 : memref<100000x1024xf32, #tpu.memory_space<hbm>>) target(%arg12 : memref<16x1024xf32, #tpu.memory_space<vmem>>) offsets(%dma_start3A_32 : memref<16xi32, #tpu.memory_space<vmem>>) semaphore(%arg17 : memref<!tpu.dma_semaphore, #tpu.memory_space<semaphore_mem>>)
    %dma_wait3A = arith.constant 0 : i32
    %dma_wait3A_36 = tpu.memref_slice %arg4[%add3A_4, %dma_wait3A] : memref<4096x1024xf32, #tpu.memory_space<hbm>> -> memref<16x1024xf32, #tpu.memory_space<hbm>>
    %dma_wait3A_37 = arith.constant 0 : i32
    %dma_wait3A_38 = tpu.memref_slice %arg4[%add3A_4, %dma_wait3A_37] : memref<4096x1024xf32, #tpu.memory_space<hbm>> -> memref<16x1024xf32, #tpu.memory_space<hbm>>
    tpu.wait_dma2 semaphore(%arg24 : memref<!tpu.dma_semaphore, #tpu.memory_space<semaphore_mem>>) src(%dma_wait3A_38 : memref<16x1024xf32, #tpu.memory_space<hbm>>) dst(%arg7 : memref<16x1024xf32, #tpu.memory_space<vmem>>)
    %dma_wait3A_39 = arith.constant 0 : i32
    %dma_wait3A_40 = arith.constant 0 : i32
    %dma_wait3A_41 = tpu.memref_slice %arg6[%dma_wait3A_39, %dma_wait3A_40] : memref<4x128xi32, #tpu.memory_space<vmem>> -> memref<1x16xi32, #tpu.memory_space<vmem>>
    %dma_wait3A_42 = tpu.memref_squeeze %dma_wait3A_41 : memref<1x16xi32, #tpu.memory_space<vmem>> -> memref<16xi32, #tpu.memory_space<vmem>>
    %dma_wait3A_43 = arith.constant 0 : i32
    %dma_wait3A_44 = arith.constant 0 : i32
    %dma_wait3A_45 = tpu.memref_slice %arg3[%dma_wait3A_43, %dma_wait3A_44] : memref<100000x1024xf32, #tpu.memory_space<hbm>> -> memref<100000x1024xf32, #tpu.memory_space<hbm>>
    tpu.wait_indirect_dma semaphore(%arg14 : memref<!tpu.dma_semaphore, #tpu.memory_space<semaphore_mem>>) src(%dma_wait3A_45 : memref<100000x1024xf32, #tpu.memory_space<hbm>>) dst(%arg9 : memref<16x1024xf32, #tpu.memory_space<vmem>>)
    %delay3A = arith.constant 32 : i32
    tpu.delay %delay3A
    %parallel_loop3A = arith.constant 0 : i32
    %parallel_loop3A_46 = arith.constant 1024 : i32
    %parallel_loop3A_47 = arith.constant 1 : i32
    scf.for %parallel_loop3A_1199 = %parallel_loop3A to %parallel_loop3A_46 step %parallel_loop3A_47  : i32 {
      %parallel_loop3A_1200 = arith.constant 6 : i32
      %parallel_loop3A_1201 = arith.shrsi %parallel_loop3A_1199, %parallel_loop3A_1200 : i32
      %parallel_loop3A_1202 = arith.constant 63 : i32
      %parallel_loop3A_1203 = arith.andi %parallel_loop3A_1199, %parallel_loop3A_1202 : i32
      %parallel_loop3A_1204 = arith.constant 4 : i32
      %parallel_loop3A_1205 = arith.shli %parallel_loop3A_1203, %parallel_loop3A_1204 : i32
      %parallel_loop3A_1206 = tpu.assume_multiple %parallel_loop3A_1205, 16 : i32
      %parallel_loop3A_1207 = arith.index_cast %parallel_loop3A_1201 : i32 to index
      %parallel_loop3A_1208 = arith.index_cast %parallel_loop3A_1206 : i32 to index
      %parallel_loop3A_1209 = tpu.vector_load %arg7[%parallel_loop3A_1207, %parallel_loop3A_1208] {strides = array<i32>} : memref<16x1024xf32, #tpu.memory_space<vmem>>, vector<1x16xf32>,
      %parallel_loop3A_1210 = vector.shape_cast %parallel_loop3A_1209 : vector<1x16xf32> to vector<16xf32>
      %parallel_loop3A_1211 = arith.index_cast %parallel_loop3A_1201 : i32 to index
      %parallel_loop3A_1212 = arith.index_cast %parallel_loop3A_1206 : i32 to index
      %parallel_loop3A_1213 = tpu.vector_load %arg9[%parallel_loop3A_1211, %parallel_loop3A_1212] {strides = array<i32>} : memref<16x1024xf32, #tpu.memory_space<vmem>>, vector<1x16xf32>,
      %parallel_loop3A_1214 = vector.shape_cast %parallel_loop3A_1213 : vector<1x16xf32> to vector<16xf32>
      %parallel_loop3A_1215 = vector.shape_cast %parallel_loop3A_1210 : vector<16xf32> to vector<1x16xf32>
      tpu.vector_store %arg9[%parallel_loop3A_1211, %parallel_loop3A_1212], %parallel_loop3A_1215 {add = true, strides = array<i32>} : memref<16x1024xf32, #tpu.memory_space<vmem>>, vector<1x16xf32>,
    } {sc.loop_unroll_factor = 4 : i64, sc.parallel_access}
    %delay3A_48 = arith.constant 32 : i32
    tpu.delay %delay3A_48
    %add3A_49 = arith.constant 16 : i32
    %add3A_50 = arith.addi %mul3A_2, %add3A_49 : i32
    %dma_start3A_51 = arith.constant 0 : i32
    %dma_start3A_52 = tpu.memref_slice %arg4[%add3A_50, %dma_start3A_51] : memref<4096x1024xf32, #tpu.memory_space<hbm>> -> memref<16x1024xf32, #tpu.memory_space<hbm>>
    %dma_start3A_53 = arith.constant 0 : i32
    %dma_start3A_54 = tpu.memref_slice %arg4[%add3A_50, %dma_start3A_53] : memref<4096x1024xf32, #tpu.memory_space<hbm>> -> memref<16x1024xf32, #tpu.memory_space<hbm>>
    tpu.enqueue_dma source(%dma_start3A_54 : memref<16x1024xf32, #tpu.memory_space<hbm>>) target(%arg8 : memref<16x1024xf32, #tpu.memory_space<vmem>>) target_semaphore(%arg25 : memref<!tpu.dma_semaphore, #tpu.memory_space<semaphore_mem>>)
    %dma_start3A_55 = arith.constant 0 : i32
    %dma_start3A_56 = arith.constant 16 : i32
    %dma_start3A_57 = tpu.memref_slice %arg6[%dma_start3A_55, %dma_start3A_56] : memref<4x128xi32, #tpu.memory_space<vmem>> -> memref<1x16xi32, #tpu.memory_space<vmem>>
    %dma_start3A_58 = tpu.memref_squeeze %dma_start3A_57 : memref<1x16xi32, #tpu.memory_space<vmem>> -> memref<16xi32, #tpu.memory_space<vmem>>
    %dma_start3A_59 = arith.constant 0 : i32
    %dma_start3A_60 = arith.constant 0 : i32
    %dma_start3A_61 = tpu.memref_slice %arg3[%dma_start3A_59, %dma_start3A_60] : memref<100000x1024xf32, #tpu.memory_space<hbm>> -> memref<100000x1024xf32, #tpu.memory_space<hbm>>
    tpu.enqueue_indirect_dma source(%dma_start3A_61 : memref<100000x1024xf32, #tpu.memory_space<hbm>>) target(%arg13 : memref<16x1024xf32, #tpu.memory_space<vmem>>) offsets(%dma_start3A_58 : memref<16xi32, #tpu.memory_space<vmem>>) semaphore(%arg18 : memref<!tpu.dma_semaphore, #tpu.memory_space<semaphore_mem>>)
    %add3A_62 = arith.constant 0 : i32
    %add3A_63 = arith.addi %mul3A_2, %add3A_62 : i32
    %dma_start3A_64 = arith.constant 0 : i32
    %dma_start3A_65 = arith.constant 0 : i32
    %dma_start3A_66 = tpu.memref_slice %arg5[%dma_start3A_64, %add3A_63, %dma_start3A_65] : memref<4x4096x1024xf32, #tpu.memory_space<hbm>> -> memref<1x16x1024xf32, #tpu.memory_space<hbm>>
    %dma_start3A_67 = tpu.memref_squeeze %dma_start3A_66 : memref<1x16x1024xf32, #tpu.memory_space<hbm>> -> memref<16x1024xf32, #tpu.memory_space<hbm>>
    %dma_start3A_68 = arith.constant 0 : i32
    %dma_start3A_69 = tpu.memref_slice %arg5[%dma_start3A_64, %add3A_63, %dma_start3A_68] : memref<4x4096x1024xf32, #tpu.memory_space<hbm>> -> memref<1x16x1024xf32, #tpu.memory_space<hbm>>
    %dma_start3A_70 = tpu.memref_squeeze %dma_start3A_69 : memref<1x16x1024xf32, #tpu.memory_space<hbm>> -> memref<16x1024xf32, #tpu.memory_space<hbm>>
    tpu.enqueue_dma source(%arg9 : memref<16x1024xf32, #tpu.memory_space<vmem>>) target(%dma_start3A_70 : memref<16x1024xf32, #tpu.memory_space<hbm>>) target_semaphore(%arg19 : memref<!tpu.dma_semaphore, #tpu.memory_space<semaphore_mem>>)
    %dma_wait3A_71 = arith.constant 1 : i32
    %dma_wait3A_72 = arith.constant 0 : i32
    %dma_wait3A_73 = tpu.memref_slice %arg6[%dma_wait3A_71, %dma_wait3A_72] : memref<4x128xi32, #tpu.memory_space<vmem>> -> memref<1x16xi32, #tpu.memory_space<vmem>>
    %dma_wait3A_74 = tpu.memref_squeeze %dma_wait3A_73 : memref<1x16xi32, #tpu.memory_space<vmem>> -> memref<16xi32, #tpu.memory_space<vmem>>
    %dma_wait3A_75 = arith.constant 0 : i32
    %dma_wait3A_76 = arith.constant 0 : i32
    %dma_wait3A_77 = tpu.memref_slice %arg3[%dma_wait3A_75, %dma_wait3A_76] : memref<100000x1024xf32, #tpu.memory_space<hbm>> -> memref<100000x1024xf32, #tpu.memory_space<hbm>>
    tpu.wait_indirect_dma semaphore(%arg15 : memref<!tpu.dma_semaphore, #tpu.memory_space<semaphore_mem>>) src(%dma_wait3A_77 : memref<100000x1024xf32, #tpu.memory_space<hbm>>) dst(%arg10 : memref<16x1024xf32, #tpu.memory_space<vmem>>)
    %delay3A_78 = arith.constant 32 : i32
    tpu.delay %delay3A_78
    %parallel_loop3A_79 = arith.constant 0 : i32
    %parallel_loop3A_80 = arith.constant 1024 : i32
    %parallel_loop3A_81 = arith.constant 1 : i32
    scf.for %parallel_loop3A_1199 = %parallel_loop3A_79 to %parallel_loop3A_80 step %parallel_loop3A_81  : i32 {
      %parallel_loop3A_1200 = arith.constant 6 : i32
      %parallel_loop3A_1201 = arith.shrsi %parallel_loop3A_1199, %parallel_loop3A_1200 : i32
      %parallel_loop3A_1202 = arith.constant 63 : i32
      %parallel_loop3A_1203 = arith.andi %parallel_loop3A_1199, %parallel_loop3A_1202 : i32
      %parallel_loop3A_1204 = arith.constant 4 : i32
      %parallel_loop3A_1205 = arith.shli %parallel_loop3A_1203, %parallel_loop3A_1204 : i32
      %parallel_loop3A_1206 = tpu.assume_multiple %parallel_loop3A_1205, 16 : i32
      %parallel_loop3A_1207 = arith.index_cast %parallel_loop3A_1201 : i32 to index
      %parallel_loop3A_1208 = arith.index_cast %parallel_loop3A_1206 : i32 to index
      %parallel_loop3A_1209 = tpu.vector_load %arg7[%parallel_loop3A_1207, %parallel_loop3A_1208] {strides = array<i32>} : memref<16x1024xf32, #tpu.memory_space<vmem>>, vector<1x16xf32>,
      %parallel_loop3A_1210 = vector.shape_cast %parallel_loop3A_1209 : vector<1x16xf32> to vector<16xf32>
      %parallel_loop3A_1211 = arith.index_cast %parallel_loop3A_1201 : i32 to index
      %parallel_loop3A_1212 = arith.index_cast %parallel_loop3A_1206 : i32 to index
      %parallel_loop3A_1213 = tpu.vector_load %arg10[%parallel_loop3A_1211, %parallel_loop3A_1212] {strides = array<i32>} : memref<16x1024xf32, #tpu.memory_space<vmem>>, vector<1x16xf32>,
      %parallel_loop3A_1214 = vector.shape_cast %parallel_loop3A_1213 : vector<1x16xf32> to vector<16xf32>
      %parallel_loop3A_1215 = vector.shape_cast %parallel_loop3A_1210 : vector<16xf32> to vector<1x16xf32>
      tpu.vector_store %arg10[%parallel_loop3A_1211, %parallel_loop3A_1212], %parallel_loop3A_1215 {add = true, strides = array<i32>} : memref<16x1024xf32, #tpu.memory_space<vmem>>, vector<1x16xf32>,
    } {sc.loop_unroll_factor = 4 : i64, sc.parallel_access}
    %delay3A_82 = arith.constant 32 : i32
    tpu.delay %delay3A_82
    %dma_wait3A_83 = arith.constant 0 : i32
    %dma_wait3A_84 = arith.constant 0 : i32
    %dma_wait3A_85 = tpu.memref_slice %arg5[%dma_wait3A_83, %add3A_63, %dma_wait3A_84] : memref<4x4096x1024xf32, #tpu.memory_space<hbm>> -> memref<1x16x1024xf32, #tpu.memory_space<hbm>>
    %dma_wait3A_86 = tpu.memref_squeeze %dma_wait3A_85 : memref<1x16x1024xf32, #tpu.memory_space<hbm>> -> memref<16x1024xf32, #tpu.memory_space<hbm>>
    %dma_wait3A_87 = arith.constant 0 : i32
    %dma_wait3A_88 = tpu.memref_slice %arg5[%dma_wait3A_83, %add3A_63, %dma_wait3A_87] : memref<4x4096x1024xf32, #tpu.memory_space<hbm>> -> memref<1x16x1024xf32, #tpu.memory_space<hbm>>
    %dma_wait3A_89 = tpu.memref_squeeze %dma_wait3A_88 : memref<1x16x1024xf32, #tpu.memory_space<hbm>> -> memref<16x1024xf32, #tpu.memory_space<hbm>>
    tpu.wait_dma2 semaphore(%arg19 : memref<!tpu.dma_semaphore, #tpu.memory_space<semaphore_mem>>) src(%arg9 : memref<16x1024xf32, #tpu.memory_space<vmem>>) dst(%dma_wait3A_89 : memref<16x1024xf32, #tpu.memory_space<hbm>>)
    %dma_start3A_90 = arith.constant 1 : i32
    %dma_start3A_91 = arith.constant 16 : i32
    %dma_start3A_92 = tpu.memref_slice %arg6[%dma_start3A_90, %dma_start3A_91] : memref<4x128xi32, #tpu.memory_space<vmem>> -> memref<1x16xi32, #tpu.memory_space<vmem>>
    %dma_start3A_93 = tpu.memref_squeeze %dma_start3A_92 : memref<1x16xi32, #tpu.memory_space<vmem>> -> memref<16xi32, #tpu.memory_space<vmem>>
    %dma_start3A_94 = arith.constant 0 : i32
    %dma_start3A_95 = arith.constant 0 : i32
    %dma_start3A_96 = tpu.memref_slice %arg3[%dma_start3A_94, %dma_start3A_95] : memref<100000x1024xf32, #tpu.memory_space<hbm>> -> memref<100000x1024xf32, #tpu.memory_space<hbm>>
    tpu.enqueue_indirect_dma source(%dma_start3A_96 : memref<100000x1024xf32, #tpu.memory_space<hbm>>) target(%arg9 : memref<16x1024xf32, #tpu.memory_space<vmem>>) offsets(%dma_start3A_93 : memref<16xi32, #tpu.memory_space<vmem>>) semaphore(%arg14 : memref<!tpu.dma_semaphore, #tpu.memory_space<semaphore_mem>>)
    %add3A_97 = arith.constant 0 : i32
    %add3A_98 = arith.addi %mul3A_2, %add3A_97 : i32
    %dma_start3A_99 = arith.constant 1 : i32
    %dma_start3A_100 = arith.constant 0 : i32
    %dma_start3A_101 = tpu.memref_slice %arg5[%dma_start3A_99, %add3A_98, %dma_start3A_100] : memref<4x4096x1024xf32, #tpu.memory_space<hbm>> -> memref<1x16x1024xf32, #tpu.memory_space<hbm>>
    %dma_start3A_102 = tpu.memref_squeeze %dma_start3A_101 : memref<1x16x1024xf32, #tpu.memory_space<hbm>> -> memref<16x1024xf32, #tpu.memory_space<hbm>>
    %dma_start3A_103 = arith.constant 0 : i32
    %dma_start3A_104 = tpu.memref_slice %arg5[%dma_start3A_99, %add3A_98, %dma_start3A_103] : memref<4x4096x1024xf32, #tpu.memory_space<hbm>> -> memref<1x16x1024xf32, #tpu.memory_space<hbm>>
    %dma_start3A_105 = tpu.memref_squeeze %dma_start3A_104 : memref<1x16x1024xf32, #tpu.memory_space<hbm>> -> memref<16x1024xf32, #tpu.memory_space<hbm>>
    tpu.enqueue_dma source(%arg10 : memref<16x1024xf32, #tpu.memory_space<vmem>>) target(%dma_start3A_105 : memref<16x1024xf32, #tpu.memory_space<hbm>>) target_semaphore(%arg20 : memref<!tpu.dma_semaphore, #tpu.memory_space<semaphore_mem>>)
    %dma_wait3A_106 = arith.constant 2 : i32
    %dma_wait3A_107 = arith.constant 0 : i32
    %dma_wait3A_108 = tpu.memref_slice %arg6[%dma_wait3A_106, %dma_wait3A_107] : memref<4x128xi32, #tpu.memory_space<vmem>> -> memref<1x16xi32, #tpu.memory_space<vmem>>
    %dma_wait3A_109 = tpu.memref_squeeze %dma_wait3A_108 : memref<1x16xi32, #tpu.memory_space<vmem>> -> memref<16xi32, #tpu.memory_space<vmem>>
    %dma_wait3A_110 = arith.constant 0 : i32
    %dma_wait3A_111 = arith.constant 0 : i32
    %dma_wait3A_112 = tpu.memref_slice %arg3[%dma_wait3A_110, %dma_wait3A_111] : memref<100000x1024xf32, #tpu.memory_space<hbm>> -> memref<100000x1024xf32, #tpu.memory_space<hbm>>
    tpu.wait_indirect_dma semaphore(%arg16 : memref<!tpu.dma_semaphore, #tpu.memory_space<semaphore_mem>>) src(%dma_wait3A_112 : memref<100000x1024xf32, #tpu.memory_space<hbm>>) dst(%arg11 : memref<16x1024xf32, #tpu.memory_space<vmem>>)
    %delay3A_113 = arith.constant 32 : i32
    tpu.delay %delay3A_113
    %parallel_loop3A_114 = arith.constant 0 : i32
    %parallel_loop3A_115 = arith.constant 1024 : i32
    %parallel_loop3A_116 = arith.constant 1 : i32
    scf.for %parallel_loop3A_1199 = %parallel_loop3A_114 to %parallel_loop3A_115 step %parallel_loop3A_116  : i32 {
      %parallel_loop3A_1200 = arith.constant 6 : i32
      %parallel_loop3A_1201 = arith.shrsi %parallel_loop3A_1199, %parallel_loop3A_1200 : i32
      %parallel_loop3A_1202 = arith.constant 63 : i32
      %parallel_loop3A_1203 = arith.andi %parallel_loop3A_1199, %parallel_loop3A_1202 : i32
      %parallel_loop3A_1204 = arith.constant 4 : i32
      %parallel_loop3A_1205 = arith.shli %parallel_loop3A_1203, %parallel_loop3A_1204 : i32
      %parallel_loop3A_1206 = tpu.assume_multiple %parallel_loop3A_1205, 16 : i32
      %parallel_loop3A_1207 = arith.index_cast %parallel_loop3A_1201 : i32 to index
      %parallel_loop3A_1208 = arith.index_cast %parallel_loop3A_1206 : i32 to index
      %parallel_loop3A_1209 = tpu.vector_load %arg7[%parallel_loop3A_1207, %parallel_loop3A_1208] {strides = array<i32>} : memref<16x1024xf32, #tpu.memory_space<vmem>>, vector<1x16xf32>,
      %parallel_loop3A_1210 = vector.shape_cast %parallel_loop3A_1209 : vector<1x16xf32> to vector<16xf32>
      %parallel_loop3A_1211 = arith.index_cast %parallel_loop3A_1201 : i32 to index
      %parallel_loop3A_1212 = arith.index_cast %parallel_loop3A_1206 : i32 to index
      %parallel_loop3A_1213 = tpu.vector_load %arg11[%parallel_loop3A_1211, %parallel_loop3A_1212] {strides = array<i32>} : memref<16x1024xf32, #tpu.memory_space<vmem>>, vector<1x16xf32>,
      %parallel_loop3A_1214 = vector.shape_cast %parallel_loop3A_1213 : vector<1x16xf32> to vector<16xf32>
      %parallel_loop3A_1215 = vector.shape_cast %parallel_loop3A_1210 : vector<16xf32> to vector<1x16xf32>
      tpu.vector_store %arg11[%parallel_loop3A_1211, %parallel_loop3A_1212], %parallel_loop3A_1215 {add = true, strides = array<i32>} : memref<16x1024xf32, #tpu.memory_space<vmem>>, vector<1x16xf32>,
    } {sc.loop_unroll_factor = 4 : i64, sc.parallel_access}
    %delay3A_117 = arith.constant 32 : i32
    tpu.delay %delay3A_117
    %dma_wait3A_118 = arith.constant 1 : i32
    %dma_wait3A_119 = arith.constant 0 : i32
    %dma_wait3A_120 = tpu.memref_slice %arg5[%dma_wait3A_118, %add3A_98, %dma_wait3A_119] : memref<4x4096x1024xf32, #tpu.memory_space<hbm>> -> memref<1x16x1024xf32, #tpu.memory_space<hbm>>
    %dma_wait3A_121 = tpu.memref_squeeze %dma_wait3A_120 : memref<1x16x1024xf32, #tpu.memory_space<hbm>> -> memref<16x1024xf32, #tpu.memory_space<hbm>>
    %dma_wait3A_122 = arith.constant 0 : i32
    %dma_wait3A_123 = tpu.memref_slice %arg5[%dma_wait3A_118, %add3A_98, %dma_wait3A_122] : memref<4x4096x1024xf32, #tpu.memory_space<hbm>> -> memref<1x16x1024xf32, #tpu.memory_space<hbm>>
    %dma_wait3A_124 = tpu.memref_squeeze %dma_wait3A_123 : memref<1x16x1024xf32, #tpu.memory_space<hbm>> -> memref<16x1024xf32, #tpu.memory_space<hbm>>
    tpu.wait_dma2 semaphore(%arg20 : memref<!tpu.dma_semaphore, #tpu.memory_space<semaphore_mem>>) src(%arg10 : memref<16x1024xf32, #tpu.memory_space<vmem>>) dst(%dma_wait3A_124 : memref<16x1024xf32, #tpu.memory_space<hbm>>)
    %dma_start3A_125 = arith.constant 2 : i32
    %dma_start3A_126 = arith.constant 16 : i32
    %dma_start3A_127 = tpu.memref_slice %arg6[%dma_start3A_125, %dma_start3A_126] : memref<4x128xi32, #tpu.memory_space<vmem>> -> memref<1x16xi32, #tpu.memory_space<vmem>>
    %dma_start3A_128 = tpu.memref_squeeze %dma_start3A_127 : memref<1x16xi32, #tpu.memory_space<vmem>> -> memref<16xi32, #tpu.memory_space<vmem>>
    %dma_start3A_129 = arith.constant 0 : i32
    %dma_start3A_130 = arith.constant 0 : i32
    %dma_start3A_131 = tpu.memref_slice %arg3[%dma_start3A_129, %dma_start3A_130] : memref<100000x1024xf32, #tpu.memory_space<hbm>> -> memref<100000x1024xf32, #tpu.memory_space<hbm>>
    tpu.enqueue_indirect_dma source(%dma_start3A_131 : memref<100000x1024xf32, #tpu.memory_space<hbm>>) target(%arg10 : memref<16x1024xf32, #tpu.memory_space<vmem>>) offsets(%dma_start3A_128 : memref<16xi32, #tpu.memory_space<vmem>>) semaphore(%arg15 : memref<!tpu.dma_semaphore, #tpu.memory_space<semaphore_mem>>)
    %add3A_132 = arith.constant 0 : i32
    %add3A_133 = arith.addi %mul3A_2, %add3A_132 : i32
    %dma_start3A_134 = arith.constant 2 : i32
    %dma_start3A_135 = arith.constant 0 : i32
    %dma_start3A_136 = tpu.memref_slice %arg5[%dma_start3A_134, %add3A_133, %dma_start3A_135] : memref<4x4096x1024xf32, #tpu.memory_space<hbm>> -> memref<1x16x1024xf32, #tpu.memory_space<hbm>>
    %dma_start3A_137 = tpu.memref_squeeze %dma_start3A_136 : memref<1x16x1024xf32, #tpu.memory_space<hbm>> -> memref<16x1024xf32, #tpu.memory_space<hbm>>
    %dma_start3A_138 = arith.constant 0 : i32
    %dma_start3A_139 = tpu.memref_slice %arg5[%dma_start3A_134, %add3A_133, %dma_start3A_138] : memref<4x4096x1024xf32, #tpu.memory_space<hbm>> -> memref<1x16x1024xf32, #tpu.memory_space<hbm>>
    %dma_start3A_140 = tpu.memref_squeeze %dma_start3A_139 : memref<1x16x1024xf32, #tpu.memory_space<hbm>> -> memref<16x1024xf32, #tpu.memory_space<hbm>>
    tpu.enqueue_dma source(%arg11 : memref<16x1024xf32, #tpu.memory_space<vmem>>) target(%dma_start3A_140 : memref<16x1024xf32, #tpu.memory_space<hbm>>) target_semaphore(%arg21 : memref<!tpu.dma_semaphore, #tpu.memory_space<semaphore_mem>>)
    %dma_wait3A_141 = arith.constant 3 : i32
    %dma_wait3A_142 = arith.constant 0 : i32
    %dma_wait3A_143 = tpu.memref_slice %arg6[%dma_wait3A_141, %dma_wait3A_142] : memref<4x128xi32, #tpu.memory_space<vmem>> -> memref<1x16xi32, #tpu.memory_space<vmem>>
    %dma_wait3A_144 = tpu.memref_squeeze %dma_wait3A_143 : memref<1x16xi32, #tpu.memory_space<vmem>> -> memref<16xi32, #tpu.memory_space<vmem>>
    %dma_wait3A_145 = arith.constant 0 : i32
    %dma_wait3A_146 = arith.constant 0 : i32
    %dma_wait3A_147 = tpu.memref_slice %arg3[%dma_wait3A_145, %dma_wait3A_146] : memref<100000x1024xf32, #tpu.memory_space<hbm>> -> memref<100000x1024xf32, #tpu.memory_space<hbm>>
    tpu.wait_indirect_dma semaphore(%arg17 : memref<!tpu.dma_semaphore, #tpu.memory_space<semaphore_mem>>) src(%dma_wait3A_147 : memref<100000x1024xf32, #tpu.memory_space<hbm>>) dst(%arg12 : memref<16x1024xf32, #tpu.memory_space<vmem>>)
    %delay3A_148 = arith.constant 32 : i32
    tpu.delay %delay3A_148
    %parallel_loop3A_149 = arith.constant 0 : i32
    %parallel_loop3A_150 = arith.constant 1024 : i32
    %parallel_loop3A_151 = arith.constant 1 : i32
    scf.for %parallel_loop3A_1199 = %parallel_loop3A_149 to %parallel_loop3A_150 step %parallel_loop3A_151  : i32 {
      %parallel_loop3A_1200 = arith.constant 6 : i32
      %parallel_loop3A_1201 = arith.shrsi %parallel_loop3A_1199, %parallel_loop3A_1200 : i32
      %parallel_loop3A_1202 = arith.constant 63 : i32
      %parallel_loop3A_1203 = arith.andi %parallel_loop3A_1199, %parallel_loop3A_1202 : i32
      %parallel_loop3A_1204 = arith.constant 4 : i32
      %parallel_loop3A_1205 = arith.shli %parallel_loop3A_1203, %parallel_loop3A_1204 : i32
      %parallel_loop3A_1206 = tpu.assume_multiple %parallel_loop3A_1205, 16 : i32
      %parallel_loop3A_1207 = arith.index_cast %parallel_loop3A_1201 : i32 to index
      %parallel_loop3A_1208 = arith.index_cast %parallel_loop3A_1206 : i32 to index
      %parallel_loop3A_1209 = tpu.vector_load %arg7[%parallel_loop3A_1207, %parallel_loop3A_1208] {strides = array<i32>} : memref<16x1024xf32, #tpu.memory_space<vmem>>, vector<1x16xf32>,
      %parallel_loop3A_1210 = vector.shape_cast %parallel_loop3A_1209 : vector<1x16xf32> to vector<16xf32>
      %parallel_loop3A_1211 = arith.index_cast %parallel_loop3A_1201 : i32 to index
      %parallel_loop3A_1212 = arith.index_cast %parallel_loop3A_1206 : i32 to index
      %parallel_loop3A_1213 = tpu.vector_load %arg12[%parallel_loop3A_1211, %parallel_loop3A_1212] {strides = array<i32>} : memref<16x1024xf32, #tpu.memory_space<vmem>>, vector<1x16xf32>,
      %parallel_loop3A_1214 = vector.shape_cast %parallel_loop3A_1213 : vector<1x16xf32> to vector<16xf32>
      %parallel_loop3A_1215 = vector.shape_cast %parallel_loop3A_1210 : vector<16xf32> to vector<1x16xf32>
      tpu.vector_store %arg12[%parallel_loop3A_1211, %parallel_loop3A_1212], %parallel_loop3A_1215 {add = true, strides = array<i32>} : memref<16x1024xf32, #tpu.memory_space<vmem>>, vector<1x16xf32>,
    } {sc.loop_unroll_factor = 4 : i64, sc.parallel_access}
    %delay3A_152 = arith.constant 32 : i32
    tpu.delay %delay3A_152
    %dma_wait3A_153 = arith.constant 2 : i32
    %dma_wait3A_154 = arith.constant 0 : i32
    %dma_wait3A_155 = tpu.memref_slice %arg5[%dma_wait3A_153, %add3A_133, %dma_wait3A_154] : memref<4x4096x1024xf32, #tpu.memory_space<hbm>> -> memref<1x16x1024xf32, #tpu.memory_space<hbm>>
    %dma_wait3A_156 = tpu.memref_squeeze %dma_wait3A_155 : memref<1x16x1024xf32, #tpu.memory_space<hbm>> -> memref<16x1024xf32, #tpu.memory_space<hbm>>
    %dma_wait3A_157 = arith.constant 0 : i32
    %dma_wait3A_158 = tpu.memref_slice %arg5[%dma_wait3A_153, %add3A_133, %dma_wait3A_157] : memref<4x4096x1024xf32, #tpu.memory_space<hbm>> -> memref<1x16x1024xf32, #tpu.memory_space<hbm>>
    %dma_wait3A_159 = tpu.memref_squeeze %dma_wait3A_158 : memref<1x16x1024xf32, #tpu.memory_space<hbm>> -> memref<16x1024xf32, #tpu.memory_space<hbm>>
    tpu.wait_dma2 semaphore(%arg21 : memref<!tpu.dma_semaphore, #tpu.memory_space<semaphore_mem>>) src(%arg11 : memref<16x1024xf32, #tpu.memory_space<vmem>>) dst(%dma_wait3A_159 : memref<16x1024xf32, #tpu.memory_space<hbm>>)
    %dma_start3A_160 = arith.constant 3 : i32
    %dma_start3A_161 = arith.constant 16 : i32
    %dma_start3A_162 = tpu.memref_slice %arg6[%dma_start3A_160, %dma_start3A_161] : memref<4x128xi32, #tpu.memory_space<vmem>> -> memref<1x16xi32, #tpu.memory_space<vmem>>
    %dma_start3A_163 = tpu.memref_squeeze %dma_start3A_162 : memref<1x16xi32, #tpu.memory_space<vmem>> -> memref<16xi32, #tpu.memory_space<vmem>>
    %dma_start3A_164 = arith.constant 0 : i32
    %dma_start3A_165 = arith.constant 0 : i32
    %dma_start3A_166 = tpu.memref_slice %arg3[%dma_start3A_164, %dma_start3A_165] : memref<100000x1024xf32, #tpu.memory_space<hbm>> -> memref<100000x1024xf32, #tpu.memory_space<hbm>>
    tpu.enqueue_indirect_dma source(%dma_start3A_166 : memref<100000x1024xf32, #tpu.memory_space<hbm>>) target(%arg11 : memref<16x1024xf32, #tpu.memory_space<vmem>>) offsets(%dma_start3A_163 : memref<16xi32, #tpu.memory_space<vmem>>) semaphore(%arg16 : memref<!tpu.dma_semaphore, #tpu.memory_space<semaphore_mem>>)
    %add3A_167 = arith.constant 0 : i32
    %add3A_168 = arith.addi %mul3A_2, %add3A_167 : i32
    %dma_start3A_169 = arith.constant 3 : i32
    %dma_start3A_170 = arith.constant 0 : i32
    %dma_start3A_171 = tpu.memref_slice %arg5[%dma_start3A_169, %add3A_168, %dma_start3A_170] : memref<4x4096x1024xf32, #tpu.memory_space<hbm>> -> memref<1x16x1024xf32, #tpu.memory_space<hbm>>
    %dma_start3A_172 = tpu.memref_squeeze %dma_start3A_171 : memref<1x16x1024xf32, #tpu.memory_space<hbm>> -> memref<16x1024xf32, #tpu.memory_space<hbm>>
    %dma_start3A_173 = arith.constant 0 : i32
    %dma_start3A_174 = tpu.memref_slice %arg5[%dma_start3A_169, %add3A_168, %dma_start3A_173] : memref<4x4096x1024xf32, #tpu.memory_space<hbm>> -> memref<1x16x1024xf32, #tpu.memory_space<hbm>>
    %dma_start3A_175 = tpu.memref_squeeze %dma_start3A_174 : memref<1x16x1024xf32, #tpu.memory_space<hbm>> -> memref<16x1024xf32, #tpu.memory_space<hbm>>
    tpu.enqueue_dma source(%arg12 : memref<16x1024xf32, #tpu.memory_space<vmem>>) target(%dma_start3A_175 : memref<16x1024xf32, #tpu.memory_space<hbm>>) target_semaphore(%arg22 : memref<!tpu.dma_semaphore, #tpu.memory_space<semaphore_mem>>)
    %dma_wait3A_176 = arith.constant 0 : i32
    %dma_wait3A_177 = tpu.memref_slice %arg4[%add3A_50, %dma_wait3A_176] : memref<4096x1024xf32, #tpu.memory_space<hbm>> -> memref<16x1024xf32, #tpu.memory_space<hbm>>
    %dma_wait3A_178 = arith.constant 0 : i32
    %dma_wait3A_179 = tpu.memref_slice %arg4[%add3A_50, %dma_wait3A_178] : memref<4096x1024xf32, #tpu.memory_space<hbm>> -> memref<16x1024xf32, #tpu.memory_space<hbm>>
    tpu.wait_dma2 semaphore(%arg25 : memref<!tpu.dma_semaphore, #tpu.memory_space<semaphore_mem>>) src(%dma_wait3A_179 : memref<16x1024xf32, #tpu.memory_space<hbm>>) dst(%arg8 : memref<16x1024xf32, #tpu.memory_space<vmem>>)
    %dma_wait3A_180 = arith.constant 0 : i32
    %dma_wait3A_181 = arith.constant 16 : i32
    %dma_wait3A_182 = tpu.memref_slice %arg6[%dma_wait3A_180, %dma_wait3A_181] : memref<4x128xi32, #tpu.memory_space<vmem>> -> memref<1x16xi32, #tpu.memory_space<vmem>>
    %dma_wait3A_183 = tpu.memref_squeeze %dma_wait3A_182 : memref<1x16xi32, #tpu.memory_space<vmem>> -> memref<16xi32, #tpu.memory_space<vmem>>
    %dma_wait3A_184 = arith.constant 0 : i32
    %dma_wait3A_185 = arith.constant 0 : i32
    %dma_wait3A_186 = tpu.memref_slice %arg3[%dma_wait3A_184, %dma_wait3A_185] : memref<100000x1024xf32, #tpu.memory_space<hbm>> -> memref<100000x1024xf32, #tpu.memory_space<hbm>>
    tpu.wait_indirect_dma semaphore(%arg18 : memref<!tpu.dma_semaphore, #tpu.memory_space<semaphore_mem>>) src(%dma_wait3A_186 : memref<100000x1024xf32, #tpu.memory_space<hbm>>) dst(%arg13 : memref<16x1024xf32, #tpu.memory_space<vmem>>)
    %delay3A_187 = arith.constant 32 : i32
    tpu.delay %delay3A_187
    %parallel_loop3A_188 = arith.constant 0 : i32
    %parallel_loop3A_189 = arith.constant 1024 : i32
    %parallel_loop3A_190 = arith.constant 1 : i32
    scf.for %parallel_loop3A_1199 = %parallel_loop3A_188 to %parallel_loop3A_189 step %parallel_loop3A_190  : i32 {
      %parallel_loop3A_1200 = arith.constant 6 : i32
      %parallel_loop3A_1201 = arith.shrsi %parallel_loop3A_1199, %parallel_loop3A_1200 : i32
      %parallel_loop3A_1202 = arith.constant 63 : i32
      %parallel_loop3A_1203 = arith.andi %parallel_loop3A_1199, %parallel_loop3A_1202 : i32
      %parallel_loop3A_1204 = arith.constant 4 : i32
      %parallel_loop3A_1205 = arith.shli %parallel_loop3A_1203, %parallel_loop3A_1204 : i32
      %parallel_loop3A_1206 = tpu.assume_multiple %parallel_loop3A_1205, 16 : i32
      %parallel_loop3A_1207 = arith.index_cast %parallel_loop3A_1201 : i32 to index
      %parallel_loop3A_1208 = arith.index_cast %parallel_loop3A_1206 : i32 to index
      %parallel_loop3A_1209 = tpu.vector_load %arg8[%parallel_loop3A_1207, %parallel_loop3A_1208] {strides = array<i32>} : memref<16x1024xf32, #tpu.memory_space<vmem>>, vector<1x16xf32>,
      %parallel_loop3A_1210 = vector.shape_cast %parallel_loop3A_1209 : vector<1x16xf32> to vector<16xf32>
      %parallel_loop3A_1211 = arith.index_cast %parallel_loop3A_1201 : i32 to index
      %parallel_loop3A_1212 = arith.index_cast %parallel_loop3A_1206 : i32 to index
      %parallel_loop3A_1213 = tpu.vector_load %arg13[%parallel_loop3A_1211, %parallel_loop3A_1212] {strides = array<i32>} : memref<16x1024xf32, #tpu.memory_space<vmem>>, vector<1x16xf32>,
      %parallel_loop3A_1214 = vector.shape_cast %parallel_loop3A_1213 : vector<1x16xf32> to vector<16xf32>
      %parallel_loop3A_1215 = vector.shape_cast %parallel_loop3A_1210 : vector<16xf32> to vector<1x16xf32>
      tpu.vector_store %arg13[%parallel_loop3A_1211, %parallel_loop3A_1212], %parallel_loop3A_1215 {add = true, strides = array<i32>} : memref<16x1024xf32, #tpu.memory_space<vmem>>, vector<1x16xf32>,
    } {sc.loop_unroll_factor = 4 : i64, sc.parallel_access}
    %delay3A_191 = arith.constant 32 : i32
    tpu.delay %delay3A_191
    %add3A_192 = arith.constant 32 : i32
    %add3A_193 = arith.addi %mul3A_2, %add3A_192 : i32
    %dma_start3A_194 = arith.constant 0 : i32
    %dma_start3A_195 = tpu.memref_slice %arg4[%add3A_193, %dma_start3A_194] : memref<4096x1024xf32, #tpu.memory_space<hbm>> -> memref<16x1024xf32, #tpu.memory_space<hbm>>
    %dma_start3A_196 = arith.constant 0 : i32
    %dma_start3A_197 = tpu.memref_slice %arg4[%add3A_193, %dma_start3A_196] : memref<4096x1024xf32, #tpu.memory_space<hbm>> -> memref<16x1024xf32, #tpu.memory_space<hbm>>
    tpu.enqueue_dma source(%dma_start3A_197 : memref<16x1024xf32, #tpu.memory_space<hbm>>) target(%arg7 : memref<16x1024xf32, #tpu.memory_space<vmem>>) target_semaphore(%arg24 : memref<!tpu.dma_semaphore, #tpu.memory_space<semaphore_mem>>)
    %dma_wait3A_198 = arith.constant 3 : i32
    %dma_wait3A_199 = arith.constant 0 : i32
    %dma_wait3A_200 = tpu.memref_slice %arg5[%dma_wait3A_198, %add3A_168, %dma_wait3A_199] : memref<4x4096x1024xf32, #tpu.memory_space<hbm>> -> memref<1x16x1024xf32, #tpu.memory_space<hbm>>
    %dma_wait3A_201 = tpu.memref_squeeze %dma_wait3A_200 : memref<1x16x1024xf32, #tpu.memory_space<hbm>> -> memref<16x1024xf32, #tpu.memory_space<hbm>>
    %dma_wait3A_202 = arith.constant 0 : i32
    %dma_wait3A_203 = tpu.memref_slice %arg5[%dma_wait3A_198, %add3A_168, %dma_wait3A_202] : memref<4x4096x1024xf32, #tpu.memory_space<hbm>> -> memref<1x16x1024xf32, #tpu.memory_space<hbm>>
    %dma_wait3A_204 = tpu.memref_squeeze %dma_wait3A_203 : memref<1x16x1024xf32, #tpu.memory_space<hbm>> -> memref<16x1024xf32, #tpu.memory_space<hbm>>
    tpu.wait_dma2 semaphore(%arg22 : memref<!tpu.dma_semaphore, #tpu.memory_space<semaphore_mem>>) src(%arg12 : memref<16x1024xf32, #tpu.memory_space<vmem>>) dst(%dma_wait3A_204 : memref<16x1024xf32, #tpu.memory_space<hbm>>)
    %dma_start3A_205 = arith.constant 0 : i32
    %dma_start3A_206 = arith.constant 32 : i32
    %dma_start3A_207 = tpu.memref_slice %arg6[%dma_start3A_205, %dma_start3A_206] : memref<4x128xi32, #tpu.memory_space<vmem>> -> memref<1x16xi32, #tpu.memory_space<vmem>>
    %dma_start3A_208 = tpu.memref_squeeze %dma_start3A_207 : memref<1x16xi32, #tpu.memory_space<vmem>> -> memref<16xi32, #tpu.memory_space<vmem>>
    %dma_start3A_209 = arith.constant 0 : i32
    %dma_start3A_210 = arith.constant 0 : i32
    %dma_start3A_211 = tpu.memref_slice %arg3[%dma_start3A_209, %dma_start3A_210] : memref<100000x1024xf32, #tpu.memory_space<hbm>> -> memref<100000x1024xf32, #tpu.memory_space<hbm>>
    tpu.enqueue_indirect_dma source(%dma_start3A_211 : memref<100000x1024xf32, #tpu.memory_space<hbm>>) target(%arg12 : memref<16x1024xf32, #tpu.memory_space<vmem>>) offsets(%dma_start3A_208 : memref<16xi32, #tpu.memory_space<vmem>>) semaphore(%arg17 : memref<!tpu.dma_semaphore, #tpu.memory_space<semaphore_mem>>)
    %add3A_212 = arith.constant 16 : i32
    %add3A_213 = arith.addi %mul3A_2, %add3A_212 : i32
    %dma_start3A_214 = arith.constant 0 : i32
    %dma_start3A_215 = arith.constant 0 : i32
    %dma_start3A_216 = tpu.memref_slice %arg5[%dma_start3A_214, %add3A_213, %dma_start3A_215] : memref<4x4096x1024xf32, #tpu.memory_space<hbm>> -> memref<1x16x1024xf32, #tpu.memory_space<hbm>>
    %dma_start3A_217 = tpu.memref_squeeze %dma_start3A_216 : memref<1x16x1024xf32, #tpu.memory_space<hbm>> -> memref<16x1024xf32, #tpu.memory_space<hbm>>
    %dma_start3A_218 = arith.constant 0 : i32
    %dma_start3A_219 = tpu.memref_slice %arg5[%dma_start3A_214, %add3A_213, %dma_start3A_218] : memref<4x4096x1024xf32, #tpu.memory_space<hbm>> -> memref<1x16x1024xf32, #tpu.memory_space<hbm>>
    %dma_start3A_220 = tpu.memref_squeeze %dma_start3A_219 : memref<1x16x1024xf32, #tpu.memory_space<hbm>> -> memref<16x1024xf32, #tpu.memory_space<hbm>>
    tpu.enqueue_dma source(%arg13 : memref<16x1024xf32, #tpu.memory_space<vmem>>) target(%dma_start3A_220 : memref<16x1024xf32, #tpu.memory_space<hbm>>) target_semaphore(%arg23 : memref<!tpu.dma_semaphore, #tpu.memory_space<semaphore_mem>>)
    %dma_wait3A_221 = arith.constant 1 : i32
    %dma_wait3A_222 = arith.constant 16 : i32
    %dma_wait3A_223 = tpu.memref_slice %arg6[%dma_wait3A_221, %dma_wait3A_222] : memref<4x128xi32, #tpu.memory_space<vmem>> -> memref<1x16xi32, #tpu.memory_space<vmem>>
    %dma_wait3A_224 = tpu.memref_squeeze %dma_wait3A_223 : memref<1x16xi32, #tpu.memory_space<vmem>> -> memref<16xi32, #tpu.memory_space<vmem>>
    %dma_wait3A_225 = arith.constant 0 : i32
    %dma_wait3A_226 = arith.constant 0 : i32
    %dma_wait3A_227 = tpu.memref_slice %arg3[%dma_wait3A_225, %dma_wait3A_226] : memref<100000x1024xf32, #tpu.memory_space<hbm>> -> memref<100000x1024xf32, #tpu.memory_space<hbm>>
    tpu.wait_indirect_dma semaphore(%arg14 : memref<!tpu.dma_semaphore, #tpu.memory_space<semaphore_mem>>) src(%dma_wait3A_227 : memref<100000x1024xf32, #tpu.memory_space<hbm>>) dst(%arg9 : memref<16x1024xf32, #tpu.memory_space<vmem>>)
    %delay3A_228 = arith.constant 32 : i32
    tpu.delay %delay3A_228
    %parallel_loop3A_229 = arith.constant 0 : i32
    %parallel_loop3A_230 = arith.constant 1024 : i32
    %parallel_loop3A_231 = arith.constant 1 : i32
    scf.for %parallel_loop3A_1199 = %parallel_loop3A_229 to %parallel_loop3A_230 step %parallel_loop3A_231  : i32 {
      %parallel_loop3A_1200 = arith.constant 6 : i32
      %parallel_loop3A_1201 = arith.shrsi %parallel_loop3A_1199, %parallel_loop3A_1200 : i32
      %parallel_loop3A_1202 = arith.constant 63 : i32
      %parallel_loop3A_1203 = arith.andi %parallel_loop3A_1199, %parallel_loop3A_1202 : i32
      %parallel_loop3A_1204 = arith.constant 4 : i32
      %parallel_loop3A_1205 = arith.shli %parallel_loop3A_1203, %parallel_loop3A_1204 : i32
      %parallel_loop3A_1206 = tpu.assume_multiple %parallel_loop3A_1205, 16 : i32
      %parallel_loop3A_1207 = arith.index_cast %parallel_loop3A_1201 : i32 to index
      %parallel_loop3A_1208 = arith.index_cast %parallel_loop3A_1206 : i32 to index
      %parallel_loop3A_1209 = tpu.vector_load %arg8[%parallel_loop3A_1207, %parallel_loop3A_1208] {strides = array<i32>} : memref<16x1024xf32, #tpu.memory_space<vmem>>, vector<1x16xf32>,
      %parallel_loop3A_1210 = vector.shape_cast %parallel_loop3A_1209 : vector<1x16xf32> to vector<16xf32>
      %parallel_loop3A_1211 = arith.index_cast %parallel_loop3A_1201 : i32 to index
      %parallel_loop3A_1212 = arith.index_cast %parallel_loop3A_1206 : i32 to index
      %parallel_loop3A_1213 = tpu.vector_load %arg9[%parallel_loop3A_1211, %parallel_loop3A_1212] {strides = array<i32>} : memref<16x1024xf32, #tpu.memory_space<vmem>>, vector<1x16xf32>,
      %parallel_loop3A_1214 = vector.shape_cast %parallel_loop3A_1213 : vector<1x16xf32> to vector<16xf32>
      %parallel_loop3A_1215 = vector.shape_cast %parallel_loop3A_1210 : vector<16xf32> to vector<1x16xf32>
      tpu.vector_store %arg9[%parallel_loop3A_1211, %parallel_loop3A_1212], %parallel_loop3A_1215 {add = true, strides = array<i32>} : memref<16x1024xf32, #tpu.memory_space<vmem>>, vector<1x16xf32>,
    } {sc.loop_unroll_factor = 4 : i64, sc.parallel_access}
    %delay3A_232 = arith.constant 32 : i32
    tpu.delay %delay3A_232
    %dma_wait3A_233 = arith.constant 0 : i32
    %dma_wait3A_234 = arith.constant 0 : i32
    %dma_wait3A_235 = tpu.memref_slice %arg5[%dma_wait3A_233, %add3A_213, %dma_wait3A_234] : memref<4x4096x1024xf32, #tpu.memory_space<hbm>> -> memref<1x16x1024xf32, #tpu.memory_space<hbm>>
    %dma_wait3A_236 = tpu.memref_squeeze %dma_wait3A_235 : memref<1x16x1024xf32, #tpu.memory_space<hbm>> -> memref<16x1024xf32, #tpu.memory_space<hbm>>
    %dma_wait3A_237 = arith.constant 0 : i32
    %dma_wait3A_238 = tpu.memref_slice %arg5[%dma_wait3A_233, %add3A_213, %dma_wait3A_237] : memref<4x4096x1024xf32, #tpu.memory_space<hbm>> -> memref<1x16x1024xf32, #tpu.memory_space<hbm>>
    %dma_wait3A_239 = tpu.memref_squeeze %dma_wait3A_238 : memref<1x16x1024xf32, #tpu.memory_space<hbm>> -> memref<16x1024xf32, #tpu.memory_space<hbm>>
    tpu.wait_dma2 semaphore(%arg23 : memref<!tpu.dma_semaphore, #tpu.memory_space<semaphore_mem>>) src(%arg13 : memref<16x1024xf32, #tpu.memory_space<vmem>>) dst(%dma_wait3A_239 : memref<16x1024xf32, #tpu.memory_space<hbm>>)
    %dma_start3A_240 = arith.constant 1 : i32
    %dma_start3A_241 = arith.constant 32 : i32
    %dma_start3A_242 = tpu.memref_slice %arg6[%dma_start3A_240, %dma_start3A_241] : memref<4x128xi32, #tpu.memory_space<vmem>> -> memref<1x16xi32, #tpu.memory_space<vmem>>
    %dma_start3A_243 = tpu.memref_squeeze %dma_start3A_242 : memref<1x16xi32, #tpu.memory_space<vmem>> -> memref<16xi32, #tpu.memory_space<vmem>>
    %dma_start3A_244 = arith.constant 0 : i32
    %dma_start3A_245 = arith.constant 0 : i32
    %dma_start3A_246 = tpu.memref_slice %arg3[%dma_start3A_244, %dma_start3A_245] : memref<100000x1024xf32, #tpu.memory_space<hbm>> -> memref<100000x1024xf32, #tpu.memory_space<hbm>>
    tpu.enqueue_indirect_dma source(%dma_start3A_246 : memref<100000x1024xf32, #tpu.memory_space<hbm>>) target(%arg13 : memref<16x1024xf32, #tpu.memory_space<vmem>>) offsets(%dma_start3A_243 : memref<16xi32, #tpu.memory_space<vmem>>) semaphore(%arg18 : memref<!tpu.dma_semaphore, #tpu.memory_space<semaphore_mem>>)
    %add3A_247 = arith.constant 16 : i32
    %add3A_248 = arith.addi %mul3A_2, %add3A_247 : i32
    %dma_start3A_249 = arith.constant 1 : i32
    %dma_start3A_250 = arith.constant 0 : i32
    %dma_start3A_251 = tpu.memref_slice %arg5[%dma_start3A_249, %add3A_248, %dma_start3A_250] : memref<4x4096x1024xf32, #tpu.memory_space<hbm>> -> memref<1x16x1024xf32, #tpu.memory_space<hbm>>
    %dma_start3A_252 = tpu.memref_squeeze %dma_start3A_251 : memref<1x16x1024xf32, #tpu.memory_space<hbm>> -> memref<16x1024xf32, #tpu.memory_space<hbm>>
    %dma_start3A_253 = arith.constant 0 : i32
    %dma_start3A_254 = tpu.memref_slice %arg5[%dma_start3A_249, %add3A_248, %dma_start3A_253] : memref<4x4096x1024xf32, #tpu.memory_space<hbm>> -> memref<1x16x1024xf32, #tpu.memory_space<hbm>>
    %dma_start3A_255 = tpu.memref_squeeze %dma_start3A_254 : memref<1x16x1024xf32, #tpu.memory_space<hbm>> -> memref<16x1024xf32, #tpu.memory_space<hbm>>
    tpu.enqueue_dma source(%arg9 : memref<16x1024xf32, #tpu.memory_space<vmem>>) target(%dma_start3A_255 : memref<16x1024xf32, #tpu.memory_space<hbm>>) target_semaphore(%arg19 : memref<!tpu.dma_semaphore, #tpu.memory_space<semaphore_mem>>)
    %dma_wait3A_256 = arith.constant 2 : i32
    %dma_wait3A_257 = arith.constant 16 : i32
    %dma_wait3A_258 = tpu.memref_slice %arg6[%dma_wait3A_256, %dma_wait3A_257] : memref<4x128xi32, #tpu.memory_space<vmem>> -> memref<1x16xi32, #tpu.memory_space<vmem>>
    %dma_wait3A_259 = tpu.memref_squeeze %dma_wait3A_258 : memref<1x16xi32, #tpu.memory_space<vmem>> -> memref<16xi32, #tpu.memory_space<vmem>>
    %dma_wait3A_260 = arith.constant 0 : i32
    %dma_wait3A_261 = arith.constant 0 : i32
    %dma_wait3A_262 = tpu.memref_slice %arg3[%dma_wait3A_260, %dma_wait3A_261] : memref<100000x1024xf32, #tpu.memory_space<hbm>> -> memref<100000x1024xf32, #tpu.memory_space<hbm>>
    tpu.wait_indirect_dma semaphore(%arg15 : memref<!tpu.dma_semaphore, #tpu.memory_space<semaphore_mem>>) src(%dma_wait3A_262 : memref<100000x1024xf32, #tpu.memory_space<hbm>>) dst(%arg10 : memref<16x1024xf32, #tpu.memory_space<vmem>>)
    %delay3A_263 = arith.constant 32 : i32
    tpu.delay %delay3A_263
    %parallel_loop3A_264 = arith.constant 0 : i32
    %parallel_loop3A_265 = arith.constant 1024 : i32
    %parallel_loop3A_266 = arith.constant 1 : i32
    scf.for %parallel_loop3A_1199 = %parallel_loop3A_264 to %parallel_loop3A_265 step %parallel_loop3A_266  : i32 {
      %parallel_loop3A_1200 = arith.constant 6 : i32
      %parallel_loop3A_1201 = arith.shrsi %parallel_loop3A_1199, %parallel_loop3A_1200 : i32
      %parallel_loop3A_1202 = arith.constant 63 : i32
      %parallel_loop3A_1203 = arith.andi %parallel_loop3A_1199, %parallel_loop3A_1202 : i32
      %parallel_loop3A_1204 = arith.constant 4 : i32
      %parallel_loop3A_1205 = arith.shli %parallel_loop3A_1203, %parallel_loop3A_1204 : i32
      %parallel_loop3A_1206 = tpu.assume_multiple %parallel_loop3A_1205, 16 : i32
      %parallel_loop3A_1207 = arith.index_cast %parallel_loop3A_1201 : i32 to index
      %parallel_loop3A_1208 = arith.index_cast %parallel_loop3A_1206 : i32 to index
      %parallel_loop3A_1209 = tpu.vector_load %arg8[%parallel_loop3A_1207, %parallel_loop3A_1208] {strides = array<i32>} : memref<16x1024xf32, #tpu.memory_space<vmem>>, vector<1x16xf32>,
      %parallel_loop3A_1210 = vector.shape_cast %parallel_loop3A_1209 : vector<1x16xf32> to vector<16xf32>
      %parallel_loop3A_1211 = arith.index_cast %parallel_loop3A_1201 : i32 to index
      %parallel_loop3A_1212 = arith.index_cast %parallel_loop3A_1206 : i32 to index
      %parallel_loop3A_1213 = tpu.vector_load %arg10[%parallel_loop3A_1211, %parallel_loop3A_1212] {strides = array<i32>} : memref<16x1024xf32, #tpu.memory_space<vmem>>, vector<1x16xf32>,
      %parallel_loop3A_1214 = vector.shape_cast %parallel_loop3A_1213 : vector<1x16xf32> to vector<16xf32>
      %parallel_loop3A_1215 = vector.shape_cast %parallel_loop3A_1210 : vector<16xf32> to vector<1x16xf32>
      tpu.vector_store %arg10[%parallel_loop3A_1211, %parallel_loop3A_1212], %parallel_loop3A_1215 {add = true, strides = array<i32>} : memref<16x1024xf32, #tpu.memory_space<vmem>>, vector<1x16xf32>,
    } {sc.loop_unroll_factor = 4 : i64, sc.parallel_access}
    %delay3A_267 = arith.constant 32 : i32
    tpu.delay %delay3A_267
    %dma_wait3A_268 = arith.constant 1 : i32
    %dma_wait3A_269 = arith.constant 0 : i32
    %dma_wait3A_270 = tpu.memref_slice %arg5[%dma_wait3A_268, %add3A_248, %dma_wait3A_269] : memref<4x4096x1024xf32, #tpu.memory_space<hbm>> -> memref<1x16x1024xf32, #tpu.memory_space<hbm>>
    %dma_wait3A_271 = tpu.memref_squeeze %dma_wait3A_270 : memref<1x16x1024xf32, #tpu.memory_space<hbm>> -> memref<16x1024xf32, #tpu.memory_space<hbm>>
    %dma_wait3A_272 = arith.constant 0 : i32
    %dma_wait3A_273 = tpu.memref_slice %arg5[%dma_wait3A_268, %add3A_248, %dma_wait3A_272] : memref<4x4096x1024xf32, #tpu.memory_space<hbm>> -> memref<1x16x1024xf32, #tpu.memory_space<hbm>>
    %dma_wait3A_274 = tpu.memref_squeeze %dma_wait3A_273 : memref<1x16x1024xf32, #tpu.memory_space<hbm>> -> memref<16x1024xf32, #tpu.memory_space<hbm>>
    tpu.wait_dma2 semaphore(%arg19 : memref<!tpu.dma_semaphore, #tpu.memory_space<semaphore_mem>>) src(%arg9 : memref<16x1024xf32, #tpu.memory_space<vmem>>) dst(%dma_wait3A_274 : memref<16x1024xf32, #tpu.memory_space<hbm>>)
    %dma_start3A_275 = arith.constant 2 : i32
    %dma_start3A_276 = arith.constant 32 : i32
    %dma_start3A_277 = tpu.memref_slice %arg6[%dma_start3A_275, %dma_start3A_276] : memref<4x128xi32, #tpu.memory_space<vmem>> -> memref<1x16xi32, #tpu.memory_space<vmem>>
    %dma_start3A_278 = tpu.memref_squeeze %dma_start3A_277 : memref<1x16xi32, #tpu.memory_space<vmem>> -> memref<16xi32, #tpu.memory_space<vmem>>
    %dma_start3A_279 = arith.constant 0 : i32
    %dma_start3A_280 = arith.constant 0 : i32
    %dma_start3A_281 = tpu.memref_slice %arg3[%dma_start3A_279, %dma_start3A_280] : memref<100000x1024xf32, #tpu.memory_space<hbm>> -> memref<100000x1024xf32, #tpu.memory_space<hbm>>
    tpu.enqueue_indirect_dma source(%dma_start3A_281 : memref<100000x1024xf32, #tpu.memory_space<hbm>>) target(%arg9 : memref<16x1024xf32, #tpu.memory_space<vmem>>) offsets(%dma_start3A_278 : memref<16xi32, #tpu.memory_space<vmem>>) semaphore(%arg14 : memref<!tpu.dma_semaphore, #tpu.memory_space<semaphore_mem>>)
    %add3A_282 = arith.constant 16 : i32
    %add3A_283 = arith.addi %mul3A_2, %add3A_282 : i32
    %dma_start3A_284 = arith.constant 2 : i32
    %dma_start3A_285 = arith.constant 0 : i32
    %dma_start3A_286 = tpu.memref_slice %arg5[%dma_start3A_284, %add3A_283, %dma_start3A_285] : memref<4x4096x1024xf32, #tpu.memory_space<hbm>> -> memref<1x16x1024xf32, #tpu.memory_space<hbm>>
    %dma_start3A_287 = tpu.memref_squeeze %dma_start3A_286 : memref<1x16x1024xf32, #tpu.memory_space<hbm>> -> memref<16x1024xf32, #tpu.memory_space<hbm>>
    %dma_start3A_288 = arith.constant 0 : i32
    %dma_start3A_289 = tpu.memref_slice %arg5[%dma_start3A_284, %add3A_283, %dma_start3A_288] : memref<4x4096x1024xf32, #tpu.memory_space<hbm>> -> memref<1x16x1024xf32, #tpu.memory_space<hbm>>
    %dma_start3A_290 = tpu.memref_squeeze %dma_start3A_289 : memref<1x16x1024xf32, #tpu.memory_space<hbm>> -> memref<16x1024xf32, #tpu.memory_space<hbm>>
    tpu.enqueue_dma source(%arg10 : memref<16x1024xf32, #tpu.memory_space<vmem>>) target(%dma_start3A_290 : memref<16x1024xf32, #tpu.memory_space<hbm>>) target_semaphore(%arg20 : memref<!tpu.dma_semaphore, #tpu.memory_space<semaphore_mem>>)
    %dma_wait3A_291 = arith.constant 3 : i32
    %dma_wait3A_292 = arith.constant 16 : i32
    %dma_wait3A_293 = tpu.memref_slice %arg6[%dma_wait3A_291, %dma_wait3A_292] : memref<4x128xi32, #tpu.memory_space<vmem>> -> memref<1x16xi32, #tpu.memory_space<vmem>>
    %dma_wait3A_294 = tpu.memref_squeeze %dma_wait3A_293 : memref<1x16xi32, #tpu.memory_space<vmem>> -> memref<16xi32, #tpu.memory_space<vmem>>
    %dma_wait3A_295 = arith.constant 0 : i32
    %dma_wait3A_296 = arith.constant 0 : i32
    %dma_wait3A_297 = tpu.memref_slice %arg3[%dma_wait3A_295, %dma_wait3A_296] : memref<100000x1024xf32, #tpu.memory_space<hbm>> -> memref<100000x1024xf32, #tpu.memory_space<hbm>>
    tpu.wait_indirect_dma semaphore(%arg16 : memref<!tpu.dma_semaphore, #tpu.memory_space<semaphore_mem>>) src(%dma_wait3A_297 : memref<100000x1024xf32, #tpu.memory_space<hbm>>) dst(%arg11 : memref<16x1024xf32, #tpu.memory_space<vmem>>)
    %delay3A_298 = arith.constant 32 : i32
    tpu.delay %delay3A_298
    %parallel_loop3A_299 = arith.constant 0 : i32
    %parallel_loop3A_300 = arith.constant 1024 : i32
    %parallel_loop3A_301 = arith.constant 1 : i32
    scf.for %parallel_loop3A_1199 = %parallel_loop3A_299 to %parallel_loop3A_300 step %parallel_loop3A_301  : i32 {
      %parallel_loop3A_1200 = arith.constant 6 : i32
      %parallel_loop3A_1201 = arith.shrsi %parallel_loop3A_1199, %parallel_loop3A_1200 : i32
      %parallel_loop3A_1202 = arith.constant 63 : i32
      %parallel_loop3A_1203 = arith.andi %parallel_loop3A_1199, %parallel_loop3A_1202 : i32
      %parallel_loop3A_1204 = arith.constant 4 : i32
      %parallel_loop3A_1205 = arith.shli %parallel_loop3A_1203, %parallel_loop3A_1204 : i32
      %parallel_loop3A_1206 = tpu.assume_multiple %parallel_loop3A_1205, 16 : i32
      %parallel_loop3A_1207 = arith.index_cast %parallel_loop3A_1201 : i32 to index
      %parallel_loop3A_1208 = arith.index_cast %parallel_loop3A_1206 : i32 to index
      %parallel_loop3A_1209 = tpu.vector_load %arg8[%parallel_loop3A_1207, %parallel_loop3A_1208] {strides = array<i32>} : memref<16x1024xf32, #tpu.memory_space<vmem>>, vector<1x16xf32>,
      %parallel_loop3A_1210 = vector.shape_cast %parallel_loop3A_1209 : vector<1x16xf32> to vector<16xf32>
      %parallel_loop3A_1211 = arith.index_cast %parallel_loop3A_1201 : i32 to index
      %parallel_loop3A_1212 = arith.index_cast %parallel_loop3A_1206 : i32 to index
      %parallel_loop3A_1213 = tpu.vector_load %arg11[%parallel_loop3A_1211, %parallel_loop3A_1212] {strides = array<i32>} : memref<16x1024xf32, #tpu.memory_space<vmem>>, vector<1x16xf32>,
      %parallel_loop3A_1214 = vector.shape_cast %parallel_loop3A_1213 : vector<1x16xf32> to vector<16xf32>
      %parallel_loop3A_1215 = vector.shape_cast %parallel_loop3A_1210 : vector<16xf32> to vector<1x16xf32>
      tpu.vector_store %arg11[%parallel_loop3A_1211, %parallel_loop3A_1212], %parallel_loop3A_1215 {add = true, strides = array<i32>} : memref<16x1024xf32, #tpu.memory_space<vmem>>, vector<1x16xf32>,
    } {sc.loop_unroll_factor = 4 : i64, sc.parallel_access}
    %delay3A_302 = arith.constant 32 : i32
    tpu.delay %delay3A_302
    %dma_wait3A_303 = arith.constant 2 : i32
    %dma_wait3A_304 = arith.constant 0 : i32
    %dma_wait3A_305 = tpu.memref_slice %arg5[%dma_wait3A_303, %add3A_283, %dma_wait3A_304] : memref<4x4096x1024xf32, #tpu.memory_space<hbm>> -> memref<1x16x1024xf32, #tpu.memory_space<hbm>>
    %dma_wait3A_306 = tpu.memref_squeeze %dma_wait3A_305 : memref<1x16x1024xf32, #tpu.memory_space<hbm>> -> memref<16x1024xf32, #tpu.memory_space<hbm>>
    %dma_wait3A_307 = arith.constant 0 : i32
    %dma_wait3A_308 = tpu.memref_slice %arg5[%dma_wait3A_303, %add3A_283, %dma_wait3A_307] : memref<4x4096x1024xf32, #tpu.memory_space<hbm>> -> memref<1x16x1024xf32, #tpu.memory_space<hbm>>
    %dma_wait3A_309 = tpu.memref_squeeze %dma_wait3A_308 : memref<1x16x1024xf32, #tpu.memory_space<hbm>> -> memref<16x1024xf32, #tpu.memory_space<hbm>>
    tpu.wait_dma2 semaphore(%arg20 : memref<!tpu.dma_semaphore, #tpu.memory_space<semaphore_mem>>) src(%arg10 : memref<16x1024xf32, #tpu.memory_space<vmem>>) dst(%dma_wait3A_309 : memref<16x1024xf32, #tpu.memory_space<hbm>>)
    %dma_start3A_310 = arith.constant 3 : i32
    %dma_start3A_311 = arith.constant 32 : i32
    %dma_start3A_312 = tpu.memref_slice %arg6[%dma_start3A_310, %dma_start3A_311] : memref<4x128xi32, #tpu.memory_space<vmem>> -> memref<1x16xi32, #tpu.memory_space<vmem>>
    %dma_start3A_313 = tpu.memref_squeeze %dma_start3A_312 : memref<1x16xi32, #tpu.memory_space<vmem>> -> memref<16xi32, #tpu.memory_space<vmem>>
    %dma_start3A_314 = arith.constant 0 : i32
    %dma_start3A_315 = arith.constant 0 : i32
    %dma_start3A_316 = tpu.memref_slice %arg3[%dma_start3A_314, %dma_start3A_315] : memref<100000x1024xf32, #tpu.memory_space<hbm>> -> memref<100000x1024xf32, #tpu.memory_space<hbm>>
    tpu.enqueue_indirect_dma source(%dma_start3A_316 : memref<100000x1024xf32, #tpu.memory_space<hbm>>) target(%arg10 : memref<16x1024xf32, #tpu.memory_space<vmem>>) offsets(%dma_start3A_313 : memref<16xi32, #tpu.memory_space<vmem>>) semaphore(%arg15 : memref<!tpu.dma_semaphore, #tpu.memory_space<semaphore_mem>>)
    %add3A_317 = arith.constant 16 : i32
    %add3A_318 = arith.addi %mul3A_2, %add3A_317 : i32
    %dma_start3A_319 = arith.constant 3 : i32
    %dma_start3A_320 = arith.constant 0 : i32
    %dma_start3A_321 = tpu.memref_slice %arg5[%dma_start3A_319, %add3A_318, %dma_start3A_320] : memref<4x4096x1024xf32, #tpu.memory_space<hbm>> -> memref<1x16x1024xf32, #tpu.memory_space<hbm>>
    %dma_start3A_322 = tpu.memref_squeeze %dma_start3A_321 : memref<1x16x1024xf32, #tpu.memory_space<hbm>> -> memref<16x1024xf32, #tpu.memory_space<hbm>>
    %dma_start3A_323 = arith.constant 0 : i32
    %dma_start3A_324 = tpu.memref_slice %arg5[%dma_start3A_319, %add3A_318, %dma_start3A_323] : memref<4x4096x1024xf32, #tpu.memory_space<hbm>> -> memref<1x16x1024xf32, #tpu.memory_space<hbm>>
    %dma_start3A_325 = tpu.memref_squeeze %dma_start3A_324 : memref<1x16x1024xf32, #tpu.memory_space<hbm>> -> memref<16x1024xf32, #tpu.memory_space<hbm>>
    tpu.enqueue_dma source(%arg11 : memref<16x1024xf32, #tpu.memory_space<vmem>>) target(%dma_start3A_325 : memref<16x1024xf32, #tpu.memory_space<hbm>>) target_semaphore(%arg21 : memref<!tpu.dma_semaphore, #tpu.memory_space<semaphore_mem>>)
    %dma_wait3A_326 = arith.constant 0 : i32
    %dma_wait3A_327 = tpu.memref_slice %arg4[%add3A_193, %dma_wait3A_326] : memref<4096x1024xf32, #tpu.memory_space<hbm>> -> memref<16x1024xf32, #tpu.memory_space<hbm>>
    %dma_wait3A_328 = arith.constant 0 : i32
    %dma_wait3A_329 = tpu.memref_slice %arg4[%add3A_193, %dma_wait3A_328] : memref<4096x1024xf32, #tpu.memory_space<hbm>> -> memref<16x1024xf32, #tpu.memory_space<hbm>>
    tpu.wait_dma2 semaphore(%arg24 : memref<!tpu.dma_semaphore, #tpu.memory_space<semaphore_mem>>) src(%dma_wait3A_329 : memref<16x1024xf32, #tpu.memory_space<hbm>>) dst(%arg7 : memref<16x1024xf32, #tpu.memory_space<vmem>>)
    %dma_wait3A_330 = arith.constant 0 : i32
    %dma_wait3A_331 = arith.constant 32 : i32
    %dma_wait3A_332 = tpu.memref_slice %arg6[%dma_wait3A_330, %dma_wait3A_331] : memref<4x128xi32, #tpu.memory_space<vmem>> -> memref<1x16xi32, #tpu.memory_space<vmem>>
    %dma_wait3A_333 = tpu.memref_squeeze %dma_wait3A_332 : memref<1x16xi32, #tpu.memory_space<vmem>> -> memref<16xi32, #tpu.memory_space<vmem>>
    %dma_wait3A_334 = arith.constant 0 : i32
    %dma_wait3A_335 = arith.constant 0 : i32
    %dma_wait3A_336 = tpu.memref_slice %arg3[%dma_wait3A_334, %dma_wait3A_335] : memref<100000x1024xf32, #tpu.memory_space<hbm>> -> memref<100000x1024xf32, #tpu.memory_space<hbm>>
    tpu.wait_indirect_dma semaphore(%arg17 : memref<!tpu.dma_semaphore, #tpu.memory_space<semaphore_mem>>) src(%dma_wait3A_336 : memref<100000x1024xf32, #tpu.memory_space<hbm>>) dst(%arg12 : memref<16x1024xf32, #tpu.memory_space<vmem>>)
    %delay3A_337 = arith.constant 32 : i32
    tpu.delay %delay3A_337
    %parallel_loop3A_338 = arith.constant 0 : i32
    %parallel_loop3A_339 = arith.constant 1024 : i32
    %parallel_loop3A_340 = arith.constant 1 : i32
    scf.for %parallel_loop3A_1199 = %parallel_loop3A_338 to %parallel_loop3A_339 step %parallel_loop3A_340  : i32 {
      %parallel_loop3A_1200 = arith.constant 6 : i32
      %parallel_loop3A_1201 = arith.shrsi %parallel_loop3A_1199, %parallel_loop3A_1200 : i32
      %parallel_loop3A_1202 = arith.constant 63 : i32
      %parallel_loop3A_1203 = arith.andi %parallel_loop3A_1199, %parallel_loop3A_1202 : i32
      %parallel_loop3A_1204 = arith.constant 4 : i32
      %parallel_loop3A_1205 = arith.shli %parallel_loop3A_1203, %parallel_loop3A_1204 : i32
      %parallel_loop3A_1206 = tpu.assume_multiple %parallel_loop3A_1205, 16 : i32
      %parallel_loop3A_1207 = arith.index_cast %parallel_loop3A_1201 : i32 to index
      %parallel_loop3A_1208 = arith.index_cast %parallel_loop3A_1206 : i32 to index
      %parallel_loop3A_1209 = tpu.vector_load %arg7[%parallel_loop3A_1207, %parallel_loop3A_1208] {strides = array<i32>} : memref<16x1024xf32, #tpu.memory_space<vmem>>, vector<1x16xf32>,
      %parallel_loop3A_1210 = vector.shape_cast %parallel_loop3A_1209 : vector<1x16xf32> to vector<16xf32>
      %parallel_loop3A_1211 = arith.index_cast %parallel_loop3A_1201 : i32 to index
      %parallel_loop3A_1212 = arith.index_cast %parallel_loop3A_1206 : i32 to index
      %parallel_loop3A_1213 = tpu.vector_load %arg12[%parallel_loop3A_1211, %parallel_loop3A_1212] {strides = array<i32>} : memref<16x1024xf32, #tpu.memory_space<vmem>>, vector<1x16xf32>,
      %parallel_loop3A_1214 = vector.shape_cast %parallel_loop3A_1213 : vector<1x16xf32> to vector<16xf32>
      %parallel_loop3A_1215 = vector.shape_cast %parallel_loop3A_1210 : vector<16xf32> to vector<1x16xf32>
      tpu.vector_store %arg12[%parallel_loop3A_1211, %parallel_loop3A_1212], %parallel_loop3A_1215 {add = true, strides = array<i32>} : memref<16x1024xf32, #tpu.memory_space<vmem>>, vector<1x16xf32>,
    } {sc.loop_unroll_factor = 4 : i64, sc.parallel_access}
    %delay3A_341 = arith.constant 32 : i32
    tpu.delay %delay3A_341
    %add3A_342 = arith.constant 48 : i32
    %add3A_343 = arith.addi %mul3A_2, %add3A_342 : i32
    %dma_start3A_344 = arith.constant 0 : i32
    %dma_start3A_345 = tpu.memref_slice %arg4[%add3A_343, %dma_start3A_344] : memref<4096x1024xf32, #tpu.memory_space<hbm>> -> memref<16x1024xf32, #tpu.memory_space<hbm>>
    %dma_start3A_346 = arith.constant 0 : i32
    %dma_start3A_347 = tpu.memref_slice %arg4[%add3A_343, %dma_start3A_346] : memref<4096x1024xf32, #tpu.memory_space<hbm>> -> memref<16x1024xf32, #tpu.memory_space<hbm>>
    tpu.enqueue_dma source(%dma_start3A_347 : memref<16x1024xf32, #tpu.memory_space<hbm>>) target(%arg8 : memref<16x1024xf32, #tpu.memory_space<vmem>>) target_semaphore(%arg25 : memref<!tpu.dma_semaphore, #tpu.memory_space<semaphore_mem>>)
    %dma_wait3A_348 = arith.constant 3 : i32
    %dma_wait3A_349 = arith.constant 0 : i32
    %dma_wait3A_350 = tpu.memref_slice %arg5[%dma_wait3A_348, %add3A_318, %dma_wait3A_349] : memref<4x4096x1024xf32, #tpu.memory_space<hbm>> -> memref<1x16x1024xf32, #tpu.memory_space<hbm>>
    %dma_wait3A_351 = tpu.memref_squeeze %dma_wait3A_350 : memref<1x16x1024xf32, #tpu.memory_space<hbm>> -> memref<16x1024xf32, #tpu.memory_space<hbm>>
    %dma_wait3A_352 = arith.constant 0 : i32
    %dma_wait3A_353 = tpu.memref_slice %arg5[%dma_wait3A_348, %add3A_318, %dma_wait3A_352] : memref<4x4096x1024xf32, #tpu.memory_space<hbm>> -> memref<1x16x1024xf32, #tpu.memory_space<hbm>>
    %dma_wait3A_354 = tpu.memref_squeeze %dma_wait3A_353 : memref<1x16x1024xf32, #tpu.memory_space<hbm>> -> memref<16x1024xf32, #tpu.memory_space<hbm>>
    tpu.wait_dma2 semaphore(%arg21 : memref<!tpu.dma_semaphore, #tpu.memory_space<semaphore_mem>>) src(%arg11 : memref<16x1024xf32, #tpu.memory_space<vmem>>) dst(%dma_wait3A_354 : memref<16x1024xf32, #tpu.memory_space<hbm>>)
    %dma_start3A_355 = arith.constant 0 : i32
    %dma_start3A_356 = arith.constant 48 : i32
    %dma_start3A_357 = tpu.memref_slice %arg6[%dma_start3A_355, %dma_start3A_356] : memref<4x128xi32, #tpu.memory_space<vmem>> -> memref<1x16xi32, #tpu.memory_space<vmem>>
    %dma_start3A_358 = tpu.memref_squeeze %dma_start3A_357 : memref<1x16xi32, #tpu.memory_space<vmem>> -> memref<16xi32, #tpu.memory_space<vmem>>
    %dma_start3A_359 = arith.constant 0 : i32
    %dma_start3A_360 = arith.constant 0 : i32
    %dma_start3A_361 = tpu.memref_slice %arg3[%dma_start3A_359, %dma_start3A_360] : memref<100000x1024xf32, #tpu.memory_space<hbm>> -> memref<100000x1024xf32, #tpu.memory_space<hbm>>
    tpu.enqueue_indirect_dma source(%dma_start3A_361 : memref<100000x1024xf32, #tpu.memory_space<hbm>>) target(%arg11 : memref<16x1024xf32, #tpu.memory_space<vmem>>) offsets(%dma_start3A_358 : memref<16xi32, #tpu.memory_space<vmem>>) semaphore(%arg16 : memref<!tpu.dma_semaphore, #tpu.memory_space<semaphore_mem>>)
    %add3A_362 = arith.constant 32 : i32
    %add3A_363 = arith.addi %mul3A_2, %add3A_362 : i32
    %dma_start3A_364 = arith.constant 0 : i32
    %dma_start3A_365 = arith.constant 0 : i32
    %dma_start3A_366 = tpu.memref_slice %arg5[%dma_start3A_364, %add3A_363, %dma_start3A_365] : memref<4x4096x1024xf32, #tpu.memory_space<hbm>> -> memref<1x16x1024xf32, #tpu.memory_space<hbm>>
    %dma_start3A_367 = tpu.memref_squeeze %dma_start3A_366 : memref<1x16x1024xf32, #tpu.memory_space<hbm>> -> memref<16x1024xf32, #tpu.memory_space<hbm>>
    %dma_start3A_368 = arith.constant 0 : i32
    %dma_start3A_369 = tpu.memref_slice %arg5[%dma_start3A_364, %add3A_363, %dma_start3A_368] : memref<4x4096x1024xf32, #tpu.memory_space<hbm>> -> memref<1x16x1024xf32, #tpu.memory_space<hbm>>
    %dma_start3A_370 = tpu.memref_squeeze %dma_start3A_369 : memref<1x16x1024xf32, #tpu.memory_space<hbm>> -> memref<16x1024xf32, #tpu.memory_space<hbm>>
    tpu.enqueue_dma source(%arg12 : memref<16x1024xf32, #tpu.memory_space<vmem>>) target(%dma_start3A_370 : memref<16x1024xf32, #tpu.memory_space<hbm>>) target_semaphore(%arg22 : memref<!tpu.dma_semaphore, #tpu.memory_space<semaphore_mem>>)
    %dma_wait3A_371 = arith.constant 1 : i32
    %dma_wait3A_372 = arith.constant 32 : i32
    %dma_wait3A_373 = tpu.memref_slice %arg6[%dma_wait3A_371, %dma_wait3A_372] : memref<4x128xi32, #tpu.memory_space<vmem>> -> memref<1x16xi32, #tpu.memory_space<vmem>>
    %dma_wait3A_374 = tpu.memref_squeeze %dma_wait3A_373 : memref<1x16xi32, #tpu.memory_space<vmem>> -> memref<16xi32, #tpu.memory_space<vmem>>
    %dma_wait3A_375 = arith.constant 0 : i32
    %dma_wait3A_376 = arith.constant 0 : i32
    %dma_wait3A_377 = tpu.memref_slice %arg3[%dma_wait3A_375, %dma_wait3A_376] : memref<100000x1024xf32, #tpu.memory_space<hbm>> -> memref<100000x1024xf32, #tpu.memory_space<hbm>>
    tpu.wait_indirect_dma semaphore(%arg18 : memref<!tpu.dma_semaphore, #tpu.memory_space<semaphore_mem>>) src(%dma_wait3A_377 : memref<100000x1024xf32, #tpu.memory_space<hbm>>) dst(%arg13 : memref<16x1024xf32, #tpu.memory_space<vmem>>)
    %delay3A_378 = arith.constant 32 : i32
    tpu.delay %delay3A_378
    %parallel_loop3A_379 = arith.constant 0 : i32
    %parallel_loop3A_380 = arith.constant 1024 : i32
    %parallel_loop3A_381 = arith.constant 1 : i32
    scf.for %parallel_loop3A_1199 = %parallel_loop3A_379 to %parallel_loop3A_380 step %parallel_loop3A_381  : i32 {
      %parallel_loop3A_1200 = arith.constant 6 : i32
      %parallel_loop3A_1201 = arith.shrsi %parallel_loop3A_1199, %parallel_loop3A_1200 : i32
      %parallel_loop3A_1202 = arith.constant 63 : i32
      %parallel_loop3A_1203 = arith.andi %parallel_loop3A_1199, %parallel_loop3A_1202 : i32
      %parallel_loop3A_1204 = arith.constant 4 : i32
      %parallel_loop3A_1205 = arith.shli %parallel_loop3A_1203, %parallel_loop3A_1204 : i32
      %parallel_loop3A_1206 = tpu.assume_multiple %parallel_loop3A_1205, 16 : i32
      %parallel_loop3A_1207 = arith.index_cast %parallel_loop3A_1201 : i32 to index
      %parallel_loop3A_1208 = arith.index_cast %parallel_loop3A_1206 : i32 to index
      %parallel_loop3A_1209 = tpu.vector_load %arg7[%parallel_loop3A_1207, %parallel_loop3A_1208] {strides = array<i32>} : memref<16x1024xf32, #tpu.memory_space<vmem>>, vector<1x16xf32>,
      %parallel_loop3A_1210 = vector.shape_cast %parallel_loop3A_1209 : vector<1x16xf32> to vector<16xf32>
      %parallel_loop3A_1211 = arith.index_cast %parallel_loop3A_1201 : i32 to index
      %parallel_loop3A_1212 = arith.index_cast %parallel_loop3A_1206 : i32 to index
      %parallel_loop3A_1213 = tpu.vector_load %arg13[%parallel_loop3A_1211, %parallel_loop3A_1212] {strides = array<i32>} : memref<16x1024xf32, #tpu.memory_space<vmem>>, vector<1x16xf32>,
      %parallel_loop3A_1214 = vector.shape_cast %parallel_loop3A_1213 : vector<1x16xf32> to vector<16xf32>
      %parallel_loop3A_1215 = vector.shape_cast %parallel_loop3A_1210 : vector<16xf32> to vector<1x16xf32>
      tpu.vector_store %arg13[%parallel_loop3A_1211, %parallel_loop3A_1212], %parallel_loop3A_1215 {add = true, strides = array<i32>} : memref<16x1024xf32, #tpu.memory_space<vmem>>, vector<1x16xf32>,
    } {sc.loop_unroll_factor = 4 : i64, sc.parallel_access}
    %delay3A_382 = arith.constant 32 : i32
    tpu.delay %delay3A_382
    %dma_wait3A_383 = arith.constant 0 : i32
    %dma_wait3A_384 = arith.constant 0 : i32
    %dma_wait3A_385 = tpu.memref_slice %arg5[%dma_wait3A_383, %add3A_363, %dma_wait3A_384] : memref<4x4096x1024xf32, #tpu.memory_space<hbm>> -> memref<1x16x1024xf32, #tpu.memory_space<hbm>>
    %dma_wait3A_386 = tpu.memref_squeeze %dma_wait3A_385 : memref<1x16x1024xf32, #tpu.memory_space<hbm>> -> memref<16x1024xf32, #tpu.memory_space<hbm>>
    %dma_wait3A_387 = arith.constant 0 : i32
    %dma_wait3A_388 = tpu.memref_slice %arg5[%dma_wait3A_383, %add3A_363, %dma_wait3A_387] : memref<4x4096x1024xf32, #tpu.memory_space<hbm>> -> memref<1x16x1024xf32, #tpu.memory_space<hbm>>
    %dma_wait3A_389 = tpu.memref_squeeze %dma_wait3A_388 : memref<1x16x1024xf32, #tpu.memory_space<hbm>> -> memref<16x1024xf32, #tpu.memory_space<hbm>>
    tpu.wait_dma2 semaphore(%arg22 : memref<!tpu.dma_semaphore, #tpu.memory_space<semaphore_mem>>) src(%arg12 : memref<16x1024xf32, #tpu.memory_space<vmem>>) dst(%dma_wait3A_389 : memref<16x1024xf32, #tpu.memory_space<hbm>>)
    %dma_start3A_390 = arith.constant 1 : i32
    %dma_start3A_391 = arith.constant 48 : i32
    %dma_start3A_392 = tpu.memref_slice %arg6[%dma_start3A_390, %dma_start3A_391] : memref<4x128xi32, #tpu.memory_space<vmem>> -> memref<1x16xi32, #tpu.memory_space<vmem>>
    %dma_start3A_393 = tpu.memref_squeeze %dma_start3A_392 : memref<1x16xi32, #tpu.memory_space<vmem>> -> memref<16xi32, #tpu.memory_space<vmem>>
    %dma_start3A_394 = arith.constant 0 : i32
    %dma_start3A_395 = arith.constant 0 : i32
    %dma_start3A_396 = tpu.memref_slice %arg3[%dma_start3A_394, %dma_start3A_395] : memref<100000x1024xf32, #tpu.memory_space<hbm>> -> memref<100000x1024xf32, #tpu.memory_space<hbm>>
    tpu.enqueue_indirect_dma source(%dma_start3A_396 : memref<100000x1024xf32, #tpu.memory_space<hbm>>) target(%arg12 : memref<16x1024xf32, #tpu.memory_space<vmem>>) offsets(%dma_start3A_393 : memref<16xi32, #tpu.memory_space<vmem>>) semaphore(%arg17 : memref<!tpu.dma_semaphore, #tpu.memory_space<semaphore_mem>>)
    %add3A_397 = arith.constant 32 : i32
    %add3A_398 = arith.addi %mul3A_2, %add3A_397 : i32
    %dma_start3A_399 = arith.constant 1 : i32
    %dma_start3A_400 = arith.constant 0 : i32
    %dma_start3A_401 = tpu.memref_slice %arg5[%dma_start3A_399, %add3A_398, %dma_start3A_400] : memref<4x4096x1024xf32, #tpu.memory_space<hbm>> -> memref<1x16x1024xf32, #tpu.memory_space<hbm>>
    %dma_start3A_402 = tpu.memref_squeeze %dma_start3A_401 : memref<1x16x1024xf32, #tpu.memory_space<hbm>> -> memref<16x1024xf32, #tpu.memory_space<hbm>>
    %dma_start3A_403 = arith.constant 0 : i32
    %dma_start3A_404 = tpu.memref_slice %arg5[%dma_start3A_399, %add3A_398, %dma_start3A_403] : memref<4x4096x1024xf32, #tpu.memory_space<hbm>> -> memref<1x16x1024xf32, #tpu.memory_space<hbm>>
    %dma_start3A_405 = tpu.memref_squeeze %dma_start3A_404 : memref<1x16x1024xf32, #tpu.memory_space<hbm>> -> memref<16x1024xf32, #tpu.memory_space<hbm>>
    tpu.enqueue_dma source(%arg13 : memref<16x1024xf32, #tpu.memory_space<vmem>>) target(%dma_start3A_405 : memref<16x1024xf32, #tpu.memory_space<hbm>>) target_semaphore(%arg23 : memref<!tpu.dma_semaphore, #tpu.memory_space<semaphore_mem>>)
    %dma_wait3A_406 = arith.constant 2 : i32
    %dma_wait3A_407 = arith.constant 32 : i32
    %dma_wait3A_408 = tpu.memref_slice %arg6[%dma_wait3A_406, %dma_wait3A_407] : memref<4x128xi32, #tpu.memory_space<vmem>> -> memref<1x16xi32, #tpu.memory_space<vmem>>
    %dma_wait3A_409 = tpu.memref_squeeze %dma_wait3A_408 : memref<1x16xi32, #tpu.memory_space<vmem>> -> memref<16xi32, #tpu.memory_space<vmem>>
    %dma_wait3A_410 = arith.constant 0 : i32
    %dma_wait3A_411 = arith.constant 0 : i32
    %dma_wait3A_412 = tpu.memref_slice %arg3[%dma_wait3A_410, %dma_wait3A_411] : memref<100000x1024xf32, #tpu.memory_space<hbm>> -> memref<100000x1024xf32, #tpu.memory_space<hbm>>
    tpu.wait_indirect_dma semaphore(%arg14 : memref<!tpu.dma_semaphore, #tpu.memory_space<semaphore_mem>>) src(%dma_wait3A_412 : memref<100000x1024xf32, #tpu.memory_space<hbm>>) dst(%arg9 : memref<16x1024xf32, #tpu.memory_space<vmem>>)
    %delay3A_413 = arith.constant 32 : i32
    tpu.delay %delay3A_413
    %parallel_loop3A_414 = arith.constant 0 : i32
    %parallel_loop3A_415 = arith.constant 1024 : i32
    %parallel_loop3A_416 = arith.constant 1 : i32
    scf.for %parallel_loop3A_1199 = %parallel_loop3A_414 to %parallel_loop3A_415 step %parallel_loop3A_416  : i32 {
      %parallel_loop3A_1200 = arith.constant 6 : i32
      %parallel_loop3A_1201 = arith.shrsi %parallel_loop3A_1199, %parallel_loop3A_1200 : i32
      %parallel_loop3A_1202 = arith.constant 63 : i32
      %parallel_loop3A_1203 = arith.andi %parallel_loop3A_1199, %parallel_loop3A_1202 : i32
      %parallel_loop3A_1204 = arith.constant 4 : i32
      %parallel_loop3A_1205 = arith.shli %parallel_loop3A_1203, %parallel_loop3A_1204 : i32
      %parallel_loop3A_1206 = tpu.assume_multiple %parallel_loop3A_1205, 16 : i32
      %parallel_loop3A_1207 = arith.index_cast %parallel_loop3A_1201 : i32 to index
      %parallel_loop3A_1208 = arith.index_cast %parallel_loop3A_1206 : i32 to index
      %parallel_loop3A_1209 = tpu.vector_load %arg7[%parallel_loop3A_1207, %parallel_loop3A_1208] {strides = array<i32>} : memref<16x1024xf32, #tpu.memory_space<vmem>>, vector<1x16xf32>,
      %parallel_loop3A_1210 = vector.shape_cast %parallel_loop3A_1209 : vector<1x16xf32> to vector<16xf32>
      %parallel_loop3A_1211 = arith.index_cast %parallel_loop3A_1201 : i32 to index
      %parallel_loop3A_1212 = arith.index_cast %parallel_loop3A_1206 : i32 to index
      %parallel_loop3A_1213 = tpu.vector_load %arg9[%parallel_loop3A_1211, %parallel_loop3A_1212] {strides = array<i32>} : memref<16x1024xf32, #tpu.memory_space<vmem>>, vector<1x16xf32>,
      %parallel_loop3A_1214 = vector.shape_cast %parallel_loop3A_1213 : vector<1x16xf32> to vector<16xf32>
      %parallel_loop3A_1215 = vector.shape_cast %parallel_loop3A_1210 : vector<16xf32> to vector<1x16xf32>
      tpu.vector_store %arg9[%parallel_loop3A_1211, %parallel_loop3A_1212], %parallel_loop3A_1215 {add = true, strides = array<i32>} : memref<16x1024xf32, #tpu.memory_space<vmem>>, vector<1x16xf32>,
    } {sc.loop_unroll_factor = 4 : i64, sc.parallel_access}
    %delay3A_417 = arith.constant 32 : i32
    tpu.delay %delay3A_417
    %dma_wait3A_418 = arith.constant 1 : i32
    %dma_wait3A_419 = arith.constant 0 : i32
    %dma_wait3A_420 = tpu.memref_slice %arg5[%dma_wait3A_418, %add3A_398, %dma_wait3A_419] : memref<4x4096x1024xf32, #tpu.memory_space<hbm>> -> memref<1x16x1024xf32, #tpu.memory_space<hbm>>
    %dma_wait3A_421 = tpu.memref_squeeze %dma_wait3A_420 : memref<1x16x1024xf32, #tpu.memory_space<hbm>> -> memref<16x1024xf32, #tpu.memory_space<hbm>>
    %dma_wait3A_422 = arith.constant 0 : i32
    %dma_wait3A_423 = tpu.memref_slice %arg5[%dma_wait3A_418, %add3A_398, %dma_wait3A_422] : memref<4x4096x1024xf32, #tpu.memory_space<hbm>> -> memref<1x16x1024xf32, #tpu.memory_space<hbm>>
    %dma_wait3A_424 = tpu.memref_squeeze %dma_wait3A_423 : memref<1x16x1024xf32, #tpu.memory_space<hbm>> -> memref<16x1024xf32, #tpu.memory_space<hbm>>
    tpu.wait_dma2 semaphore(%arg23 : memref<!tpu.dma_semaphore, #tpu.memory_space<semaphore_mem>>) src(%arg13 : memref<16x1024xf32, #tpu.memory_space<vmem>>) dst(%dma_wait3A_424 : memref<16x1024xf32, #tpu.memory_space<hbm>>)
    %dma_start3A_425 = arith.constant 2 : i32
    %dma_start3A_426 = arith.constant 48 : i32
    %dma_start3A_427 = tpu.memref_slice %arg6[%dma_start3A_425, %dma_start3A_426] : memref<4x128xi32, #tpu.memory_space<vmem>> -> memref<1x16xi32, #tpu.memory_space<vmem>>
    %dma_start3A_428 = tpu.memref_squeeze %dma_start3A_427 : memref<1x16xi32, #tpu.memory_space<vmem>> -> memref<16xi32, #tpu.memory_space<vmem>>
    %dma_start3A_429 = arith.constant 0 : i32
    %dma_start3A_430 = arith.constant 0 : i32
    %dma_start3A_431 = tpu.memref_slice %arg3[%dma_start3A_429, %dma_start3A_430] : memref<100000x1024xf32, #tpu.memory_space<hbm>> -> memref<100000x1024xf32, #tpu.memory_space<hbm>>
    tpu.enqueue_indirect_dma source(%dma_start3A_431 : memref<100000x1024xf32, #tpu.memory_space<hbm>>) target(%arg13 : memref<16x1024xf32, #tpu.memory_space<vmem>>) offsets(%dma_start3A_428 : memref<16xi32, #tpu.memory_space<vmem>>) semaphore(%arg18 : memref<!tpu.dma_semaphore, #tpu.memory_space<semaphore_mem>>)
    %add3A_432 = arith.constant 32 : i32
    %add3A_433 = arith.addi %mul3A_2, %add3A_432 : i32
    %dma_start3A_434 = arith.constant 2 : i32
    %dma_start3A_435 = arith.constant 0 : i32
    %dma_start3A_436 = tpu.memref_slice %arg5[%dma_start3A_434, %add3A_433, %dma_start3A_435] : memref<4x4096x1024xf32, #tpu.memory_space<hbm>> -> memref<1x16x1024xf32, #tpu.memory_space<hbm>>
    %dma_start3A_437 = tpu.memref_squeeze %dma_start3A_436 : memref<1x16x1024xf32, #tpu.memory_space<hbm>> -> memref<16x1024xf32, #tpu.memory_space<hbm>>
    %dma_start3A_438 = arith.constant 0 : i32
    %dma_start3A_439 = tpu.memref_slice %arg5[%dma_start3A_434, %add3A_433, %dma_start3A_438] : memref<4x4096x1024xf32, #tpu.memory_space<hbm>> -> memref<1x16x1024xf32, #tpu.memory_space<hbm>>
    %dma_start3A_440 = tpu.memref_squeeze %dma_start3A_439 : memref<1x16x1024xf32, #tpu.memory_space<hbm>> -> memref<16x1024xf32, #tpu.memory_space<hbm>>
    tpu.enqueue_dma source(%arg9 : memref<16x1024xf32, #tpu.memory_space<vmem>>) target(%dma_start3A_440 : memref<16x1024xf32, #tpu.memory_space<hbm>>) target_semaphore(%arg19 : memref<!tpu.dma_semaphore, #tpu.memory_space<semaphore_mem>>)
    %dma_wait3A_441 = arith.constant 3 : i32
    %dma_wait3A_442 = arith.constant 32 : i32
    %dma_wait3A_443 = tpu.memref_slice %arg6[%dma_wait3A_441, %dma_wait3A_442] : memref<4x128xi32, #tpu.memory_space<vmem>> -> memref<1x16xi32, #tpu.memory_space<vmem>>
    %dma_wait3A_444 = tpu.memref_squeeze %dma_wait3A_443 : memref<1x16xi32, #tpu.memory_space<vmem>> -> memref<16xi32, #tpu.memory_space<vmem>>
    %dma_wait3A_445 = arith.constant 0 : i32
    %dma_wait3A_446 = arith.constant 0 : i32
    %dma_wait3A_447 = tpu.memref_slice %arg3[%dma_wait3A_445, %dma_wait3A_446] : memref<100000x1024xf32, #tpu.memory_space<hbm>> -> memref<100000x1024xf32, #tpu.memory_space<hbm>>
    tpu.wait_indirect_dma semaphore(%arg15 : memref<!tpu.dma_semaphore, #tpu.memory_space<semaphore_mem>>) src(%dma_wait3A_447 : memref<100000x1024xf32, #tpu.memory_space<hbm>>) dst(%arg10 : memref<16x1024xf32, #tpu.memory_space<vmem>>)
    %delay3A_448 = arith.constant 32 : i32
    tpu.delay %delay3A_448
    %parallel_loop3A_449 = arith.constant 0 : i32
    %parallel_loop3A_450 = arith.constant 1024 : i32
    %parallel_loop3A_451 = arith.constant 1 : i32
    scf.for %parallel_loop3A_1199 = %parallel_loop3A_449 to %parallel_loop3A_450 step %parallel_loop3A_451  : i32 {
      %parallel_loop3A_1200 = arith.constant 6 : i32
      %parallel_loop3A_1201 = arith.shrsi %parallel_loop3A_1199, %parallel_loop3A_1200 : i32
      %parallel_loop3A_1202 = arith.constant 63 : i32
      %parallel_loop3A_1203 = arith.andi %parallel_loop3A_1199, %parallel_loop3A_1202 : i32
      %parallel_loop3A_1204 = arith.constant 4 : i32
      %parallel_loop3A_1205 = arith.shli %parallel_loop3A_1203, %parallel_loop3A_1204 : i32
      %parallel_loop3A_1206 = tpu.assume_multiple %parallel_loop3A_1205, 16 : i32
      %parallel_loop3A_1207 = arith.index_cast %parallel_loop3A_1201 : i32 to index
      %parallel_loop3A_1208 = arith.index_cast %parallel_loop3A_1206 : i32 to index
      %parallel_loop3A_1209 = tpu.vector_load %arg7[%parallel_loop3A_1207, %parallel_loop3A_1208] {strides = array<i32>} : memref<16x1024xf32, #tpu.memory_space<vmem>>, vector<1x16xf32>,
      %parallel_loop3A_1210 = vector.shape_cast %parallel_loop3A_1209 : vector<1x16xf32> to vector<16xf32>
      %parallel_loop3A_1211 = arith.index_cast %parallel_loop3A_1201 : i32 to index
      %parallel_loop3A_1212 = arith.index_cast %parallel_loop3A_1206 : i32 to index
      %parallel_loop3A_1213 = tpu.vector_load %arg10[%parallel_loop3A_1211, %parallel_loop3A_1212] {strides = array<i32>} : memref<16x1024xf32, #tpu.memory_space<vmem>>, vector<1x16xf32>,
      %parallel_loop3A_1214 = vector.shape_cast %parallel_loop3A_1213 : vector<1x16xf32> to vector<16xf32>
      %parallel_loop3A_1215 = vector.shape_cast %parallel_loop3A_1210 : vector<16xf32> to vector<1x16xf32>
      tpu.vector_store %arg10[%parallel_loop3A_1211, %parallel_loop3A_1212], %parallel_loop3A_1215 {add = true, strides = array<i32>} : memref<16x1024xf32, #tpu.memory_space<vmem>>, vector<1x16xf32>,
    } {sc.loop_unroll_factor = 4 : i64, sc.parallel_access}
    %delay3A_452 = arith.constant 32 : i32
    tpu.delay %delay3A_452
    %dma_wait3A_453 = arith.constant 2 : i32
    %dma_wait3A_454 = arith.constant 0 : i32
    %dma_wait3A_455 = tpu.memref_slice %arg5[%dma_wait3A_453, %add3A_433, %dma_wait3A_454] : memref<4x4096x1024xf32, #tpu.memory_space<hbm>> -> memref<1x16x1024xf32, #tpu.memory_space<hbm>>
    %dma_wait3A_456 = tpu.memref_squeeze %dma_wait3A_455 : memref<1x16x1024xf32, #tpu.memory_space<hbm>> -> memref<16x1024xf32, #tpu.memory_space<hbm>>
    %dma_wait3A_457 = arith.constant 0 : i32
    %dma_wait3A_458 = tpu.memref_slice %arg5[%dma_wait3A_453, %add3A_433, %dma_wait3A_457] : memref<4x4096x1024xf32, #tpu.memory_space<hbm>> -> memref<1x16x1024xf32, #tpu.memory_space<hbm>>
    %dma_wait3A_459 = tpu.memref_squeeze %dma_wait3A_458 : memref<1x16x1024xf32, #tpu.memory_space<hbm>> -> memref<16x1024xf32, #tpu.memory_space<hbm>>
    tpu.wait_dma2 semaphore(%arg19 : memref<!tpu.dma_semaphore, #tpu.memory_space<semaphore_mem>>) src(%arg9 : memref<16x1024xf32, #tpu.memory_space<vmem>>) dst(%dma_wait3A_459 : memref<16x1024xf32, #tpu.memory_space<hbm>>)
    %dma_start3A_460 = arith.constant 3 : i32
    %dma_start3A_461 = arith.constant 48 : i32
    %dma_start3A_462 = tpu.memref_slice %arg6[%dma_start3A_460, %dma_start3A_461] : memref<4x128xi32, #tpu.memory_space<vmem>> -> memref<1x16xi32, #tpu.memory_space<vmem>>
    %dma_start3A_463 = tpu.memref_squeeze %dma_start3A_462 : memref<1x16xi32, #tpu.memory_space<vmem>> -> memref<16xi32, #tpu.memory_space<vmem>>
    %dma_start3A_464 = arith.constant 0 : i32
    %dma_start3A_465 = arith.constant 0 : i32
    %dma_start3A_466 = tpu.memref_slice %arg3[%dma_start3A_464, %dma_start3A_465] : memref<100000x1024xf32, #tpu.memory_space<hbm>> -> memref<100000x1024xf32, #tpu.memory_space<hbm>>
    tpu.enqueue_indirect_dma source(%dma_start3A_466 : memref<100000x1024xf32, #tpu.memory_space<hbm>>) target(%arg9 : memref<16x1024xf32, #tpu.memory_space<vmem>>) offsets(%dma_start3A_463 : memref<16xi32, #tpu.memory_space<vmem>>) semaphore(%arg14 : memref<!tpu.dma_semaphore, #tpu.memory_space<semaphore_mem>>)
    %add3A_467 = arith.constant 32 : i32
    %add3A_468 = arith.addi %mul3A_2, %add3A_467 : i32
    %dma_start3A_469 = arith.constant 3 : i32
    %dma_start3A_470 = arith.constant 0 : i32
    %dma_start3A_471 = tpu.memref_slice %arg5[%dma_start3A_469, %add3A_468, %dma_start3A_470] : memref<4x4096x1024xf32, #tpu.memory_space<hbm>> -> memref<1x16x1024xf32, #tpu.memory_space<hbm>>
    %dma_start3A_472 = tpu.memref_squeeze %dma_start3A_471 : memref<1x16x1024xf32, #tpu.memory_space<hbm>> -> memref<16x1024xf32, #tpu.memory_space<hbm>>
    %dma_start3A_473 = arith.constant 0 : i32
    %dma_start3A_474 = tpu.memref_slice %arg5[%dma_start3A_469, %add3A_468, %dma_start3A_473] : memref<4x4096x1024xf32, #tpu.memory_space<hbm>> -> memref<1x16x1024xf32, #tpu.memory_space<hbm>>
    %dma_start3A_475 = tpu.memref_squeeze %dma_start3A_474 : memref<1x16x1024xf32, #tpu.memory_space<hbm>> -> memref<16x1024xf32, #tpu.memory_space<hbm>>
    tpu.enqueue_dma source(%arg10 : memref<16x1024xf32, #tpu.memory_space<vmem>>) target(%dma_start3A_475 : memref<16x1024xf32, #tpu.memory_space<hbm>>) target_semaphore(%arg20 : memref<!tpu.dma_semaphore, #tpu.memory_space<semaphore_mem>>)
    %dma_wait3A_476 = arith.constant 0 : i32
    %dma_wait3A_477 = tpu.memref_slice %arg4[%add3A_343, %dma_wait3A_476] : memref<4096x1024xf32, #tpu.memory_space<hbm>> -> memref<16x1024xf32, #tpu.memory_space<hbm>>
    %dma_wait3A_478 = arith.constant 0 : i32
    %dma_wait3A_479 = tpu.memref_slice %arg4[%add3A_343, %dma_wait3A_478] : memref<4096x1024xf32, #tpu.memory_space<hbm>> -> memref<16x1024xf32, #tpu.memory_space<hbm>>
    tpu.wait_dma2 semaphore(%arg25 : memref<!tpu.dma_semaphore, #tpu.memory_space<semaphore_mem>>) src(%dma_wait3A_479 : memref<16x1024xf32, #tpu.memory_space<hbm>>) dst(%arg8 : memref<16x1024xf32, #tpu.memory_space<vmem>>)
    %dma_wait3A_480 = arith.constant 0 : i32
    %dma_wait3A_481 = arith.constant 48 : i32
    %dma_wait3A_482 = tpu.memref_slice %arg6[%dma_wait3A_480, %dma_wait3A_481] : memref<4x128xi32, #tpu.memory_space<vmem>> -> memref<1x16xi32, #tpu.memory_space<vmem>>
    %dma_wait3A_483 = tpu.memref_squeeze %dma_wait3A_482 : memref<1x16xi32, #tpu.memory_space<vmem>> -> memref<16xi32, #tpu.memory_space<vmem>>
    %dma_wait3A_484 = arith.constant 0 : i32
    %dma_wait3A_485 = arith.constant 0 : i32
    %dma_wait3A_486 = tpu.memref_slice %arg3[%dma_wait3A_484, %dma_wait3A_485] : memref<100000x1024xf32, #tpu.memory_space<hbm>> -> memref<100000x1024xf32, #tpu.memory_space<hbm>>
    tpu.wait_indirect_dma semaphore(%arg16 : memref<!tpu.dma_semaphore, #tpu.memory_space<semaphore_mem>>) src(%dma_wait3A_486 : memref<100000x1024xf32, #tpu.memory_space<hbm>>) dst(%arg11 : memref<16x1024xf32, #tpu.memory_space<vmem>>)
    %delay3A_487 = arith.constant 32 : i32
    tpu.delay %delay3A_487
    %parallel_loop3A_488 = arith.constant 0 : i32
    %parallel_loop3A_489 = arith.constant 1024 : i32
    %parallel_loop3A_490 = arith.constant 1 : i32
    scf.for %parallel_loop3A_1199 = %parallel_loop3A_488 to %parallel_loop3A_489 step %parallel_loop3A_490  : i32 {
      %parallel_loop3A_1200 = arith.constant 6 : i32
      %parallel_loop3A_1201 = arith.shrsi %parallel_loop3A_1199, %parallel_loop3A_1200 : i32
      %parallel_loop3A_1202 = arith.constant 63 : i32
      %parallel_loop3A_1203 = arith.andi %parallel_loop3A_1199, %parallel_loop3A_1202 : i32
      %parallel_loop3A_1204 = arith.constant 4 : i32
      %parallel_loop3A_1205 = arith.shli %parallel_loop3A_1203, %parallel_loop3A_1204 : i32
      %parallel_loop3A_1206 = tpu.assume_multiple %parallel_loop3A_1205, 16 : i32
      %parallel_loop3A_1207 = arith.index_cast %parallel_loop3A_1201 : i32 to index
      %parallel_loop3A_1208 = arith.index_cast %parallel_loop3A_1206 : i32 to index
      %parallel_loop3A_1209 = tpu.vector_load %arg8[%parallel_loop3A_1207, %parallel_loop3A_1208] {strides = array<i32>} : memref<16x1024xf32, #tpu.memory_space<vmem>>, vector<1x16xf32>,
      %parallel_loop3A_1210 = vector.shape_cast %parallel_loop3A_1209 : vector<1x16xf32> to vector<16xf32>
      %parallel_loop3A_1211 = arith.index_cast %parallel_loop3A_1201 : i32 to index
      %parallel_loop3A_1212 = arith.index_cast %parallel_loop3A_1206 : i32 to index
      %parallel_loop3A_1213 = tpu.vector_load %arg11[%parallel_loop3A_1211, %parallel_loop3A_1212] {strides = array<i32>} : memref<16x1024xf32, #tpu.memory_space<vmem>>, vector<1x16xf32>,
      %parallel_loop3A_1214 = vector.shape_cast %parallel_loop3A_1213 : vector<1x16xf32> to vector<16xf32>
      %parallel_loop3A_1215 = vector.shape_cast %parallel_loop3A_1210 : vector<16xf32> to vector<1x16xf32>
      tpu.vector_store %arg11[%parallel_loop3A_1211, %parallel_loop3A_1212], %parallel_loop3A_1215 {add = true, strides = array<i32>} : memref<16x1024xf32, #tpu.memory_space<vmem>>, vector<1x16xf32>,
    } {sc.loop_unroll_factor = 4 : i64, sc.parallel_access}
    %delay3A_491 = arith.constant 32 : i32
    tpu.delay %delay3A_491
    %add3A_492 = arith.constant 64 : i32
    %add3A_493 = arith.addi %mul3A_2, %add3A_492 : i32
    %dma_start3A_494 = arith.constant 0 : i32
    %dma_start3A_495 = tpu.memref_slice %arg4[%add3A_493, %dma_start3A_494] : memref<4096x1024xf32, #tpu.memory_space<hbm>> -> memref<16x1024xf32, #tpu.memory_space<hbm>>
    %dma_start3A_496 = arith.constant 0 : i32
    %dma_start3A_497 = tpu.memref_slice %arg4[%add3A_493, %dma_start3A_496] : memref<4096x1024xf32, #tpu.memory_space<hbm>> -> memref<16x1024xf32, #tpu.memory_space<hbm>>
    tpu.enqueue_dma source(%dma_start3A_497 : memref<16x1024xf32, #tpu.memory_space<hbm>>) target(%arg7 : memref<16x1024xf32, #tpu.memory_space<vmem>>) target_semaphore(%arg24 : memref<!tpu.dma_semaphore, #tpu.memory_space<semaphore_mem>>)
    %dma_wait3A_498 = arith.constant 3 : i32
    %dma_wait3A_499 = arith.constant 0 : i32
    %dma_wait3A_500 = tpu.memref_slice %arg5[%dma_wait3A_498, %add3A_468, %dma_wait3A_499] : memref<4x4096x1024xf32, #tpu.memory_space<hbm>> -> memref<1x16x1024xf32, #tpu.memory_space<hbm>>
    %dma_wait3A_501 = tpu.memref_squeeze %dma_wait3A_500 : memref<1x16x1024xf32, #tpu.memory_space<hbm>> -> memref<16x1024xf32, #tpu.memory_space<hbm>>
    %dma_wait3A_502 = arith.constant 0 : i32
    %dma_wait3A_503 = tpu.memref_slice %arg5[%dma_wait3A_498, %add3A_468, %dma_wait3A_502] : memref<4x4096x1024xf32, #tpu.memory_space<hbm>> -> memref<1x16x1024xf32, #tpu.memory_space<hbm>>
    %dma_wait3A_504 = tpu.memref_squeeze %dma_wait3A_503 : memref<1x16x1024xf32, #tpu.memory_space<hbm>> -> memref<16x1024xf32, #tpu.memory_space<hbm>>
    tpu.wait_dma2 semaphore(%arg20 : memref<!tpu.dma_semaphore, #tpu.memory_space<semaphore_mem>>) src(%arg10 : memref<16x1024xf32, #tpu.memory_space<vmem>>) dst(%dma_wait3A_504 : memref<16x1024xf32, #tpu.memory_space<hbm>>)
    %dma_start3A_505 = arith.constant 0 : i32
    %dma_start3A_506 = arith.constant 64 : i32
    %dma_start3A_507 = tpu.memref_slice %arg6[%dma_start3A_505, %dma_start3A_506] : memref<4x128xi32, #tpu.memory_space<vmem>> -> memref<1x16xi32, #tpu.memory_space<vmem>>
    %dma_start3A_508 = tpu.memref_squeeze %dma_start3A_507 : memref<1x16xi32, #tpu.memory_space<vmem>> -> memref<16xi32, #tpu.memory_space<vmem>>
    %dma_start3A_509 = arith.constant 0 : i32
    %dma_start3A_510 = arith.constant 0 : i32
    %dma_start3A_511 = tpu.memref_slice %arg3[%dma_start3A_509, %dma_start3A_510] : memref<100000x1024xf32, #tpu.memory_space<hbm>> -> memref<100000x1024xf32, #tpu.memory_space<hbm>>
    tpu.enqueue_indirect_dma source(%dma_start3A_511 : memref<100000x1024xf32, #tpu.memory_space<hbm>>) target(%arg10 : memref<16x1024xf32, #tpu.memory_space<vmem>>) offsets(%dma_start3A_508 : memref<16xi32, #tpu.memory_space<vmem>>) semaphore(%arg15 : memref<!tpu.dma_semaphore, #tpu.memory_space<semaphore_mem>>)
    %add3A_512 = arith.constant 48 : i32
    %add3A_513 = arith.addi %mul3A_2, %add3A_512 : i32
    %dma_start3A_514 = arith.constant 0 : i32
    %dma_start3A_515 = arith.constant 0 : i32
    %dma_start3A_516 = tpu.memref_slice %arg5[%dma_start3A_514, %add3A_513, %dma_start3A_515] : memref<4x4096x1024xf32, #tpu.memory_space<hbm>> -> memref<1x16x1024xf32, #tpu.memory_space<hbm>>
    %dma_start3A_517 = tpu.memref_squeeze %dma_start3A_516 : memref<1x16x1024xf32, #tpu.memory_space<hbm>> -> memref<16x1024xf32, #tpu.memory_space<hbm>>
    %dma_start3A_518 = arith.constant 0 : i32
    %dma_start3A_519 = tpu.memref_slice %arg5[%dma_start3A_514, %add3A_513, %dma_start3A_518] : memref<4x4096x1024xf32, #tpu.memory_space<hbm>> -> memref<1x16x1024xf32, #tpu.memory_space<hbm>>
    %dma_start3A_520 = tpu.memref_squeeze %dma_start3A_519 : memref<1x16x1024xf32, #tpu.memory_space<hbm>> -> memref<16x1024xf32, #tpu.memory_space<hbm>>
    tpu.enqueue_dma source(%arg11 : memref<16x1024xf32, #tpu.memory_space<vmem>>) target(%dma_start3A_520 : memref<16x1024xf32, #tpu.memory_space<hbm>>) target_semaphore(%arg21 : memref<!tpu.dma_semaphore, #tpu.memory_space<semaphore_mem>>)
    %dma_wait3A_521 = arith.constant 1 : i32
    %dma_wait3A_522 = arith.constant 48 : i32
    %dma_wait3A_523 = tpu.memref_slice %arg6[%dma_wait3A_521, %dma_wait3A_522] : memref<4x128xi32, #tpu.memory_space<vmem>> -> memref<1x16xi32, #tpu.memory_space<vmem>>
    %dma_wait3A_524 = tpu.memref_squeeze %dma_wait3A_523 : memref<1x16xi32, #tpu.memory_space<vmem>> -> memref<16xi32, #tpu.memory_space<vmem>>
    %dma_wait3A_525 = arith.constant 0 : i32
    %dma_wait3A_526 = arith.constant 0 : i32
    %dma_wait3A_527 = tpu.memref_slice %arg3[%dma_wait3A_525, %dma_wait3A_526] : memref<100000x1024xf32, #tpu.memory_space<hbm>> -> memref<100000x1024xf32, #tpu.memory_space<hbm>>
    tpu.wait_indirect_dma semaphore(%arg17 : memref<!tpu.dma_semaphore, #tpu.memory_space<semaphore_mem>>) src(%dma_wait3A_527 : memref<100000x1024xf32, #tpu.memory_space<hbm>>) dst(%arg12 : memref<16x1024xf32, #tpu.memory_space<vmem>>)
    %delay3A_528 = arith.constant 32 : i32
    tpu.delay %delay3A_528
    %parallel_loop3A_529 = arith.constant 0 : i32
    %parallel_loop3A_530 = arith.constant 1024 : i32
    %parallel_loop3A_531 = arith.constant 1 : i32
    scf.for %parallel_loop3A_1199 = %parallel_loop3A_529 to %parallel_loop3A_530 step %parallel_loop3A_531  : i32 {
      %parallel_loop3A_1200 = arith.constant 6 : i32
      %parallel_loop3A_1201 = arith.shrsi %parallel_loop3A_1199, %parallel_loop3A_1200 : i32
      %parallel_loop3A_1202 = arith.constant 63 : i32
      %parallel_loop3A_1203 = arith.andi %parallel_loop3A_1199, %parallel_loop3A_1202 : i32
      %parallel_loop3A_1204 = arith.constant 4 : i32
      %parallel_loop3A_1205 = arith.shli %parallel_loop3A_1203, %parallel_loop3A_1204 : i32
      %parallel_loop3A_1206 = tpu.assume_multiple %parallel_loop3A_1205, 16 : i32
      %parallel_loop3A_1207 = arith.index_cast %parallel_loop3A_1201 : i32 to index
      %parallel_loop3A_1208 = arith.index_cast %parallel_loop3A_1206 : i32 to index
      %parallel_loop3A_1209 = tpu.vector_load %arg8[%parallel_loop3A_1207, %parallel_loop3A_1208] {strides = array<i32>} : memref<16x1024xf32, #tpu.memory_space<vmem>>, vector<1x16xf32>,
      %parallel_loop3A_1210 = vector.shape_cast %parallel_loop3A_1209 : vector<1x16xf32> to vector<16xf32>
      %parallel_loop3A_1211 = arith.index_cast %parallel_loop3A_1201 : i32 to index
      %parallel_loop3A_1212 = arith.index_cast %parallel_loop3A_1206 : i32 to index
      %parallel_loop3A_1213 = tpu.vector_load %arg12[%parallel_loop3A_1211, %parallel_loop3A_1212] {strides = array<i32>} : memref<16x1024xf32, #tpu.memory_space<vmem>>, vector<1x16xf32>,
      %parallel_loop3A_1214 = vector.shape_cast %parallel_loop3A_1213 : vector<1x16xf32> to vector<16xf32>
      %parallel_loop3A_1215 = vector.shape_cast %parallel_loop3A_1210 : vector<16xf32> to vector<1x16xf32>
      tpu.vector_store %arg12[%parallel_loop3A_1211, %parallel_loop3A_1212], %parallel_loop3A_1215 {add = true, strides = array<i32>} : memref<16x1024xf32, #tpu.memory_space<vmem>>, vector<1x16xf32>,
    } {sc.loop_unroll_factor = 4 : i64, sc.parallel_access}
    %delay3A_532 = arith.constant 32 : i32
    tpu.delay %delay3A_532
    %dma_wait3A_533 = arith.constant 0 : i32
    %dma_wait3A_534 = arith.constant 0 : i32
    %dma_wait3A_535 = tpu.memref_slice %arg5[%dma_wait3A_533, %add3A_513, %dma_wait3A_534] : memref<4x4096x1024xf32, #tpu.memory_space<hbm>> -> memref<1x16x1024xf32, #tpu.memory_space<hbm>>
    %dma_wait3A_536 = tpu.memref_squeeze %dma_wait3A_535 : memref<1x16x1024xf32, #tpu.memory_space<hbm>> -> memref<16x1024xf32, #tpu.memory_space<hbm>>
    %dma_wait3A_537 = arith.constant 0 : i32
    %dma_wait3A_538 = tpu.memref_slice %arg5[%dma_wait3A_533, %add3A_513, %dma_wait3A_537] : memref<4x4096x1024xf32, #tpu.memory_space<hbm>> -> memref<1x16x1024xf32, #tpu.memory_space<hbm>>
    %dma_wait3A_539 = tpu.memref_squeeze %dma_wait3A_538 : memref<1x16x1024xf32, #tpu.memory_space<hbm>> -> memref<16x1024xf32, #tpu.memory_space<hbm>>
    tpu.wait_dma2 semaphore(%arg21 : memref<!tpu.dma_semaphore, #tpu.memory_space<semaphore_mem>>) src(%arg11 : memref<16x1024xf32, #tpu.memory_space<vmem>>) dst(%dma_wait3A_539 : memref<16x1024xf32, #tpu.memory_space<hbm>>)
    %dma_start3A_540 = arith.constant 1 : i32
    %dma_start3A_541 = arith.constant 64 : i32
    %dma_start3A_542 = tpu.memref_slice %arg6[%dma_start3A_540, %dma_start3A_541] : memref<4x128xi32, #tpu.memory_space<vmem>> -> memref<1x16xi32, #tpu.memory_space<vmem>>
    %dma_start3A_543 = tpu.memref_squeeze %dma_start3A_542 : memref<1x16xi32, #tpu.memory_space<vmem>> -> memref<16xi32, #tpu.memory_space<vmem>>
    %dma_start3A_544 = arith.constant 0 : i32
    %dma_start3A_545 = arith.constant 0 : i32
    %dma_start3A_546 = tpu.memref_slice %arg3[%dma_start3A_544, %dma_start3A_545] : memref<100000x1024xf32, #tpu.memory_space<hbm>> -> memref<100000x1024xf32, #tpu.memory_space<hbm>>
    tpu.enqueue_indirect_dma source(%dma_start3A_546 : memref<100000x1024xf32, #tpu.memory_space<hbm>>) target(%arg11 : memref<16x1024xf32, #tpu.memory_space<vmem>>) offsets(%dma_start3A_543 : memref<16xi32, #tpu.memory_space<vmem>>) semaphore(%arg16 : memref<!tpu.dma_semaphore, #tpu.memory_space<semaphore_mem>>)
    %add3A_547 = arith.constant 48 : i32
    %add3A_548 = arith.addi %mul3A_2, %add3A_547 : i32
    %dma_start3A_549 = arith.constant 1 : i32
    %dma_start3A_550 = arith.constant 0 : i32
    %dma_start3A_551 = tpu.memref_slice %arg5[%dma_start3A_549, %add3A_548, %dma_start3A_550] : memref<4x4096x1024xf32, #tpu.memory_space<hbm>> -> memref<1x16x1024xf32, #tpu.memory_space<hbm>>
    %dma_start3A_552 = tpu.memref_squeeze %dma_start3A_551 : memref<1x16x1024xf32, #tpu.memory_space<hbm>> -> memref<16x1024xf32, #tpu.memory_space<hbm>>
    %dma_start3A_553 = arith.constant 0 : i32
    %dma_start3A_554 = tpu.memref_slice %arg5[%dma_start3A_549, %add3A_548, %dma_start3A_553] : memref<4x4096x1024xf32, #tpu.memory_space<hbm>> -> memref<1x16x1024xf32, #tpu.memory_space<hbm>>
    %dma_start3A_555 = tpu.memref_squeeze %dma_start3A_554 : memref<1x16x1024xf32, #tpu.memory_space<hbm>> -> memref<16x1024xf32, #tpu.memory_space<hbm>>
    tpu.enqueue_dma source(%arg12 : memref<16x1024xf32, #tpu.memory_space<vmem>>) target(%dma_start3A_555 : memref<16x1024xf32, #tpu.memory_space<hbm>>) target_semaphore(%arg22 : memref<!tpu.dma_semaphore, #tpu.memory_space<semaphore_mem>>)
    %dma_wait3A_556 = arith.constant 2 : i32
    %dma_wait3A_557 = arith.constant 48 : i32
    %dma_wait3A_558 = tpu.memref_slice %arg6[%dma_wait3A_556, %dma_wait3A_557] : memref<4x128xi32, #tpu.memory_space<vmem>> -> memref<1x16xi32, #tpu.memory_space<vmem>>
    %dma_wait3A_559 = tpu.memref_squeeze %dma_wait3A_558 : memref<1x16xi32, #tpu.memory_space<vmem>> -> memref<16xi32, #tpu.memory_space<vmem>>
    %dma_wait3A_560 = arith.constant 0 : i32
    %dma_wait3A_561 = arith.constant 0 : i32
    %dma_wait3A_562 = tpu.memref_slice %arg3[%dma_wait3A_560, %dma_wait3A_561] : memref<100000x1024xf32, #tpu.memory_space<hbm>> -> memref<100000x1024xf32, #tpu.memory_space<hbm>>
    tpu.wait_indirect_dma semaphore(%arg18 : memref<!tpu.dma_semaphore, #tpu.memory_space<semaphore_mem>>) src(%dma_wait3A_562 : memref<100000x1024xf32, #tpu.memory_space<hbm>>) dst(%arg13 : memref<16x1024xf32, #tpu.memory_space<vmem>>)
    %delay3A_563 = arith.constant 32 : i32
    tpu.delay %delay3A_563
    %parallel_loop3A_564 = arith.constant 0 : i32
    %parallel_loop3A_565 = arith.constant 1024 : i32
    %parallel_loop3A_566 = arith.constant 1 : i32
    scf.for %parallel_loop3A_1199 = %parallel_loop3A_564 to %parallel_loop3A_565 step %parallel_loop3A_566  : i32 {
      %parallel_loop3A_1200 = arith.constant 6 : i32
      %parallel_loop3A_1201 = arith.shrsi %parallel_loop3A_1199, %parallel_loop3A_1200 : i32
      %parallel_loop3A_1202 = arith.constant 63 : i32
      %parallel_loop3A_1203 = arith.andi %parallel_loop3A_1199, %parallel_loop3A_1202 : i32
      %parallel_loop3A_1204 = arith.constant 4 : i32
      %parallel_loop3A_1205 = arith.shli %parallel_loop3A_1203, %parallel_loop3A_1204 : i32
      %parallel_loop3A_1206 = tpu.assume_multiple %parallel_loop3A_1205, 16 : i32
      %parallel_loop3A_1207 = arith.index_cast %parallel_loop3A_1201 : i32 to index
      %parallel_loop3A_1208 = arith.index_cast %parallel_loop3A_1206 : i32 to index
      %parallel_loop3A_1209 = tpu.vector_load %arg8[%parallel_loop3A_1207, %parallel_loop3A_1208] {strides = array<i32>} : memref<16x1024xf32, #tpu.memory_space<vmem>>, vector<1x16xf32>,
      %parallel_loop3A_1210 = vector.shape_cast %parallel_loop3A_1209 : vector<1x16xf32> to vector<16xf32>
      %parallel_loop3A_1211 = arith.index_cast %parallel_loop3A_1201 : i32 to index
      %parallel_loop3A_1212 = arith.index_cast %parallel_loop3A_1206 : i32 to index
      %parallel_loop3A_1213 = tpu.vector_load %arg13[%parallel_loop3A_1211, %parallel_loop3A_1212] {strides = array<i32>} : memref<16x1024xf32, #tpu.memory_space<vmem>>, vector<1x16xf32>,
      %parallel_loop3A_1214 = vector.shape_cast %parallel_loop3A_1213 : vector<1x16xf32> to vector<16xf32>
      %parallel_loop3A_1215 = vector.shape_cast %parallel_loop3A_1210 : vector<16xf32> to vector<1x16xf32>
      tpu.vector_store %arg13[%parallel_loop3A_1211, %parallel_loop3A_1212], %parallel_loop3A_1215 {add = true, strides = array<i32>} : memref<16x1024xf32, #tpu.memory_space<vmem>>, vector<1x16xf32>,
    } {sc.loop_unroll_factor = 4 : i64, sc.parallel_access}
    %delay3A_567 = arith.constant 32 : i32
    tpu.delay %delay3A_567
    %dma_wait3A_568 = arith.constant 1 : i32
    %dma_wait3A_569 = arith.constant 0 : i32
    %dma_wait3A_570 = tpu.memref_slice %arg5[%dma_wait3A_568, %add3A_548, %dma_wait3A_569] : memref<4x4096x1024xf32, #tpu.memory_space<hbm>> -> memref<1x16x1024xf32, #tpu.memory_space<hbm>>
    %dma_wait3A_571 = tpu.memref_squeeze %dma_wait3A_570 : memref<1x16x1024xf32, #tpu.memory_space<hbm>> -> memref<16x1024xf32, #tpu.memory_space<hbm>>
    %dma_wait3A_572 = arith.constant 0 : i32
    %dma_wait3A_573 = tpu.memref_slice %arg5[%dma_wait3A_568, %add3A_548, %dma_wait3A_572] : memref<4x4096x1024xf32, #tpu.memory_space<hbm>> -> memref<1x16x1024xf32, #tpu.memory_space<hbm>>
    %dma_wait3A_574 = tpu.memref_squeeze %dma_wait3A_573 : memref<1x16x1024xf32, #tpu.memory_space<hbm>> -> memref<16x1024xf32, #tpu.memory_space<hbm>>
    tpu.wait_dma2 semaphore(%arg22 : memref<!tpu.dma_semaphore, #tpu.memory_space<semaphore_mem>>) src(%arg12 : memref<16x1024xf32, #tpu.memory_space<vmem>>) dst(%dma_wait3A_574 : memref<16x1024xf32, #tpu.memory_space<hbm>>)
    %dma_start3A_575 = arith.constant 2 : i32
    %dma_start3A_576 = arith.constant 64 : i32
    %dma_start3A_577 = tpu.memref_slice %arg6[%dma_start3A_575, %dma_start3A_576] : memref<4x128xi32, #tpu.memory_space<vmem>> -> memref<1x16xi32, #tpu.memory_space<vmem>>
    %dma_start3A_578 = tpu.memref_squeeze %dma_start3A_577 : memref<1x16xi32, #tpu.memory_space<vmem>> -> memref<16xi32, #tpu.memory_space<vmem>>
    %dma_start3A_579 = arith.constant 0 : i32
    %dma_start3A_580 = arith.constant 0 : i32
    %dma_start3A_581 = tpu.memref_slice %arg3[%dma_start3A_579, %dma_start3A_580] : memref<100000x1024xf32, #tpu.memory_space<hbm>> -> memref<100000x1024xf32, #tpu.memory_space<hbm>>
    tpu.enqueue_indirect_dma source(%dma_start3A_581 : memref<100000x1024xf32, #tpu.memory_space<hbm>>) target(%arg12 : memref<16x1024xf32, #tpu.memory_space<vmem>>) offsets(%dma_start3A_578 : memref<16xi32, #tpu.memory_space<vmem>>) semaphore(%arg17 : memref<!tpu.dma_semaphore, #tpu.memory_space<semaphore_mem>>)
    %add3A_582 = arith.constant 48 : i32
    %add3A_583 = arith.addi %mul3A_2, %add3A_582 : i32
    %dma_start3A_584 = arith.constant 2 : i32
    %dma_start3A_585 = arith.constant 0 : i32
    %dma_start3A_586 = tpu.memref_slice %arg5[%dma_start3A_584, %add3A_583, %dma_start3A_585] : memref<4x4096x1024xf32, #tpu.memory_space<hbm>> -> memref<1x16x1024xf32, #tpu.memory_space<hbm>>
    %dma_start3A_587 = tpu.memref_squeeze %dma_start3A_586 : memref<1x16x1024xf32, #tpu.memory_space<hbm>> -> memref<16x1024xf32, #tpu.memory_space<hbm>>
    %dma_start3A_588 = arith.constant 0 : i32
    %dma_start3A_589 = tpu.memref_slice %arg5[%dma_start3A_584, %add3A_583, %dma_start3A_588] : memref<4x4096x1024xf32, #tpu.memory_space<hbm>> -> memref<1x16x1024xf32, #tpu.memory_space<hbm>>
    %dma_start3A_590 = tpu.memref_squeeze %dma_start3A_589 : memref<1x16x1024xf32, #tpu.memory_space<hbm>> -> memref<16x1024xf32, #tpu.memory_space<hbm>>
    tpu.enqueue_dma source(%arg13 : memref<16x1024xf32, #tpu.memory_space<vmem>>) target(%dma_start3A_590 : memref<16x1024xf32, #tpu.memory_space<hbm>>) target_semaphore(%arg23 : memref<!tpu.dma_semaphore, #tpu.memory_space<semaphore_mem>>)
    %dma_wait3A_591 = arith.constant 3 : i32
    %dma_wait3A_592 = arith.constant 48 : i32
    %dma_wait3A_593 = tpu.memref_slice %arg6[%dma_wait3A_591, %dma_wait3A_592] : memref<4x128xi32, #tpu.memory_space<vmem>> -> memref<1x16xi32, #tpu.memory_space<vmem>>
    %dma_wait3A_594 = tpu.memref_squeeze %dma_wait3A_593 : memref<1x16xi32, #tpu.memory_space<vmem>> -> memref<16xi32, #tpu.memory_space<vmem>>
    %dma_wait3A_595 = arith.constant 0 : i32
    %dma_wait3A_596 = arith.constant 0 : i32
    %dma_wait3A_597 = tpu.memref_slice %arg3[%dma_wait3A_595, %dma_wait3A_596] : memref<100000x1024xf32, #tpu.memory_space<hbm>> -> memref<100000x1024xf32, #tpu.memory_space<hbm>>
    tpu.wait_indirect_dma semaphore(%arg14 : memref<!tpu.dma_semaphore, #tpu.memory_space<semaphore_mem>>) src(%dma_wait3A_597 : memref<100000x1024xf32, #tpu.memory_space<hbm>>) dst(%arg9 : memref<16x1024xf32, #tpu.memory_space<vmem>>)
    %delay3A_598 = arith.constant 32 : i32
    tpu.delay %delay3A_598
    %parallel_loop3A_599 = arith.constant 0 : i32
    %parallel_loop3A_600 = arith.constant 1024 : i32
    %parallel_loop3A_601 = arith.constant 1 : i32
    scf.for %parallel_loop3A_1199 = %parallel_loop3A_599 to %parallel_loop3A_600 step %parallel_loop3A_601  : i32 {
      %parallel_loop3A_1200 = arith.constant 6 : i32
      %parallel_loop3A_1201 = arith.shrsi %parallel_loop3A_1199, %parallel_loop3A_1200 : i32
      %parallel_loop3A_1202 = arith.constant 63 : i32
      %parallel_loop3A_1203 = arith.andi %parallel_loop3A_1199, %parallel_loop3A_1202 : i32
      %parallel_loop3A_1204 = arith.constant 4 : i32
      %parallel_loop3A_1205 = arith.shli %parallel_loop3A_1203, %parallel_loop3A_1204 : i32
      %parallel_loop3A_1206 = tpu.assume_multiple %parallel_loop3A_1205, 16 : i32
      %parallel_loop3A_1207 = arith.index_cast %parallel_loop3A_1201 : i32 to index
      %parallel_loop3A_1208 = arith.index_cast %parallel_loop3A_1206 : i32 to index
      %parallel_loop3A_1209 = tpu.vector_load %arg8[%parallel_loop3A_1207, %parallel_loop3A_1208] {strides = array<i32>} : memref<16x1024xf32, #tpu.memory_space<vmem>>, vector<1x16xf32>,
      %parallel_loop3A_1210 = vector.shape_cast %parallel_loop3A_1209 : vector<1x16xf32> to vector<16xf32>
      %parallel_loop3A_1211 = arith.index_cast %parallel_loop3A_1201 : i32 to index
      %parallel_loop3A_1212 = arith.index_cast %parallel_loop3A_1206 : i32 to index
      %parallel_loop3A_1213 = tpu.vector_load %arg9[%parallel_loop3A_1211, %parallel_loop3A_1212] {strides = array<i32>} : memref<16x1024xf32, #tpu.memory_space<vmem>>, vector<1x16xf32>,
      %parallel_loop3A_1214 = vector.shape_cast %parallel_loop3A_1213 : vector<1x16xf32> to vector<16xf32>
      %parallel_loop3A_1215 = vector.shape_cast %parallel_loop3A_1210 : vector<16xf32> to vector<1x16xf32>
      tpu.vector_store %arg9[%parallel_loop3A_1211, %parallel_loop3A_1212], %parallel_loop3A_1215 {add = true, strides = array<i32>} : memref<16x1024xf32, #tpu.memory_space<vmem>>, vector<1x16xf32>,
    } {sc.loop_unroll_factor = 4 : i64, sc.parallel_access}
    %delay3A_602 = arith.constant 32 : i32
    tpu.delay %delay3A_602
    %dma_wait3A_603 = arith.constant 2 : i32
    %dma_wait3A_604 = arith.constant 0 : i32
    %dma_wait3A_605 = tpu.memref_slice %arg5[%dma_wait3A_603, %add3A_583, %dma_wait3A_604] : memref<4x4096x1024xf32, #tpu.memory_space<hbm>> -> memref<1x16x1024xf32, #tpu.memory_space<hbm>>
    %dma_wait3A_606 = tpu.memref_squeeze %dma_wait3A_605 : memref<1x16x1024xf32, #tpu.memory_space<hbm>> -> memref<16x1024xf32, #tpu.memory_space<hbm>>
    %dma_wait3A_607 = arith.constant 0 : i32
    %dma_wait3A_608 = tpu.memref_slice %arg5[%dma_wait3A_603, %add3A_583, %dma_wait3A_607] : memref<4x4096x1024xf32, #tpu.memory_space<hbm>> -> memref<1x16x1024xf32, #tpu.memory_space<hbm>>
    %dma_wait3A_609 = tpu.memref_squeeze %dma_wait3A_608 : memref<1x16x1024xf32, #tpu.memory_space<hbm>> -> memref<16x1024xf32, #tpu.memory_space<hbm>>
    tpu.wait_dma2 semaphore(%arg23 : memref<!tpu.dma_semaphore, #tpu.memory_space<semaphore_mem>>) src(%arg13 : memref<16x1024xf32, #tpu.memory_space<vmem>>) dst(%dma_wait3A_609 : memref<16x1024xf32, #tpu.memory_space<hbm>>)
    %dma_start3A_610 = arith.constant 3 : i32
    %dma_start3A_611 = arith.constant 64 : i32
    %dma_start3A_612 = tpu.memref_slice %arg6[%dma_start3A_610, %dma_start3A_611] : memref<4x128xi32, #tpu.memory_space<vmem>> -> memref<1x16xi32, #tpu.memory_space<vmem>>
    %dma_start3A_613 = tpu.memref_squeeze %dma_start3A_612 : memref<1x16xi32, #tpu.memory_space<vmem>> -> memref<16xi32, #tpu.memory_space<vmem>>
    %dma_start3A_614 = arith.constant 0 : i32
    %dma_start3A_615 = arith.constant 0 : i32
    %dma_start3A_616 = tpu.memref_slice %arg3[%dma_start3A_614, %dma_start3A_615] : memref<100000x1024xf32, #tpu.memory_space<hbm>> -> memref<100000x1024xf32, #tpu.memory_space<hbm>>
    tpu.enqueue_indirect_dma source(%dma_start3A_616 : memref<100000x1024xf32, #tpu.memory_space<hbm>>) target(%arg13 : memref<16x1024xf32, #tpu.memory_space<vmem>>) offsets(%dma_start3A_613 : memref<16xi32, #tpu.memory_space<vmem>>) semaphore(%arg18 : memref<!tpu.dma_semaphore, #tpu.memory_space<semaphore_mem>>)
    %add3A_617 = arith.constant 48 : i32
    %add3A_618 = arith.addi %mul3A_2, %add3A_617 : i32
    %dma_start3A_619 = arith.constant 3 : i32
    %dma_start3A_620 = arith.constant 0 : i32
    %dma_start3A_621 = tpu.memref_slice %arg5[%dma_start3A_619, %add3A_618, %dma_start3A_620] : memref<4x4096x1024xf32, #tpu.memory_space<hbm>> -> memref<1x16x1024xf32, #tpu.memory_space<hbm>>
    %dma_start3A_622 = tpu.memref_squeeze %dma_start3A_621 : memref<1x16x1024xf32, #tpu.memory_space<hbm>> -> memref<16x1024xf32, #tpu.memory_space<hbm>>
    %dma_start3A_623 = arith.constant 0 : i32
    %dma_start3A_624 = tpu.memref_slice %arg5[%dma_start3A_619, %add3A_618, %dma_start3A_623] : memref<4x4096x1024xf32, #tpu.memory_space<hbm>> -> memref<1x16x1024xf32, #tpu.memory_space<hbm>>
    %dma_start3A_625 = tpu.memref_squeeze %dma_start3A_624 : memref<1x16x1024xf32, #tpu.memory_space<hbm>> -> memref<16x1024xf32, #tpu.memory_space<hbm>>
    tpu.enqueue_dma source(%arg9 : memref<16x1024xf32, #tpu.memory_space<vmem>>) target(%dma_start3A_625 : memref<16x1024xf32, #tpu.memory_space<hbm>>) target_semaphore(%arg19 : memref<!tpu.dma_semaphore, #tpu.memory_space<semaphore_mem>>)
    %dma_wait3A_626 = arith.constant 0 : i32
    %dma_wait3A_627 = tpu.memref_slice %arg4[%add3A_493, %dma_wait3A_626] : memref<4096x1024xf32, #tpu.memory_space<hbm>> -> memref<16x1024xf32, #tpu.memory_space<hbm>>
    %dma_wait3A_628 = arith.constant 0 : i32
    %dma_wait3A_629 = tpu.memref_slice %arg4[%add3A_493, %dma_wait3A_628] : memref<4096x1024xf32, #tpu.memory_space<hbm>> -> memref<16x1024xf32, #tpu.memory_space<hbm>>
    tpu.wait_dma2 semaphore(%arg24 : memref<!tpu.dma_semaphore, #tpu.memory_space<semaphore_mem>>) src(%dma_wait3A_629 : memref<16x1024xf32, #tpu.memory_space<hbm>>) dst(%arg7 : memref<16x1024xf32, #tpu.memory_space<vmem>>)
    %dma_wait3A_630 = arith.constant 0 : i32
    %dma_wait3A_631 = arith.constant 64 : i32
    %dma_wait3A_632 = tpu.memref_slice %arg6[%dma_wait3A_630, %dma_wait3A_631] : memref<4x128xi32, #tpu.memory_space<vmem>> -> memref<1x16xi32, #tpu.memory_space<vmem>>
    %dma_wait3A_633 = tpu.memref_squeeze %dma_wait3A_632 : memref<1x16xi32, #tpu.memory_space<vmem>> -> memref<16xi32, #tpu.memory_space<vmem>>
    %dma_wait3A_634 = arith.constant 0 : i32
    %dma_wait3A_635 = arith.constant 0 : i32
    %dma_wait3A_636 = tpu.memref_slice %arg3[%dma_wait3A_634, %dma_wait3A_635] : memref<100000x1024xf32, #tpu.memory_space<hbm>> -> memref<100000x1024xf32, #tpu.memory_space<hbm>>
    tpu.wait_indirect_dma semaphore(%arg15 : memref<!tpu.dma_semaphore, #tpu.memory_space<semaphore_mem>>) src(%dma_wait3A_636 : memref<100000x1024xf32, #tpu.memory_space<hbm>>) dst(%arg10 : memref<16x1024xf32, #tpu.memory_space<vmem>>)
    %delay3A_637 = arith.constant 32 : i32
    tpu.delay %delay3A_637
    %parallel_loop3A_638 = arith.constant 0 : i32
    %parallel_loop3A_639 = arith.constant 1024 : i32
    %parallel_loop3A_640 = arith.constant 1 : i32
    scf.for %parallel_loop3A_1199 = %parallel_loop3A_638 to %parallel_loop3A_639 step %parallel_loop3A_640  : i32 {
      %parallel_loop3A_1200 = arith.constant 6 : i32
      %parallel_loop3A_1201 = arith.shrsi %parallel_loop3A_1199, %parallel_loop3A_1200 : i32
      %parallel_loop3A_1202 = arith.constant 63 : i32
      %parallel_loop3A_1203 = arith.andi %parallel_loop3A_1199, %parallel_loop3A_1202 : i32
      %parallel_loop3A_1204 = arith.constant 4 : i32
      %parallel_loop3A_1205 = arith.shli %parallel_loop3A_1203, %parallel_loop3A_1204 : i32
      %parallel_loop3A_1206 = tpu.assume_multiple %parallel_loop3A_1205, 16 : i32
      %parallel_loop3A_1207 = arith.index_cast %parallel_loop3A_1201 : i32 to index
      %parallel_loop3A_1208 = arith.index_cast %parallel_loop3A_1206 : i32 to index
      %parallel_loop3A_1209 = tpu.vector_load %arg7[%parallel_loop3A_1207, %parallel_loop3A_1208] {strides = array<i32>} : memref<16x1024xf32, #tpu.memory_space<vmem>>, vector<1x16xf32>,
      %parallel_loop3A_1210 = vector.shape_cast %parallel_loop3A_1209 : vector<1x16xf32> to vector<16xf32>
      %parallel_loop3A_1211 = arith.index_cast %parallel_loop3A_1201 : i32 to index
      %parallel_loop3A_1212 = arith.index_cast %parallel_loop3A_1206 : i32 to index
      %parallel_loop3A_1213 = tpu.vector_load %arg10[%parallel_loop3A_1211, %parallel_loop3A_1212] {strides = array<i32>} : memref<16x1024xf32, #tpu.memory_space<vmem>>, vector<1x16xf32>,
      %parallel_loop3A_1214 = vector.shape_cast %parallel_loop3A_1213 : vector<1x16xf32> to vector<16xf32>
      %parallel_loop3A_1215 = vector.shape_cast %parallel_loop3A_1210 : vector<16xf32> to vector<1x16xf32>
      tpu.vector_store %arg10[%parallel_loop3A_1211, %parallel_loop3A_1212], %parallel_loop3A_1215 {add = true, strides = array<i32>} : memref<16x1024xf32, #tpu.memory_space<vmem>>, vector<1x16xf32>,
    } {sc.loop_unroll_factor = 4 : i64, sc.parallel_access}
    %delay3A_641 = arith.constant 32 : i32
    tpu.delay %delay3A_641
    %add3A_642 = arith.constant 80 : i32
    %add3A_643 = arith.addi %mul3A_2, %add3A_642 : i32
    %dma_start3A_644 = arith.constant 0 : i32
    %dma_start3A_645 = tpu.memref_slice %arg4[%add3A_643, %dma_start3A_644] : memref<4096x1024xf32, #tpu.memory_space<hbm>> -> memref<16x1024xf32, #tpu.memory_space<hbm>>
    %dma_start3A_646 = arith.constant 0 : i32
    %dma_start3A_647 = tpu.memref_slice %arg4[%add3A_643, %dma_start3A_646] : memref<4096x1024xf32, #tpu.memory_space<hbm>> -> memref<16x1024xf32, #tpu.memory_space<hbm>>
    tpu.enqueue_dma source(%dma_start3A_647 : memref<16x1024xf32, #tpu.memory_space<hbm>>) target(%arg8 : memref<16x1024xf32, #tpu.memory_space<vmem>>) target_semaphore(%arg25 : memref<!tpu.dma_semaphore, #tpu.memory_space<semaphore_mem>>)
    %dma_wait3A_648 = arith.constant 3 : i32
    %dma_wait3A_649 = arith.constant 0 : i32
    %dma_wait3A_650 = tpu.memref_slice %arg5[%dma_wait3A_648, %add3A_618, %dma_wait3A_649] : memref<4x4096x1024xf32, #tpu.memory_space<hbm>> -> memref<1x16x1024xf32, #tpu.memory_space<hbm>>
    %dma_wait3A_651 = tpu.memref_squeeze %dma_wait3A_650 : memref<1x16x1024xf32, #tpu.memory_space<hbm>> -> memref<16x1024xf32, #tpu.memory_space<hbm>>
    %dma_wait3A_652 = arith.constant 0 : i32
    %dma_wait3A_653 = tpu.memref_slice %arg5[%dma_wait3A_648, %add3A_618, %dma_wait3A_652] : memref<4x4096x1024xf32, #tpu.memory_space<hbm>> -> memref<1x16x1024xf32, #tpu.memory_space<hbm>>
    %dma_wait3A_654 = tpu.memref_squeeze %dma_wait3A_653 : memref<1x16x1024xf32, #tpu.memory_space<hbm>> -> memref<16x1024xf32, #tpu.memory_space<hbm>>
    tpu.wait_dma2 semaphore(%arg19 : memref<!tpu.dma_semaphore, #tpu.memory_space<semaphore_mem>>) src(%arg9 : memref<16x1024xf32, #tpu.memory_space<vmem>>) dst(%dma_wait3A_654 : memref<16x1024xf32, #tpu.memory_space<hbm>>)
    %dma_start3A_655 = arith.constant 0 : i32
    %dma_start3A_656 = arith.constant 80 : i32
    %dma_start3A_657 = tpu.memref_slice %arg6[%dma_start3A_655, %dma_start3A_656] : memref<4x128xi32, #tpu.memory_space<vmem>> -> memref<1x16xi32, #tpu.memory_space<vmem>>
    %dma_start3A_658 = tpu.memref_squeeze %dma_start3A_657 : memref<1x16xi32, #tpu.memory_space<vmem>> -> memref<16xi32, #tpu.memory_space<vmem>>
    %dma_start3A_659 = arith.constant 0 : i32
    %dma_start3A_660 = arith.constant 0 : i32
    %dma_start3A_661 = tpu.memref_slice %arg3[%dma_start3A_659, %dma_start3A_660] : memref<100000x1024xf32, #tpu.memory_space<hbm>> -> memref<100000x1024xf32, #tpu.memory_space<hbm>>
    tpu.enqueue_indirect_dma source(%dma_start3A_661 : memref<100000x1024xf32, #tpu.memory_space<hbm>>) target(%arg9 : memref<16x1024xf32, #tpu.memory_space<vmem>>) offsets(%dma_start3A_658 : memref<16xi32, #tpu.memory_space<vmem>>) semaphore(%arg14 : memref<!tpu.dma_semaphore, #tpu.memory_space<semaphore_mem>>)
    %add3A_662 = arith.constant 64 : i32
    %add3A_663 = arith.addi %mul3A_2, %add3A_662 : i32
    %dma_start3A_664 = arith.constant 0 : i32
    %dma_start3A_665 = arith.constant 0 : i32
    %dma_start3A_666 = tpu.memref_slice %arg5[%dma_start3A_664, %add3A_663, %dma_start3A_665] : memref<4x4096x1024xf32, #tpu.memory_space<hbm>> -> memref<1x16x1024xf32, #tpu.memory_space<hbm>>
    %dma_start3A_667 = tpu.memref_squeeze %dma_start3A_666 : memref<1x16x1024xf32, #tpu.memory_space<hbm>> -> memref<16x1024xf32, #tpu.memory_space<hbm>>
    %dma_start3A_668 = arith.constant 0 : i32
    %dma_start3A_669 = tpu.memref_slice %arg5[%dma_start3A_664, %add3A_663, %dma_start3A_668] : memref<4x4096x1024xf32, #tpu.memory_space<hbm>> -> memref<1x16x1024xf32, #tpu.memory_space<hbm>>
    %dma_start3A_670 = tpu.memref_squeeze %dma_start3A_669 : memref<1x16x1024xf32, #tpu.memory_space<hbm>> -> memref<16x1024xf32, #tpu.memory_space<hbm>>
    tpu.enqueue_dma source(%arg10 : memref<16x1024xf32, #tpu.memory_space<vmem>>) target(%dma_start3A_670 : memref<16x1024xf32, #tpu.memory_space<hbm>>) target_semaphore(%arg20 : memref<!tpu.dma_semaphore, #tpu.memory_space<semaphore_mem>>)
    %dma_wait3A_671 = arith.constant 1 : i32
    %dma_wait3A_672 = arith.constant 64 : i32
    %dma_wait3A_673 = tpu.memref_slice %arg6[%dma_wait3A_671, %dma_wait3A_672] : memref<4x128xi32, #tpu.memory_space<vmem>> -> memref<1x16xi32, #tpu.memory_space<vmem>>
    %dma_wait3A_674 = tpu.memref_squeeze %dma_wait3A_673 : memref<1x16xi32, #tpu.memory_space<vmem>> -> memref<16xi32, #tpu.memory_space<vmem>>
    %dma_wait3A_675 = arith.constant 0 : i32
    %dma_wait3A_676 = arith.constant 0 : i32
    %dma_wait3A_677 = tpu.memref_slice %arg3[%dma_wait3A_675, %dma_wait3A_676] : memref<100000x1024xf32, #tpu.memory_space<hbm>> -> memref<100000x1024xf32, #tpu.memory_space<hbm>>
    tpu.wait_indirect_dma semaphore(%arg16 : memref<!tpu.dma_semaphore, #tpu.memory_space<semaphore_mem>>) src(%dma_wait3A_677 : memref<100000x1024xf32, #tpu.memory_space<hbm>>) dst(%arg11 : memref<16x1024xf32, #tpu.memory_space<vmem>>)
    %delay3A_678 = arith.constant 32 : i32
    tpu.delay %delay3A_678
    %parallel_loop3A_679 = arith.constant 0 : i32
    %parallel_loop3A_680 = arith.constant 1024 : i32
    %parallel_loop3A_681 = arith.constant 1 : i32
    scf.for %parallel_loop3A_1199 = %parallel_loop3A_679 to %parallel_loop3A_680 step %parallel_loop3A_681  : i32 {
      %parallel_loop3A_1200 = arith.constant 6 : i32
      %parallel_loop3A_1201 = arith.shrsi %parallel_loop3A_1199, %parallel_loop3A_1200 : i32
      %parallel_loop3A_1202 = arith.constant 63 : i32
      %parallel_loop3A_1203 = arith.andi %parallel_loop3A_1199, %parallel_loop3A_1202 : i32
      %parallel_loop3A_1204 = arith.constant 4 : i32
      %parallel_loop3A_1205 = arith.shli %parallel_loop3A_1203, %parallel_loop3A_1204 : i32
      %parallel_loop3A_1206 = tpu.assume_multiple %parallel_loop3A_1205, 16 : i32
      %parallel_loop3A_1207 = arith.index_cast %parallel_loop3A_1201 : i32 to index
      %parallel_loop3A_1208 = arith.index_cast %parallel_loop3A_1206 : i32 to index
      %parallel_loop3A_1209 = tpu.vector_load %arg7[%parallel_loop3A_1207, %parallel_loop3A_1208] {strides = array<i32>} : memref<16x1024xf32, #tpu.memory_space<vmem>>, vector<1x16xf32>,
      %parallel_loop3A_1210 = vector.shape_cast %parallel_loop3A_1209 : vector<1x16xf32> to vector<16xf32>
      %parallel_loop3A_1211 = arith.index_cast %parallel_loop3A_1201 : i32 to index
      %parallel_loop3A_1212 = arith.index_cast %parallel_loop3A_1206 : i32 to index
      %parallel_loop3A_1213 = tpu.vector_load %arg11[%parallel_loop3A_1211, %parallel_loop3A_1212] {strides = array<i32>} : memref<16x1024xf32, #tpu.memory_space<vmem>>, vector<1x16xf32>,
      %parallel_loop3A_1214 = vector.shape_cast %parallel_loop3A_1213 : vector<1x16xf32> to vector<16xf32>
      %parallel_loop3A_1215 = vector.shape_cast %parallel_loop3A_1210 : vector<16xf32> to vector<1x16xf32>
      tpu.vector_store %arg11[%parallel_loop3A_1211, %parallel_loop3A_1212], %parallel_loop3A_1215 {add = true, strides = array<i32>} : memref<16x1024xf32, #tpu.memory_space<vmem>>, vector<1x16xf32>,
    } {sc.loop_unroll_factor = 4 : i64, sc.parallel_access}
    %delay3A_682 = arith.constant 32 : i32
    tpu.delay %delay3A_682
    %dma_wait3A_683 = arith.constant 0 : i32
    %dma_wait3A_684 = arith.constant 0 : i32
    %dma_wait3A_685 = tpu.memref_slice %arg5[%dma_wait3A_683, %add3A_663, %dma_wait3A_684] : memref<4x4096x1024xf32, #tpu.memory_space<hbm>> -> memref<1x16x1024xf32, #tpu.memory_space<hbm>>
    %dma_wait3A_686 = tpu.memref_squeeze %dma_wait3A_685 : memref<1x16x1024xf32, #tpu.memory_space<hbm>> -> memref<16x1024xf32, #tpu.memory_space<hbm>>
    %dma_wait3A_687 = arith.constant 0 : i32
    %dma_wait3A_688 = tpu.memref_slice %arg5[%dma_wait3A_683, %add3A_663, %dma_wait3A_687] : memref<4x4096x1024xf32, #tpu.memory_space<hbm>> -> memref<1x16x1024xf32, #tpu.memory_space<hbm>>
    %dma_wait3A_689 = tpu.memref_squeeze %dma_wait3A_688 : memref<1x16x1024xf32, #tpu.memory_space<hbm>> -> memref<16x1024xf32, #tpu.memory_space<hbm>>
    tpu.wait_dma2 semaphore(%arg20 : memref<!tpu.dma_semaphore, #tpu.memory_space<semaphore_mem>>) src(%arg10 : memref<16x1024xf32, #tpu.memory_space<vmem>>) dst(%dma_wait3A_689 : memref<16x1024xf32, #tpu.memory_space<hbm>>)
    %dma_start3A_690 = arith.constant 1 : i32
    %dma_start3A_691 = arith.constant 80 : i32
    %dma_start3A_692 = tpu.memref_slice %arg6[%dma_start3A_690, %dma_start3A_691] : memref<4x128xi32, #tpu.memory_space<vmem>> -> memref<1x16xi32, #tpu.memory_space<vmem>>
    %dma_start3A_693 = tpu.memref_squeeze %dma_start3A_692 : memref<1x16xi32, #tpu.memory_space<vmem>> -> memref<16xi32, #tpu.memory_space<vmem>>
    %dma_start3A_694 = arith.constant 0 : i32
    %dma_start3A_695 = arith.constant 0 : i32
    %dma_start3A_696 = tpu.memref_slice %arg3[%dma_start3A_694, %dma_start3A_695] : memref<100000x1024xf32, #tpu.memory_space<hbm>> -> memref<100000x1024xf32, #tpu.memory_space<hbm>>
    tpu.enqueue_indirect_dma source(%dma_start3A_696 : memref<100000x1024xf32, #tpu.memory_space<hbm>>) target(%arg10 : memref<16x1024xf32, #tpu.memory_space<vmem>>) offsets(%dma_start3A_693 : memref<16xi32, #tpu.memory_space<vmem>>) semaphore(%arg15 : memref<!tpu.dma_semaphore, #tpu.memory_space<semaphore_mem>>)
    %add3A_697 = arith.constant 64 : i32
    %add3A_698 = arith.addi %mul3A_2, %add3A_697 : i32
    %dma_start3A_699 = arith.constant 1 : i32
    %dma_start3A_700 = arith.constant 0 : i32
    %dma_start3A_701 = tpu.memref_slice %arg5[%dma_start3A_699, %add3A_698, %dma_start3A_700] : memref<4x4096x1024xf32, #tpu.memory_space<hbm>> -> memref<1x16x1024xf32, #tpu.memory_space<hbm>>
    %dma_start3A_702 = tpu.memref_squeeze %dma_start3A_701 : memref<1x16x1024xf32, #tpu.memory_space<hbm>> -> memref<16x1024xf32, #tpu.memory_space<hbm>>
    %dma_start3A_703 = arith.constant 0 : i32
    %dma_start3A_704 = tpu.memref_slice %arg5[%dma_start3A_699, %add3A_698, %dma_start3A_703] : memref<4x4096x1024xf32, #tpu.memory_space<hbm>> -> memref<1x16x1024xf32, #tpu.memory_space<hbm>>
    %dma_start3A_705 = tpu.memref_squeeze %dma_start3A_704 : memref<1x16x1024xf32, #tpu.memory_space<hbm>> -> memref<16x1024xf32, #tpu.memory_space<hbm>>
    tpu.enqueue_dma source(%arg11 : memref<16x1024xf32, #tpu.memory_space<vmem>>) target(%dma_start3A_705 : memref<16x1024xf32, #tpu.memory_space<hbm>>) target_semaphore(%arg21 : memref<!tpu.dma_semaphore, #tpu.memory_space<semaphore_mem>>)
    %dma_wait3A_706 = arith.constant 2 : i32
    %dma_wait3A_707 = arith.constant 64 : i32
    %dma_wait3A_708 = tpu.memref_slice %arg6[%dma_wait3A_706, %dma_wait3A_707] : memref<4x128xi32, #tpu.memory_space<vmem>> -> memref<1x16xi32, #tpu.memory_space<vmem>>
    %dma_wait3A_709 = tpu.memref_squeeze %dma_wait3A_708 : memref<1x16xi32, #tpu.memory_space<vmem>> -> memref<16xi32, #tpu.memory_space<vmem>>
    %dma_wait3A_710 = arith.constant 0 : i32
    %dma_wait3A_711 = arith.constant 0 : i32
    %dma_wait3A_712 = tpu.memref_slice %arg3[%dma_wait3A_710, %dma_wait3A_711] : memref<100000x1024xf32, #tpu.memory_space<hbm>> -> memref<100000x1024xf32, #tpu.memory_space<hbm>>
    tpu.wait_indirect_dma semaphore(%arg17 : memref<!tpu.dma_semaphore, #tpu.memory_space<semaphore_mem>>) src(%dma_wait3A_712 : memref<100000x1024xf32, #tpu.memory_space<hbm>>) dst(%arg12 : memref<16x1024xf32, #tpu.memory_space<vmem>>)
    %delay3A_713 = arith.constant 32 : i32
    tpu.delay %delay3A_713
    %parallel_loop3A_714 = arith.constant 0 : i32
    %parallel_loop3A_715 = arith.constant 1024 : i32
    %parallel_loop3A_716 = arith.constant 1 : i32
    scf.for %parallel_loop3A_1199 = %parallel_loop3A_714 to %parallel_loop3A_715 step %parallel_loop3A_716  : i32 {
      %parallel_loop3A_1200 = arith.constant 6 : i32
      %parallel_loop3A_1201 = arith.shrsi %parallel_loop3A_1199, %parallel_loop3A_1200 : i32
      %parallel_loop3A_1202 = arith.constant 63 : i32
      %parallel_loop3A_1203 = arith.andi %parallel_loop3A_1199, %parallel_loop3A_1202 : i32
      %parallel_loop3A_1204 = arith.constant 4 : i32
      %parallel_loop3A_1205 = arith.shli %parallel_loop3A_1203, %parallel_loop3A_1204 : i32
      %parallel_loop3A_1206 = tpu.assume_multiple %parallel_loop3A_1205, 16 : i32
      %parallel_loop3A_1207 = arith.index_cast %parallel_loop3A_1201 : i32 to index
      %parallel_loop3A_1208 = arith.index_cast %parallel_loop3A_1206 : i32 to index
      %parallel_loop3A_1209 = tpu.vector_load %arg7[%parallel_loop3A_1207, %parallel_loop3A_1208] {strides = array<i32>} : memref<16x1024xf32, #tpu.memory_space<vmem>>, vector<1x16xf32>,
      %parallel_loop3A_1210 = vector.shape_cast %parallel_loop3A_1209 : vector<1x16xf32> to vector<16xf32>
      %parallel_loop3A_1211 = arith.index_cast %parallel_loop3A_1201 : i32 to index
      %parallel_loop3A_1212 = arith.index_cast %parallel_loop3A_1206 : i32 to index
      %parallel_loop3A_1213 = tpu.vector_load %arg12[%parallel_loop3A_1211, %parallel_loop3A_1212] {strides = array<i32>} : memref<16x1024xf32, #tpu.memory_space<vmem>>, vector<1x16xf32>,
      %parallel_loop3A_1214 = vector.shape_cast %parallel_loop3A_1213 : vector<1x16xf32> to vector<16xf32>
      %parallel_loop3A_1215 = vector.shape_cast %parallel_loop3A_1210 : vector<16xf32> to vector<1x16xf32>
      tpu.vector_store %arg12[%parallel_loop3A_1211, %parallel_loop3A_1212], %parallel_loop3A_1215 {add = true, strides = array<i32>} : memref<16x1024xf32, #tpu.memory_space<vmem>>, vector<1x16xf32>,
    } {sc.loop_unroll_factor = 4 : i64, sc.parallel_access}
    %delay3A_717 = arith.constant 32 : i32
    tpu.delay %delay3A_717
    %dma_wait3A_718 = arith.constant 1 : i32
    %dma_wait3A_719 = arith.constant 0 : i32
    %dma_wait3A_720 = tpu.memref_slice %arg5[%dma_wait3A_718, %add3A_698, %dma_wait3A_719] : memref<4x4096x1024xf32, #tpu.memory_space<hbm>> -> memref<1x16x1024xf32, #tpu.memory_space<hbm>>
    %dma_wait3A_721 = tpu.memref_squeeze %dma_wait3A_720 : memref<1x16x1024xf32, #tpu.memory_space<hbm>> -> memref<16x1024xf32, #tpu.memory_space<hbm>>
    %dma_wait3A_722 = arith.constant 0 : i32
    %dma_wait3A_723 = tpu.memref_slice %arg5[%dma_wait3A_718, %add3A_698, %dma_wait3A_722] : memref<4x4096x1024xf32, #tpu.memory_space<hbm>> -> memref<1x16x1024xf32, #tpu.memory_space<hbm>>
    %dma_wait3A_724 = tpu.memref_squeeze %dma_wait3A_723 : memref<1x16x1024xf32, #tpu.memory_space<hbm>> -> memref<16x1024xf32, #tpu.memory_space<hbm>>
    tpu.wait_dma2 semaphore(%arg21 : memref<!tpu.dma_semaphore, #tpu.memory_space<semaphore_mem>>) src(%arg11 : memref<16x1024xf32, #tpu.memory_space<vmem>>) dst(%dma_wait3A_724 : memref<16x1024xf32, #tpu.memory_space<hbm>>)
    %dma_start3A_725 = arith.constant 2 : i32
    %dma_start3A_726 = arith.constant 80 : i32
    %dma_start3A_727 = tpu.memref_slice %arg6[%dma_start3A_725, %dma_start3A_726] : memref<4x128xi32, #tpu.memory_space<vmem>> -> memref<1x16xi32, #tpu.memory_space<vmem>>
    %dma_start3A_728 = tpu.memref_squeeze %dma_start3A_727 : memref<1x16xi32, #tpu.memory_space<vmem>> -> memref<16xi32, #tpu.memory_space<vmem>>
    %dma_start3A_729 = arith.constant 0 : i32
    %dma_start3A_730 = arith.constant 0 : i32
    %dma_start3A_731 = tpu.memref_slice %arg3[%dma_start3A_729, %dma_start3A_730] : memref<100000x1024xf32, #tpu.memory_space<hbm>> -> memref<100000x1024xf32, #tpu.memory_space<hbm>>
    tpu.enqueue_indirect_dma source(%dma_start3A_731 : memref<100000x1024xf32, #tpu.memory_space<hbm>>) target(%arg11 : memref<16x1024xf32, #tpu.memory_space<vmem>>) offsets(%dma_start3A_728 : memref<16xi32, #tpu.memory_space<vmem>>) semaphore(%arg16 : memref<!tpu.dma_semaphore, #tpu.memory_space<semaphore_mem>>)
    %add3A_732 = arith.constant 64 : i32
    %add3A_733 = arith.addi %mul3A_2, %add3A_732 : i32
    %dma_start3A_734 = arith.constant 2 : i32
    %dma_start3A_735 = arith.constant 0 : i32
    %dma_start3A_736 = tpu.memref_slice %arg5[%dma_start3A_734, %add3A_733, %dma_start3A_735] : memref<4x4096x1024xf32, #tpu.memory_space<hbm>> -> memref<1x16x1024xf32, #tpu.memory_space<hbm>>
    %dma_start3A_737 = tpu.memref_squeeze %dma_start3A_736 : memref<1x16x1024xf32, #tpu.memory_space<hbm>> -> memref<16x1024xf32, #tpu.memory_space<hbm>>
    %dma_start3A_738 = arith.constant 0 : i32
    %dma_start3A_739 = tpu.memref_slice %arg5[%dma_start3A_734, %add3A_733, %dma_start3A_738] : memref<4x4096x1024xf32, #tpu.memory_space<hbm>> -> memref<1x16x1024xf32, #tpu.memory_space<hbm>>
    %dma_start3A_740 = tpu.memref_squeeze %dma_start3A_739 : memref<1x16x1024xf32, #tpu.memory_space<hbm>> -> memref<16x1024xf32, #tpu.memory_space<hbm>>
    tpu.enqueue_dma source(%arg12 : memref<16x1024xf32, #tpu.memory_space<vmem>>) target(%dma_start3A_740 : memref<16x1024xf32, #tpu.memory_space<hbm>>) target_semaphore(%arg22 : memref<!tpu.dma_semaphore, #tpu.memory_space<semaphore_mem>>)
    %dma_wait3A_741 = arith.constant 3 : i32
    %dma_wait3A_742 = arith.constant 64 : i32
    %dma_wait3A_743 = tpu.memref_slice %arg6[%dma_wait3A_741, %dma_wait3A_742] : memref<4x128xi32, #tpu.memory_space<vmem>> -> memref<1x16xi32, #tpu.memory_space<vmem>>
    %dma_wait3A_744 = tpu.memref_squeeze %dma_wait3A_743 : memref<1x16xi32, #tpu.memory_space<vmem>> -> memref<16xi32, #tpu.memory_space<vmem>>
    %dma_wait3A_745 = arith.constant 0 : i32
    %dma_wait3A_746 = arith.constant 0 : i32
    %dma_wait3A_747 = tpu.memref_slice %arg3[%dma_wait3A_745, %dma_wait3A_746] : memref<100000x1024xf32, #tpu.memory_space<hbm>> -> memref<100000x1024xf32, #tpu.memory_space<hbm>>
    tpu.wait_indirect_dma semaphore(%arg18 : memref<!tpu.dma_semaphore, #tpu.memory_space<semaphore_mem>>) src(%dma_wait3A_747 : memref<100000x1024xf32, #tpu.memory_space<hbm>>) dst(%arg13 : memref<16x1024xf32, #tpu.memory_space<vmem>>)
    %delay3A_748 = arith.constant 32 : i32
    tpu.delay %delay3A_748
    %parallel_loop3A_749 = arith.constant 0 : i32
    %parallel_loop3A_750 = arith.constant 1024 : i32
    %parallel_loop3A_751 = arith.constant 1 : i32
    scf.for %parallel_loop3A_1199 = %parallel_loop3A_749 to %parallel_loop3A_750 step %parallel_loop3A_751  : i32 {
      %parallel_loop3A_1200 = arith.constant 6 : i32
      %parallel_loop3A_1201 = arith.shrsi %parallel_loop3A_1199, %parallel_loop3A_1200 : i32
      %parallel_loop3A_1202 = arith.constant 63 : i32
      %parallel_loop3A_1203 = arith.andi %parallel_loop3A_1199, %parallel_loop3A_1202 : i32
      %parallel_loop3A_1204 = arith.constant 4 : i32
      %parallel_loop3A_1205 = arith.shli %parallel_loop3A_1203, %parallel_loop3A_1204 : i32
      %parallel_loop3A_1206 = tpu.assume_multiple %parallel_loop3A_1205, 16 : i32
      %parallel_loop3A_1207 = arith.index_cast %parallel_loop3A_1201 : i32 to index
      %parallel_loop3A_1208 = arith.index_cast %parallel_loop3A_1206 : i32 to index
      %parallel_loop3A_1209 = tpu.vector_load %arg7[%parallel_loop3A_1207, %parallel_loop3A_1208] {strides = array<i32>} : memref<16x1024xf32, #tpu.memory_space<vmem>>, vector<1x16xf32>,
      %parallel_loop3A_1210 = vector.shape_cast %parallel_loop3A_1209 : vector<1x16xf32> to vector<16xf32>
      %parallel_loop3A_1211 = arith.index_cast %parallel_loop3A_1201 : i32 to index
      %parallel_loop3A_1212 = arith.index_cast %parallel_loop3A_1206 : i32 to index
      %parallel_loop3A_1213 = tpu.vector_load %arg13[%parallel_loop3A_1211, %parallel_loop3A_1212] {strides = array<i32>} : memref<16x1024xf32, #tpu.memory_space<vmem>>, vector<1x16xf32>,
      %parallel_loop3A_1214 = vector.shape_cast %parallel_loop3A_1213 : vector<1x16xf32> to vector<16xf32>
      %parallel_loop3A_1215 = vector.shape_cast %parallel_loop3A_1210 : vector<16xf32> to vector<1x16xf32>
      tpu.vector_store %arg13[%parallel_loop3A_1211, %parallel_loop3A_1212], %parallel_loop3A_1215 {add = true, strides = array<i32>} : memref<16x1024xf32, #tpu.memory_space<vmem>>, vector<1x16xf32>,
    } {sc.loop_unroll_factor = 4 : i64, sc.parallel_access}
    %delay3A_752 = arith.constant 32 : i32
    tpu.delay %delay3A_752
    %dma_wait3A_753 = arith.constant 2 : i32
    %dma_wait3A_754 = arith.constant 0 : i32
    %dma_wait3A_755 = tpu.memref_slice %arg5[%dma_wait3A_753, %add3A_733, %dma_wait3A_754] : memref<4x4096x1024xf32, #tpu.memory_space<hbm>> -> memref<1x16x1024xf32, #tpu.memory_space<hbm>>
    %dma_wait3A_756 = tpu.memref_squeeze %dma_wait3A_755 : memref<1x16x1024xf32, #tpu.memory_space<hbm>> -> memref<16x1024xf32, #tpu.memory_space<hbm>>
    %dma_wait3A_757 = arith.constant 0 : i32
    %dma_wait3A_758 = tpu.memref_slice %arg5[%dma_wait3A_753, %add3A_733, %dma_wait3A_757] : memref<4x4096x1024xf32, #tpu.memory_space<hbm>> -> memref<1x16x1024xf32, #tpu.memory_space<hbm>>
    %dma_wait3A_759 = tpu.memref_squeeze %dma_wait3A_758 : memref<1x16x1024xf32, #tpu.memory_space<hbm>> -> memref<16x1024xf32, #tpu.memory_space<hbm>>
    tpu.wait_dma2 semaphore(%arg22 : memref<!tpu.dma_semaphore, #tpu.memory_space<semaphore_mem>>) src(%arg12 : memref<16x1024xf32, #tpu.memory_space<vmem>>) dst(%dma_wait3A_759 : memref<16x1024xf32, #tpu.memory_space<hbm>>)
    %dma_start3A_760 = arith.constant 3 : i32
    %dma_start3A_761 = arith.constant 80 : i32
    %dma_start3A_762 = tpu.memref_slice %arg6[%dma_start3A_760, %dma_start3A_761] : memref<4x128xi32, #tpu.memory_space<vmem>> -> memref<1x16xi32, #tpu.memory_space<vmem>>
    %dma_start3A_763 = tpu.memref_squeeze %dma_start3A_762 : memref<1x16xi32, #tpu.memory_space<vmem>> -> memref<16xi32, #tpu.memory_space<vmem>>
    %dma_start3A_764 = arith.constant 0 : i32
    %dma_start3A_765 = arith.constant 0 : i32
    %dma_start3A_766 = tpu.memref_slice %arg3[%dma_start3A_764, %dma_start3A_765] : memref<100000x1024xf32, #tpu.memory_space<hbm>> -> memref<100000x1024xf32, #tpu.memory_space<hbm>>
    tpu.enqueue_indirect_dma source(%dma_start3A_766 : memref<100000x1024xf32, #tpu.memory_space<hbm>>) target(%arg12 : memref<16x1024xf32, #tpu.memory_space<vmem>>) offsets(%dma_start3A_763 : memref<16xi32, #tpu.memory_space<vmem>>) semaphore(%arg17 : memref<!tpu.dma_semaphore, #tpu.memory_space<semaphore_mem>>)
    %add3A_767 = arith.constant 64 : i32
    %add3A_768 = arith.addi %mul3A_2, %add3A_767 : i32
    %dma_start3A_769 = arith.constant 3 : i32
    %dma_start3A_770 = arith.constant 0 : i32
    %dma_start3A_771 = tpu.memref_slice %arg5[%dma_start3A_769, %add3A_768, %dma_start3A_770] : memref<4x4096x1024xf32, #tpu.memory_space<hbm>> -> memref<1x16x1024xf32, #tpu.memory_space<hbm>>
    %dma_start3A_772 = tpu.memref_squeeze %dma_start3A_771 : memref<1x16x1024xf32, #tpu.memory_space<hbm>> -> memref<16x1024xf32, #tpu.memory_space<hbm>>
    %dma_start3A_773 = arith.constant 0 : i32
    %dma_start3A_774 = tpu.memref_slice %arg5[%dma_start3A_769, %add3A_768, %dma_start3A_773] : memref<4x4096x1024xf32, #tpu.memory_space<hbm>> -> memref<1x16x1024xf32, #tpu.memory_space<hbm>>
    %dma_start3A_775 = tpu.memref_squeeze %dma_start3A_774 : memref<1x16x1024xf32, #tpu.memory_space<hbm>> -> memref<16x1024xf32, #tpu.memory_space<hbm>>
    tpu.enqueue_dma source(%arg13 : memref<16x1024xf32, #tpu.memory_space<vmem>>) target(%dma_start3A_775 : memref<16x1024xf32, #tpu.memory_space<hbm>>) target_semaphore(%arg23 : memref<!tpu.dma_semaphore, #tpu.memory_space<semaphore_mem>>)
    %dma_wait3A_776 = arith.constant 0 : i32
    %dma_wait3A_777 = tpu.memref_slice %arg4[%add3A_643, %dma_wait3A_776] : memref<4096x1024xf32, #tpu.memory_space<hbm>> -> memref<16x1024xf32, #tpu.memory_space<hbm>>
    %dma_wait3A_778 = arith.constant 0 : i32
    %dma_wait3A_779 = tpu.memref_slice %arg4[%add3A_643, %dma_wait3A_778] : memref<4096x1024xf32, #tpu.memory_space<hbm>> -> memref<16x1024xf32, #tpu.memory_space<hbm>>
    tpu.wait_dma2 semaphore(%arg25 : memref<!tpu.dma_semaphore, #tpu.memory_space<semaphore_mem>>) src(%dma_wait3A_779 : memref<16x1024xf32, #tpu.memory_space<hbm>>) dst(%arg8 : memref<16x1024xf32, #tpu.memory_space<vmem>>)
    %dma_wait3A_780 = arith.constant 0 : i32
    %dma_wait3A_781 = arith.constant 80 : i32
    %dma_wait3A_782 = tpu.memref_slice %arg6[%dma_wait3A_780, %dma_wait3A_781] : memref<4x128xi32, #tpu.memory_space<vmem>> -> memref<1x16xi32, #tpu.memory_space<vmem>>
    %dma_wait3A_783 = tpu.memref_squeeze %dma_wait3A_782 : memref<1x16xi32, #tpu.memory_space<vmem>> -> memref<16xi32, #tpu.memory_space<vmem>>
    %dma_wait3A_784 = arith.constant 0 : i32
    %dma_wait3A_785 = arith.constant 0 : i32
    %dma_wait3A_786 = tpu.memref_slice %arg3[%dma_wait3A_784, %dma_wait3A_785] : memref<100000x1024xf32, #tpu.memory_space<hbm>> -> memref<100000x1024xf32, #tpu.memory_space<hbm>>
    tpu.wait_indirect_dma semaphore(%arg14 : memref<!tpu.dma_semaphore, #tpu.memory_space<semaphore_mem>>) src(%dma_wait3A_786 : memref<100000x1024xf32, #tpu.memory_space<hbm>>) dst(%arg9 : memref<16x1024xf32, #tpu.memory_space<vmem>>)
    %delay3A_787 = arith.constant 32 : i32
    tpu.delay %delay3A_787
    %parallel_loop3A_788 = arith.constant 0 : i32
    %parallel_loop3A_789 = arith.constant 1024 : i32
    %parallel_loop3A_790 = arith.constant 1 : i32
    scf.for %parallel_loop3A_1199 = %parallel_loop3A_788 to %parallel_loop3A_789 step %parallel_loop3A_790  : i32 {
      %parallel_loop3A_1200 = arith.constant 6 : i32
      %parallel_loop3A_1201 = arith.shrsi %parallel_loop3A_1199, %parallel_loop3A_1200 : i32
      %parallel_loop3A_1202 = arith.constant 63 : i32
      %parallel_loop3A_1203 = arith.andi %parallel_loop3A_1199, %parallel_loop3A_1202 : i32
      %parallel_loop3A_1204 = arith.constant 4 : i32
      %parallel_loop3A_1205 = arith.shli %parallel_loop3A_1203, %parallel_loop3A_1204 : i32
      %parallel_loop3A_1206 = tpu.assume_multiple %parallel_loop3A_1205, 16 : i32
      %parallel_loop3A_1207 = arith.index_cast %parallel_loop3A_1201 : i32 to index
      %parallel_loop3A_1208 = arith.index_cast %parallel_loop3A_1206 : i32 to index
      %parallel_loop3A_1209 = tpu.vector_load %arg8[%parallel_loop3A_1207, %parallel_loop3A_1208] {strides = array<i32>} : memref<16x1024xf32, #tpu.memory_space<vmem>>, vector<1x16xf32>,
      %parallel_loop3A_1210 = vector.shape_cast %parallel_loop3A_1209 : vector<1x16xf32> to vector<16xf32>
      %parallel_loop3A_1211 = arith.index_cast %parallel_loop3A_1201 : i32 to index
      %parallel_loop3A_1212 = arith.index_cast %parallel_loop3A_1206 : i32 to index
      %parallel_loop3A_1213 = tpu.vector_load %arg9[%parallel_loop3A_1211, %parallel_loop3A_1212] {strides = array<i32>} : memref<16x1024xf32, #tpu.memory_space<vmem>>, vector<1x16xf32>,
      %parallel_loop3A_1214 = vector.shape_cast %parallel_loop3A_1213 : vector<1x16xf32> to vector<16xf32>
      %parallel_loop3A_1215 = vector.shape_cast %parallel_loop3A_1210 : vector<16xf32> to vector<1x16xf32>
      tpu.vector_store %arg9[%parallel_loop3A_1211, %parallel_loop3A_1212], %parallel_loop3A_1215 {add = true, strides = array<i32>} : memref<16x1024xf32, #tpu.memory_space<vmem>>, vector<1x16xf32>,
    } {sc.loop_unroll_factor = 4 : i64, sc.parallel_access}
    %delay3A_791 = arith.constant 32 : i32
    tpu.delay %delay3A_791
    %add3A_792 = arith.constant 96 : i32
    %add3A_793 = arith.addi %mul3A_2, %add3A_792 : i32
    %dma_start3A_794 = arith.constant 0 : i32
    %dma_start3A_795 = tpu.memref_slice %arg4[%add3A_793, %dma_start3A_794] : memref<4096x1024xf32, #tpu.memory_space<hbm>> -> memref<16x1024xf32, #tpu.memory_space<hbm>>
    %dma_start3A_796 = arith.constant 0 : i32
    %dma_start3A_797 = tpu.memref_slice %arg4[%add3A_793, %dma_start3A_796] : memref<4096x1024xf32, #tpu.memory_space<hbm>> -> memref<16x1024xf32, #tpu.memory_space<hbm>>
    tpu.enqueue_dma source(%dma_start3A_797 : memref<16x1024xf32, #tpu.memory_space<hbm>>) target(%arg7 : memref<16x1024xf32, #tpu.memory_space<vmem>>) target_semaphore(%arg24 : memref<!tpu.dma_semaphore, #tpu.memory_space<semaphore_mem>>)
    %dma_wait3A_798 = arith.constant 3 : i32
    %dma_wait3A_799 = arith.constant 0 : i32
    %dma_wait3A_800 = tpu.memref_slice %arg5[%dma_wait3A_798, %add3A_768, %dma_wait3A_799] : memref<4x4096x1024xf32, #tpu.memory_space<hbm>> -> memref<1x16x1024xf32, #tpu.memory_space<hbm>>
    %dma_wait3A_801 = tpu.memref_squeeze %dma_wait3A_800 : memref<1x16x1024xf32, #tpu.memory_space<hbm>> -> memref<16x1024xf32, #tpu.memory_space<hbm>>
    %dma_wait3A_802 = arith.constant 0 : i32
    %dma_wait3A_803 = tpu.memref_slice %arg5[%dma_wait3A_798, %add3A_768, %dma_wait3A_802] : memref<4x4096x1024xf32, #tpu.memory_space<hbm>> -> memref<1x16x1024xf32, #tpu.memory_space<hbm>>
    %dma_wait3A_804 = tpu.memref_squeeze %dma_wait3A_803 : memref<1x16x1024xf32, #tpu.memory_space<hbm>> -> memref<16x1024xf32, #tpu.memory_space<hbm>>
    tpu.wait_dma2 semaphore(%arg23 : memref<!tpu.dma_semaphore, #tpu.memory_space<semaphore_mem>>) src(%arg13 : memref<16x1024xf32, #tpu.memory_space<vmem>>) dst(%dma_wait3A_804 : memref<16x1024xf32, #tpu.memory_space<hbm>>)
    %dma_start3A_805 = arith.constant 0 : i32
    %dma_start3A_806 = arith.constant 96 : i32
    %dma_start3A_807 = tpu.memref_slice %arg6[%dma_start3A_805, %dma_start3A_806] : memref<4x128xi32, #tpu.memory_space<vmem>> -> memref<1x16xi32, #tpu.memory_space<vmem>>
    %dma_start3A_808 = tpu.memref_squeeze %dma_start3A_807 : memref<1x16xi32, #tpu.memory_space<vmem>> -> memref<16xi32, #tpu.memory_space<vmem>>
    %dma_start3A_809 = arith.constant 0 : i32
    %dma_start3A_810 = arith.constant 0 : i32
    %dma_start3A_811 = tpu.memref_slice %arg3[%dma_start3A_809, %dma_start3A_810] : memref<100000x1024xf32, #tpu.memory_space<hbm>> -> memref<100000x1024xf32, #tpu.memory_space<hbm>>
    tpu.enqueue_indirect_dma source(%dma_start3A_811 : memref<100000x1024xf32, #tpu.memory_space<hbm>>) target(%arg13 : memref<16x1024xf32, #tpu.memory_space<vmem>>) offsets(%dma_start3A_808 : memref<16xi32, #tpu.memory_space<vmem>>) semaphore(%arg18 : memref<!tpu.dma_semaphore, #tpu.memory_space<semaphore_mem>>)
    %add3A_812 = arith.constant 80 : i32
    %add3A_813 = arith.addi %mul3A_2, %add3A_812 : i32
    %dma_start3A_814 = arith.constant 0 : i32
    %dma_start3A_815 = arith.constant 0 : i32
    %dma_start3A_816 = tpu.memref_slice %arg5[%dma_start3A_814, %add3A_813, %dma_start3A_815] : memref<4x4096x1024xf32, #tpu.memory_space<hbm>> -> memref<1x16x1024xf32, #tpu.memory_space<hbm>>
    %dma_start3A_817 = tpu.memref_squeeze %dma_start3A_816 : memref<1x16x1024xf32, #tpu.memory_space<hbm>> -> memref<16x1024xf32, #tpu.memory_space<hbm>>
    %dma_start3A_818 = arith.constant 0 : i32
    %dma_start3A_819 = tpu.memref_slice %arg5[%dma_start3A_814, %add3A_813, %dma_start3A_818] : memref<4x4096x1024xf32, #tpu.memory_space<hbm>> -> memref<1x16x1024xf32, #tpu.memory_space<hbm>>
    %dma_start3A_820 = tpu.memref_squeeze %dma_start3A_819 : memref<1x16x1024xf32, #tpu.memory_space<hbm>> -> memref<16x1024xf32, #tpu.memory_space<hbm>>
    tpu.enqueue_dma source(%arg9 : memref<16x1024xf32, #tpu.memory_space<vmem>>) target(%dma_start3A_820 : memref<16x1024xf32, #tpu.memory_space<hbm>>) target_semaphore(%arg19 : memref<!tpu.dma_semaphore, #tpu.memory_space<semaphore_mem>>)
    %dma_wait3A_821 = arith.constant 1 : i32
    %dma_wait3A_822 = arith.constant 80 : i32
    %dma_wait3A_823 = tpu.memref_slice %arg6[%dma_wait3A_821, %dma_wait3A_822] : memref<4x128xi32, #tpu.memory_space<vmem>> -> memref<1x16xi32, #tpu.memory_space<vmem>>
    %dma_wait3A_824 = tpu.memref_squeeze %dma_wait3A_823 : memref<1x16xi32, #tpu.memory_space<vmem>> -> memref<16xi32, #tpu.memory_space<vmem>>
    %dma_wait3A_825 = arith.constant 0 : i32
    %dma_wait3A_826 = arith.constant 0 : i32
    %dma_wait3A_827 = tpu.memref_slice %arg3[%dma_wait3A_825, %dma_wait3A_826] : memref<100000x1024xf32, #tpu.memory_space<hbm>> -> memref<100000x1024xf32, #tpu.memory_space<hbm>>
    tpu.wait_indirect_dma semaphore(%arg15 : memref<!tpu.dma_semaphore, #tpu.memory_space<semaphore_mem>>) src(%dma_wait3A_827 : memref<100000x1024xf32, #tpu.memory_space<hbm>>) dst(%arg10 : memref<16x1024xf32, #tpu.memory_space<vmem>>)
    %delay3A_828 = arith.constant 32 : i32
    tpu.delay %delay3A_828
    %parallel_loop3A_829 = arith.constant 0 : i32
    %parallel_loop3A_830 = arith.constant 1024 : i32
    %parallel_loop3A_831 = arith.constant 1 : i32
    scf.for %parallel_loop3A_1199 = %parallel_loop3A_829 to %parallel_loop3A_830 step %parallel_loop3A_831  : i32 {
      %parallel_loop3A_1200 = arith.constant 6 : i32
      %parallel_loop3A_1201 = arith.shrsi %parallel_loop3A_1199, %parallel_loop3A_1200 : i32
      %parallel_loop3A_1202 = arith.constant 63 : i32
      %parallel_loop3A_1203 = arith.andi %parallel_loop3A_1199, %parallel_loop3A_1202 : i32
      %parallel_loop3A_1204 = arith.constant 4 : i32
      %parallel_loop3A_1205 = arith.shli %parallel_loop3A_1203, %parallel_loop3A_1204 : i32
      %parallel_loop3A_1206 = tpu.assume_multiple %parallel_loop3A_1205, 16 : i32
      %parallel_loop3A_1207 = arith.index_cast %parallel_loop3A_1201 : i32 to index
      %parallel_loop3A_1208 = arith.index_cast %parallel_loop3A_1206 : i32 to index
      %parallel_loop3A_1209 = tpu.vector_load %arg8[%parallel_loop3A_1207, %parallel_loop3A_1208] {strides = array<i32>} : memref<16x1024xf32, #tpu.memory_space<vmem>>, vector<1x16xf32>,
      %parallel_loop3A_1210 = vector.shape_cast %parallel_loop3A_1209 : vector<1x16xf32> to vector<16xf32>
      %parallel_loop3A_1211 = arith.index_cast %parallel_loop3A_1201 : i32 to index
      %parallel_loop3A_1212 = arith.index_cast %parallel_loop3A_1206 : i32 to index
      %parallel_loop3A_1213 = tpu.vector_load %arg10[%parallel_loop3A_1211, %parallel_loop3A_1212] {strides = array<i32>} : memref<16x1024xf32, #tpu.memory_space<vmem>>, vector<1x16xf32>,
      %parallel_loop3A_1214 = vector.shape_cast %parallel_loop3A_1213 : vector<1x16xf32> to vector<16xf32>
      %parallel_loop3A_1215 = vector.shape_cast %parallel_loop3A_1210 : vector<16xf32> to vector<1x16xf32>
      tpu.vector_store %arg10[%parallel_loop3A_1211, %parallel_loop3A_1212], %parallel_loop3A_1215 {add = true, strides = array<i32>} : memref<16x1024xf32, #tpu.memory_space<vmem>>, vector<1x16xf32>,
    } {sc.loop_unroll_factor = 4 : i64, sc.parallel_access}
    %delay3A_832 = arith.constant 32 : i32
    tpu.delay %delay3A_832
    %dma_wait3A_833 = arith.constant 0 : i32
    %dma_wait3A_834 = arith.constant 0 : i32
    %dma_wait3A_835 = tpu.memref_slice %arg5[%dma_wait3A_833, %add3A_813, %dma_wait3A_834] : memref<4x4096x1024xf32, #tpu.memory_space<hbm>> -> memref<1x16x1024xf32, #tpu.memory_space<hbm>>
    %dma_wait3A_836 = tpu.memref_squeeze %dma_wait3A_835 : memref<1x16x1024xf32, #tpu.memory_space<hbm>> -> memref<16x1024xf32, #tpu.memory_space<hbm>>
    %dma_wait3A_837 = arith.constant 0 : i32
    %dma_wait3A_838 = tpu.memref_slice %arg5[%dma_wait3A_833, %add3A_813, %dma_wait3A_837] : memref<4x4096x1024xf32, #tpu.memory_space<hbm>> -> memref<1x16x1024xf32, #tpu.memory_space<hbm>>
    %dma_wait3A_839 = tpu.memref_squeeze %dma_wait3A_838 : memref<1x16x1024xf32, #tpu.memory_space<hbm>> -> memref<16x1024xf32, #tpu.memory_space<hbm>>
    tpu.wait_dma2 semaphore(%arg19 : memref<!tpu.dma_semaphore, #tpu.memory_space<semaphore_mem>>) src(%arg9 : memref<16x1024xf32, #tpu.memory_space<vmem>>) dst(%dma_wait3A_839 : memref<16x1024xf32, #tpu.memory_space<hbm>>)
    %dma_start3A_840 = arith.constant 1 : i32
    %dma_start3A_841 = arith.constant 96 : i32
    %dma_start3A_842 = tpu.memref_slice %arg6[%dma_start3A_840, %dma_start3A_841] : memref<4x128xi32, #tpu.memory_space<vmem>> -> memref<1x16xi32, #tpu.memory_space<vmem>>
    %dma_start3A_843 = tpu.memref_squeeze %dma_start3A_842 : memref<1x16xi32, #tpu.memory_space<vmem>> -> memref<16xi32, #tpu.memory_space<vmem>>
    %dma_start3A_844 = arith.constant 0 : i32
    %dma_start3A_845 = arith.constant 0 : i32
    %dma_start3A_846 = tpu.memref_slice %arg3[%dma_start3A_844, %dma_start3A_845] : memref<100000x1024xf32, #tpu.memory_space<hbm>> -> memref<100000x1024xf32, #tpu.memory_space<hbm>>
    tpu.enqueue_indirect_dma source(%dma_start3A_846 : memref<100000x1024xf32, #tpu.memory_space<hbm>>) target(%arg9 : memref<16x1024xf32, #tpu.memory_space<vmem>>) offsets(%dma_start3A_843 : memref<16xi32, #tpu.memory_space<vmem>>) semaphore(%arg14 : memref<!tpu.dma_semaphore, #tpu.memory_space<semaphore_mem>>)
    %add3A_847 = arith.constant 80 : i32
    %add3A_848 = arith.addi %mul3A_2, %add3A_847 : i32
    %dma_start3A_849 = arith.constant 1 : i32
    %dma_start3A_850 = arith.constant 0 : i32
    %dma_start3A_851 = tpu.memref_slice %arg5[%dma_start3A_849, %add3A_848, %dma_start3A_850] : memref<4x4096x1024xf32, #tpu.memory_space<hbm>> -> memref<1x16x1024xf32, #tpu.memory_space<hbm>>
    %dma_start3A_852 = tpu.memref_squeeze %dma_start3A_851 : memref<1x16x1024xf32, #tpu.memory_space<hbm>> -> memref<16x1024xf32, #tpu.memory_space<hbm>>
    %dma_start3A_853 = arith.constant 0 : i32
    %dma_start3A_854 = tpu.memref_slice %arg5[%dma_start3A_849, %add3A_848, %dma_start3A_853] : memref<4x4096x1024xf32, #tpu.memory_space<hbm>> -> memref<1x16x1024xf32, #tpu.memory_space<hbm>>
    %dma_start3A_855 = tpu.memref_squeeze %dma_start3A_854 : memref<1x16x1024xf32, #tpu.memory_space<hbm>> -> memref<16x1024xf32, #tpu.memory_space<hbm>>
    tpu.enqueue_dma source(%arg10 : memref<16x1024xf32, #tpu.memory_space<vmem>>) target(%dma_start3A_855 : memref<16x1024xf32, #tpu.memory_space<hbm>>) target_semaphore(%arg20 : memref<!tpu.dma_semaphore, #tpu.memory_space<semaphore_mem>>)
    %dma_wait3A_856 = arith.constant 2 : i32
    %dma_wait3A_857 = arith.constant 80 : i32
    %dma_wait3A_858 = tpu.memref_slice %arg6[%dma_wait3A_856, %dma_wait3A_857] : memref<4x128xi32, #tpu.memory_space<vmem>> -> memref<1x16xi32, #tpu.memory_space<vmem>>
    %dma_wait3A_859 = tpu.memref_squeeze %dma_wait3A_858 : memref<1x16xi32, #tpu.memory_space<vmem>> -> memref<16xi32, #tpu.memory_space<vmem>>
    %dma_wait3A_860 = arith.constant 0 : i32
    %dma_wait3A_861 = arith.constant 0 : i32
    %dma_wait3A_862 = tpu.memref_slice %arg3[%dma_wait3A_860, %dma_wait3A_861] : memref<100000x1024xf32, #tpu.memory_space<hbm>> -> memref<100000x1024xf32, #tpu.memory_space<hbm>>
    tpu.wait_indirect_dma semaphore(%arg16 : memref<!tpu.dma_semaphore, #tpu.memory_space<semaphore_mem>>) src(%dma_wait3A_862 : memref<100000x1024xf32, #tpu.memory_space<hbm>>) dst(%arg11 : memref<16x1024xf32, #tpu.memory_space<vmem>>)
    %delay3A_863 = arith.constant 32 : i32
    tpu.delay %delay3A_863
    %parallel_loop3A_864 = arith.constant 0 : i32
    %parallel_loop3A_865 = arith.constant 1024 : i32
    %parallel_loop3A_866 = arith.constant 1 : i32
    scf.for %parallel_loop3A_1199 = %parallel_loop3A_864 to %parallel_loop3A_865 step %parallel_loop3A_866  : i32 {
      %parallel_loop3A_1200 = arith.constant 6 : i32
      %parallel_loop3A_1201 = arith.shrsi %parallel_loop3A_1199, %parallel_loop3A_1200 : i32
      %parallel_loop3A_1202 = arith.constant 63 : i32
      %parallel_loop3A_1203 = arith.andi %parallel_loop3A_1199, %parallel_loop3A_1202 : i32
      %parallel_loop3A_1204 = arith.constant 4 : i32
      %parallel_loop3A_1205 = arith.shli %parallel_loop3A_1203, %parallel_loop3A_1204 : i32
      %parallel_loop3A_1206 = tpu.assume_multiple %parallel_loop3A_1205, 16 : i32
      %parallel_loop3A_1207 = arith.index_cast %parallel_loop3A_1201 : i32 to index
      %parallel_loop3A_1208 = arith.index_cast %parallel_loop3A_1206 : i32 to index
      %parallel_loop3A_1209 = tpu.vector_load %arg8[%parallel_loop3A_1207, %parallel_loop3A_1208] {strides = array<i32>} : memref<16x1024xf32, #tpu.memory_space<vmem>>, vector<1x16xf32>,
      %parallel_loop3A_1210 = vector.shape_cast %parallel_loop3A_1209 : vector<1x16xf32> to vector<16xf32>
      %parallel_loop3A_1211 = arith.index_cast %parallel_loop3A_1201 : i32 to index
      %parallel_loop3A_1212 = arith.index_cast %parallel_loop3A_1206 : i32 to index
      %parallel_loop3A_1213 = tpu.vector_load %arg11[%parallel_loop3A_1211, %parallel_loop3A_1212] {strides = array<i32>} : memref<16x1024xf32, #tpu.memory_space<vmem>>, vector<1x16xf32>,
      %parallel_loop3A_1214 = vector.shape_cast %parallel_loop3A_1213 : vector<1x16xf32> to vector<16xf32>
      %parallel_loop3A_1215 = vector.shape_cast %parallel_loop3A_1210 : vector<16xf32> to vector<1x16xf32>
      tpu.vector_store %arg11[%parallel_loop3A_1211, %parallel_loop3A_1212], %parallel_loop3A_1215 {add = true, strides = array<i32>} : memref<16x1024xf32, #tpu.memory_space<vmem>>, vector<1x16xf32>,
    } {sc.loop_unroll_factor = 4 : i64, sc.parallel_access}
    %delay3A_867 = arith.constant 32 : i32
    tpu.delay %delay3A_867
    %dma_wait3A_868 = arith.constant 1 : i32
    %dma_wait3A_869 = arith.constant 0 : i32
    %dma_wait3A_870 = tpu.memref_slice %arg5[%dma_wait3A_868, %add3A_848, %dma_wait3A_869] : memref<4x4096x1024xf32, #tpu.memory_space<hbm>> -> memref<1x16x1024xf32, #tpu.memory_space<hbm>>
    %dma_wait3A_871 = tpu.memref_squeeze %dma_wait3A_870 : memref<1x16x1024xf32, #tpu.memory_space<hbm>> -> memref<16x1024xf32, #tpu.memory_space<hbm>>
    %dma_wait3A_872 = arith.constant 0 : i32
    %dma_wait3A_873 = tpu.memref_slice %arg5[%dma_wait3A_868, %add3A_848, %dma_wait3A_872] : memref<4x4096x1024xf32, #tpu.memory_space<hbm>> -> memref<1x16x1024xf32, #tpu.memory_space<hbm>>
    %dma_wait3A_874 = tpu.memref_squeeze %dma_wait3A_873 : memref<1x16x1024xf32, #tpu.memory_space<hbm>> -> memref<16x1024xf32, #tpu.memory_space<hbm>>
    tpu.wait_dma2 semaphore(%arg20 : memref<!tpu.dma_semaphore, #tpu.memory_space<semaphore_mem>>) src(%arg10 : memref<16x1024xf32, #tpu.memory_space<vmem>>) dst(%dma_wait3A_874 : memref<16x1024xf32, #tpu.memory_space<hbm>>)
    %dma_start3A_875 = arith.constant 2 : i32
    %dma_start3A_876 = arith.constant 96 : i32
    %dma_start3A_877 = tpu.memref_slice %arg6[%dma_start3A_875, %dma_start3A_876] : memref<4x128xi32, #tpu.memory_space<vmem>> -> memref<1x16xi32, #tpu.memory_space<vmem>>
    %dma_start3A_878 = tpu.memref_squeeze %dma_start3A_877 : memref<1x16xi32, #tpu.memory_space<vmem>> -> memref<16xi32, #tpu.memory_space<vmem>>
    %dma_start3A_879 = arith.constant 0 : i32
    %dma_start3A_880 = arith.constant 0 : i32
    %dma_start3A_881 = tpu.memref_slice %arg3[%dma_start3A_879, %dma_start3A_880] : memref<100000x1024xf32, #tpu.memory_space<hbm>> -> memref<100000x1024xf32, #tpu.memory_space<hbm>>
    tpu.enqueue_indirect_dma source(%dma_start3A_881 : memref<100000x1024xf32, #tpu.memory_space<hbm>>) target(%arg10 : memref<16x1024xf32, #tpu.memory_space<vmem>>) offsets(%dma_start3A_878 : memref<16xi32, #tpu.memory_space<vmem>>) semaphore(%arg15 : memref<!tpu.dma_semaphore, #tpu.memory_space<semaphore_mem>>)
    %add3A_882 = arith.constant 80 : i32
    %add3A_883 = arith.addi %mul3A_2, %add3A_882 : i32
    %dma_start3A_884 = arith.constant 2 : i32
    %dma_start3A_885 = arith.constant 0 : i32
    %dma_start3A_886 = tpu.memref_slice %arg5[%dma_start3A_884, %add3A_883, %dma_start3A_885] : memref<4x4096x1024xf32, #tpu.memory_space<hbm>> -> memref<1x16x1024xf32, #tpu.memory_space<hbm>>
    %dma_start3A_887 = tpu.memref_squeeze %dma_start3A_886 : memref<1x16x1024xf32, #tpu.memory_space<hbm>> -> memref<16x1024xf32, #tpu.memory_space<hbm>>
    %dma_start3A_888 = arith.constant 0 : i32
    %dma_start3A_889 = tpu.memref_slice %arg5[%dma_start3A_884, %add3A_883, %dma_start3A_888] : memref<4x4096x1024xf32, #tpu.memory_space<hbm>> -> memref<1x16x1024xf32, #tpu.memory_space<hbm>>
    %dma_start3A_890 = tpu.memref_squeeze %dma_start3A_889 : memref<1x16x1024xf32, #tpu.memory_space<hbm>> -> memref<16x1024xf32, #tpu.memory_space<hbm>>
    tpu.enqueue_dma source(%arg11 : memref<16x1024xf32, #tpu.memory_space<vmem>>) target(%dma_start3A_890 : memref<16x1024xf32, #tpu.memory_space<hbm>>) target_semaphore(%arg21 : memref<!tpu.dma_semaphore, #tpu.memory_space<semaphore_mem>>)
    %dma_wait3A_891 = arith.constant 3 : i32
    %dma_wait3A_892 = arith.constant 80 : i32
    %dma_wait3A_893 = tpu.memref_slice %arg6[%dma_wait3A_891, %dma_wait3A_892] : memref<4x128xi32, #tpu.memory_space<vmem>> -> memref<1x16xi32, #tpu.memory_space<vmem>>
    %dma_wait3A_894 = tpu.memref_squeeze %dma_wait3A_893 : memref<1x16xi32, #tpu.memory_space<vmem>> -> memref<16xi32, #tpu.memory_space<vmem>>
    %dma_wait3A_895 = arith.constant 0 : i32
    %dma_wait3A_896 = arith.constant 0 : i32
    %dma_wait3A_897 = tpu.memref_slice %arg3[%dma_wait3A_895, %dma_wait3A_896] : memref<100000x1024xf32, #tpu.memory_space<hbm>> -> memref<100000x1024xf32, #tpu.memory_space<hbm>>
    tpu.wait_indirect_dma semaphore(%arg17 : memref<!tpu.dma_semaphore, #tpu.memory_space<semaphore_mem>>) src(%dma_wait3A_897 : memref<100000x1024xf32, #tpu.memory_space<hbm>>) dst(%arg12 : memref<16x1024xf32, #tpu.memory_space<vmem>>)
    %delay3A_898 = arith.constant 32 : i32
    tpu.delay %delay3A_898
    %parallel_loop3A_899 = arith.constant 0 : i32
    %parallel_loop3A_900 = arith.constant 1024 : i32
    %parallel_loop3A_901 = arith.constant 1 : i32
    scf.for %parallel_loop3A_1199 = %parallel_loop3A_899 to %parallel_loop3A_900 step %parallel_loop3A_901  : i32 {
      %parallel_loop3A_1200 = arith.constant 6 : i32
      %parallel_loop3A_1201 = arith.shrsi %parallel_loop3A_1199, %parallel_loop3A_1200 : i32
      %parallel_loop3A_1202 = arith.constant 63 : i32
      %parallel_loop3A_1203 = arith.andi %parallel_loop3A_1199, %parallel_loop3A_1202 : i32
      %parallel_loop3A_1204 = arith.constant 4 : i32
      %parallel_loop3A_1205 = arith.shli %parallel_loop3A_1203, %parallel_loop3A_1204 : i32
      %parallel_loop3A_1206 = tpu.assume_multiple %parallel_loop3A_1205, 16 : i32
      %parallel_loop3A_1207 = arith.index_cast %parallel_loop3A_1201 : i32 to index
      %parallel_loop3A_1208 = arith.index_cast %parallel_loop3A_1206 : i32 to index
      %parallel_loop3A_1209 = tpu.vector_load %arg8[%parallel_loop3A_1207, %parallel_loop3A_1208] {strides = array<i32>} : memref<16x1024xf32, #tpu.memory_space<vmem>>, vector<1x16xf32>,
      %parallel_loop3A_1210 = vector.shape_cast %parallel_loop3A_1209 : vector<1x16xf32> to vector<16xf32>
      %parallel_loop3A_1211 = arith.index_cast %parallel_loop3A_1201 : i32 to index
      %parallel_loop3A_1212 = arith.index_cast %parallel_loop3A_1206 : i32 to index
      %parallel_loop3A_1213 = tpu.vector_load %arg12[%parallel_loop3A_1211, %parallel_loop3A_1212] {strides = array<i32>} : memref<16x1024xf32, #tpu.memory_space<vmem>>, vector<1x16xf32>,
      %parallel_loop3A_1214 = vector.shape_cast %parallel_loop3A_1213 : vector<1x16xf32> to vector<16xf32>
      %parallel_loop3A_1215 = vector.shape_cast %parallel_loop3A_1210 : vector<16xf32> to vector<1x16xf32>
      tpu.vector_store %arg12[%parallel_loop3A_1211, %parallel_loop3A_1212], %parallel_loop3A_1215 {add = true, strides = array<i32>} : memref<16x1024xf32, #tpu.memory_space<vmem>>, vector<1x16xf32>,
    } {sc.loop_unroll_factor = 4 : i64, sc.parallel_access}
    %delay3A_902 = arith.constant 32 : i32
    tpu.delay %delay3A_902
    %dma_wait3A_903 = arith.constant 2 : i32
    %dma_wait3A_904 = arith.constant 0 : i32
    %dma_wait3A_905 = tpu.memref_slice %arg5[%dma_wait3A_903, %add3A_883, %dma_wait3A_904] : memref<4x4096x1024xf32, #tpu.memory_space<hbm>> -> memref<1x16x1024xf32, #tpu.memory_space<hbm>>
    %dma_wait3A_906 = tpu.memref_squeeze %dma_wait3A_905 : memref<1x16x1024xf32, #tpu.memory_space<hbm>> -> memref<16x1024xf32, #tpu.memory_space<hbm>>
    %dma_wait3A_907 = arith.constant 0 : i32
    %dma_wait3A_908 = tpu.memref_slice %arg5[%dma_wait3A_903, %add3A_883, %dma_wait3A_907] : memref<4x4096x1024xf32, #tpu.memory_space<hbm>> -> memref<1x16x1024xf32, #tpu.memory_space<hbm>>
    %dma_wait3A_909 = tpu.memref_squeeze %dma_wait3A_908 : memref<1x16x1024xf32, #tpu.memory_space<hbm>> -> memref<16x1024xf32, #tpu.memory_space<hbm>>
    tpu.wait_dma2 semaphore(%arg21 : memref<!tpu.dma_semaphore, #tpu.memory_space<semaphore_mem>>) src(%arg11 : memref<16x1024xf32, #tpu.memory_space<vmem>>) dst(%dma_wait3A_909 : memref<16x1024xf32, #tpu.memory_space<hbm>>)
    %dma_start3A_910 = arith.constant 3 : i32
    %dma_start3A_911 = arith.constant 96 : i32
    %dma_start3A_912 = tpu.memref_slice %arg6[%dma_start3A_910, %dma_start3A_911] : memref<4x128xi32, #tpu.memory_space<vmem>> -> memref<1x16xi32, #tpu.memory_space<vmem>>
    %dma_start3A_913 = tpu.memref_squeeze %dma_start3A_912 : memref<1x16xi32, #tpu.memory_space<vmem>> -> memref<16xi32, #tpu.memory_space<vmem>>
    %dma_start3A_914 = arith.constant 0 : i32
    %dma_start3A_915 = arith.constant 0 : i32
    %dma_start3A_916 = tpu.memref_slice %arg3[%dma_start3A_914, %dma_start3A_915] : memref<100000x1024xf32, #tpu.memory_space<hbm>> -> memref<100000x1024xf32, #tpu.memory_space<hbm>>
    tpu.enqueue_indirect_dma source(%dma_start3A_916 : memref<100000x1024xf32, #tpu.memory_space<hbm>>) target(%arg11 : memref<16x1024xf32, #tpu.memory_space<vmem>>) offsets(%dma_start3A_913 : memref<16xi32, #tpu.memory_space<vmem>>) semaphore(%arg16 : memref<!tpu.dma_semaphore, #tpu.memory_space<semaphore_mem>>)
    %add3A_917 = arith.constant 80 : i32
    %add3A_918 = arith.addi %mul3A_2, %add3A_917 : i32
    %dma_start3A_919 = arith.constant 3 : i32
    %dma_start3A_920 = arith.constant 0 : i32
    %dma_start3A_921 = tpu.memref_slice %arg5[%dma_start3A_919, %add3A_918, %dma_start3A_920] : memref<4x4096x1024xf32, #tpu.memory_space<hbm>> -> memref<1x16x1024xf32, #tpu.memory_space<hbm>>
    %dma_start3A_922 = tpu.memref_squeeze %dma_start3A_921 : memref<1x16x1024xf32, #tpu.memory_space<hbm>> -> memref<16x1024xf32, #tpu.memory_space<hbm>>
    %dma_start3A_923 = arith.constant 0 : i32
    %dma_start3A_924 = tpu.memref_slice %arg5[%dma_start3A_919, %add3A_918, %dma_start3A_923] : memref<4x4096x1024xf32, #tpu.memory_space<hbm>> -> memref<1x16x1024xf32, #tpu.memory_space<hbm>>
    %dma_start3A_925 = tpu.memref_squeeze %dma_start3A_924 : memref<1x16x1024xf32, #tpu.memory_space<hbm>> -> memref<16x1024xf32, #tpu.memory_space<hbm>>
    tpu.enqueue_dma source(%arg12 : memref<16x1024xf32, #tpu.memory_space<vmem>>) target(%dma_start3A_925 : memref<16x1024xf32, #tpu.memory_space<hbm>>) target_semaphore(%arg22 : memref<!tpu.dma_semaphore, #tpu.memory_space<semaphore_mem>>)
    %dma_wait3A_926 = arith.constant 0 : i32
    %dma_wait3A_927 = tpu.memref_slice %arg4[%add3A_793, %dma_wait3A_926] : memref<4096x1024xf32, #tpu.memory_space<hbm>> -> memref<16x1024xf32, #tpu.memory_space<hbm>>
    %dma_wait3A_928 = arith.constant 0 : i32
    %dma_wait3A_929 = tpu.memref_slice %arg4[%add3A_793, %dma_wait3A_928] : memref<4096x1024xf32, #tpu.memory_space<hbm>> -> memref<16x1024xf32, #tpu.memory_space<hbm>>
    tpu.wait_dma2 semaphore(%arg24 : memref<!tpu.dma_semaphore, #tpu.memory_space<semaphore_mem>>) src(%dma_wait3A_929 : memref<16x1024xf32, #tpu.memory_space<hbm>>) dst(%arg7 : memref<16x1024xf32, #tpu.memory_space<vmem>>)
    %dma_wait3A_930 = arith.constant 0 : i32
    %dma_wait3A_931 = arith.constant 96 : i32
    %dma_wait3A_932 = tpu.memref_slice %arg6[%dma_wait3A_930, %dma_wait3A_931] : memref<4x128xi32, #tpu.memory_space<vmem>> -> memref<1x16xi32, #tpu.memory_space<vmem>>
    %dma_wait3A_933 = tpu.memref_squeeze %dma_wait3A_932 : memref<1x16xi32, #tpu.memory_space<vmem>> -> memref<16xi32, #tpu.memory_space<vmem>>
    %dma_wait3A_934 = arith.constant 0 : i32
    %dma_wait3A_935 = arith.constant 0 : i32
    %dma_wait3A_936 = tpu.memref_slice %arg3[%dma_wait3A_934, %dma_wait3A_935] : memref<100000x1024xf32, #tpu.memory_space<hbm>> -> memref<100000x1024xf32, #tpu.memory_space<hbm>>
    tpu.wait_indirect_dma semaphore(%arg18 : memref<!tpu.dma_semaphore, #tpu.memory_space<semaphore_mem>>) src(%dma_wait3A_936 : memref<100000x1024xf32, #tpu.memory_space<hbm>>) dst(%arg13 : memref<16x1024xf32, #tpu.memory_space<vmem>>)
    %delay3A_937 = arith.constant 32 : i32
    tpu.delay %delay3A_937
    %parallel_loop3A_938 = arith.constant 0 : i32
    %parallel_loop3A_939 = arith.constant 1024 : i32
    %parallel_loop3A_940 = arith.constant 1 : i32
    scf.for %parallel_loop3A_1199 = %parallel_loop3A_938 to %parallel_loop3A_939 step %parallel_loop3A_940  : i32 {
      %parallel_loop3A_1200 = arith.constant 6 : i32
      %parallel_loop3A_1201 = arith.shrsi %parallel_loop3A_1199, %parallel_loop3A_1200 : i32
      %parallel_loop3A_1202 = arith.constant 63 : i32
      %parallel_loop3A_1203 = arith.andi %parallel_loop3A_1199, %parallel_loop3A_1202 : i32
      %parallel_loop3A_1204 = arith.constant 4 : i32
      %parallel_loop3A_1205 = arith.shli %parallel_loop3A_1203, %parallel_loop3A_1204 : i32
      %parallel_loop3A_1206 = tpu.assume_multiple %parallel_loop3A_1205, 16 : i32
      %parallel_loop3A_1207 = arith.index_cast %parallel_loop3A_1201 : i32 to index
      %parallel_loop3A_1208 = arith.index_cast %parallel_loop3A_1206 : i32 to index
      %parallel_loop3A_1209 = tpu.vector_load %arg7[%parallel_loop3A_1207, %parallel_loop3A_1208] {strides = array<i32>} : memref<16x1024xf32, #tpu.memory_space<vmem>>, vector<1x16xf32>,
      %parallel_loop3A_1210 = vector.shape_cast %parallel_loop3A_1209 : vector<1x16xf32> to vector<16xf32>
      %parallel_loop3A_1211 = arith.index_cast %parallel_loop3A_1201 : i32 to index
      %parallel_loop3A_1212 = arith.index_cast %parallel_loop3A_1206 : i32 to index
      %parallel_loop3A_1213 = tpu.vector_load %arg13[%parallel_loop3A_1211, %parallel_loop3A_1212] {strides = array<i32>} : memref<16x1024xf32, #tpu.memory_space<vmem>>, vector<1x16xf32>,
      %parallel_loop3A_1214 = vector.shape_cast %parallel_loop3A_1213 : vector<1x16xf32> to vector<16xf32>
      %parallel_loop3A_1215 = vector.shape_cast %parallel_loop3A_1210 : vector<16xf32> to vector<1x16xf32>
      tpu.vector_store %arg13[%parallel_loop3A_1211, %parallel_loop3A_1212], %parallel_loop3A_1215 {add = true, strides = array<i32>} : memref<16x1024xf32, #tpu.memory_space<vmem>>, vector<1x16xf32>,
    } {sc.loop_unroll_factor = 4 : i64, sc.parallel_access}
    %delay3A_941 = arith.constant 32 : i32
    tpu.delay %delay3A_941
    %add3A_942 = arith.constant 112 : i32
    %add3A_943 = arith.addi %mul3A_2, %add3A_942 : i32
    %dma_start3A_944 = arith.constant 0 : i32
    %dma_start3A_945 = tpu.memref_slice %arg4[%add3A_943, %dma_start3A_944] : memref<4096x1024xf32, #tpu.memory_space<hbm>> -> memref<16x1024xf32, #tpu.memory_space<hbm>>
    %dma_start3A_946 = arith.constant 0 : i32
    %dma_start3A_947 = tpu.memref_slice %arg4[%add3A_943, %dma_start3A_946] : memref<4096x1024xf32, #tpu.memory_space<hbm>> -> memref<16x1024xf32, #tpu.memory_space<hbm>>
    tpu.enqueue_dma source(%dma_start3A_947 : memref<16x1024xf32, #tpu.memory_space<hbm>>) target(%arg8 : memref<16x1024xf32, #tpu.memory_space<vmem>>) target_semaphore(%arg25 : memref<!tpu.dma_semaphore, #tpu.memory_space<semaphore_mem>>)
    %dma_wait3A_948 = arith.constant 3 : i32
    %dma_wait3A_949 = arith.constant 0 : i32
    %dma_wait3A_950 = tpu.memref_slice %arg5[%dma_wait3A_948, %add3A_918, %dma_wait3A_949] : memref<4x4096x1024xf32, #tpu.memory_space<hbm>> -> memref<1x16x1024xf32, #tpu.memory_space<hbm>>
    %dma_wait3A_951 = tpu.memref_squeeze %dma_wait3A_950 : memref<1x16x1024xf32, #tpu.memory_space<hbm>> -> memref<16x1024xf32, #tpu.memory_space<hbm>>
    %dma_wait3A_952 = arith.constant 0 : i32
    %dma_wait3A_953 = tpu.memref_slice %arg5[%dma_wait3A_948, %add3A_918, %dma_wait3A_952] : memref<4x4096x1024xf32, #tpu.memory_space<hbm>> -> memref<1x16x1024xf32, #tpu.memory_space<hbm>>
    %dma_wait3A_954 = tpu.memref_squeeze %dma_wait3A_953 : memref<1x16x1024xf32, #tpu.memory_space<hbm>> -> memref<16x1024xf32, #tpu.memory_space<hbm>>
    tpu.wait_dma2 semaphore(%arg22 : memref<!tpu.dma_semaphore, #tpu.memory_space<semaphore_mem>>) src(%arg12 : memref<16x1024xf32, #tpu.memory_space<vmem>>) dst(%dma_wait3A_954 : memref<16x1024xf32, #tpu.memory_space<hbm>>)
    %dma_start3A_955 = arith.constant 0 : i32
    %dma_start3A_956 = arith.constant 112 : i32
    %dma_start3A_957 = tpu.memref_slice %arg6[%dma_start3A_955, %dma_start3A_956] : memref<4x128xi32, #tpu.memory_space<vmem>> -> memref<1x16xi32, #tpu.memory_space<vmem>>
    %dma_start3A_958 = tpu.memref_squeeze %dma_start3A_957 : memref<1x16xi32, #tpu.memory_space<vmem>> -> memref<16xi32, #tpu.memory_space<vmem>>
    %dma_start3A_959 = arith.constant 0 : i32
    %dma_start3A_960 = arith.constant 0 : i32
    %dma_start3A_961 = tpu.memref_slice %arg3[%dma_start3A_959, %dma_start3A_960] : memref<100000x1024xf32, #tpu.memory_space<hbm>> -> memref<100000x1024xf32, #tpu.memory_space<hbm>>
    tpu.enqueue_indirect_dma source(%dma_start3A_961 : memref<100000x1024xf32, #tpu.memory_space<hbm>>) target(%arg12 : memref<16x1024xf32, #tpu.memory_space<vmem>>) offsets(%dma_start3A_958 : memref<16xi32, #tpu.memory_space<vmem>>) semaphore(%arg17 : memref<!tpu.dma_semaphore, #tpu.memory_space<semaphore_mem>>)
    %add3A_962 = arith.constant 96 : i32
    %add3A_963 = arith.addi %mul3A_2, %add3A_962 : i32
    %dma_start3A_964 = arith.constant 0 : i32
    %dma_start3A_965 = arith.constant 0 : i32
    %dma_start3A_966 = tpu.memref_slice %arg5[%dma_start3A_964, %add3A_963, %dma_start3A_965] : memref<4x4096x1024xf32, #tpu.memory_space<hbm>> -> memref<1x16x1024xf32, #tpu.memory_space<hbm>>
    %dma_start3A_967 = tpu.memref_squeeze %dma_start3A_966 : memref<1x16x1024xf32, #tpu.memory_space<hbm>> -> memref<16x1024xf32, #tpu.memory_space<hbm>>
    %dma_start3A_968 = arith.constant 0 : i32
    %dma_start3A_969 = tpu.memref_slice %arg5[%dma_start3A_964, %add3A_963, %dma_start3A_968] : memref<4x4096x1024xf32, #tpu.memory_space<hbm>> -> memref<1x16x1024xf32, #tpu.memory_space<hbm>>
    %dma_start3A_970 = tpu.memref_squeeze %dma_start3A_969 : memref<1x16x1024xf32, #tpu.memory_space<hbm>> -> memref<16x1024xf32, #tpu.memory_space<hbm>>
    tpu.enqueue_dma source(%arg13 : memref<16x1024xf32, #tpu.memory_space<vmem>>) target(%dma_start3A_970 : memref<16x1024xf32, #tpu.memory_space<hbm>>) target_semaphore(%arg23 : memref<!tpu.dma_semaphore, #tpu.memory_space<semaphore_mem>>)
    %dma_wait3A_971 = arith.constant 1 : i32
    %dma_wait3A_972 = arith.constant 96 : i32
    %dma_wait3A_973 = tpu.memref_slice %arg6[%dma_wait3A_971, %dma_wait3A_972] : memref<4x128xi32, #tpu.memory_space<vmem>> -> memref<1x16xi32, #tpu.memory_space<vmem>>
    %dma_wait3A_974 = tpu.memref_squeeze %dma_wait3A_973 : memref<1x16xi32, #tpu.memory_space<vmem>> -> memref<16xi32, #tpu.memory_space<vmem>>
    %dma_wait3A_975 = arith.constant 0 : i32
    %dma_wait3A_976 = arith.constant 0 : i32
    %dma_wait3A_977 = tpu.memref_slice %arg3[%dma_wait3A_975, %dma_wait3A_976] : memref<100000x1024xf32, #tpu.memory_space<hbm>> -> memref<100000x1024xf32, #tpu.memory_space<hbm>>
    tpu.wait_indirect_dma semaphore(%arg14 : memref<!tpu.dma_semaphore, #tpu.memory_space<semaphore_mem>>) src(%dma_wait3A_977 : memref<100000x1024xf32, #tpu.memory_space<hbm>>) dst(%arg9 : memref<16x1024xf32, #tpu.memory_space<vmem>>)
    %delay3A_978 = arith.constant 32 : i32
    tpu.delay %delay3A_978
    %parallel_loop3A_979 = arith.constant 0 : i32
    %parallel_loop3A_980 = arith.constant 1024 : i32
    %parallel_loop3A_981 = arith.constant 1 : i32
    scf.for %parallel_loop3A_1199 = %parallel_loop3A_979 to %parallel_loop3A_980 step %parallel_loop3A_981  : i32 {
      %parallel_loop3A_1200 = arith.constant 6 : i32
      %parallel_loop3A_1201 = arith.shrsi %parallel_loop3A_1199, %parallel_loop3A_1200 : i32
      %parallel_loop3A_1202 = arith.constant 63 : i32
      %parallel_loop3A_1203 = arith.andi %parallel_loop3A_1199, %parallel_loop3A_1202 : i32
      %parallel_loop3A_1204 = arith.constant 4 : i32
      %parallel_loop3A_1205 = arith.shli %parallel_loop3A_1203, %parallel_loop3A_1204 : i32
      %parallel_loop3A_1206 = tpu.assume_multiple %parallel_loop3A_1205, 16 : i32
      %parallel_loop3A_1207 = arith.index_cast %parallel_loop3A_1201 : i32 to index
      %parallel_loop3A_1208 = arith.index_cast %parallel_loop3A_1206 : i32 to index
      %parallel_loop3A_1209 = tpu.vector_load %arg7[%parallel_loop3A_1207, %parallel_loop3A_1208] {strides = array<i32>} : memref<16x1024xf32, #tpu.memory_space<vmem>>, vector<1x16xf32>,
      %parallel_loop3A_1210 = vector.shape_cast %parallel_loop3A_1209 : vector<1x16xf32> to vector<16xf32>
      %parallel_loop3A_1211 = arith.index_cast %parallel_loop3A_1201 : i32 to index
      %parallel_loop3A_1212 = arith.index_cast %parallel_loop3A_1206 : i32 to index
      %parallel_loop3A_1213 = tpu.vector_load %arg9[%parallel_loop3A_1211, %parallel_loop3A_1212] {strides = array<i32>} : memref<16x1024xf32, #tpu.memory_space<vmem>>, vector<1x16xf32>,
      %parallel_loop3A_1214 = vector.shape_cast %parallel_loop3A_1213 : vector<1x16xf32> to vector<16xf32>
      %parallel_loop3A_1215 = vector.shape_cast %parallel_loop3A_1210 : vector<16xf32> to vector<1x16xf32>
      tpu.vector_store %arg9[%parallel_loop3A_1211, %parallel_loop3A_1212], %parallel_loop3A_1215 {add = true, strides = array<i32>} : memref<16x1024xf32, #tpu.memory_space<vmem>>, vector<1x16xf32>,
    } {sc.loop_unroll_factor = 4 : i64, sc.parallel_access}
    %delay3A_982 = arith.constant 32 : i32
    tpu.delay %delay3A_982
    %dma_wait3A_983 = arith.constant 0 : i32
    %dma_wait3A_984 = arith.constant 0 : i32
    %dma_wait3A_985 = tpu.memref_slice %arg5[%dma_wait3A_983, %add3A_963, %dma_wait3A_984] : memref<4x4096x1024xf32, #tpu.memory_space<hbm>> -> memref<1x16x1024xf32, #tpu.memory_space<hbm>>
    %dma_wait3A_986 = tpu.memref_squeeze %dma_wait3A_985 : memref<1x16x1024xf32, #tpu.memory_space<hbm>> -> memref<16x1024xf32, #tpu.memory_space<hbm>>
    %dma_wait3A_987 = arith.constant 0 : i32
    %dma_wait3A_988 = tpu.memref_slice %arg5[%dma_wait3A_983, %add3A_963, %dma_wait3A_987] : memref<4x4096x1024xf32, #tpu.memory_space<hbm>> -> memref<1x16x1024xf32, #tpu.memory_space<hbm>>
    %dma_wait3A_989 = tpu.memref_squeeze %dma_wait3A_988 : memref<1x16x1024xf32, #tpu.memory_space<hbm>> -> memref<16x1024xf32, #tpu.memory_space<hbm>>
    tpu.wait_dma2 semaphore(%arg23 : memref<!tpu.dma_semaphore, #tpu.memory_space<semaphore_mem>>) src(%arg13 : memref<16x1024xf32, #tpu.memory_space<vmem>>) dst(%dma_wait3A_989 : memref<16x1024xf32, #tpu.memory_space<hbm>>)
    %dma_start3A_990 = arith.constant 1 : i32
    %dma_start3A_991 = arith.constant 112 : i32
    %dma_start3A_992 = tpu.memref_slice %arg6[%dma_start3A_990, %dma_start3A_991] : memref<4x128xi32, #tpu.memory_space<vmem>> -> memref<1x16xi32, #tpu.memory_space<vmem>>
    %dma_start3A_993 = tpu.memref_squeeze %dma_start3A_992 : memref<1x16xi32, #tpu.memory_space<vmem>> -> memref<16xi32, #tpu.memory_space<vmem>>
    %dma_start3A_994 = arith.constant 0 : i32
    %dma_start3A_995 = arith.constant 0 : i32
    %dma_start3A_996 = tpu.memref_slice %arg3[%dma_start3A_994, %dma_start3A_995] : memref<100000x1024xf32, #tpu.memory_space<hbm>> -> memref<100000x1024xf32, #tpu.memory_space<hbm>>
    tpu.enqueue_indirect_dma source(%dma_start3A_996 : memref<100000x1024xf32, #tpu.memory_space<hbm>>) target(%arg13 : memref<16x1024xf32, #tpu.memory_space<vmem>>) offsets(%dma_start3A_993 : memref<16xi32, #tpu.memory_space<vmem>>) semaphore(%arg18 : memref<!tpu.dma_semaphore, #tpu.memory_space<semaphore_mem>>)
    %add3A_997 = arith.constant 96 : i32
    %add3A_998 = arith.addi %mul3A_2, %add3A_997 : i32
    %dma_start3A_999 = arith.constant 1 : i32
    %dma_start3A_1000 = arith.constant 0 : i32
    %dma_start3A_1001 = tpu.memref_slice %arg5[%dma_start3A_999, %add3A_998, %dma_start3A_1000] : memref<4x4096x1024xf32, #tpu.memory_space<hbm>> -> memref<1x16x1024xf32, #tpu.memory_space<hbm>>
    %dma_start3A_1002 = tpu.memref_squeeze %dma_start3A_1001 : memref<1x16x1024xf32, #tpu.memory_space<hbm>> -> memref<16x1024xf32, #tpu.memory_space<hbm>>
    %dma_start3A_1003 = arith.constant 0 : i32
    %dma_start3A_1004 = tpu.memref_slice %arg5[%dma_start3A_999, %add3A_998, %dma_start3A_1003] : memref<4x4096x1024xf32, #tpu.memory_space<hbm>> -> memref<1x16x1024xf32, #tpu.memory_space<hbm>>
    %dma_start3A_1005 = tpu.memref_squeeze %dma_start3A_1004 : memref<1x16x1024xf32, #tpu.memory_space<hbm>> -> memref<16x1024xf32, #tpu.memory_space<hbm>>
    tpu.enqueue_dma source(%arg9 : memref<16x1024xf32, #tpu.memory_space<vmem>>) target(%dma_start3A_1005 : memref<16x1024xf32, #tpu.memory_space<hbm>>) target_semaphore(%arg19 : memref<!tpu.dma_semaphore, #tpu.memory_space<semaphore_mem>>)
    %dma_wait3A_1006 = arith.constant 2 : i32
    %dma_wait3A_1007 = arith.constant 96 : i32
    %dma_wait3A_1008 = tpu.memref_slice %arg6[%dma_wait3A_1006, %dma_wait3A_1007] : memref<4x128xi32, #tpu.memory_space<vmem>> -> memref<1x16xi32, #tpu.memory_space<vmem>>
    %dma_wait3A_1009 = tpu.memref_squeeze %dma_wait3A_1008 : memref<1x16xi32, #tpu.memory_space<vmem>> -> memref<16xi32, #tpu.memory_space<vmem>>
    %dma_wait3A_1010 = arith.constant 0 : i32
    %dma_wait3A_1011 = arith.constant 0 : i32
    %dma_wait3A_1012 = tpu.memref_slice %arg3[%dma_wait3A_1010, %dma_wait3A_1011] : memref<100000x1024xf32, #tpu.memory_space<hbm>> -> memref<100000x1024xf32, #tpu.memory_space<hbm>>
    tpu.wait_indirect_dma semaphore(%arg15 : memref<!tpu.dma_semaphore, #tpu.memory_space<semaphore_mem>>) src(%dma_wait3A_1012 : memref<100000x1024xf32, #tpu.memory_space<hbm>>) dst(%arg10 : memref<16x1024xf32, #tpu.memory_space<vmem>>)
    %delay3A_1013 = arith.constant 32 : i32
    tpu.delay %delay3A_1013
    %parallel_loop3A_1014 = arith.constant 0 : i32
    %parallel_loop3A_1015 = arith.constant 1024 : i32
    %parallel_loop3A_1016 = arith.constant 1 : i32
    scf.for %parallel_loop3A_1199 = %parallel_loop3A_1014 to %parallel_loop3A_1015 step %parallel_loop3A_1016  : i32 {
      %parallel_loop3A_1200 = arith.constant 6 : i32
      %parallel_loop3A_1201 = arith.shrsi %parallel_loop3A_1199, %parallel_loop3A_1200 : i32
      %parallel_loop3A_1202 = arith.constant 63 : i32
      %parallel_loop3A_1203 = arith.andi %parallel_loop3A_1199, %parallel_loop3A_1202 : i32
      %parallel_loop3A_1204 = arith.constant 4 : i32
      %parallel_loop3A_1205 = arith.shli %parallel_loop3A_1203, %parallel_loop3A_1204 : i32
      %parallel_loop3A_1206 = tpu.assume_multiple %parallel_loop3A_1205, 16 : i32
      %parallel_loop3A_1207 = arith.index_cast %parallel_loop3A_1201 : i32 to index
      %parallel_loop3A_1208 = arith.index_cast %parallel_loop3A_1206 : i32 to index
      %parallel_loop3A_1209 = tpu.vector_load %arg7[%parallel_loop3A_1207, %parallel_loop3A_1208] {strides = array<i32>} : memref<16x1024xf32, #tpu.memory_space<vmem>>, vector<1x16xf32>,
      %parallel_loop3A_1210 = vector.shape_cast %parallel_loop3A_1209 : vector<1x16xf32> to vector<16xf32>
      %parallel_loop3A_1211 = arith.index_cast %parallel_loop3A_1201 : i32 to index
      %parallel_loop3A_1212 = arith.index_cast %parallel_loop3A_1206 : i32 to index
      %parallel_loop3A_1213 = tpu.vector_load %arg10[%parallel_loop3A_1211, %parallel_loop3A_1212] {strides = array<i32>} : memref<16x1024xf32, #tpu.memory_space<vmem>>, vector<1x16xf32>,
      %parallel_loop3A_1214 = vector.shape_cast %parallel_loop3A_1213 : vector<1x16xf32> to vector<16xf32>
      %parallel_loop3A_1215 = vector.shape_cast %parallel_loop3A_1210 : vector<16xf32> to vector<1x16xf32>
      tpu.vector_store %arg10[%parallel_loop3A_1211, %parallel_loop3A_1212], %parallel_loop3A_1215 {add = true, strides = array<i32>} : memref<16x1024xf32, #tpu.memory_space<vmem>>, vector<1x16xf32>,
    } {sc.loop_unroll_factor = 4 : i64, sc.parallel_access}
    %delay3A_1017 = arith.constant 32 : i32
    tpu.delay %delay3A_1017
    %dma_wait3A_1018 = arith.constant 1 : i32
    %dma_wait3A_1019 = arith.constant 0 : i32
    %dma_wait3A_1020 = tpu.memref_slice %arg5[%dma_wait3A_1018, %add3A_998, %dma_wait3A_1019] : memref<4x4096x1024xf32, #tpu.memory_space<hbm>> -> memref<1x16x1024xf32, #tpu.memory_space<hbm>>
    %dma_wait3A_1021 = tpu.memref_squeeze %dma_wait3A_1020 : memref<1x16x1024xf32, #tpu.memory_space<hbm>> -> memref<16x1024xf32, #tpu.memory_space<hbm>>
    %dma_wait3A_1022 = arith.constant 0 : i32
    %dma_wait3A_1023 = tpu.memref_slice %arg5[%dma_wait3A_1018, %add3A_998, %dma_wait3A_1022] : memref<4x4096x1024xf32, #tpu.memory_space<hbm>> -> memref<1x16x1024xf32, #tpu.memory_space<hbm>>
    %dma_wait3A_1024 = tpu.memref_squeeze %dma_wait3A_1023 : memref<1x16x1024xf32, #tpu.memory_space<hbm>> -> memref<16x1024xf32, #tpu.memory_space<hbm>>
    tpu.wait_dma2 semaphore(%arg19 : memref<!tpu.dma_semaphore, #tpu.memory_space<semaphore_mem>>) src(%arg9 : memref<16x1024xf32, #tpu.memory_space<vmem>>) dst(%dma_wait3A_1024 : memref<16x1024xf32, #tpu.memory_space<hbm>>)
    %dma_start3A_1025 = arith.constant 2 : i32
    %dma_start3A_1026 = arith.constant 112 : i32
    %dma_start3A_1027 = tpu.memref_slice %arg6[%dma_start3A_1025, %dma_start3A_1026] : memref<4x128xi32, #tpu.memory_space<vmem>> -> memref<1x16xi32, #tpu.memory_space<vmem>>
    %dma_start3A_1028 = tpu.memref_squeeze %dma_start3A_1027 : memref<1x16xi32, #tpu.memory_space<vmem>> -> memref<16xi32, #tpu.memory_space<vmem>>
    %dma_start3A_1029 = arith.constant 0 : i32
    %dma_start3A_1030 = arith.constant 0 : i32
    %dma_start3A_1031 = tpu.memref_slice %arg3[%dma_start3A_1029, %dma_start3A_1030] : memref<100000x1024xf32, #tpu.memory_space<hbm>> -> memref<100000x1024xf32, #tpu.memory_space<hbm>>
    tpu.enqueue_indirect_dma source(%dma_start3A_1031 : memref<100000x1024xf32, #tpu.memory_space<hbm>>) target(%arg9 : memref<16x1024xf32, #tpu.memory_space<vmem>>) offsets(%dma_start3A_1028 : memref<16xi32, #tpu.memory_space<vmem>>) semaphore(%arg14 : memref<!tpu.dma_semaphore, #tpu.memory_space<semaphore_mem>>)
    %add3A_1032 = arith.constant 96 : i32
    %add3A_1033 = arith.addi %mul3A_2, %add3A_1032 : i32
    %dma_start3A_1034 = arith.constant 2 : i32
    %dma_start3A_1035 = arith.constant 0 : i32
    %dma_start3A_1036 = tpu.memref_slice %arg5[%dma_start3A_1034, %add3A_1033, %dma_start3A_1035] : memref<4x4096x1024xf32, #tpu.memory_space<hbm>> -> memref<1x16x1024xf32, #tpu.memory_space<hbm>>
    %dma_start3A_1037 = tpu.memref_squeeze %dma_start3A_1036 : memref<1x16x1024xf32, #tpu.memory_space<hbm>> -> memref<16x1024xf32, #tpu.memory_space<hbm>>
    %dma_start3A_1038 = arith.constant 0 : i32
    %dma_start3A_1039 = tpu.memref_slice %arg5[%dma_start3A_1034, %add3A_1033, %dma_start3A_1038] : memref<4x4096x1024xf32, #tpu.memory_space<hbm>> -> memref<1x16x1024xf32, #tpu.memory_space<hbm>>
    %dma_start3A_1040 = tpu.memref_squeeze %dma_start3A_1039 : memref<1x16x1024xf32, #tpu.memory_space<hbm>> -> memref<16x1024xf32, #tpu.memory_space<hbm>>
    tpu.enqueue_dma source(%arg10 : memref<16x1024xf32, #tpu.memory_space<vmem>>) target(%dma_start3A_1040 : memref<16x1024xf32, #tpu.memory_space<hbm>>) target_semaphore(%arg20 : memref<!tpu.dma_semaphore, #tpu.memory_space<semaphore_mem>>)
    %dma_wait3A_1041 = arith.constant 3 : i32
    %dma_wait3A_1042 = arith.constant 96 : i32
    %dma_wait3A_1043 = tpu.memref_slice %arg6[%dma_wait3A_1041, %dma_wait3A_1042] : memref<4x128xi32, #tpu.memory_space<vmem>> -> memref<1x16xi32, #tpu.memory_space<vmem>>
    %dma_wait3A_1044 = tpu.memref_squeeze %dma_wait3A_1043 : memref<1x16xi32, #tpu.memory_space<vmem>> -> memref<16xi32, #tpu.memory_space<vmem>>
    %dma_wait3A_1045 = arith.constant 0 : i32
    %dma_wait3A_1046 = arith.constant 0 : i32
    %dma_wait3A_1047 = tpu.memref_slice %arg3[%dma_wait3A_1045, %dma_wait3A_1046] : memref<100000x1024xf32, #tpu.memory_space<hbm>> -> memref<100000x1024xf32, #tpu.memory_space<hbm>>
    tpu.wait_indirect_dma semaphore(%arg16 : memref<!tpu.dma_semaphore, #tpu.memory_space<semaphore_mem>>) src(%dma_wait3A_1047 : memref<100000x1024xf32, #tpu.memory_space<hbm>>) dst(%arg11 : memref<16x1024xf32, #tpu.memory_space<vmem>>)
    %delay3A_1048 = arith.constant 32 : i32
    tpu.delay %delay3A_1048
    %parallel_loop3A_1049 = arith.constant 0 : i32
    %parallel_loop3A_1050 = arith.constant 1024 : i32
    %parallel_loop3A_1051 = arith.constant 1 : i32
    scf.for %parallel_loop3A_1199 = %parallel_loop3A_1049 to %parallel_loop3A_1050 step %parallel_loop3A_1051  : i32 {
      %parallel_loop3A_1200 = arith.constant 6 : i32
      %parallel_loop3A_1201 = arith.shrsi %parallel_loop3A_1199, %parallel_loop3A_1200 : i32
      %parallel_loop3A_1202 = arith.constant 63 : i32
      %parallel_loop3A_1203 = arith.andi %parallel_loop3A_1199, %parallel_loop3A_1202 : i32
      %parallel_loop3A_1204 = arith.constant 4 : i32
      %parallel_loop3A_1205 = arith.shli %parallel_loop3A_1203, %parallel_loop3A_1204 : i32
      %parallel_loop3A_1206 = tpu.assume_multiple %parallel_loop3A_1205, 16 : i32
      %parallel_loop3A_1207 = arith.index_cast %parallel_loop3A_1201 : i32 to index
      %parallel_loop3A_1208 = arith.index_cast %parallel_loop3A_1206 : i32 to index
      %parallel_loop3A_1209 = tpu.vector_load %arg7[%parallel_loop3A_1207, %parallel_loop3A_1208] {strides = array<i32>} : memref<16x1024xf32, #tpu.memory_space<vmem>>, vector<1x16xf32>,
      %parallel_loop3A_1210 = vector.shape_cast %parallel_loop3A_1209 : vector<1x16xf32> to vector<16xf32>
      %parallel_loop3A_1211 = arith.index_cast %parallel_loop3A_1201 : i32 to index
      %parallel_loop3A_1212 = arith.index_cast %parallel_loop3A_1206 : i32 to index
      %parallel_loop3A_1213 = tpu.vector_load %arg11[%parallel_loop3A_1211, %parallel_loop3A_1212] {strides = array<i32>} : memref<16x1024xf32, #tpu.memory_space<vmem>>, vector<1x16xf32>,
      %parallel_loop3A_1214 = vector.shape_cast %parallel_loop3A_1213 : vector<1x16xf32> to vector<16xf32>
      %parallel_loop3A_1215 = vector.shape_cast %parallel_loop3A_1210 : vector<16xf32> to vector<1x16xf32>
      tpu.vector_store %arg11[%parallel_loop3A_1211, %parallel_loop3A_1212], %parallel_loop3A_1215 {add = true, strides = array<i32>} : memref<16x1024xf32, #tpu.memory_space<vmem>>, vector<1x16xf32>,
    } {sc.loop_unroll_factor = 4 : i64, sc.parallel_access}
    %delay3A_1052 = arith.constant 32 : i32
    tpu.delay %delay3A_1052
    %dma_wait3A_1053 = arith.constant 2 : i32
    %dma_wait3A_1054 = arith.constant 0 : i32
    %dma_wait3A_1055 = tpu.memref_slice %arg5[%dma_wait3A_1053, %add3A_1033, %dma_wait3A_1054] : memref<4x4096x1024xf32, #tpu.memory_space<hbm>> -> memref<1x16x1024xf32, #tpu.memory_space<hbm>>
    %dma_wait3A_1056 = tpu.memref_squeeze %dma_wait3A_1055 : memref<1x16x1024xf32, #tpu.memory_space<hbm>> -> memref<16x1024xf32, #tpu.memory_space<hbm>>
    %dma_wait3A_1057 = arith.constant 0 : i32
    %dma_wait3A_1058 = tpu.memref_slice %arg5[%dma_wait3A_1053, %add3A_1033, %dma_wait3A_1057] : memref<4x4096x1024xf32, #tpu.memory_space<hbm>> -> memref<1x16x1024xf32, #tpu.memory_space<hbm>>
    %dma_wait3A_1059 = tpu.memref_squeeze %dma_wait3A_1058 : memref<1x16x1024xf32, #tpu.memory_space<hbm>> -> memref<16x1024xf32, #tpu.memory_space<hbm>>
    tpu.wait_dma2 semaphore(%arg20 : memref<!tpu.dma_semaphore, #tpu.memory_space<semaphore_mem>>) src(%arg10 : memref<16x1024xf32, #tpu.memory_space<vmem>>) dst(%dma_wait3A_1059 : memref<16x1024xf32, #tpu.memory_space<hbm>>)
    %dma_start3A_1060 = arith.constant 3 : i32
    %dma_start3A_1061 = arith.constant 112 : i32
    %dma_start3A_1062 = tpu.memref_slice %arg6[%dma_start3A_1060, %dma_start3A_1061] : memref<4x128xi32, #tpu.memory_space<vmem>> -> memref<1x16xi32, #tpu.memory_space<vmem>>
    %dma_start3A_1063 = tpu.memref_squeeze %dma_start3A_1062 : memref<1x16xi32, #tpu.memory_space<vmem>> -> memref<16xi32, #tpu.memory_space<vmem>>
    %dma_start3A_1064 = arith.constant 0 : i32
    %dma_start3A_1065 = arith.constant 0 : i32
    %dma_start3A_1066 = tpu.memref_slice %arg3[%dma_start3A_1064, %dma_start3A_1065] : memref<100000x1024xf32, #tpu.memory_space<hbm>> -> memref<100000x1024xf32, #tpu.memory_space<hbm>>
    tpu.enqueue_indirect_dma source(%dma_start3A_1066 : memref<100000x1024xf32, #tpu.memory_space<hbm>>) target(%arg10 : memref<16x1024xf32, #tpu.memory_space<vmem>>) offsets(%dma_start3A_1063 : memref<16xi32, #tpu.memory_space<vmem>>) semaphore(%arg15 : memref<!tpu.dma_semaphore, #tpu.memory_space<semaphore_mem>>)
    %add3A_1067 = arith.constant 96 : i32
    %add3A_1068 = arith.addi %mul3A_2, %add3A_1067 : i32
    %dma_start3A_1069 = arith.constant 3 : i32
    %dma_start3A_1070 = arith.constant 0 : i32
    %dma_start3A_1071 = tpu.memref_slice %arg5[%dma_start3A_1069, %add3A_1068, %dma_start3A_1070] : memref<4x4096x1024xf32, #tpu.memory_space<hbm>> -> memref<1x16x1024xf32, #tpu.memory_space<hbm>>
    %dma_start3A_1072 = tpu.memref_squeeze %dma_start3A_1071 : memref<1x16x1024xf32, #tpu.memory_space<hbm>> -> memref<16x1024xf32, #tpu.memory_space<hbm>>
    %dma_start3A_1073 = arith.constant 0 : i32
    %dma_start3A_1074 = tpu.memref_slice %arg5[%dma_start3A_1069, %add3A_1068, %dma_start3A_1073] : memref<4x4096x1024xf32, #tpu.memory_space<hbm>> -> memref<1x16x1024xf32, #tpu.memory_space<hbm>>
    %dma_start3A_1075 = tpu.memref_squeeze %dma_start3A_1074 : memref<1x16x1024xf32, #tpu.memory_space<hbm>> -> memref<16x1024xf32, #tpu.memory_space<hbm>>
    tpu.enqueue_dma source(%arg11 : memref<16x1024xf32, #tpu.memory_space<vmem>>) target(%dma_start3A_1075 : memref<16x1024xf32, #tpu.memory_space<hbm>>) target_semaphore(%arg21 : memref<!tpu.dma_semaphore, #tpu.memory_space<semaphore_mem>>)
    %dma_wait3A_1076 = arith.constant 0 : i32
    %dma_wait3A_1077 = tpu.memref_slice %arg4[%add3A_943, %dma_wait3A_1076] : memref<4096x1024xf32, #tpu.memory_space<hbm>> -> memref<16x1024xf32, #tpu.memory_space<hbm>>
    %dma_wait3A_1078 = arith.constant 0 : i32
    %dma_wait3A_1079 = tpu.memref_slice %arg4[%add3A_943, %dma_wait3A_1078] : memref<4096x1024xf32, #tpu.memory_space<hbm>> -> memref<16x1024xf32, #tpu.memory_space<hbm>>
    tpu.wait_dma2 semaphore(%arg25 : memref<!tpu.dma_semaphore, #tpu.memory_space<semaphore_mem>>) src(%dma_wait3A_1079 : memref<16x1024xf32, #tpu.memory_space<hbm>>) dst(%arg8 : memref<16x1024xf32, #tpu.memory_space<vmem>>)
    %dma_wait3A_1080 = arith.constant 0 : i32
    %dma_wait3A_1081 = arith.constant 112 : i32
    %dma_wait3A_1082 = tpu.memref_slice %arg6[%dma_wait3A_1080, %dma_wait3A_1081] : memref<4x128xi32, #tpu.memory_space<vmem>> -> memref<1x16xi32, #tpu.memory_space<vmem>>
    %dma_wait3A_1083 = tpu.memref_squeeze %dma_wait3A_1082 : memref<1x16xi32, #tpu.memory_space<vmem>> -> memref<16xi32, #tpu.memory_space<vmem>>
    %dma_wait3A_1084 = arith.constant 0 : i32
    %dma_wait3A_1085 = arith.constant 0 : i32
    %dma_wait3A_1086 = tpu.memref_slice %arg3[%dma_wait3A_1084, %dma_wait3A_1085] : memref<100000x1024xf32, #tpu.memory_space<hbm>> -> memref<100000x1024xf32, #tpu.memory_space<hbm>>
    tpu.wait_indirect_dma semaphore(%arg17 : memref<!tpu.dma_semaphore, #tpu.memory_space<semaphore_mem>>) src(%dma_wait3A_1086 : memref<100000x1024xf32, #tpu.memory_space<hbm>>) dst(%arg12 : memref<16x1024xf32, #tpu.memory_space<vmem>>)
    %delay3A_1087 = arith.constant 32 : i32
    tpu.delay %delay3A_1087
    %parallel_loop3A_1088 = arith.constant 0 : i32
    %parallel_loop3A_1089 = arith.constant 1024 : i32
    %parallel_loop3A_1090 = arith.constant 1 : i32
    scf.for %parallel_loop3A_1199 = %parallel_loop3A_1088 to %parallel_loop3A_1089 step %parallel_loop3A_1090  : i32 {
      %parallel_loop3A_1200 = arith.constant 6 : i32
      %parallel_loop3A_1201 = arith.shrsi %parallel_loop3A_1199, %parallel_loop3A_1200 : i32
      %parallel_loop3A_1202 = arith.constant 63 : i32
      %parallel_loop3A_1203 = arith.andi %parallel_loop3A_1199, %parallel_loop3A_1202 : i32
      %parallel_loop3A_1204 = arith.constant 4 : i32
      %parallel_loop3A_1205 = arith.shli %parallel_loop3A_1203, %parallel_loop3A_1204 : i32
      %parallel_loop3A_1206 = tpu.assume_multiple %parallel_loop3A_1205, 16 : i32
      %parallel_loop3A_1207 = arith.index_cast %parallel_loop3A_1201 : i32 to index
      %parallel_loop3A_1208 = arith.index_cast %parallel_loop3A_1206 : i32 to index
      %parallel_loop3A_1209 = tpu.vector_load %arg8[%parallel_loop3A_1207, %parallel_loop3A_1208] {strides = array<i32>} : memref<16x1024xf32, #tpu.memory_space<vmem>>, vector<1x16xf32>,
      %parallel_loop3A_1210 = vector.shape_cast %parallel_loop3A_1209 : vector<1x16xf32> to vector<16xf32>
      %parallel_loop3A_1211 = arith.index_cast %parallel_loop3A_1201 : i32 to index
      %parallel_loop3A_1212 = arith.index_cast %parallel_loop3A_1206 : i32 to index
      %parallel_loop3A_1213 = tpu.vector_load %arg12[%parallel_loop3A_1211, %parallel_loop3A_1212] {strides = array<i32>} : memref<16x1024xf32, #tpu.memory_space<vmem>>, vector<1x16xf32>,
      %parallel_loop3A_1214 = vector.shape_cast %parallel_loop3A_1213 : vector<1x16xf32> to vector<16xf32>
      %parallel_loop3A_1215 = vector.shape_cast %parallel_loop3A_1210 : vector<16xf32> to vector<1x16xf32>
      tpu.vector_store %arg12[%parallel_loop3A_1211, %parallel_loop3A_1212], %parallel_loop3A_1215 {add = true, strides = array<i32>} : memref<16x1024xf32, #tpu.memory_space<vmem>>, vector<1x16xf32>,
    } {sc.loop_unroll_factor = 4 : i64, sc.parallel_access}
    %delay3A_1091 = arith.constant 32 : i32
    tpu.delay %delay3A_1091
    %add3A_1092 = arith.constant 112 : i32
    %add3A_1093 = arith.addi %mul3A_2, %add3A_1092 : i32
    %dma_start3A_1094 = arith.constant 0 : i32
    %dma_start3A_1095 = arith.constant 0 : i32
    %dma_start3A_1096 = tpu.memref_slice %arg5[%dma_start3A_1094, %add3A_1093, %dma_start3A_1095] : memref<4x4096x1024xf32, #tpu.memory_space<hbm>> -> memref<1x16x1024xf32, #tpu.memory_space<hbm>>
    %dma_start3A_1097 = tpu.memref_squeeze %dma_start3A_1096 : memref<1x16x1024xf32, #tpu.memory_space<hbm>> -> memref<16x1024xf32, #tpu.memory_space<hbm>>
    %dma_start3A_1098 = arith.constant 0 : i32
    %dma_start3A_1099 = tpu.memref_slice %arg5[%dma_start3A_1094, %add3A_1093, %dma_start3A_1098] : memref<4x4096x1024xf32, #tpu.memory_space<hbm>> -> memref<1x16x1024xf32, #tpu.memory_space<hbm>>
    %dma_start3A_1100 = tpu.memref_squeeze %dma_start3A_1099 : memref<1x16x1024xf32, #tpu.memory_space<hbm>> -> memref<16x1024xf32, #tpu.memory_space<hbm>>
    tpu.enqueue_dma source(%arg12 : memref<16x1024xf32, #tpu.memory_space<vmem>>) target(%dma_start3A_1100 : memref<16x1024xf32, #tpu.memory_space<hbm>>) target_semaphore(%arg22 : memref<!tpu.dma_semaphore, #tpu.memory_space<semaphore_mem>>)
    %dma_wait3A_1101 = arith.constant 1 : i32
    %dma_wait3A_1102 = arith.constant 112 : i32
    %dma_wait3A_1103 = tpu.memref_slice %arg6[%dma_wait3A_1101, %dma_wait3A_1102] : memref<4x128xi32, #tpu.memory_space<vmem>> -> memref<1x16xi32, #tpu.memory_space<vmem>>
    %dma_wait3A_1104 = tpu.memref_squeeze %dma_wait3A_1103 : memref<1x16xi32, #tpu.memory_space<vmem>> -> memref<16xi32, #tpu.memory_space<vmem>>
    %dma_wait3A_1105 = arith.constant 0 : i32
    %dma_wait3A_1106 = arith.constant 0 : i32
    %dma_wait3A_1107 = tpu.memref_slice %arg3[%dma_wait3A_1105, %dma_wait3A_1106] : memref<100000x1024xf32, #tpu.memory_space<hbm>> -> memref<100000x1024xf32, #tpu.memory_space<hbm>>
    tpu.wait_indirect_dma semaphore(%arg18 : memref<!tpu.dma_semaphore, #tpu.memory_space<semaphore_mem>>) src(%dma_wait3A_1107 : memref<100000x1024xf32, #tpu.memory_space<hbm>>) dst(%arg13 : memref<16x1024xf32, #tpu.memory_space<vmem>>)
    %delay3A_1108 = arith.constant 32 : i32
    tpu.delay %delay3A_1108
    %parallel_loop3A_1109 = arith.constant 0 : i32
    %parallel_loop3A_1110 = arith.constant 1024 : i32
    %parallel_loop3A_1111 = arith.constant 1 : i32
    scf.for %parallel_loop3A_1199 = %parallel_loop3A_1109 to %parallel_loop3A_1110 step %parallel_loop3A_1111  : i32 {
      %parallel_loop3A_1200 = arith.constant 6 : i32
      %parallel_loop3A_1201 = arith.shrsi %parallel_loop3A_1199, %parallel_loop3A_1200 : i32
      %parallel_loop3A_1202 = arith.constant 63 : i32
      %parallel_loop3A_1203 = arith.andi %parallel_loop3A_1199, %parallel_loop3A_1202 : i32
      %parallel_loop3A_1204 = arith.constant 4 : i32
      %parallel_loop3A_1205 = arith.shli %parallel_loop3A_1203, %parallel_loop3A_1204 : i32
      %parallel_loop3A_1206 = tpu.assume_multiple %parallel_loop3A_1205, 16 : i32
      %parallel_loop3A_1207 = arith.index_cast %parallel_loop3A_1201 : i32 to index
      %parallel_loop3A_1208 = arith.index_cast %parallel_loop3A_1206 : i32 to index
      %parallel_loop3A_1209 = tpu.vector_load %arg8[%parallel_loop3A_1207, %parallel_loop3A_1208] {strides = array<i32>} : memref<16x1024xf32, #tpu.memory_space<vmem>>, vector<1x16xf32>,
      %parallel_loop3A_1210 = vector.shape_cast %parallel_loop3A_1209 : vector<1x16xf32> to vector<16xf32>
      %parallel_loop3A_1211 = arith.index_cast %parallel_loop3A_1201 : i32 to index
      %parallel_loop3A_1212 = arith.index_cast %parallel_loop3A_1206 : i32 to index
      %parallel_loop3A_1213 = tpu.vector_load %arg13[%parallel_loop3A_1211, %parallel_loop3A_1212] {strides = array<i32>} : memref<16x1024xf32, #tpu.memory_space<vmem>>, vector<1x16xf32>,
      %parallel_loop3A_1214 = vector.shape_cast %parallel_loop3A_1213 : vector<1x16xf32> to vector<16xf32>
      %parallel_loop3A_1215 = vector.shape_cast %parallel_loop3A_1210 : vector<16xf32> to vector<1x16xf32>
      tpu.vector_store %arg13[%parallel_loop3A_1211, %parallel_loop3A_1212], %parallel_loop3A_1215 {add = true, strides = array<i32>} : memref<16x1024xf32, #tpu.memory_space<vmem>>, vector<1x16xf32>,
    } {sc.loop_unroll_factor = 4 : i64, sc.parallel_access}
    %delay3A_1112 = arith.constant 32 : i32
    tpu.delay %delay3A_1112
    %add3A_1113 = arith.constant 112 : i32
    %add3A_1114 = arith.addi %mul3A_2, %add3A_1113 : i32
    %dma_start3A_1115 = arith.constant 1 : i32
    %dma_start3A_1116 = arith.constant 0 : i32
    %dma_start3A_1117 = tpu.memref_slice %arg5[%dma_start3A_1115, %add3A_1114, %dma_start3A_1116] : memref<4x4096x1024xf32, #tpu.memory_space<hbm>> -> memref<1x16x1024xf32, #tpu.memory_space<hbm>>
    %dma_start3A_1118 = tpu.memref_squeeze %dma_start3A_1117 : memref<1x16x1024xf32, #tpu.memory_space<hbm>> -> memref<16x1024xf32, #tpu.memory_space<hbm>>
    %dma_start3A_1119 = arith.constant 0 : i32
    %dma_start3A_1120 = tpu.memref_slice %arg5[%dma_start3A_1115, %add3A_1114, %dma_start3A_1119] : memref<4x4096x1024xf32, #tpu.memory_space<hbm>> -> memref<1x16x1024xf32, #tpu.memory_space<hbm>>
    %dma_start3A_1121 = tpu.memref_squeeze %dma_start3A_1120 : memref<1x16x1024xf32, #tpu.memory_space<hbm>> -> memref<16x1024xf32, #tpu.memory_space<hbm>>
    tpu.enqueue_dma source(%arg13 : memref<16x1024xf32, #tpu.memory_space<vmem>>) target(%dma_start3A_1121 : memref<16x1024xf32, #tpu.memory_space<hbm>>) target_semaphore(%arg23 : memref<!tpu.dma_semaphore, #tpu.memory_space<semaphore_mem>>)
    %dma_wait3A_1122 = arith.constant 2 : i32
    %dma_wait3A_1123 = arith.constant 112 : i32
    %dma_wait3A_1124 = tpu.memref_slice %arg6[%dma_wait3A_1122, %dma_wait3A_1123] : memref<4x128xi32, #tpu.memory_space<vmem>> -> memref<1x16xi32, #tpu.memory_space<vmem>>
    %dma_wait3A_1125 = tpu.memref_squeeze %dma_wait3A_1124 : memref<1x16xi32, #tpu.memory_space<vmem>> -> memref<16xi32, #tpu.memory_space<vmem>>
    %dma_wait3A_1126 = arith.constant 0 : i32
    %dma_wait3A_1127 = arith.constant 0 : i32
    %dma_wait3A_1128 = tpu.memref_slice %arg3[%dma_wait3A_1126, %dma_wait3A_1127] : memref<100000x1024xf32, #tpu.memory_space<hbm>> -> memref<100000x1024xf32, #tpu.memory_space<hbm>>
    tpu.wait_indirect_dma semaphore(%arg14 : memref<!tpu.dma_semaphore, #tpu.memory_space<semaphore_mem>>) src(%dma_wait3A_1128 : memref<100000x1024xf32, #tpu.memory_space<hbm>>) dst(%arg9 : memref<16x1024xf32, #tpu.memory_space<vmem>>)
    %delay3A_1129 = arith.constant 32 : i32
    tpu.delay %delay3A_1129
    %parallel_loop3A_1130 = arith.constant 0 : i32
    %parallel_loop3A_1131 = arith.constant 1024 : i32
    %parallel_loop3A_1132 = arith.constant 1 : i32
    scf.for %parallel_loop3A_1199 = %parallel_loop3A_1130 to %parallel_loop3A_1131 step %parallel_loop3A_1132  : i32 {
      %parallel_loop3A_1200 = arith.constant 6 : i32
      %parallel_loop3A_1201 = arith.shrsi %parallel_loop3A_1199, %parallel_loop3A_1200 : i32
      %parallel_loop3A_1202 = arith.constant 63 : i32
      %parallel_loop3A_1203 = arith.andi %parallel_loop3A_1199, %parallel_loop3A_1202 : i32
      %parallel_loop3A_1204 = arith.constant 4 : i32
      %parallel_loop3A_1205 = arith.shli %parallel_loop3A_1203, %parallel_loop3A_1204 : i32
      %parallel_loop3A_1206 = tpu.assume_multiple %parallel_loop3A_1205, 16 : i32
      %parallel_loop3A_1207 = arith.index_cast %parallel_loop3A_1201 : i32 to index
      %parallel_loop3A_1208 = arith.index_cast %parallel_loop3A_1206 : i32 to index
      %parallel_loop3A_1209 = tpu.vector_load %arg8[%parallel_loop3A_1207, %parallel_loop3A_1208] {strides = array<i32>} : memref<16x1024xf32, #tpu.memory_space<vmem>>, vector<1x16xf32>,
      %parallel_loop3A_1210 = vector.shape_cast %parallel_loop3A_1209 : vector<1x16xf32> to vector<16xf32>
      %parallel_loop3A_1211 = arith.index_cast %parallel_loop3A_1201 : i32 to index
      %parallel_loop3A_1212 = arith.index_cast %parallel_loop3A_1206 : i32 to index
      %parallel_loop3A_1213 = tpu.vector_load %arg9[%parallel_loop3A_1211, %parallel_loop3A_1212] {strides = array<i32>} : memref<16x1024xf32, #tpu.memory_space<vmem>>, vector<1x16xf32>,
      %parallel_loop3A_1214 = vector.shape_cast %parallel_loop3A_1213 : vector<1x16xf32> to vector<16xf32>
      %parallel_loop3A_1215 = vector.shape_cast %parallel_loop3A_1210 : vector<16xf32> to vector<1x16xf32>
      tpu.vector_store %arg9[%parallel_loop3A_1211, %parallel_loop3A_1212], %parallel_loop3A_1215 {add = true, strides = array<i32>} : memref<16x1024xf32, #tpu.memory_space<vmem>>, vector<1x16xf32>,
    } {sc.loop_unroll_factor = 4 : i64, sc.parallel_access}
    %delay3A_1133 = arith.constant 32 : i32
    tpu.delay %delay3A_1133
    %add3A_1134 = arith.constant 112 : i32
    %add3A_1135 = arith.addi %mul3A_2, %add3A_1134 : i32
    %dma_start3A_1136 = arith.constant 2 : i32
    %dma_start3A_1137 = arith.constant 0 : i32
    %dma_start3A_1138 = tpu.memref_slice %arg5[%dma_start3A_1136, %add3A_1135, %dma_start3A_1137] : memref<4x4096x1024xf32, #tpu.memory_space<hbm>> -> memref<1x16x1024xf32, #tpu.memory_space<hbm>>
    %dma_start3A_1139 = tpu.memref_squeeze %dma_start3A_1138 : memref<1x16x1024xf32, #tpu.memory_space<hbm>> -> memref<16x1024xf32, #tpu.memory_space<hbm>>
    %dma_start3A_1140 = arith.constant 0 : i32
    %dma_start3A_1141 = tpu.memref_slice %arg5[%dma_start3A_1136, %add3A_1135, %dma_start3A_1140] : memref<4x4096x1024xf32, #tpu.memory_space<hbm>> -> memref<1x16x1024xf32, #tpu.memory_space<hbm>>
    %dma_start3A_1142 = tpu.memref_squeeze %dma_start3A_1141 : memref<1x16x1024xf32, #tpu.memory_space<hbm>> -> memref<16x1024xf32, #tpu.memory_space<hbm>>
    tpu.enqueue_dma source(%arg9 : memref<16x1024xf32, #tpu.memory_space<vmem>>) target(%dma_start3A_1142 : memref<16x1024xf32, #tpu.memory_space<hbm>>) target_semaphore(%arg19 : memref<!tpu.dma_semaphore, #tpu.memory_space<semaphore_mem>>)
    %dma_wait3A_1143 = arith.constant 3 : i32
    %dma_wait3A_1144 = arith.constant 112 : i32
    %dma_wait3A_1145 = tpu.memref_slice %arg6[%dma_wait3A_1143, %dma_wait3A_1144] : memref<4x128xi32, #tpu.memory_space<vmem>> -> memref<1x16xi32, #tpu.memory_space<vmem>>
    %dma_wait3A_1146 = tpu.memref_squeeze %dma_wait3A_1145 : memref<1x16xi32, #tpu.memory_space<vmem>> -> memref<16xi32, #tpu.memory_space<vmem>>
    %dma_wait3A_1147 = arith.constant 0 : i32
    %dma_wait3A_1148 = arith.constant 0 : i32
    %dma_wait3A_1149 = tpu.memref_slice %arg3[%dma_wait3A_1147, %dma_wait3A_1148] : memref<100000x1024xf32, #tpu.memory_space<hbm>> -> memref<100000x1024xf32, #tpu.memory_space<hbm>>
    tpu.wait_indirect_dma semaphore(%arg15 : memref<!tpu.dma_semaphore, #tpu.memory_space<semaphore_mem>>) src(%dma_wait3A_1149 : memref<100000x1024xf32, #tpu.memory_space<hbm>>) dst(%arg10 : memref<16x1024xf32, #tpu.memory_space<vmem>>)
    %delay3A_1150 = arith.constant 32 : i32
    tpu.delay %delay3A_1150
    %parallel_loop3A_1151 = arith.constant 0 : i32
    %parallel_loop3A_1152 = arith.constant 1024 : i32
    %parallel_loop3A_1153 = arith.constant 1 : i32
    scf.for %parallel_loop3A_1199 = %parallel_loop3A_1151 to %parallel_loop3A_1152 step %parallel_loop3A_1153  : i32 {
      %parallel_loop3A_1200 = arith.constant 6 : i32
      %parallel_loop3A_1201 = arith.shrsi %parallel_loop3A_1199, %parallel_loop3A_1200 : i32
      %parallel_loop3A_1202 = arith.constant 63 : i32
      %parallel_loop3A_1203 = arith.andi %parallel_loop3A_1199, %parallel_loop3A_1202 : i32
      %parallel_loop3A_1204 = arith.constant 4 : i32
      %parallel_loop3A_1205 = arith.shli %parallel_loop3A_1203, %parallel_loop3A_1204 : i32
      %parallel_loop3A_1206 = tpu.assume_multiple %parallel_loop3A_1205, 16 : i32
      %parallel_loop3A_1207 = arith.index_cast %parallel_loop3A_1201 : i32 to index
      %parallel_loop3A_1208 = arith.index_cast %parallel_loop3A_1206 : i32 to index
      %parallel_loop3A_1209 = tpu.vector_load %arg8[%parallel_loop3A_1207, %parallel_loop3A_1208] {strides = array<i32>} : memref<16x1024xf32, #tpu.memory_space<vmem>>, vector<1x16xf32>,
      %parallel_loop3A_1210 = vector.shape_cast %parallel_loop3A_1209 : vector<1x16xf32> to vector<16xf32>
      %parallel_loop3A_1211 = arith.index_cast %parallel_loop3A_1201 : i32 to index
      %parallel_loop3A_1212 = arith.index_cast %parallel_loop3A_1206 : i32 to index
      %parallel_loop3A_1213 = tpu.vector_load %arg10[%parallel_loop3A_1211, %parallel_loop3A_1212] {strides = array<i32>} : memref<16x1024xf32, #tpu.memory_space<vmem>>, vector<1x16xf32>,
      %parallel_loop3A_1214 = vector.shape_cast %parallel_loop3A_1213 : vector<1x16xf32> to vector<16xf32>
      %parallel_loop3A_1215 = vector.shape_cast %parallel_loop3A_1210 : vector<16xf32> to vector<1x16xf32>
      tpu.vector_store %arg10[%parallel_loop3A_1211, %parallel_loop3A_1212], %parallel_loop3A_1215 {add = true, strides = array<i32>} : memref<16x1024xf32, #tpu.memory_space<vmem>>, vector<1x16xf32>,
    } {sc.loop_unroll_factor = 4 : i64, sc.parallel_access}
    %delay3A_1154 = arith.constant 32 : i32
    tpu.delay %delay3A_1154
    %add3A_1155 = arith.constant 112 : i32
    %add3A_1156 = arith.addi %mul3A_2, %add3A_1155 : i32
    %dma_start3A_1157 = arith.constant 3 : i32
    %dma_start3A_1158 = arith.constant 0 : i32
    %dma_start3A_1159 = tpu.memref_slice %arg5[%dma_start3A_1157, %add3A_1156, %dma_start3A_1158] : memref<4x4096x1024xf32, #tpu.memory_space<hbm>> -> memref<1x16x1024xf32, #tpu.memory_space<hbm>>
    %dma_start3A_1160 = tpu.memref_squeeze %dma_start3A_1159 : memref<1x16x1024xf32, #tpu.memory_space<hbm>> -> memref<16x1024xf32, #tpu.memory_space<hbm>>
    %dma_start3A_1161 = arith.constant 0 : i32
    %dma_start3A_1162 = tpu.memref_slice %arg5[%dma_start3A_1157, %add3A_1156, %dma_start3A_1161] : memref<4x4096x1024xf32, #tpu.memory_space<hbm>> -> memref<1x16x1024xf32, #tpu.memory_space<hbm>>
    %dma_start3A_1163 = tpu.memref_squeeze %dma_start3A_1162 : memref<1x16x1024xf32, #tpu.memory_space<hbm>> -> memref<16x1024xf32, #tpu.memory_space<hbm>>
    tpu.enqueue_dma source(%arg10 : memref<16x1024xf32, #tpu.memory_space<vmem>>) target(%dma_start3A_1163 : memref<16x1024xf32, #tpu.memory_space<hbm>>) target_semaphore(%arg20 : memref<!tpu.dma_semaphore, #tpu.memory_space<semaphore_mem>>)
    %dma_wait3A_1164 = arith.constant 3 : i32
    %dma_wait3A_1165 = arith.constant 0 : i32
    %dma_wait3A_1166 = tpu.memref_slice %arg5[%dma_wait3A_1164, %add3A_1068, %dma_wait3A_1165] : memref<4x4096x1024xf32, #tpu.memory_space<hbm>> -> memref<1x16x1024xf32, #tpu.memory_space<hbm>>
    %dma_wait3A_1167 = tpu.memref_squeeze %dma_wait3A_1166 : memref<1x16x1024xf32, #tpu.memory_space<hbm>> -> memref<16x1024xf32, #tpu.memory_space<hbm>>
    %dma_wait3A_1168 = arith.constant 0 : i32
    %dma_wait3A_1169 = tpu.memref_slice %arg5[%dma_wait3A_1164, %add3A_1068, %dma_wait3A_1168] : memref<4x4096x1024xf32, #tpu.memory_space<hbm>> -> memref<1x16x1024xf32, #tpu.memory_space<hbm>>
    %dma_wait3A_1170 = tpu.memref_squeeze %dma_wait3A_1169 : memref<1x16x1024xf32, #tpu.memory_space<hbm>> -> memref<16x1024xf32, #tpu.memory_space<hbm>>
    tpu.wait_dma2 semaphore(%arg21 : memref<!tpu.dma_semaphore, #tpu.memory_space<semaphore_mem>>) src(%arg11 : memref<16x1024xf32, #tpu.memory_space<vmem>>) dst(%dma_wait3A_1170 : memref<16x1024xf32, #tpu.memory_space<hbm>>)
    %dma_wait3A_1171 = arith.constant 0 : i32
    %dma_wait3A_1172 = arith.constant 0 : i32
    %dma_wait3A_1173 = tpu.memref_slice %arg5[%dma_wait3A_1171, %add3A_1093, %dma_wait3A_1172] : memref<4x4096x1024xf32, #tpu.memory_space<hbm>> -> memref<1x16x1024xf32, #tpu.memory_space<hbm>>
    %dma_wait3A_1174 = tpu.memref_squeeze %dma_wait3A_1173 : memref<1x16x1024xf32, #tpu.memory_space<hbm>> -> memref<16x1024xf32, #tpu.memory_space<hbm>>
    %dma_wait3A_1175 = arith.constant 0 : i32
    %dma_wait3A_1176 = tpu.memref_slice %arg5[%dma_wait3A_1171, %add3A_1093, %dma_wait3A_1175] : memref<4x4096x1024xf32, #tpu.memory_space<hbm>> -> memref<1x16x1024xf32, #tpu.memory_space<hbm>>
    %dma_wait3A_1177 = tpu.memref_squeeze %dma_wait3A_1176 : memref<1x16x1024xf32, #tpu.memory_space<hbm>> -> memref<16x1024xf32, #tpu.memory_space<hbm>>
    tpu.wait_dma2 semaphore(%arg22 : memref<!tpu.dma_semaphore, #tpu.memory_space<semaphore_mem>>) src(%arg12 : memref<16x1024xf32, #tpu.memory_space<vmem>>) dst(%dma_wait3A_1177 : memref<16x1024xf32, #tpu.memory_space<hbm>>)
    %dma_wait3A_1178 = arith.constant 1 : i32
    %dma_wait3A_1179 = arith.constant 0 : i32
    %dma_wait3A_1180 = tpu.memref_slice %arg5[%dma_wait3A_1178, %add3A_1114, %dma_wait3A_1179] : memref<4x4096x1024xf32, #tpu.memory_space<hbm>> -> memref<1x16x1024xf32, #tpu.memory_space<hbm>>
    %dma_wait3A_1181 = tpu.memref_squeeze %dma_wait3A_1180 : memref<1x16x1024xf32, #tpu.memory_space<hbm>> -> memref<16x1024xf32, #tpu.memory_space<hbm>>
    %dma_wait3A_1182 = arith.constant 0 : i32
    %dma_wait3A_1183 = tpu.memref_slice %arg5[%dma_wait3A_1178, %add3A_1114, %dma_wait3A_1182] : memref<4x4096x1024xf32, #tpu.memory_space<hbm>> -> memref<1x16x1024xf32, #tpu.memory_space<hbm>>
    %dma_wait3A_1184 = tpu.memref_squeeze %dma_wait3A_1183 : memref<1x16x1024xf32, #tpu.memory_space<hbm>> -> memref<16x1024xf32, #tpu.memory_space<hbm>>
    tpu.wait_dma2 semaphore(%arg23 : memref<!tpu.dma_semaphore, #tpu.memory_space<semaphore_mem>>) src(%arg13 : memref<16x1024xf32, #tpu.memory_space<vmem>>) dst(%dma_wait3A_1184 : memref<16x1024xf32, #tpu.memory_space<hbm>>)
    %dma_wait3A_1185 = arith.constant 2 : i32
    %dma_wait3A_1186 = arith.constant 0 : i32
    %dma_wait3A_1187 = tpu.memref_slice %arg5[%dma_wait3A_1185, %add3A_1135, %dma_wait3A_1186] : memref<4x4096x1024xf32, #tpu.memory_space<hbm>> -> memref<1x16x1024xf32, #tpu.memory_space<hbm>>
    %dma_wait3A_1188 = tpu.memref_squeeze %dma_wait3A_1187 : memref<1x16x1024xf32, #tpu.memory_space<hbm>> -> memref<16x1024xf32, #tpu.memory_space<hbm>>
    %dma_wait3A_1189 = arith.constant 0 : i32
    %dma_wait3A_1190 = tpu.memref_slice %arg5[%dma_wait3A_1185, %add3A_1135, %dma_wait3A_1189] : memref<4x4096x1024xf32, #tpu.memory_space<hbm>> -> memref<1x16x1024xf32, #tpu.memory_space<hbm>>
    %dma_wait3A_1191 = tpu.memref_squeeze %dma_wait3A_1190 : memref<1x16x1024xf32, #tpu.memory_space<hbm>> -> memref<16x1024xf32, #tpu.memory_space<hbm>>
    tpu.wait_dma2 semaphore(%arg19 : memref<!tpu.dma_semaphore, #tpu.memory_space<semaphore_mem>>) src(%arg9 : memref<16x1024xf32, #tpu.memory_space<vmem>>) dst(%dma_wait3A_1191 : memref<16x1024xf32, #tpu.memory_space<hbm>>)
    %dma_wait3A_1192 = arith.constant 3 : i32
    %dma_wait3A_1193 = arith.constant 0 : i32
    %dma_wait3A_1194 = tpu.memref_slice %arg5[%dma_wait3A_1192, %add3A_1156, %dma_wait3A_1193] : memref<4x4096x1024xf32, #tpu.memory_space<hbm>> -> memref<1x16x1024xf32, #tpu.memory_space<hbm>>
    %dma_wait3A_1195 = tpu.memref_squeeze %dma_wait3A_1194 : memref<1x16x1024xf32, #tpu.memory_space<hbm>> -> memref<16x1024xf32, #tpu.memory_space<hbm>>
    %dma_wait3A_1196 = arith.constant 0 : i32
    %dma_wait3A_1197 = tpu.memref_slice %arg5[%dma_wait3A_1192, %add3A_1156, %dma_wait3A_1196] : memref<4x4096x1024xf32, #tpu.memory_space<hbm>> -> memref<1x16x1024xf32, #tpu.memory_space<hbm>>
    %dma_wait3A_1198 = tpu.memref_squeeze %dma_wait3A_1197 : memref<1x16x1024xf32, #tpu.memory_space<hbm>> -> memref<16x1024xf32, #tpu.memory_space<hbm>>
    tpu.wait_dma2 semaphore(%arg20 : memref<!tpu.dma_semaphore, #tpu.memory_space<semaphore_mem>>) src(%arg10 : memref<16x1024xf32, #tpu.memory_space<vmem>>) dst(%dma_wait3A_1198 : memref<16x1024xf32, #tpu.memory_space<hbm>>)
    return
  }
}

</mosaic_0001>

<sc_bundles>
// kernel: kernel.3.cloned.1.call-start
scs
__scs_entry_jumppad:
0x0: {  	(pc) =	sbr.rel $0x88, $3  }
0x1: {  	(tag) =	ssettag $0x0;
	lr =	simm.s32 $0x1  }
0x2: {  	[smem:$0x3F9E] =	sst lr;
	_ =	strace $0xD0000000  }
0x3: {  	_ = 	snop  }
0x4: {  	_ = 	snop  }
0x5: {  	_ = 	snop  }
0x6: {  	_ = 	snop  }
0x7: {  	_ = 	snop  }
__scs_overlays_trampoline_lowered:
0x8: {  	[smem:$0x3FAD] =	sst s0  }
0x9: {  	[smem:$0x3FAE] =	sst s1  }
0xa: {  	[smem:$0x3FAF] =	sst s2  }
0xb: {  	[smem:$0x3FB0] =	sst s3  }
0xc: {  	[smem:$0x3FB1] =	sst s4  }
0xd: {  	[smem:$0x3FB2] =	sst s5  }
0xe: {  	[smem:$0x3FB3] =	sst s6  }
0xf: {  	[smem:$0x3FB4] =	sst s7  }
0x10: {  	[smem:$0x3FB5] =	sst s8  }
0x11: {  	[smem:$0x3FB6] =	sst s9;
	s0 =	simm.s32 @!p0 $0x0  }
0x12: {  	s1 =	sld [smem:$0x3F9C];
	s0 =	simm.s32 @p0 $0x1  }
0x13: {  	[smem:$0x3FB7] =	sst s0;
	s0 =	simm.s32 @!p1 $0x0  }
0x14: {  	s2 =	sld [smem:$0x3F9B];
	s0 =	simm.s32 @p1 $0x1  }
0x15: {  	[smem:$0x3FB8] =	sst s0;
	s0 =	simm.s32 @!p2 $0x0  }
0x16: {  	s3 =	sld [smem:$0x3FDB];
	s0 =	simm.s32 @p2 $0x1  }
0x17: {  	s4 =	simm.s32 $0x1BF5;
	[smem:$0x3FBA] =	sst s0  }
0x18: {  	s0 =	sld [smem:$0x3F9D];
	_ =	swait.ge [sflag:s4], $0x0  }
0x19: {  	s7 =	sld [smem:$0x3F9E]  }
0x1a: {  	s8 =	sadd.s32 $0xFFFFE003, lr  }
0x1b: {  	s9 =	sadd.s32 $0xFFFFFEF7, lr;
	s5 =	simm.s32 $0xFFFFFFFF;
	p2 =	slt.u32 s8, $0xFFFFF086  }
0x1c: {  	p1 =	slt.u32 s9, $0xF7A;
	s5 =	simm.s32 @!p2 $0x0  }
0x1d: {  	s5 =	simm.s32 @p1 $0x1;
	p0 =	seq.s32 s7, s2  }
0x1e: {  	s7 =	smul.u32 @!p0 $0xF7A, s2;
	p2 =	seq.s32 @!p0 s5, $0x0  }
0x1f: {  	s9 =	smul.u32 $0xF7A, s1;
	s8 =	simm.s32 @!p0 $0x1BF5;
	p2 =	por !p2, p0  }
0x20: {  	[sflag:s8] =	ssyncset.s32 @!p0 $0xFFFFF086;
	s6 =	sadd.s32 @!p0 s3, s7;
	s7 =	simm.s32 @!p0 $0x108  }
0x21: {  	s3 =	sadd.s32 s3, s9;
	s6 =	sadd.s32 @!p0 $0x88, s6;
	s7 =	simm.s32 @p2 $0x1082  }
0x22: {  	[simem:s7], [sflag:s8] =	dma.local @!p0 [hbm:s6], $0xF7A  }
0x23: {  	s9 =	sor.u32 $0xD0000000, s2;
	s6 =	simm.s32 $0x108;
	_ =	swait.ge @!p0 [sflag:s8], $0x0  }
0x24: {  	s3 =	sadd.s32 $0x88, s3;
	s6 =	simm.s32 @!p1 $0x1082;
	[sflag:s4] =	ssyncset.s32 $0xFFFFF086  }
0x25: {  	[simem:s6], [sflag:s4] =	dma.local [hbm:s3], $0xF7A  }
0x26: {  	[smem:$0x3F9E] =	sst s1;
	(tag) =	ssettag s2;
	_ =	strace s9  }
0x27: {  	s1 =	sld [smem:$0x3FAE]  }
0x28: {  	s2 =	sld [smem:$0x3FAF]  }
0x29: {  	s4 =	sld [smem:$0x3FB1]  }
0x2a: {  	p0 =	seq.s32 s5, $0x0;
	s5 =	sld [smem:$0x3FB2]  }
0x2b: {  	s6 =	sld [smem:$0x3FB3]  }
0x2c: {  	s7 =	sld [smem:$0x3FB4]  }
0x2d: {  	s3 =	simm.s32 $0x108;
	s8 =	sld [smem:$0x3FB5]  }
0x2e: {  	s3 =	simm.s32 @!p0 $0x1082;
	s9 =	sld [smem:$0x3FB6]  }
0x2f: {  	lr =	sadd.s32 s0, s3;
	s0 =	sld [smem:$0x3FAD]  }
0x30: {  	s3 =	sld [smem:$0x3FB0]  }
0x31: {  	[smem:$0x3FB9] =	sst s10  }
0x32: {  	s10 =	sld [smem:$0x3FB7];
	_ =	sdelay $0x3  }
0x33: {  	p0 =	seq.s32 s10, $0x1;
	s10 =	sld [smem:$0x3FB9];
	_ =	sdelay $0x3  }
0x34: {  	[smem:$0x3FB9] =	sst s10  }
0x35: {  	s10 =	sld [smem:$0x3FB8];
	_ =	sdelay $0x3  }
0x36: {  	p1 =	seq.s32 s10, $0x1;
	s10 =	sld [smem:$0x3FB9];
	_ =	sdelay $0x3  }
0x37: {  	[smem:$0x3FB9] =	sst s10  }
0x38: {  	s10 =	sld [smem:$0x3FBA]  }
0x39: {  	_ = 	snop;
	(pc) =	sbr.ind lr, $3  }
0x3a: {  	_ = 	snop  }
0x3b: {  	_ = 	snop  }
0x3c: {  	p2 =	seq.s32 s10, $0x1;
	s10 =	sld [smem:$0x3FB9]  }
0x3d: {  	_ =	shalt  }
0x3e: {  	_ =	shalt  }
0x3f: {  	_ =	shalt  }
0x40: {  	_ =	shalt  }
0x41: {  	_ =	shalt  }
0x42: {  	_ =	shalt  }
0x43: {  	_ =	shalt  }
0x44: {  	_ =	shalt  }
0x45: {  	_ =	shalt  }
0x46: {  	_ =	shalt  }
0x47: {  	_ =	shalt  }
0x48: {  	_ =	shalt  }
0x49: {  	_ =	shalt  }
0x4a: {  	_ =	shalt  }
0x4b: {  	_ =	shalt  }
0x4c: {  	_ =	shalt  }
0x4d: {  	_ =	shalt  }
0x4e: {  	_ =	shalt  }
0x4f: {  	_ =	shalt  }
0x50: {  	_ =	shalt  }
0x51: {  	_ =	shalt  }
0x52: {  	_ =	shalt  }
0x53: {  	_ =	shalt  }
0x54: {  	_ =	shalt  }
0x55: {  	_ =	shalt  }
0x56: {  	_ =	shalt  }
0x57: {  	_ =	shalt  }
0x58: {  	_ =	shalt  }
0x59: {  	_ =	shalt  }
0x5a: {  	_ =	shalt  }
0x5b: {  	_ =	shalt  }
0x5c: {  	_ =	shalt  }
0x5d: {  	_ =	shalt  }
0x5e: {  	_ =	shalt  }
0x5f: {  	_ =	shalt  }
0x60: {  	_ =	shalt  }
0x61: {  	_ =	shalt  }
0x62: {  	_ =	shalt  }
0x63: {  	_ =	shalt  }
0x64: {  	_ =	shalt  }
0x65: {  	_ =	shalt  }
0x66: {  	_ =	shalt  }
0x67: {  	_ =	shalt  }
0x68: {  	_ =	shalt  }
0x69: {  	_ =	shalt  }
0x6a: {  	_ =	shalt  }
0x6b: {  	_ =	shalt  }
0x6c: {  	_ =	shalt  }
0x6d: {  	_ =	shalt  }
0x6e: {  	_ =	shalt  }
0x6f: {  	_ =	shalt  }
0x70: {  	_ =	shalt  }
0x71: {  	_ =	shalt  }
0x72: {  	_ =	shalt  }
0x73: {  	_ =	shalt  }
0x74: {  	_ =	shalt  }
0x75: {  	_ =	shalt  }
0x76: {  	_ =	shalt  }
0x77: {  	_ =	shalt  }
0x78: {  	_ =	shalt  }
0x79: {  	_ =	shalt  }
0x7a: {  	_ =	shalt  }
0x7b: {  	_ =	shalt  }
0x7c: {  	_ =	shalt  }
0x7d: {  	_ =	shalt  }
0x7e: {  	_ =	shalt  }
0x7f: {  	_ =	shalt  }
0x80: {  	_ =	shalt  }
0x81: {  	_ =	shalt  }
0x82: {  	_ =	shalt  }
0x83: {  	_ =	shalt  }
0x84: {  	_ =	shalt  }
0x85: {  	_ =	shalt  }
0x86: {  	_ =	shalt  }
0x87: {  	_ =	shalt  }
.Lfunc_end0:
.L_simem_size_0:
called_computation_lowered:
.L_overlay_start_0:
0x88: {  	s2 =	sld [smem:$0x3FD9]  }
0x89: {  	s3 =	sld [smem:$0x3FFE];
	_ =	sdelay $0x1  }
0x8a: {  	s1 =	srdreg.scid  }
0x8b: {  	s0 =	sand.u32 $0x1, s1  }
0x8c: {  	s18 =	sshll.u32 s0, $0xA;
	s2 =	sadd.s32 s3, s2  }
0x8d: {  	s2 =	sadd.s32 s2, s18  }
0x8e: {  	[smem:$0x3FC5] =	sst s2  }
0x8f: {  	_ = 	snop  }
0x90: {  	s2 =	sld [smem:$0x3FC9]  }
0x91: {  	s19 =	sld [smem:$0x3FC8]  }
0x92: {  	s4 =	sld [smem:$0x3FC7]  }
0x93: {  	s5 =	sld [smem:$0x3FD0];
	(tm) =	ssettm $0x1  }
0x94: {  	s6 =	sld [smem:$0x3FFB];
	_ =	sdelay $0x3  }
0x95: {  	_ =	strace s6  }
0x96: {  	s6 =	sld [smem:$0x3FFC];
	_ =	sdelay $0x3  }
0x97: {  	_ =	strace s6  }
0x98: {  	s6 =	sld [smem:$0x3FFD];
	_ =	sdelay $0x3  }
0x99: {  	_ =	strace s6  }
0x9a: {  	_ =	strace $0x8FFFFFFF  }
0x9b: {  	s20 =	sld [smem:$0x3FDB];
	_ =	sdelay $0x1  }
0x9c: {  	s7 =	simm.s32 $_scs_section_size  }
0x9d: {  	s8 =	simm.s32 $_size__tile_overlayer_lowered;
	s9 =	simm.s32 $_tile_overlayer_lowered  }
0x9e: {  	s23 =	simm.s32 $0x1BFF;
	s22 =	sshll.u32 s9, $0x1;
	s6 =	sadd.s32 s7, s20  }
0x9f: {  	s10 =	simm.s32 $0x0;
	s21 =	sshll.u32 s8, $0x1;
	s8 =	sadd.s32 s22, s6  }
0xa0: {  	[timem:s10], [sflag:s23] =	dma.local [hbm:s8], s21  }
0xa1: {  	_ =	swait.ge [sflag:s23], s21  }
0xa2: {  	s7 =	ssub.s32 $0x0, s21;
	[sflag:s23] =	ssyncset.done $0x0  }
0xa3: {  	[sflag:s23] =	ssyncadd.s32 s7;
	_ =	sdelay $0x1  }
0xa4: {  	s24 =	simm.s32 $0x1B8B  }
0xa5: {  	_ =	swait.ge [sflag:s24], $0x1  }
0xa6: {  	[sflag:s24] =	ssyncset.done $0x0  }
0xa7: {  	s25 =	simm.s32 $0x1B8E;
	[sflag:s24] =	ssyncadd.s32 $0xFFFFFFFF  }
0xa8: {  	s26 =	simm.s32 $execute0_lowered;
	[smem:$0x3FD2] =	sst s25  }
0xa9: {  	s7 =	sshll.u32 s26, $0x1;
	_ =	strace $0x80000046;
	[dreg:$0x1] =	wrdreg $0xFFFFFFFF  }
0xaa: {  	s28 =	simm.s32 $_size_execute0_lowered;
	s6 =	sadd.s32 s6, s7;
	[dreg:$0x0] =	wrdreg $0x0  }
0xab: {  	s7 =	sshll.u32 s28, $0x1;
	[dreg:$0x2] =	wrdreg s6  }
0xac: {  	[dreg:$0x3] =	wrdreg s7  }
0xad: {  	[dreg:$0x4] =	wrdreg $0xC0  }
0xae: {  	_ =	task [dreg:s10], $0x5FFFF  }
0xaf: {  	[dreg:$0x1] =	wrdreg $0xFFFFFFFF  }
0xb0: {  	[dreg:$0x0] =	wrdreg $0x60  }
0xb1: {  	[dreg:$0x2] =	wrdreg s2  }
0xb2: {  	[dreg:$0x3] =	wrdreg s19  }
0xb3: {  	[dreg:$0x4] =	wrdreg s4  }
0xb4: {  	[dreg:$0x5] =	wrdreg s5  }
0xb5: {  	[dreg:$0x6] =	wrdreg $0x9  }
0xb6: {  	_ =	task.clear_ibuf [dreg:s10], $0x7FFFF;
	_ =	strace $0x90000046  }
0xb7: {  	s29 =	simm.s32 $0x9;
	_ =	strace $0x80000048  }
0xb8: {  	_ =	swait.ge [sflag:s29], $0x1  }
0xb9: {  	[sflag:s29] =	ssyncadd.s32 $0xFFFFFFFF  }
0xba: {  	_ =	strace $0x90000048  }
0xbb: {  	_ =	sfence  }
0xbc: {  	s30 =	sld [smem:$0x0];
	_ =	sdelay $0x2  }
0xbd: {  	s31 =	sshll.u32 s1, $0xD;
	s1 =	sshrl.u32 s1, $0x2  }
0xbe: {  	s3 =	sand.u32 $0x4000, s31;
	s1 =	sadd.s32 s1, s30  }
0xbf: {  	s0 =	sor.u32 s3, s0;
	s1 =	sshll.u32 s1, $0x11  }
0xc0: {  	s0 =	sor.u32 s1, s0  }
0xc1: {  	s0 =	sadd.s32 $0x8F2B, s0  }
0xc2: {  	[sflag:s0] =	ssyncadd.remote.s32 $0x1  }
0xc3: {  	_ =	sfence.sel $0xFFFF  }
0xc4: {  	[dreg:$0x0] =	wrdreg $0xFFFFFFFF;
	(pc) =	sbr.abs _section_cstart, $3  }
0xc5: {  	[dreg:$0x1] =	wrdreg $0xFFFFFFFF  }
0xc6: {  	_ =	task.clear_ibuf [dreg:s10], $0x2FFFF;
	_ =	strace $0x9FFFFFFF  }
0xc7: {  	(tm) =	ssettm $0x7FFFFFFF  }
tec
execute0_lowered:
.L_overlay_start_1:
0x0: {  	(tag) =	ssettag $0x1  }
0x1: {  	s0 =	rddreg [dreg:$0x0];
	s5 =	srdreg.scid  }
0x2: {  	s1 =	rddreg [dreg:$0x1];
	s7 =	stileid.u32;
	s5 =	sand.u32 $0x1, s5  }
0x3: {  	s7 =	sshll.u32 s7, $0x8;
	s6 =	ssub.s32 $0x2, s5;
	s5 =	sshll.u32 s5, $0x7  }
0x4: {  	s2 =	rddreg [dreg:$0x2];
	s5 =	sor.u32 s5, s7  }
0x5: {  	s4 =	rddreg [dreg:$0x3];
	s3 =	simm.s32 $0x0;
	s22 =	sshrl.u32 s5, $0x1  }
0x6: {  	[smem:$0x7FF] =	sst s3;
	s5 =	sshll.u32 s5, $0x7;
	s0 =	sadd.s32 s0, s22  }
0x7: {  	_ =	strace $0x80000047;
	s23 =	sadd.s32 s2, s5;
	[dreg:$0x5] =	wrdreg s0  }
0x8: {  	s24 =	sor.u32 $0x800, s5;
	s11 =	sadd.s32 s4, s5;
	[dreg:$0x6] =	wrdreg s23  }
0x9: {  	s25 =	sor.u32 $0x1000, s5;
	s10 =	sadd.s32 s2, s24;
	[dreg:$0x8] =	wrdreg s11  }
0xa: {  	s12 =	sadd.s32 s2, s25;
	[dreg:$0x7] =	wrdreg s10  }
0xb: {  	s26 =	sor.u32 $0x1800, s5;
	s0 =	sadd.s32 s4, s24;
	[dreg:$0x9] =	wrdreg s12  }
0xc: {  	s14 =	sor.u32 $0x2000, s5;
	s13 =	sadd.s32 s2, s26;
	[dreg:$0xa] =	wrdreg s0  }
0xd: {  	s16 =	sor.u32 $0x2800, s5;
	s15 =	sadd.s32 s2, s14;
	[dreg:$0xb] =	wrdreg s13  }
0xe: {  	s18 =	sor.u32 $0x3000, s5;
	s17 =	sadd.s32 s2, s16;
	[dreg:$0xd] =	wrdreg s15  }
0xf: {  	s20 =	sor.u32 $0x3800, s5;
	s19 =	sadd.s32 s2, s18;
	[dreg:$0xf] =	wrdreg s17  }
0x10: {  	s2 =	sadd.s32 s2, s20;
	[dreg:$0x11] =	wrdreg s19  }
0x11: {  	s8 =	sshrl.u32 s6, $0x1;
	s21 =	sadd.s32 s4, s18;
	[dreg:$0x13] =	wrdreg s2  }
0x12: {  	s9 =	ssub.s32 s6, s8;
	s22 =	sadd.s32 $0x80000, s11;
	[dreg:$0x14] =	wrdreg s21  }
0x13: {  	s23 =	smax.u32 s9, $0x1;
	[dreg:$0x16] =	wrdreg s22  }
0x14: {  	s24 =	sadd.s32 $0x100000, s11;
	[dreg:$0x17] =	wrdreg s23  }
0x15: {  	s5 =	sadd.s32 $0x81000, s11;
	[dreg:$0x18] =	wrdreg s24  }
0x16: {  	s9 =	sadd.s32 $0x101000, s11;
	[dreg:$0x1d] =	wrdreg s5  }
0x17: {  	s18 =	sadd.s32 $0x82800, s11;
	[dreg:$0x1e] =	wrdreg s9  }
0x18: {  	s10 =	sadd.s32 s4, s25;
	[smem:$0x7F5] =	sst s18  }
0x19: {  	s0 =	sadd.s32 s4, s26;
	[dreg:$0xc] =	wrdreg s10  }
0x1a: {  	s25 =	sadd.s32 $0x180000, s11;
	[dreg:$0xe] =	wrdreg s0  }
0x1b: {  	s26 =	sadd.s32 $0x80800, s11;
	[dreg:$0x19] =	wrdreg s25  }
0x1c: {  	s2 =	sadd.s32 $0x100800, s11;
	[dreg:$0x1a] =	wrdreg s26  }
0x1d: {  	s12 =	sadd.s32 $0x81800, s11;
	[dreg:$0x1b] =	wrdreg s2  }
0x1e: {  	s13 =	sadd.s32 $0x101800, s11;
	[smem:$0x7EF] =	sst s12  }
0x1f: {  	s15 =	sadd.s32 $0x82000, s11;
	[smem:$0x7F0] =	sst s13  }
0x20: {  	s28 =	simm.s32 $0x8;
	s17 =	sadd.s32 $0x182000, s11;
	[smem:$0x7F2] =	sst s15  }
0x21: {  	s29 =	simm.s32 $0xC;
	s19 =	sadd.s32 $0x102800, s11;
	[smem:$0x7F4] =	sst s17  }
0x22: {  	s30 =	simm.s32 $0x5;
	s21 =	sadd.s32 $0x83000, s11;
	[smem:$0x7F6] =	sst s19  }
0x23: {  	s31 =	simm.s32 $0x9;
	s22 =	sadd.s32 $0x103000, s11;
	[smem:$0x7F8] =	sst s21  }
0x24: {  	s7 =	sadd.s32 $0x200, s1;
	s23 =	sadd.s32 $0x183000, s11;
	[smem:$0x7F9] =	sst s22  }
0x25: {  	s6 =	sadd.s32 $0x100, s1;
	s24 =	sadd.s32 $0x83800, s11;
	[smem:$0x7FA] =	sst s23  }
0x26: {  	s8 =	sadd.s32 $0x300, s1;
	s10 =	sadd.s32 s4, s14;
	[smem:$0x7FB] =	sst s24  }
0x27: {  	s5 =	simm.s32 $0xC200;
	s0 =	sadd.s32 s4, s16;
	[dreg:$0x10] =	wrdreg s10  }
0x28: {  	s18 =	simm.s32 $0x18200;
	s14 =	sadd.s32 $0x181800, s11;
	[dreg:$0x12] =	wrdreg s0  }
0x29: {  	s16 =	sadd.s32 $0x102000, s11;
	s25 =	sadd.s32 $0x103800, s11;
	[smem:$0x7F1] =	sst s14  }
0x2a: {  	s26 =	sadd.s32 $0x183800, s11;
	s17 =	simm.s32 $0x10200;
	[smem:$0x7F3] =	sst s16  }
0x2b: {  	s24 =	simm.s32 $0xB;
	s21 =	simm.s32 $0x2;
	[smem:$0x7FC] =	sst s25  }
0x2c: {  	s22 =	simm.s32 $0x6;
	s0 =	sadd.s32 s4, s20;
	[smem:$0x7FD] =	sst s26  }
0x2d: {  	s23 =	simm.s32 $0x3;
	s4 =	sadd.s32 $0x180800, s11;
	[dreg:$0x15] =	wrdreg s0  }
0x2e: {  	s19 =	simm.s32 $0x7;
	s10 =	sadd.s32 $0x181000, s11;
	[dreg:$0x1c] =	wrdreg s4  }
0x2f: {  	v2 =	vlaneseq.u32;
	s2 =	simm.s32 $0x0;
	s20 =	sadd.s32 $0x182800, s11;
	[dreg:$0x1f] =	wrdreg s10  }
0x30: {  	vm0 =	vmmov $0xffff;
	v1 =	vshrl.u32 v2, $0x3;
	s26 =	simm.s32 $0x8200;
	s25 =	simm.s32 $0x1;
	[smem:$0x7F7] =	sst s20  }
0x31: {  	v0 =	vand.u32 $0x7, v2;
	v2 =	vor.u32 $0x8, v2;
	v1 =	vmul.u32 $0x8, v1;
	s10 =	simm.s32 $0x14200;
	s20 =	simm.s32 $0x4;
	s0 =	simm.s32 $0xA  }
.LBB2_1:
0x32: {  	s4 =	rddreg [dreg:$0x5];
	s15 =	simm.s32 $0xD  }
0x33: {  	[tilespmem:s3], [sflag:$0xD] =	stream.linear.gather [hbm4b:s4+s3], $0x200, $0x38;
	[tilespmem:$0x1C200] =	vst v63  }
0x34: {  	_ =	swait.ge [sflag:s15], $0x200  }
0x35: {  	[sflag:s15] =	ssyncset.done $0x0  }
0x36: {  	s9 =	simm.s32 $0x200;
	s16 =	rddreg [dreg:$0x6];
	[sflag:s15] =	ssyncadd.s32 $0xFFFFFE00  }
0x37: {  	[tilespmem:s9], [sflag:$0xB] =	stream.linear.gather [hbm4b:s16+s3], $0x4000, $0x38;
	[tilespmem:$0x1C200] =	vst v63  }
0x38: {  	v3 =	vld [tilespmem:$0x0];
	_ =	sdelay $0x4  }
0x39: {  	v4 =	vshll.u32 v3, $0x3  }
0x3a: {  	v3 =	vand.u32 $0x7, v3;
	v4 =	vand.u32 $0xFFFFFFC0, v4  }
0x3b: {  	v3 =	vor.u32 v3, v4  }
0x3c: {  	v4 =	vperm.xlane v3, v0;
	_ =	sdelay $0x1  }
0x3d: {  	v4 =	vadd.s32 v1, v4;
	_ =	sdelay $0x4  }
0x3e: {  	[tilespmem:s26], [sflag:$0x1] =	stream.indirect_vreg.gather [hbm4b:s1+s3], $0x80, v4, vm0, $0xb8;
	[tilespmem:$0x1C200] =	vst v63  }
0x3f: {  	s11 =	simm.s32 $0x8A00;
	v3 =	vperm.xlane v3, v2  }
0x40: {  	[tilespmem:s11], [sflag:$0x1] =	stream.indirect_vreg.gather [hbm4b:s6+s3], $0x80, v4, vm0, $0xb8;
	[tilespmem:$0x1C200] =	vst v63  }
0x41: {  	s12 =	simm.s32 $0x9200;
	v3 =	vadd.s32 v1, v3  }
0x42: {  	[tilespmem:s12], [sflag:$0x1] =	stream.indirect_vreg.gather [hbm4b:s7+s3], $0x80, v4, vm0, $0xb8;
	[tilespmem:$0x1C200] =	vst v63  }
0x43: {  	s13 =	simm.s32 $0x9A00  }
0x44: {  	[tilespmem:s13], [sflag:$0x1] =	stream.indirect_vreg.gather [hbm4b:s8+s3], $0x80, v4, vm0, $0xb8;
	[tilespmem:$0x1C200] =	vst v63  }
0x45: {  	s14 =	simm.s32 $0xA200  }
0x46: {  	[tilespmem:s14], [sflag:$0x1] =	stream.indirect_vreg.gather [hbm4b:s1+s3], $0x80, v3, vm0, $0xb8;
	[tilespmem:$0x1C200] =	vst v63  }
0x47: {  	s15 =	simm.s32 $0xAA00  }
0x48: {  	[tilespmem:s15], [sflag:$0x1] =	stream.indirect_vreg.gather [hbm4b:s6+s3], $0x80, v3, vm0, $0xb8;
	[tilespmem:$0x1C200] =	vst v63  }
0x49: {  	s16 =	simm.s32 $0xB200  }
0x4a: {  	[tilespmem:s16], [sflag:$0x1] =	stream.indirect_vreg.gather [hbm4b:s7+s3], $0x80, v3, vm0, $0xb8;
	[tilespmem:$0x1C200] =	vst v63  }
0x4b: {  	s9 =	simm.s32 $0xBA00  }
0x4c: {  	[tilespmem:s9], [sflag:$0x1] =	stream.indirect_vreg.gather [hbm4b:s8+s3], $0x80, v3, vm0, $0xb8;
	[tilespmem:$0x1C200] =	vst v63  }
0x4d: {  	v3 =	vld [tilespmem:$0x80];
	_ =	sdelay $0x4  }
0x4e: {  	v4 =	vshll.u32 v3, $0x3  }
0x4f: {  	v3 =	vand.u32 $0x7, v3;
	v4 =	vand.u32 $0xFFFFFFC0, v4  }
0x50: {  	v3 =	vor.u32 v3, v4  }
0x51: {  	v4 =	vperm.xlane v3, v0;
	_ =	sdelay $0x1  }
0x52: {  	v4 =	vadd.s32 v1, v4;
	_ =	sdelay $0x4  }
0x53: {  	[tilespmem:s5], [sflag:$0x2] =	stream.indirect_vreg.gather [hbm4b:s1+s3], $0x80, v4, vm0, $0xb8;
	[tilespmem:$0x1C200] =	vst v63  }
0x54: {  	s11 =	simm.s32 $0xCA00;
	v3 =	vperm.xlane v3, v2  }
0x55: {  	[tilespmem:s11], [sflag:$0x2] =	stream.indirect_vreg.gather [hbm4b:s6+s3], $0x80, v4, vm0, $0xb8;
	[tilespmem:$0x1C200] =	vst v63  }
0x56: {  	s12 =	simm.s32 $0xD200;
	v3 =	vadd.s32 v1, v3  }
0x57: {  	[tilespmem:s12], [sflag:$0x2] =	stream.indirect_vreg.gather [hbm4b:s7+s3], $0x80, v4, vm0, $0xb8;
	[tilespmem:$0x1C200] =	vst v63  }
0x58: {  	s13 =	simm.s32 $0xDA00  }
0x59: {  	[tilespmem:s13], [sflag:$0x2] =	stream.indirect_vreg.gather [hbm4b:s8+s3], $0x80, v4, vm0, $0xb8;
	[tilespmem:$0x1C200] =	vst v63  }
0x5a: {  	s14 =	simm.s32 $0xE200  }
0x5b: {  	[tilespmem:s14], [sflag:$0x2] =	stream.indirect_vreg.gather [hbm4b:s1+s3], $0x80, v3, vm0, $0xb8;
	[tilespmem:$0x1C200] =	vst v63  }
0x5c: {  	s15 =	simm.s32 $0xEA00  }
0x5d: {  	[tilespmem:s15], [sflag:$0x2] =	stream.indirect_vreg.gather [hbm4b:s6+s3], $0x80, v3, vm0, $0xb8;
	[tilespmem:$0x1C200] =	vst v63  }
0x5e: {  	s16 =	simm.s32 $0xF200  }
0x5f: {  	[tilespmem:s16], [sflag:$0x2] =	stream.indirect_vreg.gather [hbm4b:s7+s3], $0x80, v3, vm0, $0xb8;
	[tilespmem:$0x1C200] =	vst v63  }
0x60: {  	s9 =	simm.s32 $0xFA00  }
0x61: {  	[tilespmem:s9], [sflag:$0x2] =	stream.indirect_vreg.gather [hbm4b:s8+s3], $0x80, v3, vm0, $0xb8;
	[tilespmem:$0x1C200] =	vst v63  }
0x62: {  	v3 =	vld [tilespmem:$0x100];
	_ =	sdelay $0x4  }
0x63: {  	v4 =	vshll.u32 v3, $0x3  }
0x64: {  	v3 =	vand.u32 $0x7, v3;
	v4 =	vand.u32 $0xFFFFFFC0, v4  }
0x65: {  	v3 =	vor.u32 v3, v4  }
0x66: {  	v4 =	vperm.xlane v3, v0;
	_ =	sdelay $0x1  }
0x67: {  	v4 =	vadd.s32 v1, v4;
	_ =	sdelay $0x4  }
0x68: {  	[tilespmem:s17], [sflag:$0x3] =	stream.indirect_vreg.gather [hbm4b:s1+s3], $0x80, v4, vm0, $0xb8;
	[tilespmem:$0x1C200] =	vst v63  }
0x69: {  	s11 =	simm.s32 $0x10A00;
	v3 =	vperm.xlane v3, v2  }
0x6a: {  	[tilespmem:s11], [sflag:$0x3] =	stream.indirect_vreg.gather [hbm4b:s6+s3], $0x80, v4, vm0, $0xb8;
	[tilespmem:$0x1C200] =	vst v63  }
0x6b: {  	s12 =	simm.s32 $0x11200;
	v3 =	vadd.s32 v1, v3  }
0x6c: {  	[tilespmem:s12], [sflag:$0x3] =	stream.indirect_vreg.gather [hbm4b:s7+s3], $0x80, v4, vm0, $0xb8;
	[tilespmem:$0x1C200] =	vst v63  }
0x6d: {  	s13 =	simm.s32 $0x11A00  }
0x6e: {  	[tilespmem:s13], [sflag:$0x3] =	stream.indirect_vreg.gather [hbm4b:s8+s3], $0x80, v4, vm0, $0xb8;
	[tilespmem:$0x1C200] =	vst v63  }
0x6f: {  	s14 =	simm.s32 $0x12200  }
0x70: {  	[tilespmem:s14], [sflag:$0x3] =	stream.indirect_vreg.gather [hbm4b:s1+s3], $0x80, v3, vm0, $0xb8;
	[tilespmem:$0x1C200] =	vst v63  }
0x71: {  	s15 =	simm.s32 $0x12A00  }
0x72: {  	[tilespmem:s15], [sflag:$0x3] =	stream.indirect_vreg.gather [hbm4b:s6+s3], $0x80, v3, vm0, $0xb8;
	[tilespmem:$0x1C200] =	vst v63  }
0x73: {  	s16 =	simm.s32 $0x13200  }
0x74: {  	[tilespmem:s16], [sflag:$0x3] =	stream.indirect_vreg.gather [hbm4b:s7+s3], $0x80, v3, vm0, $0xb8;
	[tilespmem:$0x1C200] =	vst v63  }
0x75: {  	s9 =	simm.s32 $0x13A00  }
0x76: {  	[tilespmem:s9], [sflag:$0x3] =	stream.indirect_vreg.gather [hbm4b:s8+s3], $0x80, v3, vm0, $0xb8;
	[tilespmem:$0x1C200] =	vst v63  }
0x77: {  	v3 =	vld [tilespmem:$0x180];
	_ =	sdelay $0x4  }
0x78: {  	v4 =	vshll.u32 v3, $0x3  }
0x79: {  	v3 =	vand.u32 $0x7, v3;
	v4 =	vand.u32 $0xFFFFFFC0, v4  }
0x7a: {  	v3 =	vor.u32 v3, v4  }
0x7b: {  	v4 =	vperm.xlane v3, v0;
	_ =	sdelay $0x1  }
0x7c: {  	v4 =	vadd.s32 v1, v4;
	_ =	sdelay $0x4  }
0x7d: {  	[tilespmem:s10], [sflag:$0x4] =	stream.indirect_vreg.gather [hbm4b:s1+s3], $0x80, v4, vm0, $0xb8;
	[tilespmem:$0x1C200] =	vst v63  }
0x7e: {  	s11 =	simm.s32 $0x14A00;
	v3 =	vperm.xlane v3, v2  }
0x7f: {  	[tilespmem:s11], [sflag:$0x4] =	stream.indirect_vreg.gather [hbm4b:s6+s3], $0x80, v4, vm0, $0xb8;
	[tilespmem:$0x1C200] =	vst v63  }
0x80: {  	s12 =	simm.s32 $0x15200;
	v3 =	vadd.s32 v1, v3  }
0x81: {  	[tilespmem:s12], [sflag:$0x4] =	stream.indirect_vreg.gather [hbm4b:s7+s3], $0x80, v4, vm0, $0xb8;
	[tilespmem:$0x1C200] =	vst v63  }
0x82: {  	s13 =	simm.s32 $0x15A00  }
0x83: {  	[tilespmem:s13], [sflag:$0x4] =	stream.indirect_vreg.gather [hbm4b:s8+s3], $0x80, v4, vm0, $0xb8;
	[tilespmem:$0x1C200] =	vst v63  }
0x84: {  	s14 =	simm.s32 $0x16200  }
0x85: {  	[tilespmem:s14], [sflag:$0x4] =	stream.indirect_vreg.gather [hbm4b:s1+s3], $0x80, v3, vm0, $0xb8;
	[tilespmem:$0x1C200] =	vst v63  }
0x86: {  	s15 =	simm.s32 $0x16A00  }
0x87: {  	[tilespmem:s15], [sflag:$0x4] =	stream.indirect_vreg.gather [hbm4b:s6+s3], $0x80, v3, vm0, $0xb8;
	[tilespmem:$0x1C200] =	vst v63  }
0x88: {  	s16 =	simm.s32 $0x17200  }
0x89: {  	[tilespmem:s16], [sflag:$0x4] =	stream.indirect_vreg.gather [hbm4b:s7+s3], $0x80, v3, vm0, $0xb8;
	[tilespmem:$0x1C200] =	vst v63  }
0x8a: {  	s9 =	simm.s32 $0x17A00  }
0x8b: {  	[tilespmem:s9], [sflag:$0x4] =	stream.indirect_vreg.gather [hbm4b:s8+s3], $0x80, v3, vm0, $0xb8;
	[tilespmem:$0x1C200] =	vst v63  }
0x8c: {  	_ =	swait.ge [sflag:s24], $0x4000  }
0x8d: {  	[sflag:s24] =	ssyncset.done $0x0  }
0x8e: {  	s11 =	simm.s32 $0x0;
	[sflag:s24] =	ssyncadd.s32 $0xFFFFC000  }
0x8f: {  	s4 =	sand.u32 $0x2000, s11;
	_ =	swait.ge [sflag:s25], $0x4000  }
0x90: {  	s11 =	simm.s32 $0x0;
	s12 =	sand.u32 $0x1C00, s3;
	[sflag:s25] =	ssyncset.done $0x0  }
0x91: {  	s4 =	sor.u32 s12, s4;
	s13 =	sand.u32 $0x380, s11;
	[sflag:s25] =	ssyncadd.s32 $0xFFFFC000  }
0x92: {  	s4 =	sor.u32 s13, s4;
	s14 =	sand.u32 $0x40, s3;
	_ =	sdelay $0x7ff  }
0x93: {  	s9 =	sor.u32 s14, s4;
	_ =	sdelay $0x38  }
0x94: {  	v4 =	vld [tilespmem:s9+$0x230]  }
0x95: {  	v5 =	vld [tilespmem:s9+$0x200]  }
0x96: {  	v6 =	vld [tilespmem:s9+$0x210]  }
0x97: {  	s15 =	simm.s32 $0x40;
	s4 =	simm.s32 $0x200  }
0x98: {  	s13 =	simm.s32 $0x8;
	s11 =	sand.u32 $0x2000, s15;
	s12 =	sand.u32 $0x1C00, s4;
	v3 =	vld [tilespmem:s9+$0x220]  }
0x99: {  	s13 =	sand.u32 $0x380, s13;
	s11 =	sor.u32 s12, s11;
	s12 =	simm.s32 $0x40;
	[tilespmem:s9+$0x8230] =	vst.add.f32.msk $0xffff, v4  }
0x9a: {  	s11 =	sor.u32 s13, s11;
	s16 =	sand.u32 $0x40, s12;
	[tilespmem:s9+$0x8200] =	vst.add.f32.msk $0xffff, v5  }
0x9b: {  	s11 =	sor.u32 s16, s11;
	[tilespmem:s9+$0x8210] =	vst.add.f32.msk $0xffff, v6  }
0x9c: {  	v5 =	vld [tilespmem:s11+$0x230]  }
0x9d: {  	s13 =	simm.s32 $0x4;
	v4 =	vld [tilespmem:s11+$0x200]  }
.LBB2_2:
0x9e: {  	s13 =	sadd.s32 $0x4, s13;
	v6 =	vld [tilespmem:s11+$0x210];
	s4 =	sadd.s32 $0x200, s4  }
0x9f: {  	s12 =	sadd.s32 $0x40, s12;
	s14 =	sshll.u32 s13, $0x4;
	p0 =	slt.u32 s13, $0x3FC;
	v7 =	vld [tilespmem:s11+$0x220]  }
0xa0: {  	s15 =	sand.u32 $0x1C00, s4;
	s16 =	sshll.u32 s13, $0x1;
	s14 =	sand.u32 $0x2000, s14;
	[tilespmem:s9+$0x8220] =	vst.add.f32.msk $0xffff, v3  }
.Ltmp0:
0xa1: {  	s9 =	sor.u32 s15, s14;
	s14 =	sand.u32 $0x380, s16;
	[tilespmem:s11+$0x8230] =	vst.add.f32.msk $0xffff, v5;
	(pc) =	sbr.rel @p0 .LBB2_2-.Ltmp0, $4  }
0xa2: {  	s15 =	sand.u32 $0x40, s12;
	s14 =	sor.u32 s14, s9;
	[tilespmem:s11+$0x8200] =	vst.add.f32.msk $0xffff, v4;
	s9 =	smov.u32 s11  }
0xa3: {  	s11 =	sor.u32 s15, s14;
	[tilespmem:s9+$0x8210] =	vst.add.f32.msk $0xffff, v6  }
0xa4: {  	v5 =	vld [tilespmem:s11+$0x230];
	v3 =	vmov v7  }
0xa5: {  	v4 =	vld [tilespmem:s11+$0x200]  }
0xa6: {  	v6 =	vld [tilespmem:s11+$0x210]  }
0xa7: {  	v7 =	vld [tilespmem:s11+$0x220]  }
0xa8: {  	[tilespmem:s9+$0x8220] =	vst.add.f32.msk $0xffff, v3  }
0xa9: {  	[tilespmem:s11+$0x8230] =	vst.add.f32.msk $0xffff, v5  }
0xaa: {  	[tilespmem:s11+$0x8200] =	vst.add.f32.msk $0xffff, v4  }
0xab: {  	[tilespmem:s11+$0x8210] =	vst.add.f32.msk $0xffff, v6  }
0xac: {  	[tilespmem:s11+$0x8220] =	vst.add.f32.msk $0xffff, v7  }
0xad: {  	_ =	sdelay $0x7ff  }
0xae: {  	_ =	sdelay $0x38  }
0xaf: {  	s4 =	simm.s32 $0x0;
	s15 =	simm.s32 $0x4200;
	s14 =	rddreg [dreg:$0x7]  }
0xb0: {  	[tilespmem:s15], [sflag:$0xC] =	stream.linear.gather [hbm4b:s14+s4], $0x4000, $0x38;
	[tilespmem:$0x1C200] =	vst v63  }
0xb1: {  	v3 =	vld [tilespmem:$0x10];
	_ =	sdelay $0x4  }
0xb2: {  	v4 =	vshll.u32 v3, $0x3  }
0xb3: {  	v3 =	vand.u32 $0x7, v3;
	v4 =	vand.u32 $0xFFFFFFC0, v4  }
0xb4: {  	v3 =	vor.u32 v3, v4  }
0xb5: {  	v4 =	vperm.xlane v3, v0;
	_ =	sdelay $0x1  }
0xb6: {  	v4 =	vadd.s32 v1, v4;
	_ =	sdelay $0x4  }
0xb7: {  	[tilespmem:s18], [sflag:$0x5] =	stream.indirect_vreg.gather [hbm4b:s1+s4], $0x80, v4, vm0, $0xb8;
	[tilespmem:$0x1C200] =	vst v63  }
0xb8: {  	s16 =	simm.s32 $0x18A00;
	v3 =	vperm.xlane v3, v2  }
0xb9: {  	[tilespmem:s16], [sflag:$0x5] =	stream.indirect_vreg.gather [hbm4b:s6+s4], $0x80, v4, vm0, $0xb8;
	[tilespmem:$0x1C200] =	vst v63  }
0xba: {  	s11 =	simm.s32 $0x19200;
	v3 =	vadd.s32 v1, v3  }
0xbb: {  	[tilespmem:s11], [sflag:$0x5] =	stream.indirect_vreg.gather [hbm4b:s7+s4], $0x80, v4, vm0, $0xb8;
	[tilespmem:$0x1C200] =	vst v63  }
0xbc: {  	s12 =	simm.s32 $0x19A00  }
0xbd: {  	[tilespmem:s12], [sflag:$0x5] =	stream.indirect_vreg.gather [hbm4b:s8+s4], $0x80, v4, vm0, $0xb8;
	[tilespmem:$0x1C200] =	vst v63  }
0xbe: {  	s13 =	simm.s32 $0x1A200  }
0xbf: {  	[tilespmem:s13], [sflag:$0x5] =	stream.indirect_vreg.gather [hbm4b:s1+s4], $0x80, v3, vm0, $0xb8;
	[tilespmem:$0x1C200] =	vst v63  }
0xc0: {  	s14 =	simm.s32 $0x1AA00  }
0xc1: {  	[tilespmem:s14], [sflag:$0x5] =	stream.indirect_vreg.gather [hbm4b:s6+s4], $0x80, v3, vm0, $0xb8;
	[tilespmem:$0x1C200] =	vst v63  }
0xc2: {  	s15 =	simm.s32 $0x1B200  }
0xc3: {  	[tilespmem:s15], [sflag:$0x5] =	stream.indirect_vreg.gather [hbm4b:s7+s4], $0x80, v3, vm0, $0xb8;
	[tilespmem:$0x1C200] =	vst v63  }
0xc4: {  	s16 =	simm.s32 $0x1BA00  }
0xc5: {  	[tilespmem:s16], [sflag:$0x5] =	stream.indirect_vreg.gather [hbm4b:s8+s4], $0x80, v3, vm0, $0xb8;
	[tilespmem:$0x1C200] =	vst v63  }
0xc6: {  	s11 =	rddreg [dreg:$0x8];
	s12 =	simm.s32 $0x0  }
0xc7: {  	[hbm4b:s11+s4] =	stream.linear.scatter [tilespmem:s26], [sflag:$0x6], $0x4000, $0x38;
	[tilespmem:$0x1C200] =	vst v63  }
0xc8: {  	s9 =	sand.u32 $0x2000, s12;
	_ =	swait.ge [sflag:s21], $0x4000  }
0xc9: {  	s12 =	simm.s32 $0x0;
	s13 =	sand.u32 $0x1C00, s4;
	[sflag:s21] =	ssyncset.done $0x0  }
0xca: {  	s9 =	sor.u32 s13, s9;
	s14 =	sand.u32 $0x380, s12;
	[sflag:s21] =	ssyncadd.s32 $0xFFFFC000  }
0xcb: {  	s9 =	sor.u32 s14, s9;
	s4 =	sand.u32 $0x40, s4;
	_ =	sdelay $0x7ff  }
0xcc: {  	s9 =	sor.u32 s4, s9;
	_ =	sdelay $0x38  }
0xcd: {  	v4 =	vld [tilespmem:s9+$0x230]  }
0xce: {  	v5 =	vld [tilespmem:s9+$0x200]  }
0xcf: {  	v6 =	vld [tilespmem:s9+$0x210]  }
0xd0: {  	s15 =	simm.s32 $0x40;
	s4 =	simm.s32 $0x200  }
0xd1: {  	s13 =	simm.s32 $0x8;
	s11 =	sand.u32 $0x2000, s15;
	s16 =	sand.u32 $0x1C00, s4;
	v3 =	vld [tilespmem:s9+$0x220]  }
0xd2: {  	s13 =	sand.u32 $0x380, s13;
	s12 =	simm.s32 $0x40;
	s11 =	sor.u32 s16, s11;
	[tilespmem:s9+$0xC230] =	vst.add.f32.msk $0xffff, v4  }
0xd3: {  	s14 =	sand.u32 $0x40, s12;
	s11 =	sor.u32 s13, s11;
	[tilespmem:s9+$0xC200] =	vst.add.f32.msk $0xffff, v5  }
0xd4: {  	s11 =	sor.u32 s14, s11;
	[tilespmem:s9+$0xC210] =	vst.add.f32.msk $0xffff, v6  }
0xd5: {  	v5 =	vld [tilespmem:s11+$0x230]  }
0xd6: {  	s13 =	simm.s32 $0x4;
	v4 =	vld [tilespmem:s11+$0x200]  }
.LBB2_4:
0xd7: {  	s13 =	sadd.s32 $0x4, s13;
	v6 =	vld [tilespmem:s11+$0x210];
	s4 =	sadd.s32 $0x200, s4  }
0xd8: {  	s12 =	sadd.s32 $0x40, s12;
	s14 =	sshll.u32 s13, $0x4;
	p0 =	slt.u32 s13, $0x3FC;
	v7 =	vld [tilespmem:s11+$0x220]  }
0xd9: {  	s15 =	sand.u32 $0x1C00, s4;
	s16 =	sshll.u32 s13, $0x1;
	s14 =	sand.u32 $0x2000, s14;
	[tilespmem:s9+$0xC220] =	vst.add.f32.msk $0xffff, v3  }
.Ltmp1:
0xda: {  	s9 =	sor.u32 s15, s14;
	s14 =	sand.u32 $0x380, s16;
	[tilespmem:s11+$0xC230] =	vst.add.f32.msk $0xffff, v5;
	(pc) =	sbr.rel @p0 .LBB2_4-.Ltmp1, $4  }
0xdb: {  	s15 =	sand.u32 $0x40, s12;
	s14 =	sor.u32 s14, s9;
	[tilespmem:s11+$0xC200] =	vst.add.f32.msk $0xffff, v4;
	s9 =	smov.u32 s11  }
0xdc: {  	s11 =	sor.u32 s15, s14;
	[tilespmem:s9+$0xC210] =	vst.add.f32.msk $0xffff, v6  }
0xdd: {  	v5 =	vld [tilespmem:s11+$0x230];
	v3 =	vmov v7  }
0xde: {  	v4 =	vld [tilespmem:s11+$0x200]  }
0xdf: {  	v6 =	vld [tilespmem:s11+$0x210]  }
0xe0: {  	v7 =	vld [tilespmem:s11+$0x220]  }
0xe1: {  	[tilespmem:s9+$0xC220] =	vst.add.f32.msk $0xffff, v3  }
0xe2: {  	[tilespmem:s11+$0xC230] =	vst.add.f32.msk $0xffff, v5  }
0xe3: {  	[tilespmem:s11+$0xC200] =	vst.add.f32.msk $0xffff, v4  }
0xe4: {  	[tilespmem:s11+$0xC210] =	vst.add.f32.msk $0xffff, v6  }
0xe5: {  	[tilespmem:s11+$0xC220] =	vst.add.f32.msk $0xffff, v7  }
0xe6: {  	_ =	sdelay $0x7ff  }
0xe7: {  	_ =	sdelay $0x38  }
0xe8: {  	_ =	swait.ge [sflag:s22], $0x4000  }
0xe9: {  	[sflag:s22] =	ssyncset.done $0x0  }
0xea: {  	[sflag:s22] =	ssyncadd.s32 $0xFFFFC000  }
0xeb: {  	v3 =	vld [tilespmem:$0x90];
	_ =	sdelay $0x4  }
0xec: {  	v4 =	vshll.u32 v3, $0x3  }
0xed: {  	v3 =	vand.u32 $0x7, v3;
	v4 =	vand.u32 $0xFFFFFFC0, v4  }
0xee: {  	v3 =	vor.u32 v3, v4  }
0xef: {  	v4 =	vperm.xlane v3, v0;
	_ =	sdelay $0x1  }
0xf0: {  	v4 =	vadd.s32 v1, v4;
	_ =	sdelay $0x3  }
0xf1: {  	s4 =	simm.s32 $0x0  }
0xf2: {  	[tilespmem:s26], [sflag:$0x1] =	stream.indirect_vreg.gather [hbm4b:s1+s4], $0x80, v4, vm0, $0xb8;
	[tilespmem:$0x1C200] =	vst v63  }
0xf3: {  	s16 =	simm.s32 $0x8A00;
	v3 =	vperm.xlane v3, v2  }
0xf4: {  	[tilespmem:s16], [sflag:$0x1] =	stream.indirect_vreg.gather [hbm4b:s6+s4], $0x80, v4, vm0, $0xb8;
	[tilespmem:$0x1C200] =	vst v63  }
0xf5: {  	s11 =	simm.s32 $0x9200;
	v3 =	vadd.s32 v1, v3  }
0xf6: {  	[tilespmem:s11], [sflag:$0x1] =	stream.indirect_vreg.gather [hbm4b:s7+s4], $0x80, v4, vm0, $0xb8;
	[tilespmem:$0x1C200] =	vst v63  }
0xf7: {  	s12 =	simm.s32 $0x9A00  }
0xf8: {  	[tilespmem:s12], [sflag:$0x1] =	stream.indirect_vreg.gather [hbm4b:s8+s4], $0x80, v4, vm0, $0xb8;
	[tilespmem:$0x1C200] =	vst v63  }
0xf9: {  	s13 =	simm.s32 $0xA200  }
0xfa: {  	[tilespmem:s13], [sflag:$0x1] =	stream.indirect_vreg.gather [hbm4b:s1+s4], $0x80, v3, vm0, $0xb8;
	[tilespmem:$0x1C200] =	vst v63  }
0xfb: {  	s14 =	simm.s32 $0xAA00  }
0xfc: {  	[tilespmem:s14], [sflag:$0x1] =	stream.indirect_vreg.gather [hbm4b:s6+s4], $0x80, v3, vm0, $0xb8;
	[tilespmem:$0x1C200] =	vst v63  }
0xfd: {  	s15 =	simm.s32 $0xB200  }
0xfe: {  	[tilespmem:s15], [sflag:$0x1] =	stream.indirect_vreg.gather [hbm4b:s7+s4], $0x80, v3, vm0, $0xb8;
	[tilespmem:$0x1C200] =	vst v63  }
0xff: {  	s16 =	simm.s32 $0xBA00  }
0x100: {  	[tilespmem:s16], [sflag:$0x1] =	stream.indirect_vreg.gather [hbm4b:s8+s4], $0x80, v3, vm0, $0xb8;
	[tilespmem:$0x1C200] =	vst v63  }
0x101: {  	s11 =	rddreg [dreg:$0x16];
	s12 =	simm.s32 $0x0  }
0x102: {  	[hbm4b:s11+s4] =	stream.linear.scatter [tilespmem:s5], [sflag:$0x7], $0x4000, $0x38;
	[tilespmem:$0x1C200] =	vst v63  }
0x103: {  	s9 =	sand.u32 $0x2000, s12;
	_ =	swait.ge [sflag:s23], $0x4000  }
0x104: {  	s12 =	simm.s32 $0x0;
	s13 =	sand.u32 $0x1C00, s4;
	[sflag:s23] =	ssyncset.done $0x0  }
0x105: {  	s9 =	sor.u32 s13, s9;
	s14 =	sand.u32 $0x380, s12;
	[sflag:s23] =	ssyncadd.s32 $0xFFFFC000  }
0x106: {  	s9 =	sor.u32 s14, s9;
	s4 =	sand.u32 $0x40, s4;
	_ =	sdelay $0x7ff  }
0x107: {  	s9 =	sor.u32 s4, s9;
	_ =	sdelay $0x38  }
0x108: {  	v4 =	vld [tilespmem:s9+$0x230]  }
0x109: {  	v5 =	vld [tilespmem:s9+$0x200]  }
0x10a: {  	v6 =	vld [tilespmem:s9+$0x210]  }
0x10b: {  	s15 =	simm.s32 $0x40;
	s4 =	simm.s32 $0x200  }
0x10c: {  	s13 =	simm.s32 $0x8;
	s11 =	sand.u32 $0x2000, s15;
	s16 =	sand.u32 $0x1C00, s4;
	v3 =	vld [tilespmem:s9+$0x220]  }
0x10d: {  	s13 =	sand.u32 $0x380, s13;
	s12 =	simm.s32 $0x40;
	s11 =	sor.u32 s16, s11;
	[tilespmem:s9+$0x10230] =	vst.add.f32.msk $0xffff, v4  }
0x10e: {  	s14 =	sand.u32 $0x40, s12;
	s11 =	sor.u32 s13, s11;
	[tilespmem:s9+$0x10200] =	vst.add.f32.msk $0xffff, v5  }
0x10f: {  	s11 =	sor.u32 s14, s11;
	[tilespmem:s9+$0x10210] =	vst.add.f32.msk $0xffff, v6  }
0x110: {  	v5 =	vld [tilespmem:s11+$0x230]  }
0x111: {  	s13 =	simm.s32 $0x4;
	v4 =	vld [tilespmem:s11+$0x200]  }
.LBB2_6:
0x112: {  	s13 =	sadd.s32 $0x4, s13;
	v6 =	vld [tilespmem:s11+$0x210];
	s4 =	sadd.s32 $0x200, s4  }
0x113: {  	s12 =	sadd.s32 $0x40, s12;
	s14 =	sshll.u32 s13, $0x4;
	p0 =	slt.u32 s13, $0x3FC;
	v7 =	vld [tilespmem:s11+$0x220]  }
0x114: {  	s15 =	sand.u32 $0x1C00, s4;
	s16 =	sshll.u32 s13, $0x1;
	s14 =	sand.u32 $0x2000, s14;
	[tilespmem:s9+$0x10220] =	vst.add.f32.msk $0xffff, v3  }
.Ltmp2:
0x115: {  	s9 =	sor.u32 s15, s14;
	s14 =	sand.u32 $0x380, s16;
	[tilespmem:s11+$0x10230] =	vst.add.f32.msk $0xffff, v5;
	(pc) =	sbr.rel @p0 .LBB2_6-.Ltmp2, $4  }
0x116: {  	s15 =	sand.u32 $0x40, s12;
	s14 =	sor.u32 s14, s9;
	[tilespmem:s11+$0x10200] =	vst.add.f32.msk $0xffff, v4;
	s9 =	smov.u32 s11  }
0x117: {  	s11 =	sor.u32 s15, s14;
	[tilespmem:s9+$0x10210] =	vst.add.f32.msk $0xffff, v6  }
0x118: {  	v5 =	vld [tilespmem:s11+$0x230];
	v3 =	vmov v7  }
0x119: {  	v4 =	vld [tilespmem:s11+$0x200]  }
0x11a: {  	v6 =	vld [tilespmem:s11+$0x210]  }
0x11b: {  	v7 =	vld [tilespmem:s11+$0x220]  }
0x11c: {  	[tilespmem:s9+$0x10220] =	vst.add.f32.msk $0xffff, v3  }
0x11d: {  	[tilespmem:s11+$0x10230] =	vst.add.f32.msk $0xffff, v5  }
0x11e: {  	[tilespmem:s11+$0x10200] =	vst.add.f32.msk $0xffff, v4  }
0x11f: {  	[tilespmem:s11+$0x10210] =	vst.add.f32.msk $0xffff, v6  }
0x120: {  	[tilespmem:s11+$0x10220] =	vst.add.f32.msk $0xffff, v7  }
0x121: {  	_ =	sdelay $0x7ff  }
0x122: {  	_ =	sdelay $0x38  }
0x123: {  	_ =	swait.ge [sflag:s19], $0x4000  }
0x124: {  	[sflag:s19] =	ssyncset.done $0x0  }
0x125: {  	[sflag:s19] =	ssyncadd.s32 $0xFFFFC000  }
0x126: {  	v3 =	vld [tilespmem:$0x110];
	_ =	sdelay $0x4  }
0x127: {  	v4 =	vshll.u32 v3, $0x3  }
0x128: {  	v3 =	vand.u32 $0x7, v3;
	v4 =	vand.u32 $0xFFFFFFC0, v4  }
0x129: {  	v3 =	vor.u32 v3, v4  }
0x12a: {  	v4 =	vperm.xlane v3, v0;
	_ =	sdelay $0x1  }
0x12b: {  	v4 =	vadd.s32 v1, v4;
	_ =	sdelay $0x3  }
0x12c: {  	s4 =	simm.s32 $0x0  }
0x12d: {  	[tilespmem:s5], [sflag:$0x2] =	stream.indirect_vreg.gather [hbm4b:s1+s4], $0x80, v4, vm0, $0xb8;
	[tilespmem:$0x1C200] =	vst v63  }
0x12e: {  	s16 =	simm.s32 $0xCA00;
	v3 =	vperm.xlane v3, v2  }
0x12f: {  	[tilespmem:s16], [sflag:$0x2] =	stream.indirect_vreg.gather [hbm4b:s6+s4], $0x80, v4, vm0, $0xb8;
	[tilespmem:$0x1C200] =	vst v63  }
0x130: {  	s11 =	simm.s32 $0xD200;
	v3 =	vadd.s32 v1, v3  }
0x131: {  	[tilespmem:s11], [sflag:$0x2] =	stream.indirect_vreg.gather [hbm4b:s7+s4], $0x80, v4, vm0, $0xb8;
	[tilespmem:$0x1C200] =	vst v63  }
0x132: {  	s12 =	simm.s32 $0xDA00  }
0x133: {  	[tilespmem:s12], [sflag:$0x2] =	stream.indirect_vreg.gather [hbm4b:s8+s4], $0x80, v4, vm0, $0xb8;
	[tilespmem:$0x1C200] =	vst v63  }
0x134: {  	s13 =	simm.s32 $0xE200  }
0x135: {  	[tilespmem:s13], [sflag:$0x2] =	stream.indirect_vreg.gather [hbm4b:s1+s4], $0x80, v3, vm0, $0xb8;
	[tilespmem:$0x1C200] =	vst v63  }
0x136: {  	s14 =	simm.s32 $0xEA00  }
0x137: {  	[tilespmem:s14], [sflag:$0x2] =	stream.indirect_vreg.gather [hbm4b:s6+s4], $0x80, v3, vm0, $0xb8;
	[tilespmem:$0x1C200] =	vst v63  }
0x138: {  	s15 =	simm.s32 $0xF200  }
0x139: {  	[tilespmem:s15], [sflag:$0x2] =	stream.indirect_vreg.gather [hbm4b:s7+s4], $0x80, v3, vm0, $0xb8;
	[tilespmem:$0x1C200] =	vst v63  }
0x13a: {  	s16 =	simm.s32 $0xFA00  }
0x13b: {  	[tilespmem:s16], [sflag:$0x2] =	stream.indirect_vreg.gather [hbm4b:s8+s4], $0x80, v3, vm0, $0xb8;
	[tilespmem:$0x1C200] =	vst v63  }
0x13c: {  	s11 =	rddreg [dreg:$0x18];
	s12 =	simm.s32 $0x0  }
0x13d: {  	[hbm4b:s11+s4] =	stream.linear.scatter [tilespmem:s17], [sflag:$0x8], $0x4000, $0x38;
	[tilespmem:$0x1C200] =	vst v63  }
0x13e: {  	s9 =	sand.u32 $0x2000, s12;
	_ =	swait.ge [sflag:s20], $0x4000  }
0x13f: {  	s12 =	simm.s32 $0x0;
	s13 =	sand.u32 $0x1C00, s4;
	[sflag:s20] =	ssyncset.done $0x0  }
0x140: {  	s9 =	sor.u32 s13, s9;
	s14 =	sand.u32 $0x380, s12;
	[sflag:s20] =	ssyncadd.s32 $0xFFFFC000  }
0x141: {  	s9 =	sor.u32 s14, s9;
	s4 =	sand.u32 $0x40, s4;
	_ =	sdelay $0x7ff  }
0x142: {  	s9 =	sor.u32 s4, s9;
	_ =	sdelay $0x38  }
0x143: {  	v4 =	vld [tilespmem:s9+$0x230]  }
0x144: {  	v5 =	vld [tilespmem:s9+$0x200]  }
0x145: {  	v6 =	vld [tilespmem:s9+$0x210]  }
0x146: {  	s15 =	simm.s32 $0x40;
	s4 =	simm.s32 $0x200  }
0x147: {  	s13 =	simm.s32 $0x8;
	s11 =	sand.u32 $0x2000, s15;
	s16 =	sand.u32 $0x1C00, s4;
	v3 =	vld [tilespmem:s9+$0x220]  }
0x148: {  	s13 =	sand.u32 $0x380, s13;
	s12 =	simm.s32 $0x40;
	s11 =	sor.u32 s16, s11;
	[tilespmem:s9+$0x14230] =	vst.add.f32.msk $0xffff, v4  }
0x149: {  	s14 =	sand.u32 $0x40, s12;
	s11 =	sor.u32 s13, s11;
	[tilespmem:s9+$0x14200] =	vst.add.f32.msk $0xffff, v5  }
0x14a: {  	s11 =	sor.u32 s14, s11;
	[tilespmem:s9+$0x14210] =	vst.add.f32.msk $0xffff, v6  }
0x14b: {  	v5 =	vld [tilespmem:s11+$0x230]  }
0x14c: {  	s13 =	simm.s32 $0x4;
	v4 =	vld [tilespmem:s11+$0x200]  }
.LBB2_8:
0x14d: {  	s13 =	sadd.s32 $0x4, s13;
	v6 =	vld [tilespmem:s11+$0x210];
	s4 =	sadd.s32 $0x200, s4  }
0x14e: {  	s12 =	sadd.s32 $0x40, s12;
	s14 =	sshll.u32 s13, $0x4;
	p0 =	slt.u32 s13, $0x3FC;
	v7 =	vld [tilespmem:s11+$0x220]  }
0x14f: {  	s15 =	sand.u32 $0x1C00, s4;
	s16 =	sshll.u32 s13, $0x1;
	s14 =	sand.u32 $0x2000, s14;
	[tilespmem:s9+$0x14220] =	vst.add.f32.msk $0xffff, v3  }
.Ltmp3:
0x150: {  	s9 =	sor.u32 s15, s14;
	s14 =	sand.u32 $0x380, s16;
	[tilespmem:s11+$0x14230] =	vst.add.f32.msk $0xffff, v5;
	(pc) =	sbr.rel @p0 .LBB2_8-.Ltmp3, $4  }
0x151: {  	s15 =	sand.u32 $0x40, s12;
	s14 =	sor.u32 s14, s9;
	[tilespmem:s11+$0x14200] =	vst.add.f32.msk $0xffff, v4;
	s9 =	smov.u32 s11  }
0x152: {  	s11 =	sor.u32 s15, s14;
	[tilespmem:s9+$0x14210] =	vst.add.f32.msk $0xffff, v6  }
0x153: {  	v5 =	vld [tilespmem:s11+$0x230];
	v3 =	vmov v7  }
0x154: {  	v4 =	vld [tilespmem:s11+$0x200]  }
0x155: {  	v6 =	vld [tilespmem:s11+$0x210]  }
0x156: {  	v7 =	vld [tilespmem:s11+$0x220]  }
0x157: {  	[tilespmem:s9+$0x14220] =	vst.add.f32.msk $0xffff, v3  }
0x158: {  	[tilespmem:s11+$0x14230] =	vst.add.f32.msk $0xffff, v5  }
0x159: {  	[tilespmem:s11+$0x14200] =	vst.add.f32.msk $0xffff, v4  }
0x15a: {  	[tilespmem:s11+$0x14210] =	vst.add.f32.msk $0xffff, v6  }
0x15b: {  	[tilespmem:s11+$0x14220] =	vst.add.f32.msk $0xffff, v7  }
0x15c: {  	_ =	sdelay $0x7ff  }
0x15d: {  	_ =	sdelay $0x38  }
0x15e: {  	_ =	swait.ge [sflag:s28], $0x4000  }
0x15f: {  	[sflag:s28] =	ssyncset.done $0x0  }
0x160: {  	[sflag:s28] =	ssyncadd.s32 $0xFFFFC000  }
0x161: {  	v3 =	vld [tilespmem:$0x190];
	_ =	sdelay $0x4  }
0x162: {  	v4 =	vshll.u32 v3, $0x3  }
0x163: {  	v3 =	vand.u32 $0x7, v3;
	v4 =	vand.u32 $0xFFFFFFC0, v4  }
0x164: {  	v3 =	vor.u32 v3, v4  }
0x165: {  	v4 =	vperm.xlane v3, v0;
	_ =	sdelay $0x1  }
0x166: {  	v4 =	vadd.s32 v1, v4;
	_ =	sdelay $0x3  }
0x167: {  	s4 =	simm.s32 $0x0  }
0x168: {  	[tilespmem:s17], [sflag:$0x3] =	stream.indirect_vreg.gather [hbm4b:s1+s4], $0x80, v4, vm0, $0xb8;
	[tilespmem:$0x1C200] =	vst v63  }
0x169: {  	s16 =	simm.s32 $0x10A00;
	v3 =	vperm.xlane v3, v2  }
0x16a: {  	[tilespmem:s16], [sflag:$0x3] =	stream.indirect_vreg.gather [hbm4b:s6+s4], $0x80, v4, vm0, $0xb8;
	[tilespmem:$0x1C200] =	vst v63  }
0x16b: {  	s11 =	simm.s32 $0x11200;
	v3 =	vadd.s32 v1, v3  }
0x16c: {  	[tilespmem:s11], [sflag:$0x3] =	stream.indirect_vreg.gather [hbm4b:s7+s4], $0x80, v4, vm0, $0xb8;
	[tilespmem:$0x1C200] =	vst v63  }
0x16d: {  	s12 =	simm.s32 $0x11A00  }
0x16e: {  	[tilespmem:s12], [sflag:$0x3] =	stream.indirect_vreg.gather [hbm4b:s8+s4], $0x80, v4, vm0, $0xb8;
	[tilespmem:$0x1C200] =	vst v63  }
0x16f: {  	s13 =	simm.s32 $0x12200  }
0x170: {  	[tilespmem:s13], [sflag:$0x3] =	stream.indirect_vreg.gather [hbm4b:s1+s4], $0x80, v3, vm0, $0xb8;
	[tilespmem:$0x1C200] =	vst v63  }
0x171: {  	s14 =	simm.s32 $0x12A00  }
0x172: {  	[tilespmem:s14], [sflag:$0x3] =	stream.indirect_vreg.gather [hbm4b:s6+s4], $0x80, v3, vm0, $0xb8;
	[tilespmem:$0x1C200] =	vst v63  }
0x173: {  	s15 =	simm.s32 $0x13200  }
0x174: {  	[tilespmem:s15], [sflag:$0x3] =	stream.indirect_vreg.gather [hbm4b:s7+s4], $0x80, v3, vm0, $0xb8;
	[tilespmem:$0x1C200] =	vst v63  }
0x175: {  	s16 =	simm.s32 $0x13A00  }
0x176: {  	[tilespmem:s16], [sflag:$0x3] =	stream.indirect_vreg.gather [hbm4b:s8+s4], $0x80, v3, vm0, $0xb8;
	[tilespmem:$0x1C200] =	vst v63  }
0x177: {  	s11 =	rddreg [dreg:$0x19]  }
0x178: {  	[hbm4b:s11+s4] =	stream.linear.scatter [tilespmem:s10], [sflag:$0x9], $0x4000, $0x38;
	[tilespmem:$0x1C200] =	vst v63  }
0x179: {  	_ =	swait.ge [sflag:s29], $0x4000  }
0x17a: {  	[sflag:s29] =	ssyncset.done $0x0  }
0x17b: {  	s12 =	simm.s32 $0x0;
	[sflag:s29] =	ssyncadd.s32 $0xFFFFC000  }
0x17c: {  	s9 =	sand.u32 $0x2000, s12;
	_ =	swait.ge [sflag:s30], $0x4000  }
0x17d: {  	s12 =	simm.s32 $0x0;
	s13 =	sand.u32 $0x1C00, s4;
	[sflag:s30] =	ssyncset.done $0x0  }
0x17e: {  	s9 =	sor.u32 s13, s9;
	s14 =	sand.u32 $0x380, s12;
	[sflag:s30] =	ssyncadd.s32 $0xFFFFC000  }
0x17f: {  	s9 =	sor.u32 s14, s9;
	s4 =	sand.u32 $0x40, s4;
	_ =	sdelay $0x7ff  }
0x180: {  	s9 =	sor.u32 s4, s9;
	_ =	sdelay $0x38  }
0x181: {  	v4 =	vld [tilespmem:s9+$0x4230]  }
0x182: {  	v5 =	vld [tilespmem:s9+$0x4200]  }
0x183: {  	v6 =	vld [tilespmem:s9+$0x4210]  }
0x184: {  	s15 =	simm.s32 $0x40;
	s4 =	simm.s32 $0x200  }
0x185: {  	s13 =	simm.s32 $0x8;
	s11 =	sand.u32 $0x2000, s15;
	s16 =	sand.u32 $0x1C00, s4;
	v3 =	vld [tilespmem:s9+$0x4220]  }
0x186: {  	s13 =	sand.u32 $0x380, s13;
	s12 =	simm.s32 $0x40;
	s11 =	sor.u32 s16, s11;
	[tilespmem:s9+$0x18230] =	vst.add.f32.msk $0xffff, v4  }
0x187: {  	s14 =	sand.u32 $0x40, s12;
	s11 =	sor.u32 s13, s11;
	[tilespmem:s9+$0x18200] =	vst.add.f32.msk $0xffff, v5  }
0x188: {  	s11 =	sor.u32 s14, s11;
	[tilespmem:s9+$0x18210] =	vst.add.f32.msk $0xffff, v6  }
0x189: {  	v5 =	vld [tilespmem:s11+$0x4230]  }
0x18a: {  	s13 =	simm.s32 $0x4;
	v4 =	vld [tilespmem:s11+$0x4200]  }
.LBB2_10:
0x18b: {  	s13 =	sadd.s32 $0x4, s13;
	v6 =	vld [tilespmem:s11+$0x4210];
	s4 =	sadd.s32 $0x200, s4  }
0x18c: {  	s12 =	sadd.s32 $0x40, s12;
	s14 =	sshll.u32 s13, $0x4;
	p0 =	slt.u32 s13, $0x3FC;
	v7 =	vld [tilespmem:s11+$0x4220]  }
0x18d: {  	s15 =	sand.u32 $0x1C00, s4;
	s16 =	sshll.u32 s13, $0x1;
	s14 =	sand.u32 $0x2000, s14;
	[tilespmem:s9+$0x18220] =	vst.add.f32.msk $0xffff, v3  }
.Ltmp4:
0x18e: {  	s9 =	sor.u32 s15, s14;
	s14 =	sand.u32 $0x380, s16;
	[tilespmem:s11+$0x18230] =	vst.add.f32.msk $0xffff, v5;
	(pc) =	sbr.rel @p0 .LBB2_10-.Ltmp4, $4  }
0x18f: {  	s15 =	sand.u32 $0x40, s12;
	s14 =	sor.u32 s14, s9;
	[tilespmem:s11+$0x18200] =	vst.add.f32.msk $0xffff, v4;
	s9 =	smov.u32 s11  }
0x190: {  	s11 =	sor.u32 s15, s14;
	[tilespmem:s9+$0x18210] =	vst.add.f32.msk $0xffff, v6  }
0x191: {  	v5 =	vld [tilespmem:s11+$0x4230];
	v3 =	vmov v7  }
0x192: {  	v4 =	vld [tilespmem:s11+$0x4200]  }
0x193: {  	v6 =	vld [tilespmem:s11+$0x4210]  }
0x194: {  	v7 =	vld [tilespmem:s11+$0x4220]  }
0x195: {  	[tilespmem:s9+$0x18220] =	vst.add.f32.msk $0xffff, v3  }
0x196: {  	[tilespmem:s11+$0x18230] =	vst.add.f32.msk $0xffff, v5  }
0x197: {  	[tilespmem:s11+$0x18200] =	vst.add.f32.msk $0xffff, v4  }
0x198: {  	[tilespmem:s11+$0x18210] =	vst.add.f32.msk $0xffff, v6  }
0x199: {  	[tilespmem:s11+$0x18220] =	vst.add.f32.msk $0xffff, v7  }
0x19a: {  	_ =	sdelay $0x7ff  }
0x19b: {  	_ =	sdelay $0x38  }
0x19c: {  	s4 =	simm.s32 $0x0;
	s15 =	simm.s32 $0x200;
	s14 =	rddreg [dreg:$0x9]  }
0x19d: {  	[tilespmem:s15], [sflag:$0xB] =	stream.linear.gather [hbm4b:s14+s4], $0x4000, $0x38;
	[tilespmem:$0x1C200] =	vst v63  }
0x19e: {  	_ =	swait.ge [sflag:s31], $0x4000  }
0x19f: {  	[sflag:s31] =	ssyncset.done $0x0  }
0x1a0: {  	[sflag:s31] =	ssyncadd.s32 $0xFFFFC000  }
0x1a1: {  	v3 =	vld [tilespmem:$0x20];
	_ =	sdelay $0x4  }
0x1a2: {  	v4 =	vshll.u32 v3, $0x3  }
0x1a3: {  	v3 =	vand.u32 $0x7, v3;
	v4 =	vand.u32 $0xFFFFFFC0, v4  }
0x1a4: {  	v3 =	vor.u32 v3, v4  }
0x1a5: {  	v4 =	vperm.xlane v3, v0;
	_ =	sdelay $0x1  }
0x1a6: {  	v4 =	vadd.s32 v1, v4;
	_ =	sdelay $0x4  }
0x1a7: {  	[tilespmem:s10], [sflag:$0x4] =	stream.indirect_vreg.gather [hbm4b:s1+s4], $0x80, v4, vm0, $0xb8;
	[tilespmem:$0x1C200] =	vst v63  }
0x1a8: {  	s16 =	simm.s32 $0x14A00;
	v3 =	vperm.xlane v3, v2  }
0x1a9: {  	[tilespmem:s16], [sflag:$0x4] =	stream.indirect_vreg.gather [hbm4b:s6+s4], $0x80, v4, vm0, $0xb8;
	[tilespmem:$0x1C200] =	vst v63  }
0x1aa: {  	s11 =	simm.s32 $0x15200;
	v3 =	vadd.s32 v1, v3  }
0x1ab: {  	[tilespmem:s11], [sflag:$0x4] =	stream.indirect_vreg.gather [hbm4b:s7+s4], $0x80, v4, vm0, $0xb8;
	[tilespmem:$0x1C200] =	vst v63  }
0x1ac: {  	s12 =	simm.s32 $0x15A00  }
0x1ad: {  	[tilespmem:s12], [sflag:$0x4] =	stream.indirect_vreg.gather [hbm4b:s8+s4], $0x80, v4, vm0, $0xb8;
	[tilespmem:$0x1C200] =	vst v63  }
0x1ae: {  	s13 =	simm.s32 $0x16200  }
0x1af: {  	[tilespmem:s13], [sflag:$0x4] =	stream.indirect_vreg.gather [hbm4b:s1+s4], $0x80, v3, vm0, $0xb8;
	[tilespmem:$0x1C200] =	vst v63  }
0x1b0: {  	s14 =	simm.s32 $0x16A00  }
0x1b1: {  	[tilespmem:s14], [sflag:$0x4] =	stream.indirect_vreg.gather [hbm4b:s6+s4], $0x80, v3, vm0, $0xb8;
	[tilespmem:$0x1C200] =	vst v63  }
0x1b2: {  	s15 =	simm.s32 $0x17200  }
0x1b3: {  	[tilespmem:s15], [sflag:$0x4] =	stream.indirect_vreg.gather [hbm4b:s7+s4], $0x80, v3, vm0, $0xb8;
	[tilespmem:$0x1C200] =	vst v63  }
0x1b4: {  	s16 =	simm.s32 $0x17A00  }
0x1b5: {  	[tilespmem:s16], [sflag:$0x4] =	stream.indirect_vreg.gather [hbm4b:s8+s4], $0x80, v3, vm0, $0xb8;
	[tilespmem:$0x1C200] =	vst v63  }
0x1b6: {  	s11 =	rddreg [dreg:$0xa];
	s12 =	simm.s32 $0x0  }
0x1b7: {  	[hbm4b:s11+s4] =	stream.linear.scatter [tilespmem:s18], [sflag:$0xA], $0x4000, $0x38;
	[tilespmem:$0x1C200] =	vst v63  }
0x1b8: {  	s9 =	sand.u32 $0x2000, s12;
	_ =	swait.ge [sflag:s25], $0x4000  }
0x1b9: {  	s12 =	simm.s32 $0x0;
	s13 =	sand.u32 $0x1C00, s4;
	[sflag:s25] =	ssyncset.done $0x0  }
0x1ba: {  	s9 =	sor.u32 s13, s9;
	s14 =	sand.u32 $0x380, s12;
	[sflag:s25] =	ssyncadd.s32 $0xFFFFC000  }
0x1bb: {  	s9 =	sor.u32 s14, s9;
	s4 =	sand.u32 $0x40, s4;
	_ =	sdelay $0x7ff  }
0x1bc: {  	s9 =	sor.u32 s4, s9;
	_ =	sdelay $0x38  }
0x1bd: {  	v4 =	vld [tilespmem:s9+$0x4230]  }
0x1be: {  	v5 =	vld [tilespmem:s9+$0x4200]  }
0x1bf: {  	v6 =	vld [tilespmem:s9+$0x4210]  }
0x1c0: {  	s15 =	simm.s32 $0x40;
	s4 =	simm.s32 $0x200  }
0x1c1: {  	s13 =	simm.s32 $0x8;
	s11 =	sand.u32 $0x2000, s15;
	s16 =	sand.u32 $0x1C00, s4;
	v3 =	vld [tilespmem:s9+$0x4220]  }
0x1c2: {  	s13 =	sand.u32 $0x380, s13;
	s12 =	simm.s32 $0x40;
	s11 =	sor.u32 s16, s11;
	[tilespmem:s9+$0x8230] =	vst.add.f32.msk $0xffff, v4  }
0x1c3: {  	s14 =	sand.u32 $0x40, s12;
	s11 =	sor.u32 s13, s11;
	[tilespmem:s9+$0x8200] =	vst.add.f32.msk $0xffff, v5  }
0x1c4: {  	s11 =	sor.u32 s14, s11;
	[tilespmem:s9+$0x8210] =	vst.add.f32.msk $0xffff, v6  }
0x1c5: {  	v5 =	vld [tilespmem:s11+$0x4230]  }
0x1c6: {  	s13 =	simm.s32 $0x4;
	v4 =	vld [tilespmem:s11+$0x4200]  }
.LBB2_12:
0x1c7: {  	s13 =	sadd.s32 $0x4, s13;
	v6 =	vld [tilespmem:s11+$0x4210];
	s4 =	sadd.s32 $0x200, s4  }
0x1c8: {  	s12 =	sadd.s32 $0x40, s12;
	s14 =	sshll.u32 s13, $0x4;
	p0 =	slt.u32 s13, $0x3FC;
	v7 =	vld [tilespmem:s11+$0x4220]  }
0x1c9: {  	s15 =	sand.u32 $0x1C00, s4;
	s16 =	sshll.u32 s13, $0x1;
	s14 =	sand.u32 $0x2000, s14;
	[tilespmem:s9+$0x8220] =	vst.add.f32.msk $0xffff, v3  }
.Ltmp5:
0x1ca: {  	s9 =	sor.u32 s15, s14;
	s14 =	sand.u32 $0x380, s16;
	[tilespmem:s11+$0x8230] =	vst.add.f32.msk $0xffff, v5;
	(pc) =	sbr.rel @p0 .LBB2_12-.Ltmp5, $4  }
0x1cb: {  	s15 =	sand.u32 $0x40, s12;
	s14 =	sor.u32 s14, s9;
	[tilespmem:s11+$0x8200] =	vst.add.f32.msk $0xffff, v4;
	s9 =	smov.u32 s11  }
0x1cc: {  	s11 =	sor.u32 s15, s14;
	[tilespmem:s9+$0x8210] =	vst.add.f32.msk $0xffff, v6  }
0x1cd: {  	v5 =	vld [tilespmem:s11+$0x4230];
	v3 =	vmov v7  }
0x1ce: {  	v4 =	vld [tilespmem:s11+$0x4200]  }
0x1cf: {  	v6 =	vld [tilespmem:s11+$0x4210]  }
0x1d0: {  	v7 =	vld [tilespmem:s11+$0x4220]  }
0x1d1: {  	[tilespmem:s9+$0x8220] =	vst.add.f32.msk $0xffff, v3  }
0x1d2: {  	[tilespmem:s11+$0x8230] =	vst.add.f32.msk $0xffff, v5  }
0x1d3: {  	[tilespmem:s11+$0x8200] =	vst.add.f32.msk $0xffff, v4  }
0x1d4: {  	[tilespmem:s11+$0x8210] =	vst.add.f32.msk $0xffff, v6  }
0x1d5: {  	[tilespmem:s11+$0x8220] =	vst.add.f32.msk $0xffff, v7  }
0x1d6: {  	_ =	sdelay $0x7ff  }
0x1d7: {  	_ =	sdelay $0x38  }
0x1d8: {  	_ =	swait.ge [sflag:s0], $0x4000  }
0x1d9: {  	[sflag:s0] =	ssyncset.done $0x0  }
0x1da: {  	[sflag:s0] =	ssyncadd.s32 $0xFFFFC000  }
0x1db: {  	v3 =	vld [tilespmem:$0xA0];
	_ =	sdelay $0x4  }
0x1dc: {  	v4 =	vshll.u32 v3, $0x3  }
0x1dd: {  	v3 =	vand.u32 $0x7, v3;
	v4 =	vand.u32 $0xFFFFFFC0, v4  }
0x1de: {  	v3 =	vor.u32 v3, v4  }
0x1df: {  	v4 =	vperm.xlane v3, v0;
	_ =	sdelay $0x1  }
0x1e0: {  	v4 =	vadd.s32 v1, v4;
	_ =	sdelay $0x3  }
0x1e1: {  	s4 =	simm.s32 $0x0  }
0x1e2: {  	[tilespmem:s18], [sflag:$0x5] =	stream.indirect_vreg.gather [hbm4b:s1+s4], $0x80, v4, vm0, $0xb8;
	[tilespmem:$0x1C200] =	vst v63  }
0x1e3: {  	s16 =	simm.s32 $0x18A00;
	v3 =	vperm.xlane v3, v2  }
0x1e4: {  	[tilespmem:s16], [sflag:$0x5] =	stream.indirect_vreg.gather [hbm4b:s6+s4], $0x80, v4, vm0, $0xb8;
	[tilespmem:$0x1C200] =	vst v63  }
0x1e5: {  	s11 =	simm.s32 $0x19200;
	v3 =	vadd.s32 v1, v3  }
0x1e6: {  	[tilespmem:s11], [sflag:$0x5] =	stream.indirect_vreg.gather [hbm4b:s7+s4], $0x80, v4, vm0, $0xb8;
	[tilespmem:$0x1C200] =	vst v63  }
0x1e7: {  	s12 =	simm.s32 $0x19A00  }
0x1e8: {  	[tilespmem:s12], [sflag:$0x5] =	stream.indirect_vreg.gather [hbm4b:s8+s4], $0x80, v4, vm0, $0xb8;
	[tilespmem:$0x1C200] =	vst v63  }
0x1e9: {  	s13 =	simm.s32 $0x1A200  }
0x1ea: {  	[tilespmem:s13], [sflag:$0x5] =	stream.indirect_vreg.gather [hbm4b:s1+s4], $0x80, v3, vm0, $0xb8;
	[tilespmem:$0x1C200] =	vst v63  }
0x1eb: {  	s14 =	simm.s32 $0x1AA00  }
0x1ec: {  	[tilespmem:s14], [sflag:$0x5] =	stream.indirect_vreg.gather [hbm4b:s6+s4], $0x80, v3, vm0, $0xb8;
	[tilespmem:$0x1C200] =	vst v63  }
0x1ed: {  	s15 =	simm.s32 $0x1B200  }
0x1ee: {  	[tilespmem:s15], [sflag:$0x5] =	stream.indirect_vreg.gather [hbm4b:s7+s4], $0x80, v3, vm0, $0xb8;
	[tilespmem:$0x1C200] =	vst v63  }
0x1ef: {  	s16 =	simm.s32 $0x1BA00  }
0x1f0: {  	[tilespmem:s16], [sflag:$0x5] =	stream.indirect_vreg.gather [hbm4b:s8+s4], $0x80, v3, vm0, $0xb8;
	[tilespmem:$0x1C200] =	vst v63  }
0x1f1: {  	s11 =	rddreg [dreg:$0x1a];
	s12 =	simm.s32 $0x0  }
0x1f2: {  	[hbm4b:s11+s4] =	stream.linear.scatter [tilespmem:s26], [sflag:$0x6], $0x4000, $0x38;
	[tilespmem:$0x1C200] =	vst v63  }
0x1f3: {  	s9 =	sand.u32 $0x2000, s12;
	_ =	swait.ge [sflag:s21], $0x4000  }
0x1f4: {  	s12 =	simm.s32 $0x0;
	s13 =	sand.u32 $0x1C00, s4;
	[sflag:s21] =	ssyncset.done $0x0  }
0x1f5: {  	s9 =	sor.u32 s13, s9;
	s14 =	sand.u32 $0x380, s12;
	[sflag:s21] =	ssyncadd.s32 $0xFFFFC000  }
0x1f6: {  	s9 =	sor.u32 s14, s9;
	s4 =	sand.u32 $0x40, s4;
	_ =	sdelay $0x7ff  }
0x1f7: {  	s9 =	sor.u32 s4, s9;
	_ =	sdelay $0x38  }
0x1f8: {  	v4 =	vld [tilespmem:s9+$0x4230]  }
0x1f9: {  	v5 =	vld [tilespmem:s9+$0x4200]  }
0x1fa: {  	v6 =	vld [tilespmem:s9+$0x4210]  }
0x1fb: {  	s15 =	simm.s32 $0x40;
	s4 =	simm.s32 $0x200  }
0x1fc: {  	s13 =	simm.s32 $0x8;
	s11 =	sand.u32 $0x2000, s15;
	s16 =	sand.u32 $0x1C00, s4;
	v3 =	vld [tilespmem:s9+$0x4220]  }
0x1fd: {  	s13 =	sand.u32 $0x380, s13;
	s12 =	simm.s32 $0x40;
	s11 =	sor.u32 s16, s11;
	[tilespmem:s9+$0xC230] =	vst.add.f32.msk $0xffff, v4  }
0x1fe: {  	s14 =	sand.u32 $0x40, s12;
	s11 =	sor.u32 s13, s11;
	[tilespmem:s9+$0xC200] =	vst.add.f32.msk $0xffff, v5  }
0x1ff: {  	s11 =	sor.u32 s14, s11;
	[tilespmem:s9+$0xC210] =	vst.add.f32.msk $0xffff, v6  }
0x200: {  	v5 =	vld [tilespmem:s11+$0x4230]  }
0x201: {  	s13 =	simm.s32 $0x4;
	v4 =	vld [tilespmem:s11+$0x4200]  }
.LBB2_14:
0x202: {  	s13 =	sadd.s32 $0x4, s13;
	v6 =	vld [tilespmem:s11+$0x4210];
	s4 =	sadd.s32 $0x200, s4  }
0x203: {  	s12 =	sadd.s32 $0x40, s12;
	s14 =	sshll.u32 s13, $0x4;
	p0 =	slt.u32 s13, $0x3FC;
	v7 =	vld [tilespmem:s11+$0x4220]  }
0x204: {  	s15 =	sand.u32 $0x1C00, s4;
	s16 =	sshll.u32 s13, $0x1;
	s14 =	sand.u32 $0x2000, s14;
	[tilespmem:s9+$0xC220] =	vst.add.f32.msk $0xffff, v3  }
.Ltmp6:
0x205: {  	s9 =	sor.u32 s15, s14;
	s14 =	sand.u32 $0x380, s16;
	[tilespmem:s11+$0xC230] =	vst.add.f32.msk $0xffff, v5;
	(pc) =	sbr.rel @p0 .LBB2_14-.Ltmp6, $4  }
0x206: {  	s15 =	sand.u32 $0x40, s12;
	s14 =	sor.u32 s14, s9;
	[tilespmem:s11+$0xC200] =	vst.add.f32.msk $0xffff, v4;
	s9 =	smov.u32 s11  }
0x207: {  	s11 =	sor.u32 s15, s14;
	[tilespmem:s9+$0xC210] =	vst.add.f32.msk $0xffff, v6  }
0x208: {  	v5 =	vld [tilespmem:s11+$0x4230];
	v3 =	vmov v7  }
0x209: {  	v4 =	vld [tilespmem:s11+$0x4200]  }
0x20a: {  	v6 =	vld [tilespmem:s11+$0x4210]  }
0x20b: {  	v7 =	vld [tilespmem:s11+$0x4220]  }
0x20c: {  	[tilespmem:s9+$0xC220] =	vst.add.f32.msk $0xffff, v3  }
0x20d: {  	[tilespmem:s11+$0xC230] =	vst.add.f32.msk $0xffff, v5  }
0x20e: {  	[tilespmem:s11+$0xC200] =	vst.add.f32.msk $0xffff, v4  }
0x20f: {  	[tilespmem:s11+$0xC210] =	vst.add.f32.msk $0xffff, v6  }
0x210: {  	[tilespmem:s11+$0xC220] =	vst.add.f32.msk $0xffff, v7  }
0x211: {  	_ =	sdelay $0x7ff  }
0x212: {  	_ =	sdelay $0x38  }
0x213: {  	_ =	swait.ge [sflag:s22], $0x4000  }
0x214: {  	[sflag:s22] =	ssyncset.done $0x0  }
0x215: {  	[sflag:s22] =	ssyncadd.s32 $0xFFFFC000  }
0x216: {  	v3 =	vld [tilespmem:$0x120];
	_ =	sdelay $0x4  }
0x217: {  	v4 =	vshll.u32 v3, $0x3  }
0x218: {  	v3 =	vand.u32 $0x7, v3;
	v4 =	vand.u32 $0xFFFFFFC0, v4  }
0x219: {  	v3 =	vor.u32 v3, v4  }
0x21a: {  	v4 =	vperm.xlane v3, v0;
	_ =	sdelay $0x1  }
0x21b: {  	v4 =	vadd.s32 v1, v4;
	_ =	sdelay $0x3  }
0x21c: {  	s4 =	simm.s32 $0x0  }
0x21d: {  	[tilespmem:s26], [sflag:$0x1] =	stream.indirect_vreg.gather [hbm4b:s1+s4], $0x80, v4, vm0, $0xb8;
	[tilespmem:$0x1C200] =	vst v63  }
0x21e: {  	s16 =	simm.s32 $0x8A00;
	v3 =	vperm.xlane v3, v2  }
0x21f: {  	[tilespmem:s16], [sflag:$0x1] =	stream.indirect_vreg.gather [hbm4b:s6+s4], $0x80, v4, vm0, $0xb8;
	[tilespmem:$0x1C200] =	vst v63  }
0x220: {  	s11 =	simm.s32 $0x9200;
	v3 =	vadd.s32 v1, v3  }
0x221: {  	[tilespmem:s11], [sflag:$0x1] =	stream.indirect_vreg.gather [hbm4b:s7+s4], $0x80, v4, vm0, $0xb8;
	[tilespmem:$0x1C200] =	vst v63  }
0x222: {  	s12 =	simm.s32 $0x9A00  }
0x223: {  	[tilespmem:s12], [sflag:$0x1] =	stream.indirect_vreg.gather [hbm4b:s8+s4], $0x80, v4, vm0, $0xb8;
	[tilespmem:$0x1C200] =	vst v63  }
0x224: {  	s13 =	simm.s32 $0xA200  }
0x225: {  	[tilespmem:s13], [sflag:$0x1] =	stream.indirect_vreg.gather [hbm4b:s1+s4], $0x80, v3, vm0, $0xb8;
	[tilespmem:$0x1C200] =	vst v63  }
0x226: {  	s14 =	simm.s32 $0xAA00  }
0x227: {  	[tilespmem:s14], [sflag:$0x1] =	stream.indirect_vreg.gather [hbm4b:s6+s4], $0x80, v3, vm0, $0xb8;
	[tilespmem:$0x1C200] =	vst v63  }
0x228: {  	s15 =	simm.s32 $0xB200  }
0x229: {  	[tilespmem:s15], [sflag:$0x1] =	stream.indirect_vreg.gather [hbm4b:s7+s4], $0x80, v3, vm0, $0xb8;
	[tilespmem:$0x1C200] =	vst v63  }
0x22a: {  	s16 =	simm.s32 $0xBA00  }
0x22b: {  	[tilespmem:s16], [sflag:$0x1] =	stream.indirect_vreg.gather [hbm4b:s8+s4], $0x80, v3, vm0, $0xb8;
	[tilespmem:$0x1C200] =	vst v63  }
0x22c: {  	s11 =	rddreg [dreg:$0x1b];
	s12 =	simm.s32 $0x0  }
0x22d: {  	[hbm4b:s11+s4] =	stream.linear.scatter [tilespmem:s5], [sflag:$0x7], $0x4000, $0x38;
	[tilespmem:$0x1C200] =	vst v63  }
0x22e: {  	s9 =	sand.u32 $0x2000, s12;
	_ =	swait.ge [sflag:s23], $0x4000  }
0x22f: {  	s12 =	simm.s32 $0x0;
	s13 =	sand.u32 $0x1C00, s4;
	[sflag:s23] =	ssyncset.done $0x0  }
0x230: {  	s9 =	sor.u32 s13, s9;
	s14 =	sand.u32 $0x380, s12;
	[sflag:s23] =	ssyncadd.s32 $0xFFFFC000  }
0x231: {  	s9 =	sor.u32 s14, s9;
	s4 =	sand.u32 $0x40, s4;
	_ =	sdelay $0x7ff  }
0x232: {  	s9 =	sor.u32 s4, s9;
	_ =	sdelay $0x38  }
0x233: {  	v4 =	vld [tilespmem:s9+$0x4230]  }
0x234: {  	v5 =	vld [tilespmem:s9+$0x4200]  }
0x235: {  	v6 =	vld [tilespmem:s9+$0x4210]  }
0x236: {  	s15 =	simm.s32 $0x40;
	s4 =	simm.s32 $0x200  }
0x237: {  	s13 =	simm.s32 $0x8;
	s11 =	sand.u32 $0x2000, s15;
	s16 =	sand.u32 $0x1C00, s4;
	v3 =	vld [tilespmem:s9+$0x4220]  }
0x238: {  	s13 =	sand.u32 $0x380, s13;
	s12 =	simm.s32 $0x40;
	s11 =	sor.u32 s16, s11;
	[tilespmem:s9+$0x10230] =	vst.add.f32.msk $0xffff, v4  }
0x239: {  	s14 =	sand.u32 $0x40, s12;
	s11 =	sor.u32 s13, s11;
	[tilespmem:s9+$0x10200] =	vst.add.f32.msk $0xffff, v5  }
0x23a: {  	s11 =	sor.u32 s14, s11;
	[tilespmem:s9+$0x10210] =	vst.add.f32.msk $0xffff, v6  }
0x23b: {  	v5 =	vld [tilespmem:s11+$0x4230]  }
0x23c: {  	s13 =	simm.s32 $0x4;
	v4 =	vld [tilespmem:s11+$0x4200]  }
.LBB2_16:
0x23d: {  	s13 =	sadd.s32 $0x4, s13;
	v6 =	vld [tilespmem:s11+$0x4210];
	s4 =	sadd.s32 $0x200, s4  }
0x23e: {  	s12 =	sadd.s32 $0x40, s12;
	s14 =	sshll.u32 s13, $0x4;
	p0 =	slt.u32 s13, $0x3FC;
	v7 =	vld [tilespmem:s11+$0x4220]  }
0x23f: {  	s15 =	sand.u32 $0x1C00, s4;
	s16 =	sshll.u32 s13, $0x1;
	s14 =	sand.u32 $0x2000, s14;
	[tilespmem:s9+$0x10220] =	vst.add.f32.msk $0xffff, v3  }
.Ltmp7:
0x240: {  	s9 =	sor.u32 s15, s14;
	s14 =	sand.u32 $0x380, s16;
	[tilespmem:s11+$0x10230] =	vst.add.f32.msk $0xffff, v5;
	(pc) =	sbr.rel @p0 .LBB2_16-.Ltmp7, $4  }
0x241: {  	s15 =	sand.u32 $0x40, s12;
	s14 =	sor.u32 s14, s9;
	[tilespmem:s11+$0x10200] =	vst.add.f32.msk $0xffff, v4;
	s9 =	smov.u32 s11  }
0x242: {  	s11 =	sor.u32 s15, s14;
	[tilespmem:s9+$0x10210] =	vst.add.f32.msk $0xffff, v6  }
0x243: {  	v5 =	vld [tilespmem:s11+$0x4230];
	v3 =	vmov v7  }
0x244: {  	v4 =	vld [tilespmem:s11+$0x4200]  }
0x245: {  	v6 =	vld [tilespmem:s11+$0x4210]  }
0x246: {  	v7 =	vld [tilespmem:s11+$0x4220]  }
0x247: {  	[tilespmem:s9+$0x10220] =	vst.add.f32.msk $0xffff, v3  }
0x248: {  	[tilespmem:s11+$0x10230] =	vst.add.f32.msk $0xffff, v5  }
0x249: {  	[tilespmem:s11+$0x10200] =	vst.add.f32.msk $0xffff, v4  }
0x24a: {  	[tilespmem:s11+$0x10210] =	vst.add.f32.msk $0xffff, v6  }
0x24b: {  	[tilespmem:s11+$0x10220] =	vst.add.f32.msk $0xffff, v7  }
0x24c: {  	_ =	sdelay $0x7ff  }
0x24d: {  	_ =	sdelay $0x38  }
0x24e: {  	_ =	swait.ge [sflag:s19], $0x4000  }
0x24f: {  	[sflag:s19] =	ssyncset.done $0x0  }
0x250: {  	[sflag:s19] =	ssyncadd.s32 $0xFFFFC000  }
0x251: {  	v3 =	vld [tilespmem:$0x1A0];
	_ =	sdelay $0x4  }
0x252: {  	v4 =	vshll.u32 v3, $0x3  }
0x253: {  	v3 =	vand.u32 $0x7, v3;
	v4 =	vand.u32 $0xFFFFFFC0, v4  }
0x254: {  	v3 =	vor.u32 v3, v4  }
0x255: {  	v4 =	vperm.xlane v3, v0;
	_ =	sdelay $0x1  }
0x256: {  	v4 =	vadd.s32 v1, v4;
	_ =	sdelay $0x3  }
0x257: {  	s4 =	simm.s32 $0x0  }
0x258: {  	[tilespmem:s5], [sflag:$0x2] =	stream.indirect_vreg.gather [hbm4b:s1+s4], $0x80, v4, vm0, $0xb8;
	[tilespmem:$0x1C200] =	vst v63  }
0x259: {  	s16 =	simm.s32 $0xCA00;
	v3 =	vperm.xlane v3, v2  }
0x25a: {  	[tilespmem:s16], [sflag:$0x2] =	stream.indirect_vreg.gather [hbm4b:s6+s4], $0x80, v4, vm0, $0xb8;
	[tilespmem:$0x1C200] =	vst v63  }
0x25b: {  	s11 =	simm.s32 $0xD200;
	v3 =	vadd.s32 v1, v3  }
0x25c: {  	[tilespmem:s11], [sflag:$0x2] =	stream.indirect_vreg.gather [hbm4b:s7+s4], $0x80, v4, vm0, $0xb8;
	[tilespmem:$0x1C200] =	vst v63  }
0x25d: {  	s12 =	simm.s32 $0xDA00  }
0x25e: {  	[tilespmem:s12], [sflag:$0x2] =	stream.indirect_vreg.gather [hbm4b:s8+s4], $0x80, v4, vm0, $0xb8;
	[tilespmem:$0x1C200] =	vst v63  }
0x25f: {  	s13 =	simm.s32 $0xE200  }
0x260: {  	[tilespmem:s13], [sflag:$0x2] =	stream.indirect_vreg.gather [hbm4b:s1+s4], $0x80, v3, vm0, $0xb8;
	[tilespmem:$0x1C200] =	vst v63  }
0x261: {  	s14 =	simm.s32 $0xEA00  }
0x262: {  	[tilespmem:s14], [sflag:$0x2] =	stream.indirect_vreg.gather [hbm4b:s6+s4], $0x80, v3, vm0, $0xb8;
	[tilespmem:$0x1C200] =	vst v63  }
0x263: {  	s15 =	simm.s32 $0xF200  }
0x264: {  	[tilespmem:s15], [sflag:$0x2] =	stream.indirect_vreg.gather [hbm4b:s7+s4], $0x80, v3, vm0, $0xb8;
	[tilespmem:$0x1C200] =	vst v63  }
0x265: {  	s16 =	simm.s32 $0xFA00  }
0x266: {  	[tilespmem:s16], [sflag:$0x2] =	stream.indirect_vreg.gather [hbm4b:s8+s4], $0x80, v3, vm0, $0xb8;
	[tilespmem:$0x1C200] =	vst v63  }
0x267: {  	s11 =	rddreg [dreg:$0x1c]  }
0x268: {  	[hbm4b:s11+s4] =	stream.linear.scatter [tilespmem:s17], [sflag:$0x8], $0x4000, $0x38;
	[tilespmem:$0x1C200] =	vst v63  }
0x269: {  	_ =	swait.ge [sflag:s24], $0x4000  }
0x26a: {  	[sflag:s24] =	ssyncset.done $0x0  }
0x26b: {  	s12 =	simm.s32 $0x0;
	[sflag:s24] =	ssyncadd.s32 $0xFFFFC000  }
0x26c: {  	s9 =	sand.u32 $0x2000, s12;
	_ =	swait.ge [sflag:s20], $0x4000  }
0x26d: {  	s12 =	simm.s32 $0x0;
	s13 =	sand.u32 $0x1C00, s4;
	[sflag:s20] =	ssyncset.done $0x0  }
0x26e: {  	s9 =	sor.u32 s13, s9;
	s14 =	sand.u32 $0x380, s12;
	[sflag:s20] =	ssyncadd.s32 $0xFFFFC000  }
0x26f: {  	s9 =	sor.u32 s14, s9;
	s4 =	sand.u32 $0x40, s4;
	_ =	sdelay $0x7ff  }
0x270: {  	s9 =	sor.u32 s4, s9;
	_ =	sdelay $0x38  }
0x271: {  	v4 =	vld [tilespmem:s9+$0x230]  }
0x272: {  	v5 =	vld [tilespmem:s9+$0x200]  }
0x273: {  	v6 =	vld [tilespmem:s9+$0x210]  }
0x274: {  	s15 =	simm.s32 $0x40;
	s4 =	simm.s32 $0x200  }
0x275: {  	s13 =	simm.s32 $0x8;
	s11 =	sand.u32 $0x2000, s15;
	s16 =	sand.u32 $0x1C00, s4;
	v3 =	vld [tilespmem:s9+$0x220]  }
0x276: {  	s13 =	sand.u32 $0x380, s13;
	s12 =	simm.s32 $0x40;
	s11 =	sor.u32 s16, s11;
	[tilespmem:s9+$0x14230] =	vst.add.f32.msk $0xffff, v4  }
0x277: {  	s14 =	sand.u32 $0x40, s12;
	s11 =	sor.u32 s13, s11;
	[tilespmem:s9+$0x14200] =	vst.add.f32.msk $0xffff, v5  }
0x278: {  	s11 =	sor.u32 s14, s11;
	[tilespmem:s9+$0x14210] =	vst.add.f32.msk $0xffff, v6  }
0x279: {  	v5 =	vld [tilespmem:s11+$0x230]  }
0x27a: {  	s13 =	simm.s32 $0x4;
	v4 =	vld [tilespmem:s11+$0x200]  }
.LBB2_18:
0x27b: {  	s13 =	sadd.s32 $0x4, s13;
	v6 =	vld [tilespmem:s11+$0x210];
	s4 =	sadd.s32 $0x200, s4  }
0x27c: {  	s12 =	sadd.s32 $0x40, s12;
	s14 =	sshll.u32 s13, $0x4;
	p0 =	slt.u32 s13, $0x3FC;
	v7 =	vld [tilespmem:s11+$0x220]  }
0x27d: {  	s15 =	sand.u32 $0x1C00, s4;
	s16 =	sshll.u32 s13, $0x1;
	s14 =	sand.u32 $0x2000, s14;
	[tilespmem:s9+$0x14220] =	vst.add.f32.msk $0xffff, v3  }
.Ltmp8:
0x27e: {  	s9 =	sor.u32 s15, s14;
	s14 =	sand.u32 $0x380, s16;
	[tilespmem:s11+$0x14230] =	vst.add.f32.msk $0xffff, v5;
	(pc) =	sbr.rel @p0 .LBB2_18-.Ltmp8, $4  }
0x27f: {  	s15 =	sand.u32 $0x40, s12;
	s14 =	sor.u32 s14, s9;
	[tilespmem:s11+$0x14200] =	vst.add.f32.msk $0xffff, v4;
	s9 =	smov.u32 s11  }
0x280: {  	s11 =	sor.u32 s15, s14;
	[tilespmem:s9+$0x14210] =	vst.add.f32.msk $0xffff, v6  }
0x281: {  	v5 =	vld [tilespmem:s11+$0x230];
	v3 =	vmov v7  }
0x282: {  	v4 =	vld [tilespmem:s11+$0x200]  }
0x283: {  	v6 =	vld [tilespmem:s11+$0x210]  }
0x284: {  	v7 =	vld [tilespmem:s11+$0x220]  }
0x285: {  	[tilespmem:s9+$0x14220] =	vst.add.f32.msk $0xffff, v3  }
0x286: {  	[tilespmem:s11+$0x14230] =	vst.add.f32.msk $0xffff, v5  }
0x287: {  	[tilespmem:s11+$0x14200] =	vst.add.f32.msk $0xffff, v4  }
0x288: {  	[tilespmem:s11+$0x14210] =	vst.add.f32.msk $0xffff, v6  }
0x289: {  	[tilespmem:s11+$0x14220] =	vst.add.f32.msk $0xffff, v7  }
0x28a: {  	_ =	sdelay $0x7ff  }
0x28b: {  	_ =	sdelay $0x38  }
0x28c: {  	s4 =	simm.s32 $0x0;
	s15 =	simm.s32 $0x4200;
	s14 =	rddreg [dreg:$0xb]  }
0x28d: {  	[tilespmem:s15], [sflag:$0xC] =	stream.linear.gather [hbm4b:s14+s4], $0x4000, $0x38;
	[tilespmem:$0x1C200] =	vst v63  }
0x28e: {  	_ =	swait.ge [sflag:s28], $0x4000  }
0x28f: {  	[sflag:s28] =	ssyncset.done $0x0  }
0x290: {  	[sflag:s28] =	ssyncadd.s32 $0xFFFFC000  }
0x291: {  	v3 =	vld [tilespmem:$0x30];
	_ =	sdelay $0x4  }
0x292: {  	v4 =	vshll.u32 v3, $0x3  }
0x293: {  	v3 =	vand.u32 $0x7, v3;
	v4 =	vand.u32 $0xFFFFFFC0, v4  }
0x294: {  	v3 =	vor.u32 v3, v4  }
0x295: {  	v4 =	vperm.xlane v3, v0;
	_ =	sdelay $0x1  }
0x296: {  	v4 =	vadd.s32 v1, v4;
	_ =	sdelay $0x4  }
0x297: {  	[tilespmem:s17], [sflag:$0x3] =	stream.indirect_vreg.gather [hbm4b:s1+s4], $0x80, v4, vm0, $0xb8;
	[tilespmem:$0x1C200] =	vst v63  }
0x298: {  	s16 =	simm.s32 $0x10A00;
	v3 =	vperm.xlane v3, v2  }
0x299: {  	[tilespmem:s16], [sflag:$0x3] =	stream.indirect_vreg.gather [hbm4b:s6+s4], $0x80, v4, vm0, $0xb8;
	[tilespmem:$0x1C200] =	vst v63  }
0x29a: {  	s11 =	simm.s32 $0x11200;
	v3 =	vadd.s32 v1, v3  }
0x29b: {  	[tilespmem:s11], [sflag:$0x3] =	stream.indirect_vreg.gather [hbm4b:s7+s4], $0x80, v4, vm0, $0xb8;
	[tilespmem:$0x1C200] =	vst v63  }
0x29c: {  	s12 =	simm.s32 $0x11A00  }
0x29d: {  	[tilespmem:s12], [sflag:$0x3] =	stream.indirect_vreg.gather [hbm4b:s8+s4], $0x80, v4, vm0, $0xb8;
	[tilespmem:$0x1C200] =	vst v63  }
0x29e: {  	s13 =	simm.s32 $0x12200  }
0x29f: {  	[tilespmem:s13], [sflag:$0x3] =	stream.indirect_vreg.gather [hbm4b:s1+s4], $0x80, v3, vm0, $0xb8;
	[tilespmem:$0x1C200] =	vst v63  }
0x2a0: {  	s14 =	simm.s32 $0x12A00  }
0x2a1: {  	[tilespmem:s14], [sflag:$0x3] =	stream.indirect_vreg.gather [hbm4b:s6+s4], $0x80, v3, vm0, $0xb8;
	[tilespmem:$0x1C200] =	vst v63  }
0x2a2: {  	s15 =	simm.s32 $0x13200  }
0x2a3: {  	[tilespmem:s15], [sflag:$0x3] =	stream.indirect_vreg.gather [hbm4b:s7+s4], $0x80, v3, vm0, $0xb8;
	[tilespmem:$0x1C200] =	vst v63  }
0x2a4: {  	s16 =	simm.s32 $0x13A00  }
0x2a5: {  	[tilespmem:s16], [sflag:$0x3] =	stream.indirect_vreg.gather [hbm4b:s8+s4], $0x80, v3, vm0, $0xb8;
	[tilespmem:$0x1C200] =	vst v63  }
0x2a6: {  	s11 =	rddreg [dreg:$0xc];
	s12 =	simm.s32 $0x0  }
0x2a7: {  	[hbm4b:s11+s4] =	stream.linear.scatter [tilespmem:s10], [sflag:$0x9], $0x4000, $0x38;
	[tilespmem:$0x1C200] =	vst v63  }
0x2a8: {  	s9 =	sand.u32 $0x2000, s12;
	_ =	swait.ge [sflag:s30], $0x4000  }
0x2a9: {  	s12 =	simm.s32 $0x0;
	s13 =	sand.u32 $0x1C00, s4;
	[sflag:s30] =	ssyncset.done $0x0  }
0x2aa: {  	s9 =	sor.u32 s13, s9;
	s14 =	sand.u32 $0x380, s12;
	[sflag:s30] =	ssyncadd.s32 $0xFFFFC000  }
0x2ab: {  	s9 =	sor.u32 s14, s9;
	s4 =	sand.u32 $0x40, s4;
	_ =	sdelay $0x7ff  }
0x2ac: {  	s9 =	sor.u32 s4, s9;
	_ =	sdelay $0x38  }
0x2ad: {  	v4 =	vld [tilespmem:s9+$0x230]  }
0x2ae: {  	v5 =	vld [tilespmem:s9+$0x200]  }
0x2af: {  	v6 =	vld [tilespmem:s9+$0x210]  }
0x2b0: {  	s15 =	simm.s32 $0x40;
	s4 =	simm.s32 $0x200  }
0x2b1: {  	s13 =	simm.s32 $0x8;
	s11 =	sand.u32 $0x2000, s15;
	s16 =	sand.u32 $0x1C00, s4;
	v3 =	vld [tilespmem:s9+$0x220]  }
0x2b2: {  	s13 =	sand.u32 $0x380, s13;
	s12 =	simm.s32 $0x40;
	s11 =	sor.u32 s16, s11;
	[tilespmem:s9+$0x18230] =	vst.add.f32.msk $0xffff, v4  }
0x2b3: {  	s14 =	sand.u32 $0x40, s12;
	s11 =	sor.u32 s13, s11;
	[tilespmem:s9+$0x18200] =	vst.add.f32.msk $0xffff, v5  }
0x2b4: {  	s11 =	sor.u32 s14, s11;
	[tilespmem:s9+$0x18210] =	vst.add.f32.msk $0xffff, v6  }
0x2b5: {  	v5 =	vld [tilespmem:s11+$0x230]  }
0x2b6: {  	s13 =	simm.s32 $0x4;
	v4 =	vld [tilespmem:s11+$0x200]  }
.LBB2_20:
0x2b7: {  	s13 =	sadd.s32 $0x4, s13;
	v6 =	vld [tilespmem:s11+$0x210];
	s4 =	sadd.s32 $0x200, s4  }
0x2b8: {  	s12 =	sadd.s32 $0x40, s12;
	s14 =	sshll.u32 s13, $0x4;
	p0 =	slt.u32 s13, $0x3FC;
	v7 =	vld [tilespmem:s11+$0x220]  }
0x2b9: {  	s15 =	sand.u32 $0x1C00, s4;
	s16 =	sshll.u32 s13, $0x1;
	s14 =	sand.u32 $0x2000, s14;
	[tilespmem:s9+$0x18220] =	vst.add.f32.msk $0xffff, v3  }
.Ltmp9:
0x2ba: {  	s9 =	sor.u32 s15, s14;
	s14 =	sand.u32 $0x380, s16;
	[tilespmem:s11+$0x18230] =	vst.add.f32.msk $0xffff, v5;
	(pc) =	sbr.rel @p0 .LBB2_20-.Ltmp9, $4  }
0x2bb: {  	s15 =	sand.u32 $0x40, s12;
	s14 =	sor.u32 s14, s9;
	[tilespmem:s11+$0x18200] =	vst.add.f32.msk $0xffff, v4;
	s9 =	smov.u32 s11  }
0x2bc: {  	s11 =	sor.u32 s15, s14;
	[tilespmem:s9+$0x18210] =	vst.add.f32.msk $0xffff, v6  }
0x2bd: {  	v5 =	vld [tilespmem:s11+$0x230];
	v3 =	vmov v7  }
0x2be: {  	v4 =	vld [tilespmem:s11+$0x200]  }
0x2bf: {  	v6 =	vld [tilespmem:s11+$0x210]  }
0x2c0: {  	v7 =	vld [tilespmem:s11+$0x220]  }
0x2c1: {  	[tilespmem:s9+$0x18220] =	vst.add.f32.msk $0xffff, v3  }
0x2c2: {  	[tilespmem:s11+$0x18230] =	vst.add.f32.msk $0xffff, v5  }
0x2c3: {  	[tilespmem:s11+$0x18200] =	vst.add.f32.msk $0xffff, v4  }
0x2c4: {  	[tilespmem:s11+$0x18210] =	vst.add.f32.msk $0xffff, v6  }
0x2c5: {  	[tilespmem:s11+$0x18220] =	vst.add.f32.msk $0xffff, v7  }
0x2c6: {  	_ =	sdelay $0x7ff  }
0x2c7: {  	_ =	sdelay $0x38  }
0x2c8: {  	_ =	swait.ge [sflag:s31], $0x4000  }
0x2c9: {  	[sflag:s31] =	ssyncset.done $0x0  }
0x2ca: {  	[sflag:s31] =	ssyncadd.s32 $0xFFFFC000  }
0x2cb: {  	v3 =	vld [tilespmem:$0xB0];
	_ =	sdelay $0x4  }
0x2cc: {  	v4 =	vshll.u32 v3, $0x3  }
0x2cd: {  	v3 =	vand.u32 $0x7, v3;
	v4 =	vand.u32 $0xFFFFFFC0, v4  }
0x2ce: {  	v3 =	vor.u32 v3, v4  }
0x2cf: {  	v4 =	vperm.xlane v3, v0;
	_ =	sdelay $0x1  }
0x2d0: {  	v4 =	vadd.s32 v1, v4;
	_ =	sdelay $0x3  }
0x2d1: {  	s4 =	simm.s32 $0x0  }
0x2d2: {  	[tilespmem:s10], [sflag:$0x4] =	stream.indirect_vreg.gather [hbm4b:s1+s4], $0x80, v4, vm0, $0xb8;
	[tilespmem:$0x1C200] =	vst v63  }
0x2d3: {  	s16 =	simm.s32 $0x14A00;
	v3 =	vperm.xlane v3, v2  }
0x2d4: {  	[tilespmem:s16], [sflag:$0x4] =	stream.indirect_vreg.gather [hbm4b:s6+s4], $0x80, v4, vm0, $0xb8;
	[tilespmem:$0x1C200] =	vst v63  }
0x2d5: {  	s11 =	simm.s32 $0x15200;
	v3 =	vadd.s32 v1, v3  }
0x2d6: {  	[tilespmem:s11], [sflag:$0x4] =	stream.indirect_vreg.gather [hbm4b:s7+s4], $0x80, v4, vm0, $0xb8;
	[tilespmem:$0x1C200] =	vst v63  }
0x2d7: {  	s12 =	simm.s32 $0x15A00  }
0x2d8: {  	[tilespmem:s12], [sflag:$0x4] =	stream.indirect_vreg.gather [hbm4b:s8+s4], $0x80, v4, vm0, $0xb8;
	[tilespmem:$0x1C200] =	vst v63  }
0x2d9: {  	s13 =	simm.s32 $0x16200  }
0x2da: {  	[tilespmem:s13], [sflag:$0x4] =	stream.indirect_vreg.gather [hbm4b:s1+s4], $0x80, v3, vm0, $0xb8;
	[tilespmem:$0x1C200] =	vst v63  }
0x2db: {  	s14 =	simm.s32 $0x16A00  }
0x2dc: {  	[tilespmem:s14], [sflag:$0x4] =	stream.indirect_vreg.gather [hbm4b:s6+s4], $0x80, v3, vm0, $0xb8;
	[tilespmem:$0x1C200] =	vst v63  }
0x2dd: {  	s15 =	simm.s32 $0x17200  }
0x2de: {  	[tilespmem:s15], [sflag:$0x4] =	stream.indirect_vreg.gather [hbm4b:s7+s4], $0x80, v3, vm0, $0xb8;
	[tilespmem:$0x1C200] =	vst v63  }
0x2df: {  	s16 =	simm.s32 $0x17A00  }
0x2e0: {  	[tilespmem:s16], [sflag:$0x4] =	stream.indirect_vreg.gather [hbm4b:s8+s4], $0x80, v3, vm0, $0xb8;
	[tilespmem:$0x1C200] =	vst v63  }
0x2e1: {  	s11 =	rddreg [dreg:$0x1d];
	s12 =	simm.s32 $0x0  }
0x2e2: {  	[hbm4b:s11+s4] =	stream.linear.scatter [tilespmem:s18], [sflag:$0xA], $0x4000, $0x38;
	[tilespmem:$0x1C200] =	vst v63  }
0x2e3: {  	s9 =	sand.u32 $0x2000, s12;
	_ =	swait.ge [sflag:s25], $0x4000  }
0x2e4: {  	s12 =	simm.s32 $0x0;
	s13 =	sand.u32 $0x1C00, s4;
	[sflag:s25] =	ssyncset.done $0x0  }
0x2e5: {  	s9 =	sor.u32 s13, s9;
	s14 =	sand.u32 $0x380, s12;
	[sflag:s25] =	ssyncadd.s32 $0xFFFFC000  }
0x2e6: {  	s9 =	sor.u32 s14, s9;
	s4 =	sand.u32 $0x40, s4;
	_ =	sdelay $0x7ff  }
0x2e7: {  	s9 =	sor.u32 s4, s9;
	_ =	sdelay $0x38  }
0x2e8: {  	v4 =	vld [tilespmem:s9+$0x230]  }
0x2e9: {  	v5 =	vld [tilespmem:s9+$0x200]  }
0x2ea: {  	v6 =	vld [tilespmem:s9+$0x210]  }
0x2eb: {  	s15 =	simm.s32 $0x40;
	s4 =	simm.s32 $0x200  }
0x2ec: {  	s13 =	simm.s32 $0x8;
	s11 =	sand.u32 $0x2000, s15;
	s16 =	sand.u32 $0x1C00, s4;
	v3 =	vld [tilespmem:s9+$0x220]  }
0x2ed: {  	s13 =	sand.u32 $0x380, s13;
	s12 =	simm.s32 $0x40;
	s11 =	sor.u32 s16, s11;
	[tilespmem:s9+$0x8230] =	vst.add.f32.msk $0xffff, v4  }
0x2ee: {  	s14 =	sand.u32 $0x40, s12;
	s11 =	sor.u32 s13, s11;
	[tilespmem:s9+$0x8200] =	vst.add.f32.msk $0xffff, v5  }
0x2ef: {  	s11 =	sor.u32 s14, s11;
	[tilespmem:s9+$0x8210] =	vst.add.f32.msk $0xffff, v6  }
0x2f0: {  	v5 =	vld [tilespmem:s11+$0x230]  }
0x2f1: {  	s13 =	simm.s32 $0x4;
	v4 =	vld [tilespmem:s11+$0x200]  }
.LBB2_22:
0x2f2: {  	s13 =	sadd.s32 $0x4, s13;
	v6 =	vld [tilespmem:s11+$0x210];
	s4 =	sadd.s32 $0x200, s4  }
0x2f3: {  	s12 =	sadd.s32 $0x40, s12;
	s14 =	sshll.u32 s13, $0x4;
	p0 =	slt.u32 s13, $0x3FC;
	v7 =	vld [tilespmem:s11+$0x220]  }
0x2f4: {  	s15 =	sand.u32 $0x1C00, s4;
	s16 =	sshll.u32 s13, $0x1;
	s14 =	sand.u32 $0x2000, s14;
	[tilespmem:s9+$0x8220] =	vst.add.f32.msk $0xffff, v3  }
.Ltmp10:
0x2f5: {  	s9 =	sor.u32 s15, s14;
	s14 =	sand.u32 $0x380, s16;
	[tilespmem:s11+$0x8230] =	vst.add.f32.msk $0xffff, v5;
	(pc) =	sbr.rel @p0 .LBB2_22-.Ltmp10, $4  }
0x2f6: {  	s15 =	sand.u32 $0x40, s12;
	s14 =	sor.u32 s14, s9;
	[tilespmem:s11+$0x8200] =	vst.add.f32.msk $0xffff, v4;
	s9 =	smov.u32 s11  }
0x2f7: {  	s11 =	sor.u32 s15, s14;
	[tilespmem:s9+$0x8210] =	vst.add.f32.msk $0xffff, v6  }
0x2f8: {  	v5 =	vld [tilespmem:s11+$0x230];
	v3 =	vmov v7  }
0x2f9: {  	v4 =	vld [tilespmem:s11+$0x200]  }
0x2fa: {  	v6 =	vld [tilespmem:s11+$0x210]  }
0x2fb: {  	v7 =	vld [tilespmem:s11+$0x220]  }
0x2fc: {  	[tilespmem:s9+$0x8220] =	vst.add.f32.msk $0xffff, v3  }
0x2fd: {  	[tilespmem:s11+$0x8230] =	vst.add.f32.msk $0xffff, v5  }
0x2fe: {  	[tilespmem:s11+$0x8200] =	vst.add.f32.msk $0xffff, v4  }
0x2ff: {  	[tilespmem:s11+$0x8210] =	vst.add.f32.msk $0xffff, v6  }
0x300: {  	[tilespmem:s11+$0x8220] =	vst.add.f32.msk $0xffff, v7  }
0x301: {  	_ =	sdelay $0x7ff  }
0x302: {  	_ =	sdelay $0x38  }
0x303: {  	_ =	swait.ge [sflag:s0], $0x4000  }
0x304: {  	[sflag:s0] =	ssyncset.done $0x0  }
0x305: {  	[sflag:s0] =	ssyncadd.s32 $0xFFFFC000  }
0x306: {  	v3 =	vld [tilespmem:$0x130];
	_ =	sdelay $0x4  }
0x307: {  	v4 =	vshll.u32 v3, $0x3  }
0x308: {  	v3 =	vand.u32 $0x7, v3;
	v4 =	vand.u32 $0xFFFFFFC0, v4  }
0x309: {  	v3 =	vor.u32 v3, v4  }
0x30a: {  	v4 =	vperm.xlane v3, v0;
	_ =	sdelay $0x1  }
0x30b: {  	v4 =	vadd.s32 v1, v4;
	_ =	sdelay $0x3  }
0x30c: {  	s4 =	simm.s32 $0x0  }
0x30d: {  	[tilespmem:s18], [sflag:$0x5] =	stream.indirect_vreg.gather [hbm4b:s1+s4], $0x80, v4, vm0, $0xb8;
	[tilespmem:$0x1C200] =	vst v63  }
0x30e: {  	s16 =	simm.s32 $0x18A00;
	v3 =	vperm.xlane v3, v2  }
0x30f: {  	[tilespmem:s16], [sflag:$0x5] =	stream.indirect_vreg.gather [hbm4b:s6+s4], $0x80, v4, vm0, $0xb8;
	[tilespmem:$0x1C200] =	vst v63  }
0x310: {  	s11 =	simm.s32 $0x19200;
	v3 =	vadd.s32 v1, v3  }
0x311: {  	[tilespmem:s11], [sflag:$0x5] =	stream.indirect_vreg.gather [hbm4b:s7+s4], $0x80, v4, vm0, $0xb8;
	[tilespmem:$0x1C200] =	vst v63  }
0x312: {  	s12 =	simm.s32 $0x19A00  }
0x313: {  	[tilespmem:s12], [sflag:$0x5] =	stream.indirect_vreg.gather [hbm4b:s8+s4], $0x80, v4, vm0, $0xb8;
	[tilespmem:$0x1C200] =	vst v63  }
0x314: {  	s13 =	simm.s32 $0x1A200  }
0x315: {  	[tilespmem:s13], [sflag:$0x5] =	stream.indirect_vreg.gather [hbm4b:s1+s4], $0x80, v3, vm0, $0xb8;
	[tilespmem:$0x1C200] =	vst v63  }
0x316: {  	s14 =	simm.s32 $0x1AA00  }
0x317: {  	[tilespmem:s14], [sflag:$0x5] =	stream.indirect_vreg.gather [hbm4b:s6+s4], $0x80, v3, vm0, $0xb8;
	[tilespmem:$0x1C200] =	vst v63  }
0x318: {  	s15 =	simm.s32 $0x1B200  }
0x319: {  	[tilespmem:s15], [sflag:$0x5] =	stream.indirect_vreg.gather [hbm4b:s7+s4], $0x80, v3, vm0, $0xb8;
	[tilespmem:$0x1C200] =	vst v63  }
0x31a: {  	s16 =	simm.s32 $0x1BA00  }
0x31b: {  	[tilespmem:s16], [sflag:$0x5] =	stream.indirect_vreg.gather [hbm4b:s8+s4], $0x80, v3, vm0, $0xb8;
	[tilespmem:$0x1C200] =	vst v63  }
0x31c: {  	s11 =	rddreg [dreg:$0x1e];
	s12 =	simm.s32 $0x0  }
0x31d: {  	[hbm4b:s11+s4] =	stream.linear.scatter [tilespmem:s26], [sflag:$0x6], $0x4000, $0x38;
	[tilespmem:$0x1C200] =	vst v63  }
0x31e: {  	s9 =	sand.u32 $0x2000, s12;
	_ =	swait.ge [sflag:s21], $0x4000  }
0x31f: {  	s12 =	simm.s32 $0x0;
	s13 =	sand.u32 $0x1C00, s4;
	[sflag:s21] =	ssyncset.done $0x0  }
0x320: {  	s9 =	sor.u32 s13, s9;
	s14 =	sand.u32 $0x380, s12;
	[sflag:s21] =	ssyncadd.s32 $0xFFFFC000  }
0x321: {  	s9 =	sor.u32 s14, s9;
	s4 =	sand.u32 $0x40, s4;
	_ =	sdelay $0x7ff  }
0x322: {  	s9 =	sor.u32 s4, s9;
	_ =	sdelay $0x38  }
0x323: {  	v4 =	vld [tilespmem:s9+$0x230]  }
0x324: {  	v5 =	vld [tilespmem:s9+$0x200]  }
0x325: {  	v6 =	vld [tilespmem:s9+$0x210]  }
0x326: {  	s15 =	simm.s32 $0x40;
	s4 =	simm.s32 $0x200  }
0x327: {  	s13 =	simm.s32 $0x8;
	s11 =	sand.u32 $0x2000, s15;
	s16 =	sand.u32 $0x1C00, s4;
	v3 =	vld [tilespmem:s9+$0x220]  }
0x328: {  	s13 =	sand.u32 $0x380, s13;
	s12 =	simm.s32 $0x40;
	s11 =	sor.u32 s16, s11;
	[tilespmem:s9+$0xC230] =	vst.add.f32.msk $0xffff, v4  }
0x329: {  	s14 =	sand.u32 $0x40, s12;
	s11 =	sor.u32 s13, s11;
	[tilespmem:s9+$0xC200] =	vst.add.f32.msk $0xffff, v5  }
0x32a: {  	s11 =	sor.u32 s14, s11;
	[tilespmem:s9+$0xC210] =	vst.add.f32.msk $0xffff, v6  }
0x32b: {  	v5 =	vld [tilespmem:s11+$0x230]  }
0x32c: {  	s13 =	simm.s32 $0x4;
	v4 =	vld [tilespmem:s11+$0x200]  }
.LBB2_24:
0x32d: {  	s13 =	sadd.s32 $0x4, s13;
	v6 =	vld [tilespmem:s11+$0x210];
	s4 =	sadd.s32 $0x200, s4  }
0x32e: {  	s12 =	sadd.s32 $0x40, s12;
	s14 =	sshll.u32 s13, $0x4;
	p0 =	slt.u32 s13, $0x3FC;
	v7 =	vld [tilespmem:s11+$0x220]  }
0x32f: {  	s15 =	sand.u32 $0x1C00, s4;
	s16 =	sshll.u32 s13, $0x1;
	s14 =	sand.u32 $0x2000, s14;
	[tilespmem:s9+$0xC220] =	vst.add.f32.msk $0xffff, v3  }
.Ltmp11:
0x330: {  	s9 =	sor.u32 s15, s14;
	s14 =	sand.u32 $0x380, s16;
	[tilespmem:s11+$0xC230] =	vst.add.f32.msk $0xffff, v5;
	(pc) =	sbr.rel @p0 .LBB2_24-.Ltmp11, $4  }
0x331: {  	s15 =	sand.u32 $0x40, s12;
	s14 =	sor.u32 s14, s9;
	[tilespmem:s11+$0xC200] =	vst.add.f32.msk $0xffff, v4;
	s9 =	smov.u32 s11  }
0x332: {  	s11 =	sor.u32 s15, s14;
	[tilespmem:s9+$0xC210] =	vst.add.f32.msk $0xffff, v6  }
0x333: {  	v5 =	vld [tilespmem:s11+$0x230];
	v3 =	vmov v7  }
0x334: {  	v4 =	vld [tilespmem:s11+$0x200]  }
0x335: {  	v6 =	vld [tilespmem:s11+$0x210]  }
0x336: {  	v7 =	vld [tilespmem:s11+$0x220]  }
0x337: {  	[tilespmem:s9+$0xC220] =	vst.add.f32.msk $0xffff, v3  }
0x338: {  	[tilespmem:s11+$0xC230] =	vst.add.f32.msk $0xffff, v5  }
0x339: {  	[tilespmem:s11+$0xC200] =	vst.add.f32.msk $0xffff, v4  }
0x33a: {  	[tilespmem:s11+$0xC210] =	vst.add.f32.msk $0xffff, v6  }
0x33b: {  	[tilespmem:s11+$0xC220] =	vst.add.f32.msk $0xffff, v7  }
0x33c: {  	_ =	sdelay $0x7ff  }
0x33d: {  	_ =	sdelay $0x38  }
0x33e: {  	_ =	swait.ge [sflag:s22], $0x4000  }
0x33f: {  	[sflag:s22] =	ssyncset.done $0x0  }
0x340: {  	[sflag:s22] =	ssyncadd.s32 $0xFFFFC000  }
0x341: {  	v3 =	vld [tilespmem:$0x1B0];
	_ =	sdelay $0x4  }
0x342: {  	v4 =	vshll.u32 v3, $0x3  }
0x343: {  	v3 =	vand.u32 $0x7, v3;
	v4 =	vand.u32 $0xFFFFFFC0, v4  }
0x344: {  	v3 =	vor.u32 v3, v4  }
0x345: {  	v4 =	vperm.xlane v3, v0;
	_ =	sdelay $0x1  }
0x346: {  	v4 =	vadd.s32 v1, v4;
	_ =	sdelay $0x3  }
0x347: {  	s4 =	simm.s32 $0x0  }
0x348: {  	[tilespmem:s26], [sflag:$0x1] =	stream.indirect_vreg.gather [hbm4b:s1+s4], $0x80, v4, vm0, $0xb8;
	[tilespmem:$0x1C200] =	vst v63  }
0x349: {  	s16 =	simm.s32 $0x8A00;
	v3 =	vperm.xlane v3, v2  }
0x34a: {  	[tilespmem:s16], [sflag:$0x1] =	stream.indirect_vreg.gather [hbm4b:s6+s4], $0x80, v4, vm0, $0xb8;
	[tilespmem:$0x1C200] =	vst v63  }
0x34b: {  	s11 =	simm.s32 $0x9200;
	v3 =	vadd.s32 v1, v3  }
0x34c: {  	[tilespmem:s11], [sflag:$0x1] =	stream.indirect_vreg.gather [hbm4b:s7+s4], $0x80, v4, vm0, $0xb8;
	[tilespmem:$0x1C200] =	vst v63  }
0x34d: {  	s12 =	simm.s32 $0x9A00  }
0x34e: {  	[tilespmem:s12], [sflag:$0x1] =	stream.indirect_vreg.gather [hbm4b:s8+s4], $0x80, v4, vm0, $0xb8;
	[tilespmem:$0x1C200] =	vst v63  }
0x34f: {  	s13 =	simm.s32 $0xA200  }
0x350: {  	[tilespmem:s13], [sflag:$0x1] =	stream.indirect_vreg.gather [hbm4b:s1+s4], $0x80, v3, vm0, $0xb8;
	[tilespmem:$0x1C200] =	vst v63  }
0x351: {  	s14 =	simm.s32 $0xAA00  }
0x352: {  	[tilespmem:s14], [sflag:$0x1] =	stream.indirect_vreg.gather [hbm4b:s6+s4], $0x80, v3, vm0, $0xb8;
	[tilespmem:$0x1C200] =	vst v63  }
0x353: {  	s15 =	simm.s32 $0xB200  }
0x354: {  	[tilespmem:s15], [sflag:$0x1] =	stream.indirect_vreg.gather [hbm4b:s7+s4], $0x80, v3, vm0, $0xb8;
	[tilespmem:$0x1C200] =	vst v63  }
0x355: {  	s16 =	simm.s32 $0xBA00  }
0x356: {  	[tilespmem:s16], [sflag:$0x1] =	stream.indirect_vreg.gather [hbm4b:s8+s4], $0x80, v3, vm0, $0xb8;
	[tilespmem:$0x1C200] =	vst v63  }
0x357: {  	s11 =	rddreg [dreg:$0x1f]  }
0x358: {  	[hbm4b:s11+s4] =	stream.linear.scatter [tilespmem:s5], [sflag:$0x7], $0x4000, $0x38;
	[tilespmem:$0x1C200] =	vst v63  }
0x359: {  	_ =	swait.ge [sflag:s29], $0x4000  }
0x35a: {  	[sflag:s29] =	ssyncset.done $0x0  }
0x35b: {  	s12 =	simm.s32 $0x0;
	[sflag:s29] =	ssyncadd.s32 $0xFFFFC000  }
0x35c: {  	s9 =	sand.u32 $0x2000, s12;
	_ =	swait.ge [sflag:s23], $0x4000  }
0x35d: {  	s12 =	simm.s32 $0x0;
	s13 =	sand.u32 $0x1C00, s4;
	[sflag:s23] =	ssyncset.done $0x0  }
0x35e: {  	s9 =	sor.u32 s13, s9;
	s14 =	sand.u32 $0x380, s12;
	[sflag:s23] =	ssyncadd.s32 $0xFFFFC000  }
0x35f: {  	s9 =	sor.u32 s14, s9;
	s4 =	sand.u32 $0x40, s4;
	_ =	sdelay $0x7ff  }
0x360: {  	s9 =	sor.u32 s4, s9;
	_ =	sdelay $0x38  }
0x361: {  	v4 =	vld [tilespmem:s9+$0x4230]  }
0x362: {  	v5 =	vld [tilespmem:s9+$0x4200]  }
0x363: {  	v6 =	vld [tilespmem:s9+$0x4210]  }
0x364: {  	s15 =	simm.s32 $0x40;
	s4 =	simm.s32 $0x200  }
0x365: {  	s13 =	simm.s32 $0x8;
	s11 =	sand.u32 $0x2000, s15;
	s16 =	sand.u32 $0x1C00, s4;
	v3 =	vld [tilespmem:s9+$0x4220]  }
0x366: {  	s13 =	sand.u32 $0x380, s13;
	s12 =	simm.s32 $0x40;
	s11 =	sor.u32 s16, s11;
	[tilespmem:s9+$0x10230] =	vst.add.f32.msk $0xffff, v4  }
0x367: {  	s14 =	sand.u32 $0x40, s12;
	s11 =	sor.u32 s13, s11;
	[tilespmem:s9+$0x10200] =	vst.add.f32.msk $0xffff, v5  }
0x368: {  	s11 =	sor.u32 s14, s11;
	[tilespmem:s9+$0x10210] =	vst.add.f32.msk $0xffff, v6  }
0x369: {  	v5 =	vld [tilespmem:s11+$0x4230]  }
0x36a: {  	s13 =	simm.s32 $0x4;
	v4 =	vld [tilespmem:s11+$0x4200]  }
.LBB2_26:
0x36b: {  	s13 =	sadd.s32 $0x4, s13;
	v6 =	vld [tilespmem:s11+$0x4210];
	s4 =	sadd.s32 $0x200, s4  }
0x36c: {  	s12 =	sadd.s32 $0x40, s12;
	s14 =	sshll.u32 s13, $0x4;
	p0 =	slt.u32 s13, $0x3FC;
	v7 =	vld [tilespmem:s11+$0x4220]  }
0x36d: {  	s15 =	sand.u32 $0x1C00, s4;
	s16 =	sshll.u32 s13, $0x1;
	s14 =	sand.u32 $0x2000, s14;
	[tilespmem:s9+$0x10220] =	vst.add.f32.msk $0xffff, v3  }
.Ltmp12:
0x36e: {  	s9 =	sor.u32 s15, s14;
	s14 =	sand.u32 $0x380, s16;
	[tilespmem:s11+$0x10230] =	vst.add.f32.msk $0xffff, v5;
	(pc) =	sbr.rel @p0 .LBB2_26-.Ltmp12, $4  }
0x36f: {  	s15 =	sand.u32 $0x40, s12;
	s14 =	sor.u32 s14, s9;
	[tilespmem:s11+$0x10200] =	vst.add.f32.msk $0xffff, v4;
	s9 =	smov.u32 s11  }
0x370: {  	s11 =	sor.u32 s15, s14;
	[tilespmem:s9+$0x10210] =	vst.add.f32.msk $0xffff, v6  }
0x371: {  	v5 =	vld [tilespmem:s11+$0x4230];
	v3 =	vmov v7  }
0x372: {  	v4 =	vld [tilespmem:s11+$0x4200]  }
0x373: {  	v6 =	vld [tilespmem:s11+$0x4210]  }
0x374: {  	v7 =	vld [tilespmem:s11+$0x4220]  }
0x375: {  	[tilespmem:s9+$0x10220] =	vst.add.f32.msk $0xffff, v3  }
0x376: {  	[tilespmem:s11+$0x10230] =	vst.add.f32.msk $0xffff, v5  }
0x377: {  	[tilespmem:s11+$0x10200] =	vst.add.f32.msk $0xffff, v4  }
0x378: {  	[tilespmem:s11+$0x10210] =	vst.add.f32.msk $0xffff, v6  }
0x379: {  	[tilespmem:s11+$0x10220] =	vst.add.f32.msk $0xffff, v7  }
0x37a: {  	_ =	sdelay $0x7ff  }
0x37b: {  	_ =	sdelay $0x38  }
0x37c: {  	s4 =	simm.s32 $0x0;
	s15 =	simm.s32 $0x200;
	s14 =	rddreg [dreg:$0xd]  }
0x37d: {  	[tilespmem:s15], [sflag:$0xB] =	stream.linear.gather [hbm4b:s14+s4], $0x4000, $0x38;
	[tilespmem:$0x1C200] =	vst v63  }
0x37e: {  	_ =	swait.ge [sflag:s19], $0x4000  }
0x37f: {  	[sflag:s19] =	ssyncset.done $0x0  }
0x380: {  	[sflag:s19] =	ssyncadd.s32 $0xFFFFC000  }
0x381: {  	v3 =	vld [tilespmem:$0x40];
	_ =	sdelay $0x4  }
0x382: {  	v4 =	vshll.u32 v3, $0x3  }
0x383: {  	v3 =	vand.u32 $0x7, v3;
	v4 =	vand.u32 $0xFFFFFFC0, v4  }
0x384: {  	v3 =	vor.u32 v3, v4  }
0x385: {  	v4 =	vperm.xlane v3, v0;
	_ =	sdelay $0x1  }
0x386: {  	v4 =	vadd.s32 v1, v4;
	_ =	sdelay $0x4  }
0x387: {  	[tilespmem:s5], [sflag:$0x2] =	stream.indirect_vreg.gather [hbm4b:s1+s4], $0x80, v4, vm0, $0xb8;
	[tilespmem:$0x1C200] =	vst v63  }
0x388: {  	s16 =	simm.s32 $0xCA00;
	v3 =	vperm.xlane v3, v2  }
0x389: {  	[tilespmem:s16], [sflag:$0x2] =	stream.indirect_vreg.gather [hbm4b:s6+s4], $0x80, v4, vm0, $0xb8;
	[tilespmem:$0x1C200] =	vst v63  }
0x38a: {  	s11 =	simm.s32 $0xD200;
	v3 =	vadd.s32 v1, v3  }
0x38b: {  	[tilespmem:s11], [sflag:$0x2] =	stream.indirect_vreg.gather [hbm4b:s7+s4], $0x80, v4, vm0, $0xb8;
	[tilespmem:$0x1C200] =	vst v63  }
0x38c: {  	s12 =	simm.s32 $0xDA00  }
0x38d: {  	[tilespmem:s12], [sflag:$0x2] =	stream.indirect_vreg.gather [hbm4b:s8+s4], $0x80, v4, vm0, $0xb8;
	[tilespmem:$0x1C200] =	vst v63  }
0x38e: {  	s13 =	simm.s32 $0xE200  }
0x38f: {  	[tilespmem:s13], [sflag:$0x2] =	stream.indirect_vreg.gather [hbm4b:s1+s4], $0x80, v3, vm0, $0xb8;
	[tilespmem:$0x1C200] =	vst v63  }
0x390: {  	s14 =	simm.s32 $0xEA00  }
0x391: {  	[tilespmem:s14], [sflag:$0x2] =	stream.indirect_vreg.gather [hbm4b:s6+s4], $0x80, v3, vm0, $0xb8;
	[tilespmem:$0x1C200] =	vst v63  }
0x392: {  	s15 =	simm.s32 $0xF200  }
0x393: {  	[tilespmem:s15], [sflag:$0x2] =	stream.indirect_vreg.gather [hbm4b:s7+s4], $0x80, v3, vm0, $0xb8;
	[tilespmem:$0x1C200] =	vst v63  }
0x394: {  	s16 =	simm.s32 $0xFA00  }
0x395: {  	[tilespmem:s16], [sflag:$0x2] =	stream.indirect_vreg.gather [hbm4b:s8+s4], $0x80, v3, vm0, $0xb8;
	[tilespmem:$0x1C200] =	vst v63  }
0x396: {  	s11 =	rddreg [dreg:$0xe];
	s12 =	simm.s32 $0x0  }
0x397: {  	[hbm4b:s11+s4] =	stream.linear.scatter [tilespmem:s17], [sflag:$0x8], $0x4000, $0x38;
	[tilespmem:$0x1C200] =	vst v63  }
0x398: {  	s9 =	sand.u32 $0x2000, s12;
	_ =	swait.ge [sflag:s20], $0x4000  }
0x399: {  	s12 =	simm.s32 $0x0;
	s13 =	sand.u32 $0x1C00, s4;
	[sflag:s20] =	ssyncset.done $0x0  }
0x39a: {  	s9 =	sor.u32 s13, s9;
	s14 =	sand.u32 $0x380, s12;
	[sflag:s20] =	ssyncadd.s32 $0xFFFFC000  }
0x39b: {  	s9 =	sor.u32 s14, s9;
	s4 =	sand.u32 $0x40, s4;
	_ =	sdelay $0x7ff  }
0x39c: {  	s9 =	sor.u32 s4, s9;
	_ =	sdelay $0x38  }
0x39d: {  	v4 =	vld [tilespmem:s9+$0x4230]  }
0x39e: {  	v5 =	vld [tilespmem:s9+$0x4200]  }
0x39f: {  	v6 =	vld [tilespmem:s9+$0x4210]  }
0x3a0: {  	s15 =	simm.s32 $0x40;
	s4 =	simm.s32 $0x200  }
0x3a1: {  	s13 =	simm.s32 $0x8;
	s11 =	sand.u32 $0x2000, s15;
	s16 =	sand.u32 $0x1C00, s4;
	v3 =	vld [tilespmem:s9+$0x4220]  }
0x3a2: {  	s13 =	sand.u32 $0x380, s13;
	s12 =	simm.s32 $0x40;
	s11 =	sor.u32 s16, s11;
	[tilespmem:s9+$0x14230] =	vst.add.f32.msk $0xffff, v4  }
0x3a3: {  	s14 =	sand.u32 $0x40, s12;
	s11 =	sor.u32 s13, s11;
	[tilespmem:s9+$0x14200] =	vst.add.f32.msk $0xffff, v5  }
0x3a4: {  	s11 =	sor.u32 s14, s11;
	[tilespmem:s9+$0x14210] =	vst.add.f32.msk $0xffff, v6  }
0x3a5: {  	v5 =	vld [tilespmem:s11+$0x4230]  }
0x3a6: {  	s13 =	simm.s32 $0x4;
	v4 =	vld [tilespmem:s11+$0x4200]  }
.LBB2_28:
0x3a7: {  	s13 =	sadd.s32 $0x4, s13;
	v6 =	vld [tilespmem:s11+$0x4210];
	s4 =	sadd.s32 $0x200, s4  }
0x3a8: {  	s12 =	sadd.s32 $0x40, s12;
	s14 =	sshll.u32 s13, $0x4;
	p0 =	slt.u32 s13, $0x3FC;
	v7 =	vld [tilespmem:s11+$0x4220]  }
0x3a9: {  	s15 =	sand.u32 $0x1C00, s4;
	s16 =	sshll.u32 s13, $0x1;
	s14 =	sand.u32 $0x2000, s14;
	[tilespmem:s9+$0x14220] =	vst.add.f32.msk $0xffff, v3  }
.Ltmp13:
0x3aa: {  	s9 =	sor.u32 s15, s14;
	s14 =	sand.u32 $0x380, s16;
	[tilespmem:s11+$0x14230] =	vst.add.f32.msk $0xffff, v5;
	(pc) =	sbr.rel @p0 .LBB2_28-.Ltmp13, $4  }
0x3ab: {  	s15 =	sand.u32 $0x40, s12;
	s14 =	sor.u32 s14, s9;
	[tilespmem:s11+$0x14200] =	vst.add.f32.msk $0xffff, v4;
	s9 =	smov.u32 s11  }
0x3ac: {  	s11 =	sor.u32 s15, s14;
	[tilespmem:s9+$0x14210] =	vst.add.f32.msk $0xffff, v6  }
0x3ad: {  	v5 =	vld [tilespmem:s11+$0x4230];
	v3 =	vmov v7  }
0x3ae: {  	v4 =	vld [tilespmem:s11+$0x4200]  }
0x3af: {  	v6 =	vld [tilespmem:s11+$0x4210]  }
0x3b0: {  	v7 =	vld [tilespmem:s11+$0x4220]  }
0x3b1: {  	[tilespmem:s9+$0x14220] =	vst.add.f32.msk $0xffff, v3  }
0x3b2: {  	[tilespmem:s11+$0x14230] =	vst.add.f32.msk $0xffff, v5  }
0x3b3: {  	[tilespmem:s11+$0x14200] =	vst.add.f32.msk $0xffff, v4  }
0x3b4: {  	[tilespmem:s11+$0x14210] =	vst.add.f32.msk $0xffff, v6  }
0x3b5: {  	[tilespmem:s11+$0x14220] =	vst.add.f32.msk $0xffff, v7  }
0x3b6: {  	_ =	sdelay $0x7ff  }
0x3b7: {  	_ =	sdelay $0x38  }
0x3b8: {  	_ =	swait.ge [sflag:s28], $0x4000  }
0x3b9: {  	[sflag:s28] =	ssyncset.done $0x0  }
0x3ba: {  	[sflag:s28] =	ssyncadd.s32 $0xFFFFC000  }
0x3bb: {  	v3 =	vld [tilespmem:$0xC0];
	_ =	sdelay $0x4  }
0x3bc: {  	v4 =	vshll.u32 v3, $0x3  }
0x3bd: {  	v3 =	vand.u32 $0x7, v3;
	v4 =	vand.u32 $0xFFFFFFC0, v4  }
0x3be: {  	v3 =	vor.u32 v3, v4  }
0x3bf: {  	v4 =	vperm.xlane v3, v0;
	_ =	sdelay $0x1  }
0x3c0: {  	v4 =	vadd.s32 v1, v4;
	_ =	sdelay $0x3  }
0x3c1: {  	s4 =	simm.s32 $0x0  }
0x3c2: {  	[tilespmem:s17], [sflag:$0x3] =	stream.indirect_vreg.gather [hbm4b:s1+s4], $0x80, v4, vm0, $0xb8;
	[tilespmem:$0x1C200] =	vst v63  }
0x3c3: {  	s16 =	simm.s32 $0x10A00;
	v3 =	vperm.xlane v3, v2  }
0x3c4: {  	[tilespmem:s16], [sflag:$0x3] =	stream.indirect_vreg.gather [hbm4b:s6+s4], $0x80, v4, vm0, $0xb8;
	[tilespmem:$0x1C200] =	vst v63  }
0x3c5: {  	s11 =	simm.s32 $0x11200;
	v3 =	vadd.s32 v1, v3  }
0x3c6: {  	[tilespmem:s11], [sflag:$0x3] =	stream.indirect_vreg.gather [hbm4b:s7+s4], $0x80, v4, vm0, $0xb8;
	[tilespmem:$0x1C200] =	vst v63  }
0x3c7: {  	s12 =	simm.s32 $0x11A00  }
0x3c8: {  	[tilespmem:s12], [sflag:$0x3] =	stream.indirect_vreg.gather [hbm4b:s8+s4], $0x80, v4, vm0, $0xb8;
	[tilespmem:$0x1C200] =	vst v63  }
0x3c9: {  	s13 =	simm.s32 $0x12200  }
0x3ca: {  	[tilespmem:s13], [sflag:$0x3] =	stream.indirect_vreg.gather [hbm4b:s1+s4], $0x80, v3, vm0, $0xb8;
	[tilespmem:$0x1C200] =	vst v63  }
0x3cb: {  	s14 =	simm.s32 $0x12A00  }
0x3cc: {  	[tilespmem:s14], [sflag:$0x3] =	stream.indirect_vreg.gather [hbm4b:s6+s4], $0x80, v3, vm0, $0xb8;
	[tilespmem:$0x1C200] =	vst v63  }
0x3cd: {  	s15 =	simm.s32 $0x13200  }
0x3ce: {  	[tilespmem:s15], [sflag:$0x3] =	stream.indirect_vreg.gather [hbm4b:s7+s4], $0x80, v3, vm0, $0xb8;
	[tilespmem:$0x1C200] =	vst v63  }
0x3cf: {  	s16 =	simm.s32 $0x13A00;
	s11 =	sld [smem:$0x7EF]  }
0x3d0: {  	[tilespmem:s16], [sflag:$0x3] =	stream.indirect_vreg.gather [hbm4b:s8+s4], $0x80, v3, vm0, $0xb8;
	[tilespmem:$0x1C200] =	vst v63  }
0x3d1: {  	s12 =	simm.s32 $0x0  }
0x3d2: {  	[hbm4b:s11+s4] =	stream.linear.scatter [tilespmem:s10], [sflag:$0x9], $0x4000, $0x38;
	[tilespmem:$0x1C200] =	vst v63  }
0x3d3: {  	s9 =	sand.u32 $0x2000, s12;
	_ =	swait.ge [sflag:s30], $0x4000  }
0x3d4: {  	s12 =	simm.s32 $0x0;
	s13 =	sand.u32 $0x1C00, s4;
	[sflag:s30] =	ssyncset.done $0x0  }
0x3d5: {  	s9 =	sor.u32 s13, s9;
	s14 =	sand.u32 $0x380, s12;
	[sflag:s30] =	ssyncadd.s32 $0xFFFFC000  }
0x3d6: {  	s9 =	sor.u32 s14, s9;
	s4 =	sand.u32 $0x40, s4;
	_ =	sdelay $0x7ff  }
0x3d7: {  	s9 =	sor.u32 s4, s9;
	_ =	sdelay $0x38  }
0x3d8: {  	v4 =	vld [tilespmem:s9+$0x4230]  }
0x3d9: {  	v5 =	vld [tilespmem:s9+$0x4200]  }
0x3da: {  	v6 =	vld [tilespmem:s9+$0x4210]  }
0x3db: {  	s15 =	simm.s32 $0x40;
	s4 =	simm.s32 $0x200  }
0x3dc: {  	s13 =	simm.s32 $0x8;
	s11 =	sand.u32 $0x2000, s15;
	s16 =	sand.u32 $0x1C00, s4;
	v3 =	vld [tilespmem:s9+$0x4220]  }
0x3dd: {  	s13 =	sand.u32 $0x380, s13;
	s12 =	simm.s32 $0x40;
	s11 =	sor.u32 s16, s11;
	[tilespmem:s9+$0x18230] =	vst.add.f32.msk $0xffff, v4  }
0x3de: {  	s14 =	sand.u32 $0x40, s12;
	s11 =	sor.u32 s13, s11;
	[tilespmem:s9+$0x18200] =	vst.add.f32.msk $0xffff, v5  }
0x3df: {  	s11 =	sor.u32 s14, s11;
	[tilespmem:s9+$0x18210] =	vst.add.f32.msk $0xffff, v6  }
0x3e0: {  	v5 =	vld [tilespmem:s11+$0x4230]  }
0x3e1: {  	s13 =	simm.s32 $0x4;
	v4 =	vld [tilespmem:s11+$0x4200]  }
.LBB2_30:
0x3e2: {  	s13 =	sadd.s32 $0x4, s13;
	v6 =	vld [tilespmem:s11+$0x4210];
	s4 =	sadd.s32 $0x200, s4  }
0x3e3: {  	s12 =	sadd.s32 $0x40, s12;
	s14 =	sshll.u32 s13, $0x4;
	p0 =	slt.u32 s13, $0x3FC;
	v7 =	vld [tilespmem:s11+$0x4220]  }
0x3e4: {  	s15 =	sand.u32 $0x1C00, s4;
	s16 =	sshll.u32 s13, $0x1;
	s14 =	sand.u32 $0x2000, s14;
	[tilespmem:s9+$0x18220] =	vst.add.f32.msk $0xffff, v3  }
.Ltmp14:
0x3e5: {  	s9 =	sor.u32 s15, s14;
	s14 =	sand.u32 $0x380, s16;
	[tilespmem:s11+$0x18230] =	vst.add.f32.msk $0xffff, v5;
	(pc) =	sbr.rel @p0 .LBB2_30-.Ltmp14, $4  }
0x3e6: {  	s15 =	sand.u32 $0x40, s12;
	s14 =	sor.u32 s14, s9;
	[tilespmem:s11+$0x18200] =	vst.add.f32.msk $0xffff, v4;
	s9 =	smov.u32 s11  }
0x3e7: {  	s11 =	sor.u32 s15, s14;
	[tilespmem:s9+$0x18210] =	vst.add.f32.msk $0xffff, v6  }
0x3e8: {  	v5 =	vld [tilespmem:s11+$0x4230];
	v3 =	vmov v7  }
0x3e9: {  	v4 =	vld [tilespmem:s11+$0x4200]  }
0x3ea: {  	v6 =	vld [tilespmem:s11+$0x4210]  }
0x3eb: {  	v7 =	vld [tilespmem:s11+$0x4220]  }
0x3ec: {  	[tilespmem:s9+$0x18220] =	vst.add.f32.msk $0xffff, v3  }
0x3ed: {  	[tilespmem:s11+$0x18230] =	vst.add.f32.msk $0xffff, v5  }
0x3ee: {  	[tilespmem:s11+$0x18200] =	vst.add.f32.msk $0xffff, v4  }
0x3ef: {  	[tilespmem:s11+$0x18210] =	vst.add.f32.msk $0xffff, v6  }
0x3f0: {  	[tilespmem:s11+$0x18220] =	vst.add.f32.msk $0xffff, v7  }
0x3f1: {  	_ =	sdelay $0x7ff  }
0x3f2: {  	_ =	sdelay $0x38  }
0x3f3: {  	_ =	swait.ge [sflag:s31], $0x4000  }
0x3f4: {  	[sflag:s31] =	ssyncset.done $0x0  }
0x3f5: {  	[sflag:s31] =	ssyncadd.s32 $0xFFFFC000  }
0x3f6: {  	v3 =	vld [tilespmem:$0x140];
	_ =	sdelay $0x4  }
0x3f7: {  	v4 =	vshll.u32 v3, $0x3  }
0x3f8: {  	v3 =	vand.u32 $0x7, v3;
	v4 =	vand.u32 $0xFFFFFFC0, v4  }
0x3f9: {  	v3 =	vor.u32 v3, v4  }
0x3fa: {  	v4 =	vperm.xlane v3, v0;
	_ =	sdelay $0x1  }
0x3fb: {  	v4 =	vadd.s32 v1, v4;
	_ =	sdelay $0x3  }
0x3fc: {  	s4 =	simm.s32 $0x0  }
0x3fd: {  	[tilespmem:s10], [sflag:$0x4] =	stream.indirect_vreg.gather [hbm4b:s1+s4], $0x80, v4, vm0, $0xb8;
	[tilespmem:$0x1C200] =	vst v63  }
0x3fe: {  	s16 =	simm.s32 $0x14A00;
	v3 =	vperm.xlane v3, v2  }
0x3ff: {  	[tilespmem:s16], [sflag:$0x4] =	stream.indirect_vreg.gather [hbm4b:s6+s4], $0x80, v4, vm0, $0xb8;
	[tilespmem:$0x1C200] =	vst v63  }
0x400: {  	s11 =	simm.s32 $0x15200;
	v3 =	vadd.s32 v1, v3  }
0x401: {  	[tilespmem:s11], [sflag:$0x4] =	stream.indirect_vreg.gather [hbm4b:s7+s4], $0x80, v4, vm0, $0xb8;
	[tilespmem:$0x1C200] =	vst v63  }
0x402: {  	s12 =	simm.s32 $0x15A00  }
0x403: {  	[tilespmem:s12], [sflag:$0x4] =	stream.indirect_vreg.gather [hbm4b:s8+s4], $0x80, v4, vm0, $0xb8;
	[tilespmem:$0x1C200] =	vst v63  }
0x404: {  	s13 =	simm.s32 $0x16200  }
0x405: {  	[tilespmem:s13], [sflag:$0x4] =	stream.indirect_vreg.gather [hbm4b:s1+s4], $0x80, v3, vm0, $0xb8;
	[tilespmem:$0x1C200] =	vst v63  }
0x406: {  	s14 =	simm.s32 $0x16A00  }
0x407: {  	[tilespmem:s14], [sflag:$0x4] =	stream.indirect_vreg.gather [hbm4b:s6+s4], $0x80, v3, vm0, $0xb8;
	[tilespmem:$0x1C200] =	vst v63  }
0x408: {  	s15 =	simm.s32 $0x17200  }
0x409: {  	[tilespmem:s15], [sflag:$0x4] =	stream.indirect_vreg.gather [hbm4b:s7+s4], $0x80, v3, vm0, $0xb8;
	[tilespmem:$0x1C200] =	vst v63  }
0x40a: {  	s16 =	simm.s32 $0x17A00;
	s11 =	sld [smem:$0x7F0]  }
0x40b: {  	[tilespmem:s16], [sflag:$0x4] =	stream.indirect_vreg.gather [hbm4b:s8+s4], $0x80, v3, vm0, $0xb8;
	[tilespmem:$0x1C200] =	vst v63  }
0x40c: {  	s12 =	simm.s32 $0x0  }
0x40d: {  	[hbm4b:s11+s4] =	stream.linear.scatter [tilespmem:s18], [sflag:$0xA], $0x4000, $0x38;
	[tilespmem:$0x1C200] =	vst v63  }
0x40e: {  	s9 =	sand.u32 $0x2000, s12;
	_ =	swait.ge [sflag:s25], $0x4000  }
0x40f: {  	s12 =	simm.s32 $0x0;
	s13 =	sand.u32 $0x1C00, s4;
	[sflag:s25] =	ssyncset.done $0x0  }
0x410: {  	s9 =	sor.u32 s13, s9;
	s14 =	sand.u32 $0x380, s12;
	[sflag:s25] =	ssyncadd.s32 $0xFFFFC000  }
0x411: {  	s9 =	sor.u32 s14, s9;
	s4 =	sand.u32 $0x40, s4;
	_ =	sdelay $0x7ff  }
0x412: {  	s9 =	sor.u32 s4, s9;
	_ =	sdelay $0x38  }
0x413: {  	v4 =	vld [tilespmem:s9+$0x4230]  }
0x414: {  	v5 =	vld [tilespmem:s9+$0x4200]  }
0x415: {  	v6 =	vld [tilespmem:s9+$0x4210]  }
0x416: {  	s15 =	simm.s32 $0x40;
	s4 =	simm.s32 $0x200  }
0x417: {  	s13 =	simm.s32 $0x8;
	s11 =	sand.u32 $0x2000, s15;
	s16 =	sand.u32 $0x1C00, s4;
	v3 =	vld [tilespmem:s9+$0x4220]  }
0x418: {  	s13 =	sand.u32 $0x380, s13;
	s12 =	simm.s32 $0x40;
	s11 =	sor.u32 s16, s11;
	[tilespmem:s9+$0x8230] =	vst.add.f32.msk $0xffff, v4  }
0x419: {  	s14 =	sand.u32 $0x40, s12;
	s11 =	sor.u32 s13, s11;
	[tilespmem:s9+$0x8200] =	vst.add.f32.msk $0xffff, v5  }
0x41a: {  	s11 =	sor.u32 s14, s11;
	[tilespmem:s9+$0x8210] =	vst.add.f32.msk $0xffff, v6  }
0x41b: {  	v5 =	vld [tilespmem:s11+$0x4230]  }
0x41c: {  	s13 =	simm.s32 $0x4;
	v4 =	vld [tilespmem:s11+$0x4200]  }
.LBB2_32:
0x41d: {  	s13 =	sadd.s32 $0x4, s13;
	v6 =	vld [tilespmem:s11+$0x4210];
	s4 =	sadd.s32 $0x200, s4  }
0x41e: {  	s12 =	sadd.s32 $0x40, s12;
	s14 =	sshll.u32 s13, $0x4;
	p0 =	slt.u32 s13, $0x3FC;
	v7 =	vld [tilespmem:s11+$0x4220]  }
0x41f: {  	s15 =	sand.u32 $0x1C00, s4;
	s16 =	sshll.u32 s13, $0x1;
	s14 =	sand.u32 $0x2000, s14;
	[tilespmem:s9+$0x8220] =	vst.add.f32.msk $0xffff, v3  }
.Ltmp15:
0x420: {  	s9 =	sor.u32 s15, s14;
	s14 =	sand.u32 $0x380, s16;
	[tilespmem:s11+$0x8230] =	vst.add.f32.msk $0xffff, v5;
	(pc) =	sbr.rel @p0 .LBB2_32-.Ltmp15, $4  }
0x421: {  	s15 =	sand.u32 $0x40, s12;
	s14 =	sor.u32 s14, s9;
	[tilespmem:s11+$0x8200] =	vst.add.f32.msk $0xffff, v4;
	s9 =	smov.u32 s11  }
0x422: {  	s11 =	sor.u32 s15, s14;
	[tilespmem:s9+$0x8210] =	vst.add.f32.msk $0xffff, v6  }
0x423: {  	v5 =	vld [tilespmem:s11+$0x4230];
	v3 =	vmov v7  }
0x424: {  	v4 =	vld [tilespmem:s11+$0x4200]  }
0x425: {  	v6 =	vld [tilespmem:s11+$0x4210]  }
0x426: {  	v7 =	vld [tilespmem:s11+$0x4220]  }
0x427: {  	[tilespmem:s9+$0x8220] =	vst.add.f32.msk $0xffff, v3  }
0x428: {  	[tilespmem:s11+$0x8230] =	vst.add.f32.msk $0xffff, v5  }
0x429: {  	[tilespmem:s11+$0x8200] =	vst.add.f32.msk $0xffff, v4  }
0x42a: {  	[tilespmem:s11+$0x8210] =	vst.add.f32.msk $0xffff, v6  }
0x42b: {  	[tilespmem:s11+$0x8220] =	vst.add.f32.msk $0xffff, v7  }
0x42c: {  	_ =	sdelay $0x7ff  }
0x42d: {  	_ =	sdelay $0x38  }
0x42e: {  	_ =	swait.ge [sflag:s0], $0x4000  }
0x42f: {  	[sflag:s0] =	ssyncset.done $0x0  }
0x430: {  	[sflag:s0] =	ssyncadd.s32 $0xFFFFC000  }
0x431: {  	v3 =	vld [tilespmem:$0x1C0];
	_ =	sdelay $0x4  }
0x432: {  	v4 =	vshll.u32 v3, $0x3  }
0x433: {  	v3 =	vand.u32 $0x7, v3;
	v4 =	vand.u32 $0xFFFFFFC0, v4  }
0x434: {  	v3 =	vor.u32 v3, v4  }
0x435: {  	v4 =	vperm.xlane v3, v0;
	_ =	sdelay $0x1  }
0x436: {  	v4 =	vadd.s32 v1, v4;
	_ =	sdelay $0x3  }
0x437: {  	s4 =	simm.s32 $0x0  }
0x438: {  	[tilespmem:s18], [sflag:$0x5] =	stream.indirect_vreg.gather [hbm4b:s1+s4], $0x80, v4, vm0, $0xb8;
	[tilespmem:$0x1C200] =	vst v63  }
0x439: {  	s16 =	simm.s32 $0x18A00;
	v3 =	vperm.xlane v3, v2  }
0x43a: {  	[tilespmem:s16], [sflag:$0x5] =	stream.indirect_vreg.gather [hbm4b:s6+s4], $0x80, v4, vm0, $0xb8;
	[tilespmem:$0x1C200] =	vst v63  }
0x43b: {  	s11 =	simm.s32 $0x19200;
	v3 =	vadd.s32 v1, v3  }
0x43c: {  	[tilespmem:s11], [sflag:$0x5] =	stream.indirect_vreg.gather [hbm4b:s7+s4], $0x80, v4, vm0, $0xb8;
	[tilespmem:$0x1C200] =	vst v63  }
0x43d: {  	s12 =	simm.s32 $0x19A00  }
0x43e: {  	[tilespmem:s12], [sflag:$0x5] =	stream.indirect_vreg.gather [hbm4b:s8+s4], $0x80, v4, vm0, $0xb8;
	[tilespmem:$0x1C200] =	vst v63  }
0x43f: {  	s13 =	simm.s32 $0x1A200  }
0x440: {  	[tilespmem:s13], [sflag:$0x5] =	stream.indirect_vreg.gather [hbm4b:s1+s4], $0x80, v3, vm0, $0xb8;
	[tilespmem:$0x1C200] =	vst v63  }
0x441: {  	s14 =	simm.s32 $0x1AA00  }
0x442: {  	[tilespmem:s14], [sflag:$0x5] =	stream.indirect_vreg.gather [hbm4b:s6+s4], $0x80, v3, vm0, $0xb8;
	[tilespmem:$0x1C200] =	vst v63  }
0x443: {  	s15 =	simm.s32 $0x1B200  }
0x444: {  	[tilespmem:s15], [sflag:$0x5] =	stream.indirect_vreg.gather [hbm4b:s7+s4], $0x80, v3, vm0, $0xb8;
	[tilespmem:$0x1C200] =	vst v63  }
0x445: {  	s16 =	simm.s32 $0x1BA00;
	s11 =	sld [smem:$0x7F1]  }
0x446: {  	[tilespmem:s16], [sflag:$0x5] =	stream.indirect_vreg.gather [hbm4b:s8+s4], $0x80, v3, vm0, $0xb8;
	[tilespmem:$0x1C200] =	vst v63  }
0x447: {  	_ = 	snop  }
0x448: {  	[hbm4b:s11+s4] =	stream.linear.scatter [tilespmem:s26], [sflag:$0x6], $0x4000, $0x38;
	[tilespmem:$0x1C200] =	vst v63  }
0x449: {  	_ =	swait.ge [sflag:s24], $0x4000  }
0x44a: {  	[sflag:s24] =	ssyncset.done $0x0  }
0x44b: {  	s12 =	simm.s32 $0x0;
	[sflag:s24] =	ssyncadd.s32 $0xFFFFC000  }
0x44c: {  	s9 =	sand.u32 $0x2000, s12;
	_ =	swait.ge [sflag:s21], $0x4000  }
0x44d: {  	s12 =	simm.s32 $0x0;
	s13 =	sand.u32 $0x1C00, s4;
	[sflag:s21] =	ssyncset.done $0x0  }
0x44e: {  	s9 =	sor.u32 s13, s9;
	s14 =	sand.u32 $0x380, s12;
	[sflag:s21] =	ssyncadd.s32 $0xFFFFC000  }
0x44f: {  	s9 =	sor.u32 s14, s9;
	s4 =	sand.u32 $0x40, s4;
	_ =	sdelay $0x7ff  }
0x450: {  	s9 =	sor.u32 s4, s9;
	_ =	sdelay $0x38  }
0x451: {  	v4 =	vld [tilespmem:s9+$0x230]  }
0x452: {  	v5 =	vld [tilespmem:s9+$0x200]  }
0x453: {  	v6 =	vld [tilespmem:s9+$0x210]  }
0x454: {  	s15 =	simm.s32 $0x40;
	s4 =	simm.s32 $0x200  }
0x455: {  	s13 =	simm.s32 $0x8;
	s11 =	sand.u32 $0x2000, s15;
	s16 =	sand.u32 $0x1C00, s4;
	v3 =	vld [tilespmem:s9+$0x220]  }
0x456: {  	s13 =	sand.u32 $0x380, s13;
	s12 =	simm.s32 $0x40;
	s11 =	sor.u32 s16, s11;
	[tilespmem:s9+$0xC230] =	vst.add.f32.msk $0xffff, v4  }
0x457: {  	s14 =	sand.u32 $0x40, s12;
	s11 =	sor.u32 s13, s11;
	[tilespmem:s9+$0xC200] =	vst.add.f32.msk $0xffff, v5  }
0x458: {  	s11 =	sor.u32 s14, s11;
	[tilespmem:s9+$0xC210] =	vst.add.f32.msk $0xffff, v6  }
0x459: {  	v5 =	vld [tilespmem:s11+$0x230]  }
0x45a: {  	s13 =	simm.s32 $0x4;
	v4 =	vld [tilespmem:s11+$0x200]  }
.LBB2_34:
0x45b: {  	s13 =	sadd.s32 $0x4, s13;
	v6 =	vld [tilespmem:s11+$0x210];
	s4 =	sadd.s32 $0x200, s4  }
0x45c: {  	s12 =	sadd.s32 $0x40, s12;
	s14 =	sshll.u32 s13, $0x4;
	p0 =	slt.u32 s13, $0x3FC;
	v7 =	vld [tilespmem:s11+$0x220]  }
0x45d: {  	s15 =	sand.u32 $0x1C00, s4;
	s16 =	sshll.u32 s13, $0x1;
	s14 =	sand.u32 $0x2000, s14;
	[tilespmem:s9+$0xC220] =	vst.add.f32.msk $0xffff, v3  }
.Ltmp16:
0x45e: {  	s9 =	sor.u32 s15, s14;
	s14 =	sand.u32 $0x380, s16;
	[tilespmem:s11+$0xC230] =	vst.add.f32.msk $0xffff, v5;
	(pc) =	sbr.rel @p0 .LBB2_34-.Ltmp16, $4  }
0x45f: {  	s15 =	sand.u32 $0x40, s12;
	s14 =	sor.u32 s14, s9;
	[tilespmem:s11+$0xC200] =	vst.add.f32.msk $0xffff, v4;
	s9 =	smov.u32 s11  }
0x460: {  	s11 =	sor.u32 s15, s14;
	[tilespmem:s9+$0xC210] =	vst.add.f32.msk $0xffff, v6  }
0x461: {  	v5 =	vld [tilespmem:s11+$0x230];
	v3 =	vmov v7  }
0x462: {  	v4 =	vld [tilespmem:s11+$0x200]  }
0x463: {  	v6 =	vld [tilespmem:s11+$0x210]  }
0x464: {  	v7 =	vld [tilespmem:s11+$0x220]  }
0x465: {  	[tilespmem:s9+$0xC220] =	vst.add.f32.msk $0xffff, v3  }
0x466: {  	[tilespmem:s11+$0xC230] =	vst.add.f32.msk $0xffff, v5  }
0x467: {  	[tilespmem:s11+$0xC200] =	vst.add.f32.msk $0xffff, v4  }
0x468: {  	[tilespmem:s11+$0xC210] =	vst.add.f32.msk $0xffff, v6  }
0x469: {  	[tilespmem:s11+$0xC220] =	vst.add.f32.msk $0xffff, v7  }
0x46a: {  	_ =	sdelay $0x7ff  }
0x46b: {  	_ =	sdelay $0x38  }
0x46c: {  	s4 =	simm.s32 $0x0;
	s15 =	simm.s32 $0x4200;
	s14 =	rddreg [dreg:$0xf]  }
0x46d: {  	[tilespmem:s15], [sflag:$0xC] =	stream.linear.gather [hbm4b:s14+s4], $0x4000, $0x38;
	[tilespmem:$0x1C200] =	vst v63  }
0x46e: {  	_ =	swait.ge [sflag:s22], $0x4000  }
0x46f: {  	[sflag:s22] =	ssyncset.done $0x0  }
0x470: {  	[sflag:s22] =	ssyncadd.s32 $0xFFFFC000  }
0x471: {  	v3 =	vld [tilespmem:$0x50];
	_ =	sdelay $0x4  }
0x472: {  	v4 =	vshll.u32 v3, $0x3  }
0x473: {  	v3 =	vand.u32 $0x7, v3;
	v4 =	vand.u32 $0xFFFFFFC0, v4  }
0x474: {  	v3 =	vor.u32 v3, v4  }
0x475: {  	v4 =	vperm.xlane v3, v0;
	_ =	sdelay $0x1  }
0x476: {  	v4 =	vadd.s32 v1, v4;
	_ =	sdelay $0x4  }
0x477: {  	[tilespmem:s26], [sflag:$0x1] =	stream.indirect_vreg.gather [hbm4b:s1+s4], $0x80, v4, vm0, $0xb8;
	[tilespmem:$0x1C200] =	vst v63  }
0x478: {  	s16 =	simm.s32 $0x8A00;
	v3 =	vperm.xlane v3, v2  }
0x479: {  	[tilespmem:s16], [sflag:$0x1] =	stream.indirect_vreg.gather [hbm4b:s6+s4], $0x80, v4, vm0, $0xb8;
	[tilespmem:$0x1C200] =	vst v63  }
0x47a: {  	s11 =	simm.s32 $0x9200;
	v3 =	vadd.s32 v1, v3  }
0x47b: {  	[tilespmem:s11], [sflag:$0x1] =	stream.indirect_vreg.gather [hbm4b:s7+s4], $0x80, v4, vm0, $0xb8;
	[tilespmem:$0x1C200] =	vst v63  }
0x47c: {  	s12 =	simm.s32 $0x9A00  }
0x47d: {  	[tilespmem:s12], [sflag:$0x1] =	stream.indirect_vreg.gather [hbm4b:s8+s4], $0x80, v4, vm0, $0xb8;
	[tilespmem:$0x1C200] =	vst v63  }
0x47e: {  	s13 =	simm.s32 $0xA200  }
0x47f: {  	[tilespmem:s13], [sflag:$0x1] =	stream.indirect_vreg.gather [hbm4b:s1+s4], $0x80, v3, vm0, $0xb8;
	[tilespmem:$0x1C200] =	vst v63  }
0x480: {  	s14 =	simm.s32 $0xAA00  }
0x481: {  	[tilespmem:s14], [sflag:$0x1] =	stream.indirect_vreg.gather [hbm4b:s6+s4], $0x80, v3, vm0, $0xb8;
	[tilespmem:$0x1C200] =	vst v63  }
0x482: {  	s15 =	simm.s32 $0xB200  }
0x483: {  	[tilespmem:s15], [sflag:$0x1] =	stream.indirect_vreg.gather [hbm4b:s7+s4], $0x80, v3, vm0, $0xb8;
	[tilespmem:$0x1C200] =	vst v63  }
0x484: {  	s16 =	simm.s32 $0xBA00  }
0x485: {  	[tilespmem:s16], [sflag:$0x1] =	stream.indirect_vreg.gather [hbm4b:s8+s4], $0x80, v3, vm0, $0xb8;
	[tilespmem:$0x1C200] =	vst v63  }
0x486: {  	s11 =	rddreg [dreg:$0x10];
	s12 =	simm.s32 $0x0  }
0x487: {  	[hbm4b:s11+s4] =	stream.linear.scatter [tilespmem:s5], [sflag:$0x7], $0x4000, $0x38;
	[tilespmem:$0x1C200] =	vst v63  }
0x488: {  	s9 =	sand.u32 $0x2000, s12;
	_ =	swait.ge [sflag:s23], $0x4000  }
0x489: {  	s12 =	simm.s32 $0x0;
	s13 =	sand.u32 $0x1C00, s4;
	[sflag:s23] =	ssyncset.done $0x0  }
0x48a: {  	s9 =	sor.u32 s13, s9;
	s14 =	sand.u32 $0x380, s12;
	[sflag:s23] =	ssyncadd.s32 $0xFFFFC000  }
0x48b: {  	s9 =	sor.u32 s14, s9;
	s4 =	sand.u32 $0x40, s4;
	_ =	sdelay $0x7ff  }
0x48c: {  	s9 =	sor.u32 s4, s9;
	_ =	sdelay $0x38  }
0x48d: {  	v4 =	vld [tilespmem:s9+$0x230]  }
0x48e: {  	v5 =	vld [tilespmem:s9+$0x200]  }
0x48f: {  	v6 =	vld [tilespmem:s9+$0x210]  }
0x490: {  	s15 =	simm.s32 $0x40;
	s4 =	simm.s32 $0x200  }
0x491: {  	s13 =	simm.s32 $0x8;
	s11 =	sand.u32 $0x2000, s15;
	s16 =	sand.u32 $0x1C00, s4;
	v3 =	vld [tilespmem:s9+$0x220]  }
0x492: {  	s13 =	sand.u32 $0x380, s13;
	s12 =	simm.s32 $0x40;
	s11 =	sor.u32 s16, s11;
	[tilespmem:s9+$0x10230] =	vst.add.f32.msk $0xffff, v4  }
0x493: {  	s14 =	sand.u32 $0x40, s12;
	s11 =	sor.u32 s13, s11;
	[tilespmem:s9+$0x10200] =	vst.add.f32.msk $0xffff, v5  }
0x494: {  	s11 =	sor.u32 s14, s11;
	[tilespmem:s9+$0x10210] =	vst.add.f32.msk $0xffff, v6  }
0x495: {  	v5 =	vld [tilespmem:s11+$0x230]  }
0x496: {  	s13 =	simm.s32 $0x4;
	v4 =	vld [tilespmem:s11+$0x200]  }
.LBB2_36:
0x497: {  	s13 =	sadd.s32 $0x4, s13;
	v6 =	vld [tilespmem:s11+$0x210];
	s4 =	sadd.s32 $0x200, s4  }
0x498: {  	s12 =	sadd.s32 $0x40, s12;
	s14 =	sshll.u32 s13, $0x4;
	p0 =	slt.u32 s13, $0x3FC;
	v7 =	vld [tilespmem:s11+$0x220]  }
0x499: {  	s15 =	sand.u32 $0x1C00, s4;
	s16 =	sshll.u32 s13, $0x1;
	s14 =	sand.u32 $0x2000, s14;
	[tilespmem:s9+$0x10220] =	vst.add.f32.msk $0xffff, v3  }
.Ltmp17:
0x49a: {  	s9 =	sor.u32 s15, s14;
	s14 =	sand.u32 $0x380, s16;
	[tilespmem:s11+$0x10230] =	vst.add.f32.msk $0xffff, v5;
	(pc) =	sbr.rel @p0 .LBB2_36-.Ltmp17, $4  }
0x49b: {  	s15 =	sand.u32 $0x40, s12;
	s14 =	sor.u32 s14, s9;
	[tilespmem:s11+$0x10200] =	vst.add.f32.msk $0xffff, v4;
	s9 =	smov.u32 s11  }
0x49c: {  	s11 =	sor.u32 s15, s14;
	[tilespmem:s9+$0x10210] =	vst.add.f32.msk $0xffff, v6  }
0x49d: {  	v5 =	vld [tilespmem:s11+$0x230];
	v3 =	vmov v7  }
0x49e: {  	v4 =	vld [tilespmem:s11+$0x200]  }
0x49f: {  	v6 =	vld [tilespmem:s11+$0x210]  }
0x4a0: {  	v7 =	vld [tilespmem:s11+$0x220]  }
0x4a1: {  	[tilespmem:s9+$0x10220] =	vst.add.f32.msk $0xffff, v3  }
0x4a2: {  	[tilespmem:s11+$0x10230] =	vst.add.f32.msk $0xffff, v5  }
0x4a3: {  	[tilespmem:s11+$0x10200] =	vst.add.f32.msk $0xffff, v4  }
0x4a4: {  	[tilespmem:s11+$0x10210] =	vst.add.f32.msk $0xffff, v6  }
0x4a5: {  	[tilespmem:s11+$0x10220] =	vst.add.f32.msk $0xffff, v7  }
0x4a6: {  	_ =	sdelay $0x7ff  }
0x4a7: {  	_ =	sdelay $0x38  }
0x4a8: {  	_ =	swait.ge [sflag:s19], $0x4000  }
0x4a9: {  	[sflag:s19] =	ssyncset.done $0x0  }
0x4aa: {  	[sflag:s19] =	ssyncadd.s32 $0xFFFFC000  }
0x4ab: {  	v3 =	vld [tilespmem:$0xD0];
	_ =	sdelay $0x4  }
0x4ac: {  	v4 =	vshll.u32 v3, $0x3  }
0x4ad: {  	v3 =	vand.u32 $0x7, v3;
	v4 =	vand.u32 $0xFFFFFFC0, v4  }
0x4ae: {  	v3 =	vor.u32 v3, v4  }
0x4af: {  	v4 =	vperm.xlane v3, v0;
	_ =	sdelay $0x1  }
0x4b0: {  	v4 =	vadd.s32 v1, v4;
	_ =	sdelay $0x3  }
0x4b1: {  	s4 =	simm.s32 $0x0  }
0x4b2: {  	[tilespmem:s5], [sflag:$0x2] =	stream.indirect_vreg.gather [hbm4b:s1+s4], $0x80, v4, vm0, $0xb8;
	[tilespmem:$0x1C200] =	vst v63  }
0x4b3: {  	s16 =	simm.s32 $0xCA00;
	v3 =	vperm.xlane v3, v2  }
0x4b4: {  	[tilespmem:s16], [sflag:$0x2] =	stream.indirect_vreg.gather [hbm4b:s6+s4], $0x80, v4, vm0, $0xb8;
	[tilespmem:$0x1C200] =	vst v63  }
0x4b5: {  	s11 =	simm.s32 $0xD200;
	v3 =	vadd.s32 v1, v3  }
0x4b6: {  	[tilespmem:s11], [sflag:$0x2] =	stream.indirect_vreg.gather [hbm4b:s7+s4], $0x80, v4, vm0, $0xb8;
	[tilespmem:$0x1C200] =	vst v63  }
0x4b7: {  	s12 =	simm.s32 $0xDA00  }
0x4b8: {  	[tilespmem:s12], [sflag:$0x2] =	stream.indirect_vreg.gather [hbm4b:s8+s4], $0x80, v4, vm0, $0xb8;
	[tilespmem:$0x1C200] =	vst v63  }
0x4b9: {  	s13 =	simm.s32 $0xE200  }
0x4ba: {  	[tilespmem:s13], [sflag:$0x2] =	stream.indirect_vreg.gather [hbm4b:s1+s4], $0x80, v3, vm0, $0xb8;
	[tilespmem:$0x1C200] =	vst v63  }
0x4bb: {  	s14 =	simm.s32 $0xEA00  }
0x4bc: {  	[tilespmem:s14], [sflag:$0x2] =	stream.indirect_vreg.gather [hbm4b:s6+s4], $0x80, v3, vm0, $0xb8;
	[tilespmem:$0x1C200] =	vst v63  }
0x4bd: {  	s15 =	simm.s32 $0xF200  }
0x4be: {  	[tilespmem:s15], [sflag:$0x2] =	stream.indirect_vreg.gather [hbm4b:s7+s4], $0x80, v3, vm0, $0xb8;
	[tilespmem:$0x1C200] =	vst v63  }
0x4bf: {  	s16 =	simm.s32 $0xFA00;
	s11 =	sld [smem:$0x7F2]  }
0x4c0: {  	[tilespmem:s16], [sflag:$0x2] =	stream.indirect_vreg.gather [hbm4b:s8+s4], $0x80, v3, vm0, $0xb8;
	[tilespmem:$0x1C200] =	vst v63  }
0x4c1: {  	s12 =	simm.s32 $0x0  }
0x4c2: {  	[hbm4b:s11+s4] =	stream.linear.scatter [tilespmem:s17], [sflag:$0x8], $0x4000, $0x38;
	[tilespmem:$0x1C200] =	vst v63  }
0x4c3: {  	s9 =	sand.u32 $0x2000, s12;
	_ =	swait.ge [sflag:s20], $0x4000  }
0x4c4: {  	s12 =	simm.s32 $0x0;
	s13 =	sand.u32 $0x1C00, s4;
	[sflag:s20] =	ssyncset.done $0x0  }
0x4c5: {  	s9 =	sor.u32 s13, s9;
	s14 =	sand.u32 $0x380, s12;
	[sflag:s20] =	ssyncadd.s32 $0xFFFFC000  }
0x4c6: {  	s9 =	sor.u32 s14, s9;
	s4 =	sand.u32 $0x40, s4;
	_ =	sdelay $0x7ff  }
0x4c7: {  	s9 =	sor.u32 s4, s9;
	_ =	sdelay $0x38  }
0x4c8: {  	v4 =	vld [tilespmem:s9+$0x230]  }
0x4c9: {  	v5 =	vld [tilespmem:s9+$0x200]  }
0x4ca: {  	v6 =	vld [tilespmem:s9+$0x210]  }
0x4cb: {  	s15 =	simm.s32 $0x40;
	s4 =	simm.s32 $0x200  }
0x4cc: {  	s13 =	simm.s32 $0x8;
	s11 =	sand.u32 $0x2000, s15;
	s16 =	sand.u32 $0x1C00, s4;
	v3 =	vld [tilespmem:s9+$0x220]  }
0x4cd: {  	s13 =	sand.u32 $0x380, s13;
	s12 =	simm.s32 $0x40;
	s11 =	sor.u32 s16, s11;
	[tilespmem:s9+$0x14230] =	vst.add.f32.msk $0xffff, v4  }
0x4ce: {  	s14 =	sand.u32 $0x40, s12;
	s11 =	sor.u32 s13, s11;
	[tilespmem:s9+$0x14200] =	vst.add.f32.msk $0xffff, v5  }
0x4cf: {  	s11 =	sor.u32 s14, s11;
	[tilespmem:s9+$0x14210] =	vst.add.f32.msk $0xffff, v6  }
0x4d0: {  	v5 =	vld [tilespmem:s11+$0x230]  }
0x4d1: {  	s13 =	simm.s32 $0x4;
	v4 =	vld [tilespmem:s11+$0x200]  }
.LBB2_38:
0x4d2: {  	s13 =	sadd.s32 $0x4, s13;
	v6 =	vld [tilespmem:s11+$0x210];
	s4 =	sadd.s32 $0x200, s4  }
0x4d3: {  	s12 =	sadd.s32 $0x40, s12;
	s14 =	sshll.u32 s13, $0x4;
	p0 =	slt.u32 s13, $0x3FC;
	v7 =	vld [tilespmem:s11+$0x220]  }
0x4d4: {  	s15 =	sand.u32 $0x1C00, s4;
	s16 =	sshll.u32 s13, $0x1;
	s14 =	sand.u32 $0x2000, s14;
	[tilespmem:s9+$0x14220] =	vst.add.f32.msk $0xffff, v3  }
.Ltmp18:
0x4d5: {  	s9 =	sor.u32 s15, s14;
	s14 =	sand.u32 $0x380, s16;
	[tilespmem:s11+$0x14230] =	vst.add.f32.msk $0xffff, v5;
	(pc) =	sbr.rel @p0 .LBB2_38-.Ltmp18, $4  }
0x4d6: {  	s15 =	sand.u32 $0x40, s12;
	s14 =	sor.u32 s14, s9;
	[tilespmem:s11+$0x14200] =	vst.add.f32.msk $0xffff, v4;
	s9 =	smov.u32 s11  }
0x4d7: {  	s11 =	sor.u32 s15, s14;
	[tilespmem:s9+$0x14210] =	vst.add.f32.msk $0xffff, v6  }
0x4d8: {  	v5 =	vld [tilespmem:s11+$0x230];
	v3 =	vmov v7  }
0x4d9: {  	v4 =	vld [tilespmem:s11+$0x200]  }
0x4da: {  	v6 =	vld [tilespmem:s11+$0x210]  }
0x4db: {  	v7 =	vld [tilespmem:s11+$0x220]  }
0x4dc: {  	[tilespmem:s9+$0x14220] =	vst.add.f32.msk $0xffff, v3  }
0x4dd: {  	[tilespmem:s11+$0x14230] =	vst.add.f32.msk $0xffff, v5  }
0x4de: {  	[tilespmem:s11+$0x14200] =	vst.add.f32.msk $0xffff, v4  }
0x4df: {  	[tilespmem:s11+$0x14210] =	vst.add.f32.msk $0xffff, v6  }
0x4e0: {  	[tilespmem:s11+$0x14220] =	vst.add.f32.msk $0xffff, v7  }
0x4e1: {  	_ =	sdelay $0x7ff  }
0x4e2: {  	_ =	sdelay $0x38  }
0x4e3: {  	_ =	swait.ge [sflag:s28], $0x4000  }
0x4e4: {  	[sflag:s28] =	ssyncset.done $0x0  }
0x4e5: {  	[sflag:s28] =	ssyncadd.s32 $0xFFFFC000  }
0x4e6: {  	v3 =	vld [tilespmem:$0x150];
	_ =	sdelay $0x4  }
0x4e7: {  	v4 =	vshll.u32 v3, $0x3  }
0x4e8: {  	v3 =	vand.u32 $0x7, v3;
	v4 =	vand.u32 $0xFFFFFFC0, v4  }
0x4e9: {  	v3 =	vor.u32 v3, v4  }
0x4ea: {  	v4 =	vperm.xlane v3, v0;
	_ =	sdelay $0x1  }
0x4eb: {  	v4 =	vadd.s32 v1, v4;
	_ =	sdelay $0x3  }
0x4ec: {  	s4 =	simm.s32 $0x0  }
0x4ed: {  	[tilespmem:s17], [sflag:$0x3] =	stream.indirect_vreg.gather [hbm4b:s1+s4], $0x80, v4, vm0, $0xb8;
	[tilespmem:$0x1C200] =	vst v63  }
0x4ee: {  	s16 =	simm.s32 $0x10A00;
	v3 =	vperm.xlane v3, v2  }
0x4ef: {  	[tilespmem:s16], [sflag:$0x3] =	stream.indirect_vreg.gather [hbm4b:s6+s4], $0x80, v4, vm0, $0xb8;
	[tilespmem:$0x1C200] =	vst v63  }
0x4f0: {  	s11 =	simm.s32 $0x11200;
	v3 =	vadd.s32 v1, v3  }
0x4f1: {  	[tilespmem:s11], [sflag:$0x3] =	stream.indirect_vreg.gather [hbm4b:s7+s4], $0x80, v4, vm0, $0xb8;
	[tilespmem:$0x1C200] =	vst v63  }
0x4f2: {  	s12 =	simm.s32 $0x11A00  }
0x4f3: {  	[tilespmem:s12], [sflag:$0x3] =	stream.indirect_vreg.gather [hbm4b:s8+s4], $0x80, v4, vm0, $0xb8;
	[tilespmem:$0x1C200] =	vst v63  }
0x4f4: {  	s13 =	simm.s32 $0x12200  }
0x4f5: {  	[tilespmem:s13], [sflag:$0x3] =	stream.indirect_vreg.gather [hbm4b:s1+s4], $0x80, v3, vm0, $0xb8;
	[tilespmem:$0x1C200] =	vst v63  }
0x4f6: {  	s14 =	simm.s32 $0x12A00  }
0x4f7: {  	[tilespmem:s14], [sflag:$0x3] =	stream.indirect_vreg.gather [hbm4b:s6+s4], $0x80, v3, vm0, $0xb8;
	[tilespmem:$0x1C200] =	vst v63  }
0x4f8: {  	s15 =	simm.s32 $0x13200  }
0x4f9: {  	[tilespmem:s15], [sflag:$0x3] =	stream.indirect_vreg.gather [hbm4b:s7+s4], $0x80, v3, vm0, $0xb8;
	[tilespmem:$0x1C200] =	vst v63  }
0x4fa: {  	s16 =	simm.s32 $0x13A00;
	s11 =	sld [smem:$0x7F3]  }
0x4fb: {  	[tilespmem:s16], [sflag:$0x3] =	stream.indirect_vreg.gather [hbm4b:s8+s4], $0x80, v3, vm0, $0xb8;
	[tilespmem:$0x1C200] =	vst v63  }
0x4fc: {  	s12 =	simm.s32 $0x0  }
0x4fd: {  	[hbm4b:s11+s4] =	stream.linear.scatter [tilespmem:s10], [sflag:$0x9], $0x4000, $0x38;
	[tilespmem:$0x1C200] =	vst v63  }
0x4fe: {  	s9 =	sand.u32 $0x2000, s12;
	_ =	swait.ge [sflag:s30], $0x4000  }
0x4ff: {  	s12 =	simm.s32 $0x0;
	s13 =	sand.u32 $0x1C00, s4;
	[sflag:s30] =	ssyncset.done $0x0  }
0x500: {  	s9 =	sor.u32 s13, s9;
	s14 =	sand.u32 $0x380, s12;
	[sflag:s30] =	ssyncadd.s32 $0xFFFFC000  }
0x501: {  	s9 =	sor.u32 s14, s9;
	s4 =	sand.u32 $0x40, s4;
	_ =	sdelay $0x7ff  }
0x502: {  	s9 =	sor.u32 s4, s9;
	_ =	sdelay $0x38  }
0x503: {  	v4 =	vld [tilespmem:s9+$0x230]  }
0x504: {  	v5 =	vld [tilespmem:s9+$0x200]  }
0x505: {  	v6 =	vld [tilespmem:s9+$0x210]  }
0x506: {  	s15 =	simm.s32 $0x40;
	s4 =	simm.s32 $0x200  }
0x507: {  	s13 =	simm.s32 $0x8;
	s11 =	sand.u32 $0x2000, s15;
	s16 =	sand.u32 $0x1C00, s4;
	v3 =	vld [tilespmem:s9+$0x220]  }
0x508: {  	s13 =	sand.u32 $0x380, s13;
	s12 =	simm.s32 $0x40;
	s11 =	sor.u32 s16, s11;
	[tilespmem:s9+$0x18230] =	vst.add.f32.msk $0xffff, v4  }
0x509: {  	s14 =	sand.u32 $0x40, s12;
	s11 =	sor.u32 s13, s11;
	[tilespmem:s9+$0x18200] =	vst.add.f32.msk $0xffff, v5  }
0x50a: {  	s11 =	sor.u32 s14, s11;
	[tilespmem:s9+$0x18210] =	vst.add.f32.msk $0xffff, v6  }
0x50b: {  	v5 =	vld [tilespmem:s11+$0x230]  }
0x50c: {  	s13 =	simm.s32 $0x4;
	v4 =	vld [tilespmem:s11+$0x200]  }
.LBB2_40:
0x50d: {  	s13 =	sadd.s32 $0x4, s13;
	v6 =	vld [tilespmem:s11+$0x210];
	s4 =	sadd.s32 $0x200, s4  }
0x50e: {  	s12 =	sadd.s32 $0x40, s12;
	s14 =	sshll.u32 s13, $0x4;
	p0 =	slt.u32 s13, $0x3FC;
	v7 =	vld [tilespmem:s11+$0x220]  }
0x50f: {  	s15 =	sand.u32 $0x1C00, s4;
	s16 =	sshll.u32 s13, $0x1;
	s14 =	sand.u32 $0x2000, s14;
	[tilespmem:s9+$0x18220] =	vst.add.f32.msk $0xffff, v3  }
.Ltmp19:
0x510: {  	s9 =	sor.u32 s15, s14;
	s14 =	sand.u32 $0x380, s16;
	[tilespmem:s11+$0x18230] =	vst.add.f32.msk $0xffff, v5;
	(pc) =	sbr.rel @p0 .LBB2_40-.Ltmp19, $4  }
0x511: {  	s15 =	sand.u32 $0x40, s12;
	s14 =	sor.u32 s14, s9;
	[tilespmem:s11+$0x18200] =	vst.add.f32.msk $0xffff, v4;
	s9 =	smov.u32 s11  }
0x512: {  	s11 =	sor.u32 s15, s14;
	[tilespmem:s9+$0x18210] =	vst.add.f32.msk $0xffff, v6  }
0x513: {  	v5 =	vld [tilespmem:s11+$0x230];
	v3 =	vmov v7  }
0x514: {  	v4 =	vld [tilespmem:s11+$0x200]  }
0x515: {  	v6 =	vld [tilespmem:s11+$0x210]  }
0x516: {  	v7 =	vld [tilespmem:s11+$0x220]  }
0x517: {  	[tilespmem:s9+$0x18220] =	vst.add.f32.msk $0xffff, v3  }
0x518: {  	[tilespmem:s11+$0x18230] =	vst.add.f32.msk $0xffff, v5  }
0x519: {  	[tilespmem:s11+$0x18200] =	vst.add.f32.msk $0xffff, v4  }
0x51a: {  	[tilespmem:s11+$0x18210] =	vst.add.f32.msk $0xffff, v6  }
0x51b: {  	[tilespmem:s11+$0x18220] =	vst.add.f32.msk $0xffff, v7  }
0x51c: {  	_ =	sdelay $0x7ff  }
0x51d: {  	_ =	sdelay $0x38  }
0x51e: {  	_ =	swait.ge [sflag:s31], $0x4000  }
0x51f: {  	[sflag:s31] =	ssyncset.done $0x0  }
0x520: {  	[sflag:s31] =	ssyncadd.s32 $0xFFFFC000  }
0x521: {  	v3 =	vld [tilespmem:$0x1D0];
	_ =	sdelay $0x4  }
0x522: {  	v4 =	vshll.u32 v3, $0x3  }
0x523: {  	v3 =	vand.u32 $0x7, v3;
	v4 =	vand.u32 $0xFFFFFFC0, v4  }
0x524: {  	v3 =	vor.u32 v3, v4  }
0x525: {  	v4 =	vperm.xlane v3, v0;
	_ =	sdelay $0x1  }
0x526: {  	v4 =	vadd.s32 v1, v4;
	_ =	sdelay $0x3  }
0x527: {  	s4 =	simm.s32 $0x0  }
0x528: {  	[tilespmem:s10], [sflag:$0x4] =	stream.indirect_vreg.gather [hbm4b:s1+s4], $0x80, v4, vm0, $0xb8;
	[tilespmem:$0x1C200] =	vst v63  }
0x529: {  	s16 =	simm.s32 $0x14A00;
	v3 =	vperm.xlane v3, v2  }
0x52a: {  	[tilespmem:s16], [sflag:$0x4] =	stream.indirect_vreg.gather [hbm4b:s6+s4], $0x80, v4, vm0, $0xb8;
	[tilespmem:$0x1C200] =	vst v63  }
0x52b: {  	s11 =	simm.s32 $0x15200;
	v3 =	vadd.s32 v1, v3  }
0x52c: {  	[tilespmem:s11], [sflag:$0x4] =	stream.indirect_vreg.gather [hbm4b:s7+s4], $0x80, v4, vm0, $0xb8;
	[tilespmem:$0x1C200] =	vst v63  }
0x52d: {  	s12 =	simm.s32 $0x15A00  }
0x52e: {  	[tilespmem:s12], [sflag:$0x4] =	stream.indirect_vreg.gather [hbm4b:s8+s4], $0x80, v4, vm0, $0xb8;
	[tilespmem:$0x1C200] =	vst v63  }
0x52f: {  	s13 =	simm.s32 $0x16200  }
0x530: {  	[tilespmem:s13], [sflag:$0x4] =	stream.indirect_vreg.gather [hbm4b:s1+s4], $0x80, v3, vm0, $0xb8;
	[tilespmem:$0x1C200] =	vst v63  }
0x531: {  	s14 =	simm.s32 $0x16A00  }
0x532: {  	[tilespmem:s14], [sflag:$0x4] =	stream.indirect_vreg.gather [hbm4b:s6+s4], $0x80, v3, vm0, $0xb8;
	[tilespmem:$0x1C200] =	vst v63  }
0x533: {  	s15 =	simm.s32 $0x17200  }
0x534: {  	[tilespmem:s15], [sflag:$0x4] =	stream.indirect_vreg.gather [hbm4b:s7+s4], $0x80, v3, vm0, $0xb8;
	[tilespmem:$0x1C200] =	vst v63  }
0x535: {  	s16 =	simm.s32 $0x17A00;
	s11 =	sld [smem:$0x7F4]  }
0x536: {  	[tilespmem:s16], [sflag:$0x4] =	stream.indirect_vreg.gather [hbm4b:s8+s4], $0x80, v3, vm0, $0xb8;
	[tilespmem:$0x1C200] =	vst v63  }
0x537: {  	_ = 	snop  }
0x538: {  	[hbm4b:s11+s4] =	stream.linear.scatter [tilespmem:s18], [sflag:$0xA], $0x4000, $0x38;
	[tilespmem:$0x1C200] =	vst v63  }
0x539: {  	_ =	swait.ge [sflag:s29], $0x4000  }
0x53a: {  	[sflag:s29] =	ssyncset.done $0x0  }
0x53b: {  	s12 =	simm.s32 $0x0;
	[sflag:s29] =	ssyncadd.s32 $0xFFFFC000  }
0x53c: {  	s9 =	sand.u32 $0x2000, s12;
	_ =	swait.ge [sflag:s25], $0x4000  }
0x53d: {  	s12 =	simm.s32 $0x0;
	s13 =	sand.u32 $0x1C00, s4;
	[sflag:s25] =	ssyncset.done $0x0  }
0x53e: {  	s9 =	sor.u32 s13, s9;
	s14 =	sand.u32 $0x380, s12;
	[sflag:s25] =	ssyncadd.s32 $0xFFFFC000  }
0x53f: {  	s9 =	sor.u32 s14, s9;
	s4 =	sand.u32 $0x40, s4;
	_ =	sdelay $0x7ff  }
0x540: {  	s9 =	sor.u32 s4, s9;
	_ =	sdelay $0x38  }
0x541: {  	v4 =	vld [tilespmem:s9+$0x4230]  }
0x542: {  	v5 =	vld [tilespmem:s9+$0x4200]  }
0x543: {  	v6 =	vld [tilespmem:s9+$0x4210]  }
0x544: {  	s15 =	simm.s32 $0x40;
	s4 =	simm.s32 $0x200  }
0x545: {  	s13 =	simm.s32 $0x8;
	s11 =	sand.u32 $0x2000, s15;
	s16 =	sand.u32 $0x1C00, s4;
	v3 =	vld [tilespmem:s9+$0x4220]  }
0x546: {  	s13 =	sand.u32 $0x380, s13;
	s12 =	simm.s32 $0x40;
	s11 =	sor.u32 s16, s11;
	[tilespmem:s9+$0x8230] =	vst.add.f32.msk $0xffff, v4  }
0x547: {  	s14 =	sand.u32 $0x40, s12;
	s11 =	sor.u32 s13, s11;
	[tilespmem:s9+$0x8200] =	vst.add.f32.msk $0xffff, v5  }
0x548: {  	s11 =	sor.u32 s14, s11;
	[tilespmem:s9+$0x8210] =	vst.add.f32.msk $0xffff, v6  }
0x549: {  	v5 =	vld [tilespmem:s11+$0x4230]  }
0x54a: {  	s13 =	simm.s32 $0x4;
	v4 =	vld [tilespmem:s11+$0x4200]  }
.LBB2_42:
0x54b: {  	s13 =	sadd.s32 $0x4, s13;
	v6 =	vld [tilespmem:s11+$0x4210];
	s4 =	sadd.s32 $0x200, s4  }
0x54c: {  	s12 =	sadd.s32 $0x40, s12;
	s14 =	sshll.u32 s13, $0x4;
	p0 =	slt.u32 s13, $0x3FC;
	v7 =	vld [tilespmem:s11+$0x4220]  }
0x54d: {  	s15 =	sand.u32 $0x1C00, s4;
	s16 =	sshll.u32 s13, $0x1;
	s14 =	sand.u32 $0x2000, s14;
	[tilespmem:s9+$0x8220] =	vst.add.f32.msk $0xffff, v3  }
.Ltmp20:
0x54e: {  	s9 =	sor.u32 s15, s14;
	s14 =	sand.u32 $0x380, s16;
	[tilespmem:s11+$0x8230] =	vst.add.f32.msk $0xffff, v5;
	(pc) =	sbr.rel @p0 .LBB2_42-.Ltmp20, $4  }
0x54f: {  	s15 =	sand.u32 $0x40, s12;
	s14 =	sor.u32 s14, s9;
	[tilespmem:s11+$0x8200] =	vst.add.f32.msk $0xffff, v4;
	s9 =	smov.u32 s11  }
0x550: {  	s11 =	sor.u32 s15, s14;
	[tilespmem:s9+$0x8210] =	vst.add.f32.msk $0xffff, v6  }
0x551: {  	v5 =	vld [tilespmem:s11+$0x4230];
	v3 =	vmov v7  }
0x552: {  	v4 =	vld [tilespmem:s11+$0x4200]  }
0x553: {  	v6 =	vld [tilespmem:s11+$0x4210]  }
0x554: {  	v7 =	vld [tilespmem:s11+$0x4220]  }
0x555: {  	[tilespmem:s9+$0x8220] =	vst.add.f32.msk $0xffff, v3  }
0x556: {  	[tilespmem:s11+$0x8230] =	vst.add.f32.msk $0xffff, v5  }
0x557: {  	[tilespmem:s11+$0x8200] =	vst.add.f32.msk $0xffff, v4  }
0x558: {  	[tilespmem:s11+$0x8210] =	vst.add.f32.msk $0xffff, v6  }
0x559: {  	[tilespmem:s11+$0x8220] =	vst.add.f32.msk $0xffff, v7  }
0x55a: {  	_ =	sdelay $0x7ff  }
0x55b: {  	_ =	sdelay $0x38  }
0x55c: {  	s4 =	simm.s32 $0x0;
	s15 =	simm.s32 $0x200;
	s14 =	rddreg [dreg:$0x11]  }
0x55d: {  	[tilespmem:s15], [sflag:$0xB] =	stream.linear.gather [hbm4b:s14+s4], $0x4000, $0x38;
	[tilespmem:$0x1C200] =	vst v63  }
0x55e: {  	_ =	swait.ge [sflag:s0], $0x4000  }
0x55f: {  	[sflag:s0] =	ssyncset.done $0x0  }
0x560: {  	[sflag:s0] =	ssyncadd.s32 $0xFFFFC000  }
0x561: {  	v3 =	vld [tilespmem:$0x60];
	_ =	sdelay $0x4  }
0x562: {  	v4 =	vshll.u32 v3, $0x3  }
0x563: {  	v3 =	vand.u32 $0x7, v3;
	v4 =	vand.u32 $0xFFFFFFC0, v4  }
0x564: {  	v3 =	vor.u32 v3, v4  }
0x565: {  	v4 =	vperm.xlane v3, v0;
	_ =	sdelay $0x1  }
0x566: {  	v4 =	vadd.s32 v1, v4;
	_ =	sdelay $0x4  }
0x567: {  	[tilespmem:s18], [sflag:$0x5] =	stream.indirect_vreg.gather [hbm4b:s1+s4], $0x80, v4, vm0, $0xb8;
	[tilespmem:$0x1C200] =	vst v63  }
0x568: {  	s16 =	simm.s32 $0x18A00;
	v3 =	vperm.xlane v3, v2  }
0x569: {  	[tilespmem:s16], [sflag:$0x5] =	stream.indirect_vreg.gather [hbm4b:s6+s4], $0x80, v4, vm0, $0xb8;
	[tilespmem:$0x1C200] =	vst v63  }
0x56a: {  	s11 =	simm.s32 $0x19200;
	v3 =	vadd.s32 v1, v3  }
0x56b: {  	[tilespmem:s11], [sflag:$0x5] =	stream.indirect_vreg.gather [hbm4b:s7+s4], $0x80, v4, vm0, $0xb8;
	[tilespmem:$0x1C200] =	vst v63  }
0x56c: {  	s12 =	simm.s32 $0x19A00  }
0x56d: {  	[tilespmem:s12], [sflag:$0x5] =	stream.indirect_vreg.gather [hbm4b:s8+s4], $0x80, v4, vm0, $0xb8;
	[tilespmem:$0x1C200] =	vst v63  }
0x56e: {  	s13 =	simm.s32 $0x1A200  }
0x56f: {  	[tilespmem:s13], [sflag:$0x5] =	stream.indirect_vreg.gather [hbm4b:s1+s4], $0x80, v3, vm0, $0xb8;
	[tilespmem:$0x1C200] =	vst v63  }
0x570: {  	s14 =	simm.s32 $0x1AA00  }
0x571: {  	[tilespmem:s14], [sflag:$0x5] =	stream.indirect_vreg.gather [hbm4b:s6+s4], $0x80, v3, vm0, $0xb8;
	[tilespmem:$0x1C200] =	vst v63  }
0x572: {  	s15 =	simm.s32 $0x1B200  }
0x573: {  	[tilespmem:s15], [sflag:$0x5] =	stream.indirect_vreg.gather [hbm4b:s7+s4], $0x80, v3, vm0, $0xb8;
	[tilespmem:$0x1C200] =	vst v63  }
0x574: {  	s16 =	simm.s32 $0x1BA00  }
0x575: {  	[tilespmem:s16], [sflag:$0x5] =	stream.indirect_vreg.gather [hbm4b:s8+s4], $0x80, v3, vm0, $0xb8;
	[tilespmem:$0x1C200] =	vst v63  }
0x576: {  	s11 =	rddreg [dreg:$0x12];
	s12 =	simm.s32 $0x0  }
0x577: {  	[hbm4b:s11+s4] =	stream.linear.scatter [tilespmem:s26], [sflag:$0x6], $0x4000, $0x38;
	[tilespmem:$0x1C200] =	vst v63  }
0x578: {  	s9 =	sand.u32 $0x2000, s12;
	_ =	swait.ge [sflag:s21], $0x4000  }
0x579: {  	s12 =	simm.s32 $0x0;
	s13 =	sand.u32 $0x1C00, s4;
	[sflag:s21] =	ssyncset.done $0x0  }
0x57a: {  	s9 =	sor.u32 s13, s9;
	s14 =	sand.u32 $0x380, s12;
	[sflag:s21] =	ssyncadd.s32 $0xFFFFC000  }
0x57b: {  	s9 =	sor.u32 s14, s9;
	s4 =	sand.u32 $0x40, s4;
	_ =	sdelay $0x7ff  }
0x57c: {  	s9 =	sor.u32 s4, s9;
	_ =	sdelay $0x38  }
0x57d: {  	v4 =	vld [tilespmem:s9+$0x4230]  }
0x57e: {  	v5 =	vld [tilespmem:s9+$0x4200]  }
0x57f: {  	v6 =	vld [tilespmem:s9+$0x4210]  }
0x580: {  	s15 =	simm.s32 $0x40;
	s4 =	simm.s32 $0x200  }
0x581: {  	s13 =	simm.s32 $0x8;
	s11 =	sand.u32 $0x2000, s15;
	s16 =	sand.u32 $0x1C00, s4;
	v3 =	vld [tilespmem:s9+$0x4220]  }
0x582: {  	s13 =	sand.u32 $0x380, s13;
	s12 =	simm.s32 $0x40;
	s11 =	sor.u32 s16, s11;
	[tilespmem:s9+$0xC230] =	vst.add.f32.msk $0xffff, v4  }
0x583: {  	s14 =	sand.u32 $0x40, s12;
	s11 =	sor.u32 s13, s11;
	[tilespmem:s9+$0xC200] =	vst.add.f32.msk $0xffff, v5  }
0x584: {  	s11 =	sor.u32 s14, s11;
	[tilespmem:s9+$0xC210] =	vst.add.f32.msk $0xffff, v6  }
0x585: {  	v5 =	vld [tilespmem:s11+$0x4230]  }
0x586: {  	s13 =	simm.s32 $0x4;
	v4 =	vld [tilespmem:s11+$0x4200]  }
.LBB2_44:
0x587: {  	s13 =	sadd.s32 $0x4, s13;
	v6 =	vld [tilespmem:s11+$0x4210];
	s4 =	sadd.s32 $0x200, s4  }
0x588: {  	s12 =	sadd.s32 $0x40, s12;
	s14 =	sshll.u32 s13, $0x4;
	p0 =	slt.u32 s13, $0x3FC;
	v7 =	vld [tilespmem:s11+$0x4220]  }
0x589: {  	s15 =	sand.u32 $0x1C00, s4;
	s16 =	sshll.u32 s13, $0x1;
	s14 =	sand.u32 $0x2000, s14;
	[tilespmem:s9+$0xC220] =	vst.add.f32.msk $0xffff, v3  }
.Ltmp21:
0x58a: {  	s9 =	sor.u32 s15, s14;
	s14 =	sand.u32 $0x380, s16;
	[tilespmem:s11+$0xC230] =	vst.add.f32.msk $0xffff, v5;
	(pc) =	sbr.rel @p0 .LBB2_44-.Ltmp21, $4  }
0x58b: {  	s15 =	sand.u32 $0x40, s12;
	s14 =	sor.u32 s14, s9;
	[tilespmem:s11+$0xC200] =	vst.add.f32.msk $0xffff, v4;
	s9 =	smov.u32 s11  }
0x58c: {  	s11 =	sor.u32 s15, s14;
	[tilespmem:s9+$0xC210] =	vst.add.f32.msk $0xffff, v6  }
0x58d: {  	v5 =	vld [tilespmem:s11+$0x4230];
	v3 =	vmov v7  }
0x58e: {  	v4 =	vld [tilespmem:s11+$0x4200]  }
0x58f: {  	v6 =	vld [tilespmem:s11+$0x4210]  }
0x590: {  	v7 =	vld [tilespmem:s11+$0x4220]  }
0x591: {  	[tilespmem:s9+$0xC220] =	vst.add.f32.msk $0xffff, v3  }
0x592: {  	[tilespmem:s11+$0xC230] =	vst.add.f32.msk $0xffff, v5  }
0x593: {  	[tilespmem:s11+$0xC200] =	vst.add.f32.msk $0xffff, v4  }
0x594: {  	[tilespmem:s11+$0xC210] =	vst.add.f32.msk $0xffff, v6  }
0x595: {  	[tilespmem:s11+$0xC220] =	vst.add.f32.msk $0xffff, v7  }
0x596: {  	_ =	sdelay $0x7ff  }
0x597: {  	_ =	sdelay $0x38  }
0x598: {  	_ =	swait.ge [sflag:s22], $0x4000  }
0x599: {  	[sflag:s22] =	ssyncset.done $0x0  }
0x59a: {  	[sflag:s22] =	ssyncadd.s32 $0xFFFFC000  }
0x59b: {  	v3 =	vld [tilespmem:$0xE0];
	_ =	sdelay $0x4  }
0x59c: {  	v4 =	vshll.u32 v3, $0x3  }
0x59d: {  	v3 =	vand.u32 $0x7, v3;
	v4 =	vand.u32 $0xFFFFFFC0, v4  }
0x59e: {  	v3 =	vor.u32 v3, v4  }
0x59f: {  	v4 =	vperm.xlane v3, v0;
	_ =	sdelay $0x1  }
0x5a0: {  	v4 =	vadd.s32 v1, v4;
	_ =	sdelay $0x3  }
0x5a1: {  	s4 =	simm.s32 $0x0  }
0x5a2: {  	[tilespmem:s26], [sflag:$0x1] =	stream.indirect_vreg.gather [hbm4b:s1+s4], $0x80, v4, vm0, $0xb8;
	[tilespmem:$0x1C200] =	vst v63  }
0x5a3: {  	s16 =	simm.s32 $0x8A00;
	v3 =	vperm.xlane v3, v2  }
0x5a4: {  	[tilespmem:s16], [sflag:$0x1] =	stream.indirect_vreg.gather [hbm4b:s6+s4], $0x80, v4, vm0, $0xb8;
	[tilespmem:$0x1C200] =	vst v63  }
0x5a5: {  	s11 =	simm.s32 $0x9200;
	v3 =	vadd.s32 v1, v3  }
0x5a6: {  	[tilespmem:s11], [sflag:$0x1] =	stream.indirect_vreg.gather [hbm4b:s7+s4], $0x80, v4, vm0, $0xb8;
	[tilespmem:$0x1C200] =	vst v63  }
0x5a7: {  	s12 =	simm.s32 $0x9A00  }
0x5a8: {  	[tilespmem:s12], [sflag:$0x1] =	stream.indirect_vreg.gather [hbm4b:s8+s4], $0x80, v4, vm0, $0xb8;
	[tilespmem:$0x1C200] =	vst v63  }
0x5a9: {  	s13 =	simm.s32 $0xA200  }
0x5aa: {  	[tilespmem:s13], [sflag:$0x1] =	stream.indirect_vreg.gather [hbm4b:s1+s4], $0x80, v3, vm0, $0xb8;
	[tilespmem:$0x1C200] =	vst v63  }
0x5ab: {  	s14 =	simm.s32 $0xAA00  }
0x5ac: {  	[tilespmem:s14], [sflag:$0x1] =	stream.indirect_vreg.gather [hbm4b:s6+s4], $0x80, v3, vm0, $0xb8;
	[tilespmem:$0x1C200] =	vst v63  }
0x5ad: {  	s15 =	simm.s32 $0xB200  }
0x5ae: {  	[tilespmem:s15], [sflag:$0x1] =	stream.indirect_vreg.gather [hbm4b:s7+s4], $0x80, v3, vm0, $0xb8;
	[tilespmem:$0x1C200] =	vst v63  }
0x5af: {  	s16 =	simm.s32 $0xBA00;
	s11 =	sld [smem:$0x7F5]  }
0x5b0: {  	[tilespmem:s16], [sflag:$0x1] =	stream.indirect_vreg.gather [hbm4b:s8+s4], $0x80, v3, vm0, $0xb8;
	[tilespmem:$0x1C200] =	vst v63  }
0x5b1: {  	s12 =	simm.s32 $0x0  }
0x5b2: {  	[hbm4b:s11+s4] =	stream.linear.scatter [tilespmem:s5], [sflag:$0x7], $0x4000, $0x38;
	[tilespmem:$0x1C200] =	vst v63  }
0x5b3: {  	s9 =	sand.u32 $0x2000, s12;
	_ =	swait.ge [sflag:s23], $0x4000  }
0x5b4: {  	s12 =	simm.s32 $0x0;
	s13 =	sand.u32 $0x1C00, s4;
	[sflag:s23] =	ssyncset.done $0x0  }
0x5b5: {  	s9 =	sor.u32 s13, s9;
	s14 =	sand.u32 $0x380, s12;
	[sflag:s23] =	ssyncadd.s32 $0xFFFFC000  }
0x5b6: {  	s9 =	sor.u32 s14, s9;
	s4 =	sand.u32 $0x40, s4;
	_ =	sdelay $0x7ff  }
0x5b7: {  	s9 =	sor.u32 s4, s9;
	_ =	sdelay $0x38  }
0x5b8: {  	v4 =	vld [tilespmem:s9+$0x4230]  }
0x5b9: {  	v5 =	vld [tilespmem:s9+$0x4200]  }
0x5ba: {  	v6 =	vld [tilespmem:s9+$0x4210]  }
0x5bb: {  	s15 =	simm.s32 $0x40;
	s4 =	simm.s32 $0x200  }
0x5bc: {  	s13 =	simm.s32 $0x8;
	s11 =	sand.u32 $0x2000, s15;
	s16 =	sand.u32 $0x1C00, s4;
	v3 =	vld [tilespmem:s9+$0x4220]  }
0x5bd: {  	s13 =	sand.u32 $0x380, s13;
	s12 =	simm.s32 $0x40;
	s11 =	sor.u32 s16, s11;
	[tilespmem:s9+$0x10230] =	vst.add.f32.msk $0xffff, v4  }
0x5be: {  	s14 =	sand.u32 $0x40, s12;
	s11 =	sor.u32 s13, s11;
	[tilespmem:s9+$0x10200] =	vst.add.f32.msk $0xffff, v5  }
0x5bf: {  	s11 =	sor.u32 s14, s11;
	[tilespmem:s9+$0x10210] =	vst.add.f32.msk $0xffff, v6  }
0x5c0: {  	v5 =	vld [tilespmem:s11+$0x4230]  }
0x5c1: {  	s13 =	simm.s32 $0x4;
	v4 =	vld [tilespmem:s11+$0x4200]  }
.LBB2_46:
0x5c2: {  	s13 =	sadd.s32 $0x4, s13;
	v6 =	vld [tilespmem:s11+$0x4210];
	s4 =	sadd.s32 $0x200, s4  }
0x5c3: {  	s12 =	sadd.s32 $0x40, s12;
	s14 =	sshll.u32 s13, $0x4;
	p0 =	slt.u32 s13, $0x3FC;
	v7 =	vld [tilespmem:s11+$0x4220]  }
0x5c4: {  	s15 =	sand.u32 $0x1C00, s4;
	s16 =	sshll.u32 s13, $0x1;
	s14 =	sand.u32 $0x2000, s14;
	[tilespmem:s9+$0x10220] =	vst.add.f32.msk $0xffff, v3  }
.Ltmp22:
0x5c5: {  	s9 =	sor.u32 s15, s14;
	s14 =	sand.u32 $0x380, s16;
	[tilespmem:s11+$0x10230] =	vst.add.f32.msk $0xffff, v5;
	(pc) =	sbr.rel @p0 .LBB2_46-.Ltmp22, $4  }
0x5c6: {  	s15 =	sand.u32 $0x40, s12;
	s14 =	sor.u32 s14, s9;
	[tilespmem:s11+$0x10200] =	vst.add.f32.msk $0xffff, v4;
	s9 =	smov.u32 s11  }
0x5c7: {  	s11 =	sor.u32 s15, s14;
	[tilespmem:s9+$0x10210] =	vst.add.f32.msk $0xffff, v6  }
0x5c8: {  	v5 =	vld [tilespmem:s11+$0x4230];
	v3 =	vmov v7  }
0x5c9: {  	v4 =	vld [tilespmem:s11+$0x4200]  }
0x5ca: {  	v6 =	vld [tilespmem:s11+$0x4210]  }
0x5cb: {  	v7 =	vld [tilespmem:s11+$0x4220]  }
0x5cc: {  	[tilespmem:s9+$0x10220] =	vst.add.f32.msk $0xffff, v3  }
0x5cd: {  	[tilespmem:s11+$0x10230] =	vst.add.f32.msk $0xffff, v5  }
0x5ce: {  	[tilespmem:s11+$0x10200] =	vst.add.f32.msk $0xffff, v4  }
0x5cf: {  	[tilespmem:s11+$0x10210] =	vst.add.f32.msk $0xffff, v6  }
0x5d0: {  	[tilespmem:s11+$0x10220] =	vst.add.f32.msk $0xffff, v7  }
0x5d1: {  	_ =	sdelay $0x7ff  }
0x5d2: {  	_ =	sdelay $0x38  }
0x5d3: {  	_ =	swait.ge [sflag:s19], $0x4000  }
0x5d4: {  	[sflag:s19] =	ssyncset.done $0x0  }
0x5d5: {  	[sflag:s19] =	ssyncadd.s32 $0xFFFFC000  }
0x5d6: {  	v3 =	vld [tilespmem:$0x160];
	_ =	sdelay $0x4  }
0x5d7: {  	v4 =	vshll.u32 v3, $0x3  }
0x5d8: {  	v3 =	vand.u32 $0x7, v3;
	v4 =	vand.u32 $0xFFFFFFC0, v4  }
0x5d9: {  	v3 =	vor.u32 v3, v4  }
0x5da: {  	v4 =	vperm.xlane v3, v0;
	_ =	sdelay $0x1  }
0x5db: {  	v4 =	vadd.s32 v1, v4;
	_ =	sdelay $0x3  }
0x5dc: {  	s4 =	simm.s32 $0x0  }
0x5dd: {  	[tilespmem:s5], [sflag:$0x2] =	stream.indirect_vreg.gather [hbm4b:s1+s4], $0x80, v4, vm0, $0xb8;
	[tilespmem:$0x1C200] =	vst v63  }
0x5de: {  	s16 =	simm.s32 $0xCA00;
	v3 =	vperm.xlane v3, v2  }
0x5df: {  	[tilespmem:s16], [sflag:$0x2] =	stream.indirect_vreg.gather [hbm4b:s6+s4], $0x80, v4, vm0, $0xb8;
	[tilespmem:$0x1C200] =	vst v63  }
0x5e0: {  	s11 =	simm.s32 $0xD200;
	v3 =	vadd.s32 v1, v3  }
0x5e1: {  	[tilespmem:s11], [sflag:$0x2] =	stream.indirect_vreg.gather [hbm4b:s7+s4], $0x80, v4, vm0, $0xb8;
	[tilespmem:$0x1C200] =	vst v63  }
0x5e2: {  	s12 =	simm.s32 $0xDA00  }
0x5e3: {  	[tilespmem:s12], [sflag:$0x2] =	stream.indirect_vreg.gather [hbm4b:s8+s4], $0x80, v4, vm0, $0xb8;
	[tilespmem:$0x1C200] =	vst v63  }
0x5e4: {  	s13 =	simm.s32 $0xE200  }
0x5e5: {  	[tilespmem:s13], [sflag:$0x2] =	stream.indirect_vreg.gather [hbm4b:s1+s4], $0x80, v3, vm0, $0xb8;
	[tilespmem:$0x1C200] =	vst v63  }
0x5e6: {  	s14 =	simm.s32 $0xEA00  }
0x5e7: {  	[tilespmem:s14], [sflag:$0x2] =	stream.indirect_vreg.gather [hbm4b:s6+s4], $0x80, v3, vm0, $0xb8;
	[tilespmem:$0x1C200] =	vst v63  }
0x5e8: {  	s15 =	simm.s32 $0xF200  }
0x5e9: {  	[tilespmem:s15], [sflag:$0x2] =	stream.indirect_vreg.gather [hbm4b:s7+s4], $0x80, v3, vm0, $0xb8;
	[tilespmem:$0x1C200] =	vst v63  }
0x5ea: {  	s16 =	simm.s32 $0xFA00;
	s11 =	sld [smem:$0x7F6]  }
0x5eb: {  	[tilespmem:s16], [sflag:$0x2] =	stream.indirect_vreg.gather [hbm4b:s8+s4], $0x80, v3, vm0, $0xb8;
	[tilespmem:$0x1C200] =	vst v63  }
0x5ec: {  	s12 =	simm.s32 $0x0  }
0x5ed: {  	[hbm4b:s11+s4] =	stream.linear.scatter [tilespmem:s17], [sflag:$0x8], $0x4000, $0x38;
	[tilespmem:$0x1C200] =	vst v63  }
0x5ee: {  	s9 =	sand.u32 $0x2000, s12;
	_ =	swait.ge [sflag:s20], $0x4000  }
0x5ef: {  	s12 =	simm.s32 $0x0;
	s13 =	sand.u32 $0x1C00, s4;
	[sflag:s20] =	ssyncset.done $0x0  }
0x5f0: {  	s9 =	sor.u32 s13, s9;
	s14 =	sand.u32 $0x380, s12;
	[sflag:s20] =	ssyncadd.s32 $0xFFFFC000  }
0x5f1: {  	s9 =	sor.u32 s14, s9;
	s4 =	sand.u32 $0x40, s4;
	_ =	sdelay $0x7ff  }
0x5f2: {  	s9 =	sor.u32 s4, s9;
	_ =	sdelay $0x38  }
0x5f3: {  	v4 =	vld [tilespmem:s9+$0x4230]  }
0x5f4: {  	v5 =	vld [tilespmem:s9+$0x4200]  }
0x5f5: {  	v6 =	vld [tilespmem:s9+$0x4210]  }
0x5f6: {  	s15 =	simm.s32 $0x40;
	s4 =	simm.s32 $0x200  }
0x5f7: {  	s13 =	simm.s32 $0x8;
	s11 =	sand.u32 $0x2000, s15;
	s16 =	sand.u32 $0x1C00, s4;
	v3 =	vld [tilespmem:s9+$0x4220]  }
0x5f8: {  	s13 =	sand.u32 $0x380, s13;
	s12 =	simm.s32 $0x40;
	s11 =	sor.u32 s16, s11;
	[tilespmem:s9+$0x14230] =	vst.add.f32.msk $0xffff, v4  }
0x5f9: {  	s14 =	sand.u32 $0x40, s12;
	s11 =	sor.u32 s13, s11;
	[tilespmem:s9+$0x14200] =	vst.add.f32.msk $0xffff, v5  }
0x5fa: {  	s11 =	sor.u32 s14, s11;
	[tilespmem:s9+$0x14210] =	vst.add.f32.msk $0xffff, v6  }
0x5fb: {  	v5 =	vld [tilespmem:s11+$0x4230]  }
0x5fc: {  	s13 =	simm.s32 $0x4;
	v4 =	vld [tilespmem:s11+$0x4200]  }
.LBB2_48:
0x5fd: {  	s13 =	sadd.s32 $0x4, s13;
	v6 =	vld [tilespmem:s11+$0x4210];
	s4 =	sadd.s32 $0x200, s4  }
0x5fe: {  	s12 =	sadd.s32 $0x40, s12;
	s14 =	sshll.u32 s13, $0x4;
	p0 =	slt.u32 s13, $0x3FC;
	v7 =	vld [tilespmem:s11+$0x4220]  }
0x5ff: {  	s15 =	sand.u32 $0x1C00, s4;
	s16 =	sshll.u32 s13, $0x1;
	s14 =	sand.u32 $0x2000, s14;
	[tilespmem:s9+$0x14220] =	vst.add.f32.msk $0xffff, v3  }
.Ltmp23:
0x600: {  	s9 =	sor.u32 s15, s14;
	s14 =	sand.u32 $0x380, s16;
	[tilespmem:s11+$0x14230] =	vst.add.f32.msk $0xffff, v5;
	(pc) =	sbr.rel @p0 .LBB2_48-.Ltmp23, $4  }
0x601: {  	s15 =	sand.u32 $0x40, s12;
	s14 =	sor.u32 s14, s9;
	[tilespmem:s11+$0x14200] =	vst.add.f32.msk $0xffff, v4;
	s9 =	smov.u32 s11  }
0x602: {  	s11 =	sor.u32 s15, s14;
	[tilespmem:s9+$0x14210] =	vst.add.f32.msk $0xffff, v6  }
0x603: {  	v5 =	vld [tilespmem:s11+$0x4230];
	v3 =	vmov v7  }
0x604: {  	v4 =	vld [tilespmem:s11+$0x4200]  }
0x605: {  	v6 =	vld [tilespmem:s11+$0x4210]  }
0x606: {  	v7 =	vld [tilespmem:s11+$0x4220]  }
0x607: {  	[tilespmem:s9+$0x14220] =	vst.add.f32.msk $0xffff, v3  }
0x608: {  	[tilespmem:s11+$0x14230] =	vst.add.f32.msk $0xffff, v5  }
0x609: {  	[tilespmem:s11+$0x14200] =	vst.add.f32.msk $0xffff, v4  }
0x60a: {  	[tilespmem:s11+$0x14210] =	vst.add.f32.msk $0xffff, v6  }
0x60b: {  	[tilespmem:s11+$0x14220] =	vst.add.f32.msk $0xffff, v7  }
0x60c: {  	_ =	sdelay $0x7ff  }
0x60d: {  	_ =	sdelay $0x38  }
0x60e: {  	_ =	swait.ge [sflag:s28], $0x4000  }
0x60f: {  	[sflag:s28] =	ssyncset.done $0x0  }
0x610: {  	[sflag:s28] =	ssyncadd.s32 $0xFFFFC000  }
0x611: {  	v3 =	vld [tilespmem:$0x1E0];
	_ =	sdelay $0x4  }
0x612: {  	v4 =	vshll.u32 v3, $0x3  }
0x613: {  	v3 =	vand.u32 $0x7, v3;
	v4 =	vand.u32 $0xFFFFFFC0, v4  }
0x614: {  	v3 =	vor.u32 v3, v4  }
0x615: {  	v4 =	vperm.xlane v3, v0;
	_ =	sdelay $0x1  }
0x616: {  	v4 =	vadd.s32 v1, v4;
	_ =	sdelay $0x3  }
0x617: {  	s4 =	simm.s32 $0x0  }
0x618: {  	[tilespmem:s17], [sflag:$0x3] =	stream.indirect_vreg.gather [hbm4b:s1+s4], $0x80, v4, vm0, $0xb8;
	[tilespmem:$0x1C200] =	vst v63  }
0x619: {  	s16 =	simm.s32 $0x10A00;
	v3 =	vperm.xlane v3, v2  }
0x61a: {  	[tilespmem:s16], [sflag:$0x3] =	stream.indirect_vreg.gather [hbm4b:s6+s4], $0x80, v4, vm0, $0xb8;
	[tilespmem:$0x1C200] =	vst v63  }
0x61b: {  	s11 =	simm.s32 $0x11200;
	v3 =	vadd.s32 v1, v3  }
0x61c: {  	[tilespmem:s11], [sflag:$0x3] =	stream.indirect_vreg.gather [hbm4b:s7+s4], $0x80, v4, vm0, $0xb8;
	[tilespmem:$0x1C200] =	vst v63  }
0x61d: {  	s12 =	simm.s32 $0x11A00  }
0x61e: {  	[tilespmem:s12], [sflag:$0x3] =	stream.indirect_vreg.gather [hbm4b:s8+s4], $0x80, v4, vm0, $0xb8;
	[tilespmem:$0x1C200] =	vst v63  }
0x61f: {  	s13 =	simm.s32 $0x12200  }
0x620: {  	[tilespmem:s13], [sflag:$0x3] =	stream.indirect_vreg.gather [hbm4b:s1+s4], $0x80, v3, vm0, $0xb8;
	[tilespmem:$0x1C200] =	vst v63  }
0x621: {  	s14 =	simm.s32 $0x12A00  }
0x622: {  	[tilespmem:s14], [sflag:$0x3] =	stream.indirect_vreg.gather [hbm4b:s6+s4], $0x80, v3, vm0, $0xb8;
	[tilespmem:$0x1C200] =	vst v63  }
0x623: {  	s15 =	simm.s32 $0x13200  }
0x624: {  	[tilespmem:s15], [sflag:$0x3] =	stream.indirect_vreg.gather [hbm4b:s7+s4], $0x80, v3, vm0, $0xb8;
	[tilespmem:$0x1C200] =	vst v63  }
0x625: {  	s16 =	simm.s32 $0x13A00;
	s11 =	sld [smem:$0x7F7]  }
0x626: {  	[tilespmem:s16], [sflag:$0x3] =	stream.indirect_vreg.gather [hbm4b:s8+s4], $0x80, v3, vm0, $0xb8;
	[tilespmem:$0x1C200] =	vst v63  }
0x627: {  	_ = 	snop  }
0x628: {  	[hbm4b:s11+s4] =	stream.linear.scatter [tilespmem:s10], [sflag:$0x9], $0x4000, $0x38;
	[tilespmem:$0x1C200] =	vst v63  }
0x629: {  	_ =	swait.ge [sflag:s24], $0x4000  }
0x62a: {  	[sflag:s24] =	ssyncset.done $0x0  }
0x62b: {  	s12 =	simm.s32 $0x0;
	[sflag:s24] =	ssyncadd.s32 $0xFFFFC000  }
0x62c: {  	s9 =	sand.u32 $0x2000, s12;
	_ =	swait.ge [sflag:s30], $0x4000  }
0x62d: {  	s12 =	simm.s32 $0x0;
	s13 =	sand.u32 $0x1C00, s4;
	[sflag:s30] =	ssyncset.done $0x0  }
0x62e: {  	s9 =	sor.u32 s13, s9;
	s14 =	sand.u32 $0x380, s12;
	[sflag:s30] =	ssyncadd.s32 $0xFFFFC000  }
0x62f: {  	s9 =	sor.u32 s14, s9;
	s4 =	sand.u32 $0x40, s4;
	_ =	sdelay $0x7ff  }
0x630: {  	s9 =	sor.u32 s4, s9;
	_ =	sdelay $0x38  }
0x631: {  	v4 =	vld [tilespmem:s9+$0x230]  }
0x632: {  	v5 =	vld [tilespmem:s9+$0x200]  }
0x633: {  	v6 =	vld [tilespmem:s9+$0x210]  }
0x634: {  	s15 =	simm.s32 $0x40;
	s4 =	simm.s32 $0x200  }
0x635: {  	s13 =	simm.s32 $0x8;
	s11 =	sand.u32 $0x2000, s15;
	s16 =	sand.u32 $0x1C00, s4;
	v3 =	vld [tilespmem:s9+$0x220]  }
0x636: {  	s13 =	sand.u32 $0x380, s13;
	s12 =	simm.s32 $0x40;
	s11 =	sor.u32 s16, s11;
	[tilespmem:s9+$0x18230] =	vst.add.f32.msk $0xffff, v4  }
0x637: {  	s14 =	sand.u32 $0x40, s12;
	s11 =	sor.u32 s13, s11;
	[tilespmem:s9+$0x18200] =	vst.add.f32.msk $0xffff, v5  }
0x638: {  	s11 =	sor.u32 s14, s11;
	[tilespmem:s9+$0x18210] =	vst.add.f32.msk $0xffff, v6  }
0x639: {  	v5 =	vld [tilespmem:s11+$0x230]  }
0x63a: {  	s13 =	simm.s32 $0x4;
	v4 =	vld [tilespmem:s11+$0x200]  }
.LBB2_50:
0x63b: {  	s13 =	sadd.s32 $0x4, s13;
	v6 =	vld [tilespmem:s11+$0x210];
	s4 =	sadd.s32 $0x200, s4  }
0x63c: {  	s12 =	sadd.s32 $0x40, s12;
	s14 =	sshll.u32 s13, $0x4;
	p0 =	slt.u32 s13, $0x3FC;
	v7 =	vld [tilespmem:s11+$0x220]  }
0x63d: {  	s15 =	sand.u32 $0x1C00, s4;
	s16 =	sshll.u32 s13, $0x1;
	s14 =	sand.u32 $0x2000, s14;
	[tilespmem:s9+$0x18220] =	vst.add.f32.msk $0xffff, v3  }
.Ltmp24:
0x63e: {  	s9 =	sor.u32 s15, s14;
	s14 =	sand.u32 $0x380, s16;
	[tilespmem:s11+$0x18230] =	vst.add.f32.msk $0xffff, v5;
	(pc) =	sbr.rel @p0 .LBB2_50-.Ltmp24, $4  }
0x63f: {  	s15 =	sand.u32 $0x40, s12;
	s14 =	sor.u32 s14, s9;
	[tilespmem:s11+$0x18200] =	vst.add.f32.msk $0xffff, v4;
	s9 =	smov.u32 s11  }
0x640: {  	s11 =	sor.u32 s15, s14;
	[tilespmem:s9+$0x18210] =	vst.add.f32.msk $0xffff, v6  }
0x641: {  	v5 =	vld [tilespmem:s11+$0x230];
	v3 =	vmov v7  }
0x642: {  	v4 =	vld [tilespmem:s11+$0x200]  }
0x643: {  	v6 =	vld [tilespmem:s11+$0x210]  }
0x644: {  	v7 =	vld [tilespmem:s11+$0x220]  }
0x645: {  	[tilespmem:s9+$0x18220] =	vst.add.f32.msk $0xffff, v3  }
0x646: {  	[tilespmem:s11+$0x18230] =	vst.add.f32.msk $0xffff, v5  }
0x647: {  	[tilespmem:s11+$0x18200] =	vst.add.f32.msk $0xffff, v4  }
0x648: {  	[tilespmem:s11+$0x18210] =	vst.add.f32.msk $0xffff, v6  }
0x649: {  	[tilespmem:s11+$0x18220] =	vst.add.f32.msk $0xffff, v7  }
0x64a: {  	_ =	sdelay $0x7ff  }
0x64b: {  	_ =	sdelay $0x38  }
0x64c: {  	s4 =	simm.s32 $0x0;
	s15 =	simm.s32 $0x4200;
	s14 =	rddreg [dreg:$0x13]  }
0x64d: {  	[tilespmem:s15], [sflag:$0xC] =	stream.linear.gather [hbm4b:s14+s4], $0x4000, $0x38;
	[tilespmem:$0x1C200] =	vst v63  }
0x64e: {  	_ =	swait.ge [sflag:s31], $0x4000  }
0x64f: {  	[sflag:s31] =	ssyncset.done $0x0  }
0x650: {  	[sflag:s31] =	ssyncadd.s32 $0xFFFFC000  }
0x651: {  	v3 =	vld [tilespmem:$0x70];
	_ =	sdelay $0x4  }
0x652: {  	v4 =	vshll.u32 v3, $0x3  }
0x653: {  	v3 =	vand.u32 $0x7, v3;
	v4 =	vand.u32 $0xFFFFFFC0, v4  }
0x654: {  	v3 =	vor.u32 v3, v4  }
0x655: {  	v4 =	vperm.xlane v3, v0;
	_ =	sdelay $0x1  }
0x656: {  	v4 =	vadd.s32 v1, v4;
	_ =	sdelay $0x4  }
0x657: {  	[tilespmem:s10], [sflag:$0x4] =	stream.indirect_vreg.gather [hbm4b:s1+s4], $0x80, v4, vm0, $0xb8;
	[tilespmem:$0x1C200] =	vst v63  }
0x658: {  	s16 =	simm.s32 $0x14A00;
	v3 =	vperm.xlane v3, v2  }
0x659: {  	[tilespmem:s16], [sflag:$0x4] =	stream.indirect_vreg.gather [hbm4b:s6+s4], $0x80, v4, vm0, $0xb8;
	[tilespmem:$0x1C200] =	vst v63  }
0x65a: {  	s11 =	simm.s32 $0x15200;
	v3 =	vadd.s32 v1, v3  }
0x65b: {  	[tilespmem:s11], [sflag:$0x4] =	stream.indirect_vreg.gather [hbm4b:s7+s4], $0x80, v4, vm0, $0xb8;
	[tilespmem:$0x1C200] =	vst v63  }
0x65c: {  	s12 =	simm.s32 $0x15A00  }
0x65d: {  	[tilespmem:s12], [sflag:$0x4] =	stream.indirect_vreg.gather [hbm4b:s8+s4], $0x80, v4, vm0, $0xb8;
	[tilespmem:$0x1C200] =	vst v63  }
0x65e: {  	s13 =	simm.s32 $0x16200  }
0x65f: {  	[tilespmem:s13], [sflag:$0x4] =	stream.indirect_vreg.gather [hbm4b:s1+s4], $0x80, v3, vm0, $0xb8;
	[tilespmem:$0x1C200] =	vst v63  }
0x660: {  	s14 =	simm.s32 $0x16A00  }
0x661: {  	[tilespmem:s14], [sflag:$0x4] =	stream.indirect_vreg.gather [hbm4b:s6+s4], $0x80, v3, vm0, $0xb8;
	[tilespmem:$0x1C200] =	vst v63  }
0x662: {  	s15 =	simm.s32 $0x17200  }
0x663: {  	[tilespmem:s15], [sflag:$0x4] =	stream.indirect_vreg.gather [hbm4b:s7+s4], $0x80, v3, vm0, $0xb8;
	[tilespmem:$0x1C200] =	vst v63  }
0x664: {  	s16 =	simm.s32 $0x17A00  }
0x665: {  	[tilespmem:s16], [sflag:$0x4] =	stream.indirect_vreg.gather [hbm4b:s8+s4], $0x80, v3, vm0, $0xb8;
	[tilespmem:$0x1C200] =	vst v63  }
0x666: {  	s11 =	rddreg [dreg:$0x14];
	s12 =	simm.s32 $0x0  }
0x667: {  	[hbm4b:s11+s4] =	stream.linear.scatter [tilespmem:s18], [sflag:$0xA], $0x4000, $0x38;
	[tilespmem:$0x1C200] =	vst v63  }
0x668: {  	s9 =	sand.u32 $0x2000, s12;
	_ =	swait.ge [sflag:s25], $0x4000  }
0x669: {  	s12 =	simm.s32 $0x0;
	s13 =	sand.u32 $0x1C00, s4;
	[sflag:s25] =	ssyncset.done $0x0  }
0x66a: {  	s9 =	sor.u32 s13, s9;
	s14 =	sand.u32 $0x380, s12;
	[sflag:s25] =	ssyncadd.s32 $0xFFFFC000  }
0x66b: {  	s9 =	sor.u32 s14, s9;
	s4 =	sand.u32 $0x40, s4;
	_ =	sdelay $0x7ff  }
0x66c: {  	s9 =	sor.u32 s4, s9;
	_ =	sdelay $0x38  }
0x66d: {  	v4 =	vld [tilespmem:s9+$0x230]  }
0x66e: {  	v5 =	vld [tilespmem:s9+$0x200]  }
0x66f: {  	v6 =	vld [tilespmem:s9+$0x210]  }
0x670: {  	s15 =	simm.s32 $0x40;
	s4 =	simm.s32 $0x200  }
0x671: {  	s13 =	simm.s32 $0x8;
	s11 =	sand.u32 $0x2000, s15;
	s16 =	sand.u32 $0x1C00, s4;
	v3 =	vld [tilespmem:s9+$0x220]  }
0x672: {  	s13 =	sand.u32 $0x380, s13;
	s12 =	simm.s32 $0x40;
	s11 =	sor.u32 s16, s11;
	[tilespmem:s9+$0x8230] =	vst.add.f32.msk $0xffff, v4  }
0x673: {  	s14 =	sand.u32 $0x40, s12;
	s11 =	sor.u32 s13, s11;
	[tilespmem:s9+$0x8200] =	vst.add.f32.msk $0xffff, v5  }
0x674: {  	s11 =	sor.u32 s14, s11;
	[tilespmem:s9+$0x8210] =	vst.add.f32.msk $0xffff, v6  }
0x675: {  	v5 =	vld [tilespmem:s11+$0x230]  }
0x676: {  	s13 =	simm.s32 $0x4;
	v4 =	vld [tilespmem:s11+$0x200]  }
.LBB2_52:
0x677: {  	s13 =	sadd.s32 $0x4, s13;
	v6 =	vld [tilespmem:s11+$0x210];
	s4 =	sadd.s32 $0x200, s4  }
0x678: {  	s12 =	sadd.s32 $0x40, s12;
	s14 =	sshll.u32 s13, $0x4;
	p0 =	slt.u32 s13, $0x3FC;
	v7 =	vld [tilespmem:s11+$0x220]  }
0x679: {  	s15 =	sand.u32 $0x1C00, s4;
	s16 =	sshll.u32 s13, $0x1;
	s14 =	sand.u32 $0x2000, s14;
	[tilespmem:s9+$0x8220] =	vst.add.f32.msk $0xffff, v3  }
.Ltmp25:
0x67a: {  	s9 =	sor.u32 s15, s14;
	s14 =	sand.u32 $0x380, s16;
	[tilespmem:s11+$0x8230] =	vst.add.f32.msk $0xffff, v5;
	(pc) =	sbr.rel @p0 .LBB2_52-.Ltmp25, $4  }
0x67b: {  	s15 =	sand.u32 $0x40, s12;
	s14 =	sor.u32 s14, s9;
	[tilespmem:s11+$0x8200] =	vst.add.f32.msk $0xffff, v4;
	s9 =	smov.u32 s11  }
0x67c: {  	s11 =	sor.u32 s15, s14;
	[tilespmem:s9+$0x8210] =	vst.add.f32.msk $0xffff, v6  }
0x67d: {  	v5 =	vld [tilespmem:s11+$0x230];
	v3 =	vmov v7  }
0x67e: {  	v4 =	vld [tilespmem:s11+$0x200]  }
0x67f: {  	v6 =	vld [tilespmem:s11+$0x210]  }
0x680: {  	v7 =	vld [tilespmem:s11+$0x220]  }
0x681: {  	[tilespmem:s9+$0x8220] =	vst.add.f32.msk $0xffff, v3  }
0x682: {  	[tilespmem:s11+$0x8230] =	vst.add.f32.msk $0xffff, v5  }
0x683: {  	[tilespmem:s11+$0x8200] =	vst.add.f32.msk $0xffff, v4  }
0x684: {  	[tilespmem:s11+$0x8210] =	vst.add.f32.msk $0xffff, v6  }
0x685: {  	[tilespmem:s11+$0x8220] =	vst.add.f32.msk $0xffff, v7  }
0x686: {  	_ =	sdelay $0x7ff  }
0x687: {  	_ =	sdelay $0x38  }
0x688: {  	_ =	swait.ge [sflag:s0], $0x4000  }
0x689: {  	[sflag:s0] =	ssyncset.done $0x0  }
0x68a: {  	[sflag:s0] =	ssyncadd.s32 $0xFFFFC000  }
0x68b: {  	v3 =	vld [tilespmem:$0xF0];
	_ =	sdelay $0x4  }
0x68c: {  	v4 =	vshll.u32 v3, $0x3  }
0x68d: {  	v3 =	vand.u32 $0x7, v3;
	v4 =	vand.u32 $0xFFFFFFC0, v4  }
0x68e: {  	v3 =	vor.u32 v3, v4  }
0x68f: {  	v4 =	vperm.xlane v3, v0;
	_ =	sdelay $0x1  }
0x690: {  	v4 =	vadd.s32 v1, v4;
	_ =	sdelay $0x3  }
0x691: {  	s4 =	simm.s32 $0x0  }
0x692: {  	[tilespmem:s18], [sflag:$0x5] =	stream.indirect_vreg.gather [hbm4b:s1+s4], $0x80, v4, vm0, $0xb8;
	[tilespmem:$0x1C200] =	vst v63  }
0x693: {  	s16 =	simm.s32 $0x18A00;
	v3 =	vperm.xlane v3, v2  }
0x694: {  	[tilespmem:s16], [sflag:$0x5] =	stream.indirect_vreg.gather [hbm4b:s6+s4], $0x80, v4, vm0, $0xb8;
	[tilespmem:$0x1C200] =	vst v63  }
0x695: {  	s11 =	simm.s32 $0x19200;
	v3 =	vadd.s32 v1, v3  }
0x696: {  	[tilespmem:s11], [sflag:$0x5] =	stream.indirect_vreg.gather [hbm4b:s7+s4], $0x80, v4, vm0, $0xb8;
	[tilespmem:$0x1C200] =	vst v63  }
0x697: {  	s12 =	simm.s32 $0x19A00  }
0x698: {  	[tilespmem:s12], [sflag:$0x5] =	stream.indirect_vreg.gather [hbm4b:s8+s4], $0x80, v4, vm0, $0xb8;
	[tilespmem:$0x1C200] =	vst v63  }
0x699: {  	s13 =	simm.s32 $0x1A200  }
0x69a: {  	[tilespmem:s13], [sflag:$0x5] =	stream.indirect_vreg.gather [hbm4b:s1+s4], $0x80, v3, vm0, $0xb8;
	[tilespmem:$0x1C200] =	vst v63  }
0x69b: {  	s14 =	simm.s32 $0x1AA00  }
0x69c: {  	[tilespmem:s14], [sflag:$0x5] =	stream.indirect_vreg.gather [hbm4b:s6+s4], $0x80, v3, vm0, $0xb8;
	[tilespmem:$0x1C200] =	vst v63  }
0x69d: {  	s15 =	simm.s32 $0x1B200  }
0x69e: {  	[tilespmem:s15], [sflag:$0x5] =	stream.indirect_vreg.gather [hbm4b:s7+s4], $0x80, v3, vm0, $0xb8;
	[tilespmem:$0x1C200] =	vst v63  }
0x69f: {  	s16 =	simm.s32 $0x1BA00;
	s11 =	sld [smem:$0x7F8]  }
0x6a0: {  	[tilespmem:s16], [sflag:$0x5] =	stream.indirect_vreg.gather [hbm4b:s8+s4], $0x80, v3, vm0, $0xb8;
	[tilespmem:$0x1C200] =	vst v63  }
0x6a1: {  	s12 =	simm.s32 $0x0  }
0x6a2: {  	[hbm4b:s11+s4] =	stream.linear.scatter [tilespmem:s26], [sflag:$0x6], $0x4000, $0x38;
	[tilespmem:$0x1C200] =	vst v63  }
0x6a3: {  	s9 =	sand.u32 $0x2000, s12;
	_ =	swait.ge [sflag:s21], $0x4000  }
0x6a4: {  	s12 =	simm.s32 $0x0;
	s13 =	sand.u32 $0x1C00, s4;
	[sflag:s21] =	ssyncset.done $0x0  }
0x6a5: {  	s9 =	sor.u32 s13, s9;
	s14 =	sand.u32 $0x380, s12;
	[sflag:s21] =	ssyncadd.s32 $0xFFFFC000  }
0x6a6: {  	s9 =	sor.u32 s14, s9;
	s4 =	sand.u32 $0x40, s4;
	_ =	sdelay $0x7ff  }
0x6a7: {  	s9 =	sor.u32 s4, s9;
	_ =	sdelay $0x38  }
0x6a8: {  	v4 =	vld [tilespmem:s9+$0x230]  }
0x6a9: {  	v5 =	vld [tilespmem:s9+$0x200]  }
0x6aa: {  	v6 =	vld [tilespmem:s9+$0x210]  }
0x6ab: {  	s15 =	simm.s32 $0x40;
	s4 =	simm.s32 $0x200  }
0x6ac: {  	s13 =	simm.s32 $0x8;
	s11 =	sand.u32 $0x2000, s15;
	s16 =	sand.u32 $0x1C00, s4;
	v3 =	vld [tilespmem:s9+$0x220]  }
0x6ad: {  	s13 =	sand.u32 $0x380, s13;
	s12 =	simm.s32 $0x40;
	s11 =	sor.u32 s16, s11;
	[tilespmem:s9+$0xC230] =	vst.add.f32.msk $0xffff, v4  }
0x6ae: {  	s14 =	sand.u32 $0x40, s12;
	s11 =	sor.u32 s13, s11;
	[tilespmem:s9+$0xC200] =	vst.add.f32.msk $0xffff, v5  }
0x6af: {  	s11 =	sor.u32 s14, s11;
	[tilespmem:s9+$0xC210] =	vst.add.f32.msk $0xffff, v6  }
0x6b0: {  	v5 =	vld [tilespmem:s11+$0x230]  }
0x6b1: {  	s13 =	simm.s32 $0x4;
	v4 =	vld [tilespmem:s11+$0x200]  }
.LBB2_54:
0x6b2: {  	s13 =	sadd.s32 $0x4, s13;
	v6 =	vld [tilespmem:s11+$0x210];
	s4 =	sadd.s32 $0x200, s4  }
0x6b3: {  	s12 =	sadd.s32 $0x40, s12;
	s14 =	sshll.u32 s13, $0x4;
	p0 =	slt.u32 s13, $0x3FC;
	v7 =	vld [tilespmem:s11+$0x220]  }
0x6b4: {  	s15 =	sand.u32 $0x1C00, s4;
	s16 =	sshll.u32 s13, $0x1;
	s14 =	sand.u32 $0x2000, s14;
	[tilespmem:s9+$0xC220] =	vst.add.f32.msk $0xffff, v3  }
.Ltmp26:
0x6b5: {  	s9 =	sor.u32 s15, s14;
	s14 =	sand.u32 $0x380, s16;
	[tilespmem:s11+$0xC230] =	vst.add.f32.msk $0xffff, v5;
	(pc) =	sbr.rel @p0 .LBB2_54-.Ltmp26, $4  }
0x6b6: {  	s15 =	sand.u32 $0x40, s12;
	s14 =	sor.u32 s14, s9;
	[tilespmem:s11+$0xC200] =	vst.add.f32.msk $0xffff, v4;
	s9 =	smov.u32 s11  }
0x6b7: {  	s11 =	sor.u32 s15, s14;
	[tilespmem:s9+$0xC210] =	vst.add.f32.msk $0xffff, v6  }
0x6b8: {  	v5 =	vld [tilespmem:s11+$0x230];
	v3 =	vmov v7  }
0x6b9: {  	v4 =	vld [tilespmem:s11+$0x200]  }
0x6ba: {  	v6 =	vld [tilespmem:s11+$0x210]  }
0x6bb: {  	v7 =	vld [tilespmem:s11+$0x220]  }
0x6bc: {  	[tilespmem:s9+$0xC220] =	vst.add.f32.msk $0xffff, v3  }
0x6bd: {  	[tilespmem:s11+$0xC230] =	vst.add.f32.msk $0xffff, v5  }
0x6be: {  	[tilespmem:s11+$0xC200] =	vst.add.f32.msk $0xffff, v4  }
0x6bf: {  	[tilespmem:s11+$0xC210] =	vst.add.f32.msk $0xffff, v6  }
0x6c0: {  	[tilespmem:s11+$0xC220] =	vst.add.f32.msk $0xffff, v7  }
0x6c1: {  	_ =	sdelay $0x7ff  }
0x6c2: {  	_ =	sdelay $0x38  }
0x6c3: {  	_ =	swait.ge [sflag:s22], $0x4000  }
0x6c4: {  	[sflag:s22] =	ssyncset.done $0x0  }
0x6c5: {  	[sflag:s22] =	ssyncadd.s32 $0xFFFFC000  }
0x6c6: {  	v3 =	vld [tilespmem:$0x170];
	_ =	sdelay $0x4  }
0x6c7: {  	v4 =	vshll.u32 v3, $0x3  }
0x6c8: {  	v3 =	vand.u32 $0x7, v3;
	v4 =	vand.u32 $0xFFFFFFC0, v4  }
0x6c9: {  	v3 =	vor.u32 v3, v4  }
0x6ca: {  	v4 =	vperm.xlane v3, v0;
	_ =	sdelay $0x1  }
0x6cb: {  	v4 =	vadd.s32 v1, v4;
	_ =	sdelay $0x3  }
0x6cc: {  	s4 =	simm.s32 $0x0  }
0x6cd: {  	[tilespmem:s26], [sflag:$0x1] =	stream.indirect_vreg.gather [hbm4b:s1+s4], $0x80, v4, vm0, $0xb8;
	[tilespmem:$0x1C200] =	vst v63  }
0x6ce: {  	s16 =	simm.s32 $0x8A00;
	v3 =	vperm.xlane v3, v2  }
0x6cf: {  	[tilespmem:s16], [sflag:$0x1] =	stream.indirect_vreg.gather [hbm4b:s6+s4], $0x80, v4, vm0, $0xb8;
	[tilespmem:$0x1C200] =	vst v63  }
0x6d0: {  	s11 =	simm.s32 $0x9200;
	v3 =	vadd.s32 v1, v3  }
0x6d1: {  	[tilespmem:s11], [sflag:$0x1] =	stream.indirect_vreg.gather [hbm4b:s7+s4], $0x80, v4, vm0, $0xb8;
	[tilespmem:$0x1C200] =	vst v63  }
0x6d2: {  	s12 =	simm.s32 $0x9A00  }
0x6d3: {  	[tilespmem:s12], [sflag:$0x1] =	stream.indirect_vreg.gather [hbm4b:s8+s4], $0x80, v4, vm0, $0xb8;
	[tilespmem:$0x1C200] =	vst v63  }
0x6d4: {  	s13 =	simm.s32 $0xA200  }
0x6d5: {  	[tilespmem:s13], [sflag:$0x1] =	stream.indirect_vreg.gather [hbm4b:s1+s4], $0x80, v3, vm0, $0xb8;
	[tilespmem:$0x1C200] =	vst v63  }
0x6d6: {  	s14 =	simm.s32 $0xAA00  }
0x6d7: {  	[tilespmem:s14], [sflag:$0x1] =	stream.indirect_vreg.gather [hbm4b:s6+s4], $0x80, v3, vm0, $0xb8;
	[tilespmem:$0x1C200] =	vst v63  }
0x6d8: {  	s15 =	simm.s32 $0xB200  }
0x6d9: {  	[tilespmem:s15], [sflag:$0x1] =	stream.indirect_vreg.gather [hbm4b:s7+s4], $0x80, v3, vm0, $0xb8;
	[tilespmem:$0x1C200] =	vst v63  }
0x6da: {  	s16 =	simm.s32 $0xBA00;
	s11 =	sld [smem:$0x7F9]  }
0x6db: {  	[tilespmem:s16], [sflag:$0x1] =	stream.indirect_vreg.gather [hbm4b:s8+s4], $0x80, v3, vm0, $0xb8;
	[tilespmem:$0x1C200] =	vst v63  }
0x6dc: {  	s12 =	simm.s32 $0x0  }
0x6dd: {  	[hbm4b:s11+s4] =	stream.linear.scatter [tilespmem:s5], [sflag:$0x7], $0x4000, $0x38;
	[tilespmem:$0x1C200] =	vst v63  }
0x6de: {  	s9 =	sand.u32 $0x2000, s12;
	_ =	swait.ge [sflag:s23], $0x4000  }
0x6df: {  	s12 =	simm.s32 $0x0;
	s13 =	sand.u32 $0x1C00, s4;
	[sflag:s23] =	ssyncset.done $0x0  }
0x6e0: {  	s9 =	sor.u32 s13, s9;
	s14 =	sand.u32 $0x380, s12;
	[sflag:s23] =	ssyncadd.s32 $0xFFFFC000  }
0x6e1: {  	s9 =	sor.u32 s14, s9;
	s4 =	sand.u32 $0x40, s4;
	_ =	sdelay $0x7ff  }
0x6e2: {  	s9 =	sor.u32 s4, s9;
	_ =	sdelay $0x38  }
0x6e3: {  	v4 =	vld [tilespmem:s9+$0x230]  }
0x6e4: {  	v5 =	vld [tilespmem:s9+$0x200]  }
0x6e5: {  	v6 =	vld [tilespmem:s9+$0x210]  }
0x6e6: {  	s15 =	simm.s32 $0x40;
	s4 =	simm.s32 $0x200  }
0x6e7: {  	s13 =	simm.s32 $0x8;
	s11 =	sand.u32 $0x2000, s15;
	s16 =	sand.u32 $0x1C00, s4;
	v3 =	vld [tilespmem:s9+$0x220]  }
0x6e8: {  	s13 =	sand.u32 $0x380, s13;
	s12 =	simm.s32 $0x40;
	s11 =	sor.u32 s16, s11;
	[tilespmem:s9+$0x10230] =	vst.add.f32.msk $0xffff, v4  }
0x6e9: {  	s14 =	sand.u32 $0x40, s12;
	s11 =	sor.u32 s13, s11;
	[tilespmem:s9+$0x10200] =	vst.add.f32.msk $0xffff, v5  }
0x6ea: {  	s11 =	sor.u32 s14, s11;
	[tilespmem:s9+$0x10210] =	vst.add.f32.msk $0xffff, v6  }
0x6eb: {  	v5 =	vld [tilespmem:s11+$0x230]  }
0x6ec: {  	s13 =	simm.s32 $0x4;
	v4 =	vld [tilespmem:s11+$0x200]  }
.LBB2_56:
0x6ed: {  	s13 =	sadd.s32 $0x4, s13;
	v6 =	vld [tilespmem:s11+$0x210];
	s4 =	sadd.s32 $0x200, s4  }
0x6ee: {  	s12 =	sadd.s32 $0x40, s12;
	s14 =	sshll.u32 s13, $0x4;
	p0 =	slt.u32 s13, $0x3FC;
	v7 =	vld [tilespmem:s11+$0x220]  }
0x6ef: {  	s15 =	sand.u32 $0x1C00, s4;
	s16 =	sshll.u32 s13, $0x1;
	s14 =	sand.u32 $0x2000, s14;
	[tilespmem:s9+$0x10220] =	vst.add.f32.msk $0xffff, v3  }
.Ltmp27:
0x6f0: {  	s9 =	sor.u32 s15, s14;
	s14 =	sand.u32 $0x380, s16;
	[tilespmem:s11+$0x10230] =	vst.add.f32.msk $0xffff, v5;
	(pc) =	sbr.rel @p0 .LBB2_56-.Ltmp27, $4  }
0x6f1: {  	s15 =	sand.u32 $0x40, s12;
	s14 =	sor.u32 s14, s9;
	[tilespmem:s11+$0x10200] =	vst.add.f32.msk $0xffff, v4;
	s9 =	smov.u32 s11  }
0x6f2: {  	s11 =	sor.u32 s15, s14;
	[tilespmem:s9+$0x10210] =	vst.add.f32.msk $0xffff, v6  }
0x6f3: {  	v5 =	vld [tilespmem:s11+$0x230];
	v3 =	vmov v7  }
0x6f4: {  	v4 =	vld [tilespmem:s11+$0x200]  }
0x6f5: {  	v6 =	vld [tilespmem:s11+$0x210]  }
0x6f6: {  	v7 =	vld [tilespmem:s11+$0x220]  }
0x6f7: {  	[tilespmem:s9+$0x10220] =	vst.add.f32.msk $0xffff, v3  }
0x6f8: {  	[tilespmem:s11+$0x10230] =	vst.add.f32.msk $0xffff, v5  }
0x6f9: {  	[tilespmem:s11+$0x10200] =	vst.add.f32.msk $0xffff, v4  }
0x6fa: {  	[tilespmem:s11+$0x10210] =	vst.add.f32.msk $0xffff, v6  }
0x6fb: {  	[tilespmem:s11+$0x10220] =	vst.add.f32.msk $0xffff, v7  }
0x6fc: {  	_ =	sdelay $0x7ff  }
0x6fd: {  	_ =	sdelay $0x38  }
0x6fe: {  	_ =	swait.ge [sflag:s19], $0x4000  }
0x6ff: {  	[sflag:s19] =	ssyncset.done $0x0  }
0x700: {  	[sflag:s19] =	ssyncadd.s32 $0xFFFFC000  }
0x701: {  	v3 =	vld [tilespmem:$0x1F0];
	_ =	sdelay $0x4  }
0x702: {  	v4 =	vshll.u32 v3, $0x3  }
0x703: {  	v3 =	vand.u32 $0x7, v3;
	v4 =	vand.u32 $0xFFFFFFC0, v4  }
0x704: {  	v3 =	vor.u32 v3, v4  }
0x705: {  	v4 =	vperm.xlane v3, v0;
	_ =	sdelay $0x1  }
0x706: {  	v4 =	vadd.s32 v1, v4;
	_ =	sdelay $0x3  }
0x707: {  	s4 =	simm.s32 $0x0  }
0x708: {  	[tilespmem:s5], [sflag:$0x2] =	stream.indirect_vreg.gather [hbm4b:s1+s4], $0x80, v4, vm0, $0xb8;
	[tilespmem:$0x1C200] =	vst v63  }
0x709: {  	s16 =	simm.s32 $0xCA00;
	v3 =	vperm.xlane v3, v2  }
0x70a: {  	[tilespmem:s16], [sflag:$0x2] =	stream.indirect_vreg.gather [hbm4b:s6+s4], $0x80, v4, vm0, $0xb8;
	[tilespmem:$0x1C200] =	vst v63  }
0x70b: {  	s11 =	simm.s32 $0xD200;
	v3 =	vadd.s32 v1, v3  }
0x70c: {  	[tilespmem:s11], [sflag:$0x2] =	stream.indirect_vreg.gather [hbm4b:s7+s4], $0x80, v4, vm0, $0xb8;
	[tilespmem:$0x1C200] =	vst v63  }
0x70d: {  	s12 =	simm.s32 $0xDA00  }
0x70e: {  	[tilespmem:s12], [sflag:$0x2] =	stream.indirect_vreg.gather [hbm4b:s8+s4], $0x80, v4, vm0, $0xb8;
	[tilespmem:$0x1C200] =	vst v63  }
0x70f: {  	s13 =	simm.s32 $0xE200  }
0x710: {  	[tilespmem:s13], [sflag:$0x2] =	stream.indirect_vreg.gather [hbm4b:s1+s4], $0x80, v3, vm0, $0xb8;
	[tilespmem:$0x1C200] =	vst v63  }
0x711: {  	s14 =	simm.s32 $0xEA00  }
0x712: {  	[tilespmem:s14], [sflag:$0x2] =	stream.indirect_vreg.gather [hbm4b:s6+s4], $0x80, v3, vm0, $0xb8;
	[tilespmem:$0x1C200] =	vst v63  }
0x713: {  	s15 =	simm.s32 $0xF200  }
0x714: {  	[tilespmem:s15], [sflag:$0x2] =	stream.indirect_vreg.gather [hbm4b:s7+s4], $0x80, v3, vm0, $0xb8;
	[tilespmem:$0x1C200] =	vst v63  }
0x715: {  	s16 =	simm.s32 $0xFA00;
	s11 =	sld [smem:$0x7FA]  }
0x716: {  	[tilespmem:s16], [sflag:$0x2] =	stream.indirect_vreg.gather [hbm4b:s8+s4], $0x80, v3, vm0, $0xb8;
	[tilespmem:$0x1C200] =	vst v63  }
0x717: {  	_ = 	snop  }
0x718: {  	[hbm4b:s11+s4] =	stream.linear.scatter [tilespmem:s17], [sflag:$0x8], $0x4000, $0x38;
	[tilespmem:$0x1C200] =	vst v63  }
0x719: {  	_ =	swait.ge [sflag:s29], $0x4000  }
0x71a: {  	[sflag:s29] =	ssyncset.done $0x0  }
0x71b: {  	s12 =	simm.s32 $0x0;
	[sflag:s29] =	ssyncadd.s32 $0xFFFFC000  }
0x71c: {  	s9 =	sand.u32 $0x2000, s12;
	_ =	swait.ge [sflag:s20], $0x4000  }
0x71d: {  	s12 =	simm.s32 $0x0;
	s13 =	sand.u32 $0x1C00, s4;
	[sflag:s20] =	ssyncset.done $0x0  }
0x71e: {  	s9 =	sor.u32 s13, s9;
	s14 =	sand.u32 $0x380, s12;
	[sflag:s20] =	ssyncadd.s32 $0xFFFFC000  }
0x71f: {  	s9 =	sor.u32 s14, s9;
	s4 =	sand.u32 $0x40, s4;
	_ =	sdelay $0x7ff  }
0x720: {  	s9 =	sor.u32 s4, s9;
	_ =	sdelay $0x38  }
0x721: {  	v4 =	vld [tilespmem:s9+$0x4230]  }
0x722: {  	v5 =	vld [tilespmem:s9+$0x4200]  }
0x723: {  	v6 =	vld [tilespmem:s9+$0x4210]  }
0x724: {  	s15 =	simm.s32 $0x40;
	s4 =	simm.s32 $0x200  }
0x725: {  	s13 =	simm.s32 $0x8;
	s11 =	sand.u32 $0x2000, s15;
	s16 =	sand.u32 $0x1C00, s4;
	v3 =	vld [tilespmem:s9+$0x4220]  }
0x726: {  	s13 =	sand.u32 $0x380, s13;
	s12 =	simm.s32 $0x40;
	s11 =	sor.u32 s16, s11;
	[tilespmem:s9+$0x14230] =	vst.add.f32.msk $0xffff, v4  }
0x727: {  	s14 =	sand.u32 $0x40, s12;
	s11 =	sor.u32 s13, s11;
	[tilespmem:s9+$0x14200] =	vst.add.f32.msk $0xffff, v5  }
0x728: {  	s11 =	sor.u32 s14, s11;
	[tilespmem:s9+$0x14210] =	vst.add.f32.msk $0xffff, v6  }
0x729: {  	v5 =	vld [tilespmem:s11+$0x4230]  }
0x72a: {  	s13 =	simm.s32 $0x4;
	v4 =	vld [tilespmem:s11+$0x4200]  }
.LBB2_58:
0x72b: {  	s13 =	sadd.s32 $0x4, s13;
	v6 =	vld [tilespmem:s11+$0x4210];
	s4 =	sadd.s32 $0x200, s4  }
0x72c: {  	s12 =	sadd.s32 $0x40, s12;
	s14 =	sshll.u32 s13, $0x4;
	p0 =	slt.u32 s13, $0x3FC;
	v7 =	vld [tilespmem:s11+$0x4220]  }
0x72d: {  	s15 =	sand.u32 $0x1C00, s4;
	s16 =	sshll.u32 s13, $0x1;
	s14 =	sand.u32 $0x2000, s14;
	[tilespmem:s9+$0x14220] =	vst.add.f32.msk $0xffff, v3  }
.Ltmp28:
0x72e: {  	s9 =	sor.u32 s15, s14;
	s14 =	sand.u32 $0x380, s16;
	[tilespmem:s11+$0x14230] =	vst.add.f32.msk $0xffff, v5;
	(pc) =	sbr.rel @p0 .LBB2_58-.Ltmp28, $4  }
0x72f: {  	s15 =	sand.u32 $0x40, s12;
	s14 =	sor.u32 s14, s9;
	[tilespmem:s11+$0x14200] =	vst.add.f32.msk $0xffff, v4;
	s9 =	smov.u32 s11  }
0x730: {  	s11 =	sor.u32 s15, s14;
	[tilespmem:s9+$0x14210] =	vst.add.f32.msk $0xffff, v6  }
0x731: {  	v5 =	vld [tilespmem:s11+$0x4230];
	v3 =	vmov v7  }
0x732: {  	v4 =	vld [tilespmem:s11+$0x4200]  }
0x733: {  	v6 =	vld [tilespmem:s11+$0x4210]  }
0x734: {  	v7 =	vld [tilespmem:s11+$0x4220]  }
0x735: {  	[tilespmem:s9+$0x14220] =	vst.add.f32.msk $0xffff, v3  }
0x736: {  	[tilespmem:s11+$0x14230] =	vst.add.f32.msk $0xffff, v5  }
0x737: {  	[tilespmem:s11+$0x14200] =	vst.add.f32.msk $0xffff, v4  }
0x738: {  	[tilespmem:s11+$0x14210] =	vst.add.f32.msk $0xffff, v6  }
0x739: {  	[tilespmem:s11+$0x14220] =	vst.add.f32.msk $0xffff, v7  }
0x73a: {  	_ =	sdelay $0x7ff  }
0x73b: {  	_ =	sdelay $0x38  }
0x73c: {  	s4 =	simm.s32 $0x0;
	s12 =	simm.s32 $0x0;
	s11 =	rddreg [dreg:$0x15]  }
0x73d: {  	[hbm4b:s11+s4] =	stream.linear.scatter [tilespmem:s10], [sflag:$0x9], $0x4000, $0x38;
	[tilespmem:$0x1C200] =	vst v63  }
0x73e: {  	s9 =	sand.u32 $0x2000, s12;
	_ =	swait.ge [sflag:s30], $0x4000  }
0x73f: {  	s13 =	sand.u32 $0x1C00, s4;
	s12 =	simm.s32 $0x0;
	[sflag:s30] =	ssyncset.done $0x0  }
0x740: {  	s9 =	sor.u32 s13, s9;
	s14 =	sand.u32 $0x380, s12;
	[sflag:s30] =	ssyncadd.s32 $0xFFFFC000  }
0x741: {  	s9 =	sor.u32 s14, s9;
	s4 =	sand.u32 $0x40, s4;
	_ =	sdelay $0x7ff  }
0x742: {  	s9 =	sor.u32 s4, s9;
	_ =	sdelay $0x38  }
0x743: {  	v4 =	vld [tilespmem:s9+$0x4230]  }
0x744: {  	v5 =	vld [tilespmem:s9+$0x4200]  }
0x745: {  	v6 =	vld [tilespmem:s9+$0x4210]  }
0x746: {  	s15 =	simm.s32 $0x40;
	s4 =	simm.s32 $0x200  }
0x747: {  	s13 =	simm.s32 $0x8;
	s11 =	sand.u32 $0x2000, s15;
	s16 =	sand.u32 $0x1C00, s4;
	v3 =	vld [tilespmem:s9+$0x4220]  }
0x748: {  	s12 =	simm.s32 $0x40;
	s13 =	sand.u32 $0x380, s13;
	s11 =	sor.u32 s16, s11;
	[tilespmem:s9+$0x18230] =	vst.add.f32.msk $0xffff, v4  }
0x749: {  	s14 =	sand.u32 $0x40, s12;
	s11 =	sor.u32 s13, s11;
	[tilespmem:s9+$0x18200] =	vst.add.f32.msk $0xffff, v5  }
0x74a: {  	s11 =	sor.u32 s14, s11;
	[tilespmem:s9+$0x18210] =	vst.add.f32.msk $0xffff, v6  }
0x74b: {  	v5 =	vld [tilespmem:s11+$0x4230]  }
0x74c: {  	s13 =	simm.s32 $0x4;
	v4 =	vld [tilespmem:s11+$0x4200]  }
.LBB2_60:
0x74d: {  	s13 =	sadd.s32 $0x4, s13;
	v6 =	vld [tilespmem:s11+$0x4210];
	s4 =	sadd.s32 $0x200, s4  }
0x74e: {  	s12 =	sadd.s32 $0x40, s12;
	s14 =	sshll.u32 s13, $0x4;
	p0 =	slt.u32 s13, $0x3FC;
	v7 =	vld [tilespmem:s11+$0x4220]  }
0x74f: {  	s15 =	sand.u32 $0x1C00, s4;
	s16 =	sshll.u32 s13, $0x1;
	s14 =	sand.u32 $0x2000, s14;
	[tilespmem:s9+$0x18220] =	vst.add.f32.msk $0xffff, v3  }
.Ltmp29:
0x750: {  	s9 =	sor.u32 s15, s14;
	s14 =	sand.u32 $0x380, s16;
	[tilespmem:s11+$0x18230] =	vst.add.f32.msk $0xffff, v5;
	(pc) =	sbr.rel @p0 .LBB2_60-.Ltmp29, $4  }
0x751: {  	s15 =	sand.u32 $0x40, s12;
	s14 =	sor.u32 s14, s9;
	[tilespmem:s11+$0x18200] =	vst.add.f32.msk $0xffff, v4;
	s9 =	smov.u32 s11  }
0x752: {  	s11 =	sor.u32 s15, s14;
	[tilespmem:s9+$0x18210] =	vst.add.f32.msk $0xffff, v6  }
0x753: {  	v5 =	vld [tilespmem:s11+$0x4230];
	v3 =	vmov v7  }
0x754: {  	v4 =	vld [tilespmem:s11+$0x4200]  }
0x755: {  	v6 =	vld [tilespmem:s11+$0x4210]  }
0x756: {  	v7 =	vld [tilespmem:s11+$0x4220]  }
0x757: {  	[tilespmem:s9+$0x18220] =	vst.add.f32.msk $0xffff, v3  }
0x758: {  	[tilespmem:s11+$0x18230] =	vst.add.f32.msk $0xffff, v5  }
0x759: {  	[tilespmem:s11+$0x18200] =	vst.add.f32.msk $0xffff, v4  }
0x75a: {  	[tilespmem:s11+$0x18210] =	vst.add.f32.msk $0xffff, v6  }
0x75b: {  	[tilespmem:s11+$0x18220] =	vst.add.f32.msk $0xffff, v7  }
0x75c: {  	_ =	sdelay $0x7ff  }
0x75d: {  	_ =	sdelay $0x38  }
0x75e: {  	s11 =	sld [smem:$0x7FB];
	_ =	sdelay $0x1  }
0x75f: {  	s4 =	simm.s32 $0x0;
	s12 =	simm.s32 $0x0  }
0x760: {  	[hbm4b:s11+s4] =	stream.linear.scatter [tilespmem:s18], [sflag:$0xA], $0x4000, $0x38;
	[tilespmem:$0x1C200] =	vst v63  }
0x761: {  	s9 =	sand.u32 $0x2000, s12;
	_ =	swait.ge [sflag:s25], $0x4000  }
0x762: {  	s13 =	sand.u32 $0x1C00, s4;
	s12 =	simm.s32 $0x0;
	[sflag:s25] =	ssyncset.done $0x0  }
0x763: {  	s9 =	sor.u32 s13, s9;
	s14 =	sand.u32 $0x380, s12;
	[sflag:s25] =	ssyncadd.s32 $0xFFFFC000  }
0x764: {  	s9 =	sor.u32 s14, s9;
	s4 =	sand.u32 $0x40, s4;
	_ =	sdelay $0x7ff  }
0x765: {  	s9 =	sor.u32 s4, s9;
	_ =	sdelay $0x38  }
0x766: {  	v4 =	vld [tilespmem:s9+$0x4230]  }
0x767: {  	v5 =	vld [tilespmem:s9+$0x4200]  }
0x768: {  	v6 =	vld [tilespmem:s9+$0x4210]  }
0x769: {  	s15 =	simm.s32 $0x40;
	s4 =	simm.s32 $0x200  }
0x76a: {  	s13 =	simm.s32 $0x8;
	s11 =	sand.u32 $0x2000, s15;
	s16 =	sand.u32 $0x1C00, s4;
	v3 =	vld [tilespmem:s9+$0x4220]  }
0x76b: {  	s12 =	simm.s32 $0x40;
	s13 =	sand.u32 $0x380, s13;
	s11 =	sor.u32 s16, s11;
	[tilespmem:s9+$0x8230] =	vst.add.f32.msk $0xffff, v4  }
0x76c: {  	s14 =	sand.u32 $0x40, s12;
	s11 =	sor.u32 s13, s11;
	[tilespmem:s9+$0x8200] =	vst.add.f32.msk $0xffff, v5  }
0x76d: {  	s11 =	sor.u32 s14, s11;
	[tilespmem:s9+$0x8210] =	vst.add.f32.msk $0xffff, v6  }
0x76e: {  	v5 =	vld [tilespmem:s11+$0x4230]  }
0x76f: {  	s13 =	simm.s32 $0x4;
	v4 =	vld [tilespmem:s11+$0x4200]  }
.LBB2_62:
0x770: {  	s13 =	sadd.s32 $0x4, s13;
	v6 =	vld [tilespmem:s11+$0x4210];
	s4 =	sadd.s32 $0x200, s4  }
0x771: {  	s12 =	sadd.s32 $0x40, s12;
	s14 =	sshll.u32 s13, $0x4;
	p0 =	slt.u32 s13, $0x3FC;
	v7 =	vld [tilespmem:s11+$0x4220]  }
0x772: {  	s15 =	sand.u32 $0x1C00, s4;
	s16 =	sshll.u32 s13, $0x1;
	s14 =	sand.u32 $0x2000, s14;
	[tilespmem:s9+$0x8220] =	vst.add.f32.msk $0xffff, v3  }
.Ltmp30:
0x773: {  	s9 =	sor.u32 s15, s14;
	s14 =	sand.u32 $0x380, s16;
	[tilespmem:s11+$0x8230] =	vst.add.f32.msk $0xffff, v5;
	(pc) =	sbr.rel @p0 .LBB2_62-.Ltmp30, $4  }
0x774: {  	s15 =	sand.u32 $0x40, s12;
	s14 =	sor.u32 s14, s9;
	[tilespmem:s11+$0x8200] =	vst.add.f32.msk $0xffff, v4;
	s9 =	smov.u32 s11  }
0x775: {  	s11 =	sor.u32 s15, s14;
	[tilespmem:s9+$0x8210] =	vst.add.f32.msk $0xffff, v6  }
0x776: {  	v5 =	vld [tilespmem:s11+$0x4230];
	v3 =	vmov v7  }
0x777: {  	v4 =	vld [tilespmem:s11+$0x4200]  }
0x778: {  	v6 =	vld [tilespmem:s11+$0x4210]  }
0x779: {  	v7 =	vld [tilespmem:s11+$0x4220]  }
0x77a: {  	[tilespmem:s9+$0x8220] =	vst.add.f32.msk $0xffff, v3  }
0x77b: {  	[tilespmem:s11+$0x8230] =	vst.add.f32.msk $0xffff, v5  }
0x77c: {  	[tilespmem:s11+$0x8200] =	vst.add.f32.msk $0xffff, v4  }
0x77d: {  	[tilespmem:s11+$0x8210] =	vst.add.f32.msk $0xffff, v6  }
0x77e: {  	[tilespmem:s11+$0x8220] =	vst.add.f32.msk $0xffff, v7  }
0x77f: {  	_ =	sdelay $0x7ff  }
0x780: {  	_ =	sdelay $0x38  }
0x781: {  	s11 =	sld [smem:$0x7FC];
	_ =	sdelay $0x1  }
0x782: {  	s4 =	simm.s32 $0x0;
	s12 =	simm.s32 $0x0  }
0x783: {  	[hbm4b:s11+s4] =	stream.linear.scatter [tilespmem:s26], [sflag:$0x6], $0x4000, $0x38;
	[tilespmem:$0x1C200] =	vst v63  }
0x784: {  	s9 =	sand.u32 $0x2000, s12;
	_ =	swait.ge [sflag:s21], $0x4000  }
0x785: {  	s13 =	sand.u32 $0x1C00, s4;
	s12 =	simm.s32 $0x0;
	[sflag:s21] =	ssyncset.done $0x0  }
0x786: {  	s9 =	sor.u32 s13, s9;
	s14 =	sand.u32 $0x380, s12;
	[sflag:s21] =	ssyncadd.s32 $0xFFFFC000  }
0x787: {  	s9 =	sor.u32 s14, s9;
	s4 =	sand.u32 $0x40, s4;
	_ =	sdelay $0x7ff  }
0x788: {  	s9 =	sor.u32 s4, s9;
	_ =	sdelay $0x38  }
0x789: {  	v4 =	vld [tilespmem:s9+$0x4230]  }
0x78a: {  	v5 =	vld [tilespmem:s9+$0x4200]  }
0x78b: {  	v6 =	vld [tilespmem:s9+$0x4210]  }
0x78c: {  	s15 =	simm.s32 $0x40;
	s4 =	simm.s32 $0x200  }
0x78d: {  	s13 =	simm.s32 $0x8;
	s11 =	sand.u32 $0x2000, s15;
	s16 =	sand.u32 $0x1C00, s4;
	v3 =	vld [tilespmem:s9+$0x4220]  }
0x78e: {  	s12 =	simm.s32 $0x40;
	s13 =	sand.u32 $0x380, s13;
	s11 =	sor.u32 s16, s11;
	[tilespmem:s9+$0xC230] =	vst.add.f32.msk $0xffff, v4  }
0x78f: {  	s14 =	sand.u32 $0x40, s12;
	s11 =	sor.u32 s13, s11;
	[tilespmem:s9+$0xC200] =	vst.add.f32.msk $0xffff, v5  }
0x790: {  	s11 =	sor.u32 s14, s11;
	[tilespmem:s9+$0xC210] =	vst.add.f32.msk $0xffff, v6  }
0x791: {  	v5 =	vld [tilespmem:s11+$0x4230]  }
0x792: {  	s13 =	simm.s32 $0x4;
	v4 =	vld [tilespmem:s11+$0x4200]  }
.LBB2_64:
0x793: {  	s13 =	sadd.s32 $0x4, s13;
	v6 =	vld [tilespmem:s11+$0x4210];
	s4 =	sadd.s32 $0x200, s4  }
0x794: {  	s12 =	sadd.s32 $0x40, s12;
	s14 =	sshll.u32 s13, $0x4;
	p0 =	slt.u32 s13, $0x3FC;
	v7 =	vld [tilespmem:s11+$0x4220]  }
0x795: {  	s15 =	sand.u32 $0x1C00, s4;
	s16 =	sshll.u32 s13, $0x1;
	s14 =	sand.u32 $0x2000, s14;
	[tilespmem:s9+$0xC220] =	vst.add.f32.msk $0xffff, v3  }
.Ltmp31:
0x796: {  	s9 =	sor.u32 s15, s14;
	s14 =	sand.u32 $0x380, s16;
	[tilespmem:s11+$0xC230] =	vst.add.f32.msk $0xffff, v5;
	(pc) =	sbr.rel @p0 .LBB2_64-.Ltmp31, $4  }
0x797: {  	s15 =	sand.u32 $0x40, s12;
	s14 =	sor.u32 s14, s9;
	[tilespmem:s11+$0xC200] =	vst.add.f32.msk $0xffff, v4;
	s9 =	smov.u32 s11  }
0x798: {  	s11 =	sor.u32 s15, s14;
	[tilespmem:s9+$0xC210] =	vst.add.f32.msk $0xffff, v6  }
0x799: {  	v5 =	vld [tilespmem:s11+$0x4230];
	v3 =	vmov v7  }
0x79a: {  	v4 =	vld [tilespmem:s11+$0x4200]  }
0x79b: {  	v6 =	vld [tilespmem:s11+$0x4210]  }
0x79c: {  	v7 =	vld [tilespmem:s11+$0x4220]  }
0x79d: {  	[tilespmem:s9+$0xC220] =	vst.add.f32.msk $0xffff, v3  }
0x79e: {  	[tilespmem:s11+$0xC230] =	vst.add.f32.msk $0xffff, v5  }
0x79f: {  	[tilespmem:s11+$0xC200] =	vst.add.f32.msk $0xffff, v4  }
0x7a0: {  	[tilespmem:s11+$0xC210] =	vst.add.f32.msk $0xffff, v6  }
0x7a1: {  	[tilespmem:s11+$0xC220] =	vst.add.f32.msk $0xffff, v7  }
0x7a2: {  	_ =	sdelay $0x7ff  }
0x7a3: {  	_ =	sdelay $0x38  }
0x7a4: {  	s4 =	sld [smem:$0x7FD];
	_ =	sdelay $0x2  }
0x7a5: {  	[hbm4b:s4+s3] =	stream.linear.scatter [tilespmem:s5], [sflag:$0x7], $0x4000, $0x38;
	[tilespmem:$0x1C200] =	vst v63  }
0x7a6: {  	_ =	swait.ge [sflag:s28], $0x4000  }
0x7a7: {  	[sflag:s28] =	ssyncset.done $0x0  }
0x7a8: {  	[sflag:s28] =	ssyncadd.s32 $0xFFFFC000  }
0x7a9: {  	_ =	swait.ge [sflag:s31], $0x4000  }
0x7aa: {  	[sflag:s31] =	ssyncset.done $0x0  }
0x7ab: {  	[sflag:s31] =	ssyncadd.s32 $0xFFFFC000  }
0x7ac: {  	_ =	swait.ge [sflag:s0], $0x4000  }
0x7ad: {  	[sflag:s0] =	ssyncset.done $0x0  }
0x7ae: {  	[sflag:s0] =	ssyncadd.s32 $0xFFFFC000  }
0x7af: {  	_ =	swait.ge [sflag:s22], $0x4000  }
0x7b0: {  	[sflag:s22] =	ssyncset.done $0x0  }
0x7b1: {  	[sflag:s22] =	ssyncadd.s32 $0xFFFFC000  }
0x7b2: {  	_ =	swait.ge [sflag:s19], $0x4000  }
0x7b3: {  	s2 =	sadd.s32 $0x1, s2;
	s16 =	rddreg [dreg:$0x17]  }
0x7b4: {  	p0 =	sne.s32 s2, s16  }
.Ltmp32:
0x7b5: {  	_ = 	snop;
	(pc) =	sbr.rel @p0 .LBB2_1-.Ltmp32, $3  }
0x7b6: {  	_ =	sdelay $0x1  }
0x7b7: {  	[sflag:s19] =	ssyncset.done $0x0  }
0x7b8: {  	[sflag:s19] =	ssyncadd.s32 $0xFFFFC000  }
0x7b9: {  	_ =	sfence.sel $0x180000  }
0x7ba: {  	[bflag:$0x0] =	sbarrier.arrive $0xFFFF  }
0x7bb: {  	_ =	strace $0x90000047  }
0x7bc: {  	s0 =	stileid.u32;
	[bflag:$0x2] =	sbarrier.arrive $0xFFFF  }
0x7bd: {  	p0 =	sne.s32 s0, $0x0;
	s0 =	rddreg [dreg:$0x4]  }
0x7be: {  	s0 =	sadd.s32 @!p0 $0x100000, s0  }
0x7bf: {  	[sflag:s0] =	ssyncadd.tile.s32 @!p0 $0x1;
	_ =	shalt  }
.Lfunc_end2:
_tile_overlayer_lowered:
.L_overlay_start_2:
0x7c0: {  	(tag) =	ssettag $0x2  }
0x7c1: {  	s0 =	rddreg [dreg:$0x0];
	s2 =	stileid.u32  }
0x7c2: {  	s1 =	rddreg [dreg:$0x1];
	p0 =	sne.s32 s2, $0x0  }
0x7c3: {  	s3 =	rddreg [dreg:$0x2];
	[bflag:$0x3] =	sbarrier.arrive $0xFFFF;
	s2 =	simm.s32 @!p0 $0x1C0D  }
0x7c4: {  	[timem:s3], [sflag:s2] =	dma.local @!p0 [hbm:s0], s1  }
0x7c5: {  	s0 =	simm.s32 @!p0 $0xD  }
0x7c6: {  	_ =	swait.ge @!p0 [sflag:s0], s1  }
0x7c7: {  	s1 =	ssub.s32 @!p0 $0x0, s1;
	[sflag:s0] =	ssyncset.done @!p0 $0x0  }
0x7c8: {  	[sflag:s0] =	ssyncadd.s32 @!p0 s1  }
0x7c9: {  	[bflag:$0x3] =	sbarrier.arrive $0xFFFF  }
0x7ca: {  	_ =	shalt  }

</sc_bundles>
